<compile_context>
chip_gen: v7x
topology: tpu7x:2x2x1
jax: 0.10.2.dev20260603
libtpu: 0.0.44.dev20260713+nightly
codegen_flags: <defaults>
</compile_context>

<pallas_src>
import functools

import jax
import jax.numpy as jnp
from jax import lax
from jax.experimental import pallas as pl
from jax.experimental.pallas import tpu as pltpu
from jax.experimental.pallas import tpu_sc as plsc

N_SYM_C = 390
N_HERB_C = 811
N_ATT_C = 35
HID_C = 256
HEADS_C = 8

NHP = 896
NSP = 512
EPH = 53248
EPS = 28672
SH_H = EPH // 16
SEG_H = NHP * NHP // 16
ZCH = SEG_H // 8



def _sc_count_body(h1s, h1d, h2s, h2d, hhs, hhd, s1s, s1d, s2s, s2d, sss, ssd,
                   ones_h, o_h1, o_h2, o_hh, o_s1, o_s2, o_ss,
                   shmat, srcv, dstv, idxv, onesv, zbuf):
    core = lax.axis_index("c")
    sub = lax.axis_index("s")
    pltpu.sync_copy(ones_h, onesv)
    zv = jnp.zeros((16,), jnp.float32)

    def zfill(i, c2):
        zbuf[pl.ds(i * 16, 16)] = zv
        return c2

    lax.fori_loop(0, ZCH // 16, zfill, 0, unroll=8)

    def do_list(s_h, d_h, o_h, npad):
        share = s_h.shape[0] // 16
        seg = npad * npad // 16
        plsc.subcore_barrier()
        base = sub * seg
        cs = seg // 8
        for j in range(8):
            pltpu.sync_copy(zbuf.at[pl.ds(0, cs)],
                            shmat.at[pl.ds(base + j * cs, cs)])
        pltpu.sync_copy(s_h.at[pl.ds(sub * share, share)],
                        srcv.at[pl.ds(0, share)])
        pltpu.sync_copy(d_h.at[pl.ds(sub * share, share)],
                        dstv.at[pl.ds(0, share)])

        def grp(i, c2):
            idxv[pl.ds(i * 16, 16)] = (dstv[pl.ds(i * 16, 16)] * npad
                                       + srcv[pl.ds(i * 16, 16)])
            return c2

        lax.fori_loop(0, share // 16, grp, 0, unroll=8)
        plsc.subcore_barrier()
        pltpu.sync_copy(onesv.at[pl.ds(0, share)],
                        shmat.at[idxv.at[pl.ds(0, share)]], add=True)
        plsc.subcore_barrier()
        pltpu.sync_copy(shmat.at[pl.ds(sub * seg, seg)],
                        o_h.at[pl.ds(sub * seg, seg)])

    @pl.when(core == 0)
    def _core0():
        do_list(h1s, h1d, o_h1, NHP)
        do_list(h2s, h2d, o_h2, NHP)
        do_list(s1s, s1d, o_s1, NSP)

    @pl.when(core == 1)
    def _core1():
        do_list(hhs, hhd, o_hh, NHP)
        do_list(s2s, s2d, o_s2, NSP)
        do_list(sss, ssd, o_ss, NSP)


_sc_counts = functools.partial(
    pl.kernel,
    mesh=plsc.VectorSubcoreMesh(core_axis_name="c", subcore_axis_name="s"),
    compiler_params=pltpu.CompilerParams(needs_layout_passes=False),
    out_type=[
        jax.ShapeDtypeStruct((NHP * NHP,), jnp.float32),
        jax.ShapeDtypeStruct((NHP * NHP,), jnp.float32),
        jax.ShapeDtypeStruct((NHP * NHP,), jnp.float32),
        jax.ShapeDtypeStruct((NSP * NSP,), jnp.float32),
        jax.ShapeDtypeStruct((NSP * NSP,), jnp.float32),
        jax.ShapeDtypeStruct((NSP * NSP,), jnp.float32),
    ],
    scratch_types=[
        pltpu.VMEM_SHARED((NHP * NHP,), jnp.float32),
        pltpu.VMEM((SH_H,), jnp.int32),
        pltpu.VMEM((SH_H,), jnp.int32),
        pltpu.VMEM((SH_H,), jnp.int32),
        pltpu.VMEM((SH_H,), jnp.float32),
        pltpu.VMEM((ZCH,), jnp.float32),
    ],
)(_sc_count_body)


def _pad_edges(e, epad, npad):
    n = e.shape[1]
    src = jnp.pad(e[0].astype(jnp.int32), (0, epad - n),
                  constant_values=npad - 1)
    dst = jnp.pad(e[1].astype(jnp.int32), (0, epad - n),
                  constant_values=npad - 1)
    return src, dst



def _gat_body(x_ref, w_ref, al_ref, ar_ref, c_ref, o_ref):
    x = x_ref[...]
    h = jnp.dot(x, w_ref[...], preferred_element_type=jnp.float32)
    al = al_ref[0]
    ar = ar_ref[0]
    el = lax.dot_general(al, h, (((1,), (1,)), ((), ())),
                         preferred_element_type=jnp.float32)
    er = lax.dot_general(h, ar, (((1,), (1,)), ((), ())),
                         preferred_element_type=jnp.float32)
    e = el + er
    e = jnp.where(e >= 0.0, e, 0.2 * e)
    cmat = c_ref[...]
    mask = cmat > 0.0
    emax = jnp.max(jnp.where(mask, e, -1e30), axis=1, keepdims=True)
    emax = jnp.where(emax > -1e29, emax, 0.0)
    p = jnp.where(mask, jnp.exp(e - emax), 0.0) * cmat
    den = jnp.sum(p, axis=1, keepdims=True)
    alpha = p / (den + 1e-9)
    out = jnp.dot(alpha, h, preferred_element_type=jnp.float32)
    o_ref[...] = jnp.where(out > 0.0, out, jnp.exp(jnp.minimum(out, 0.0)) - 1.0)


def _gat_attention(x, w, al, ar, cmat, npad):
    return pl.pallas_call(
        _gat_body,
        grid=(HEADS_C,),
        in_specs=[
            pl.BlockSpec((npad, HID_C), lambda k: (0, 0)),
            pl.BlockSpec((HID_C, HID_C), lambda k: (0, k)),
            pl.BlockSpec((1, 1, HID_C), lambda k: (k, 0, 0)),
            pl.BlockSpec((1, 1, HID_C), lambda k: (k, 0, 0)),
            pl.BlockSpec((npad, npad), lambda k: (0, 0)),
        ],
        out_specs=pl.BlockSpec((npad, HID_C), lambda k: (0, k)),
        out_shape=jax.ShapeDtypeStruct((npad, HEADS_C * HID_C), jnp.float32),
    )(x, w, al.reshape(HEADS_C, 1, HID_C), ar.reshape(HEADS_C, 1, HID_C), cmat)


def _herbinput_body(h1_ref, kg_ref, att_ref, o_ref):
    kg1 = jnp.dot(kg_ref[...], att_ref[...], preferred_element_type=jnp.float32)
    o_ref[...] = (h1_ref[...] + kg1) * 0.5


def _semantic_body(n, e0_ref, e1_ref, s1w_ref, s1b_ref, s2_ref, pw_ref, pb_ref,
                   o_ref):
    e0 = e0_ref[...]
    e1 = e1_ref[...]
    t0 = jnp.tanh(jnp.dot(e0, s1w_ref[...], preferred_element_type=jnp.float32)
                  + s1b_ref[...])
    t1 = jnp.tanh(jnp.dot(e1, s1w_ref[...], preferred_element_type=jnp.float32)
                  + s1b_ref[...])
    w0 = jnp.sum(jnp.dot(t0, s2_ref[...], preferred_element_type=jnp.float32))
    w1 = jnp.sum(jnp.dot(t1, s2_ref[...], preferred_element_type=jnp.float32))
    w0 = w0 * (1.0 / n)
    w1 = w1 * (1.0 / n)
    m = jnp.maximum(w0, w1)
    b0 = jnp.exp(w0 - m)
    b1 = jnp.exp(w1 - m)
    s = (b0 * e0 + b1 * e1) * (1.0 / (b0 + b1))
    o_ref[...] = (jnp.dot(s, pw_ref[...], preferred_element_type=jnp.float32)
                  + pb_ref[...])


def _semantic(n, e0, e1, s1w, s1b, s2, pw, pb):
    return pl.pallas_call(
        functools.partial(_semantic_body, n),
        out_shape=jax.ShapeDtypeStruct((n, HID_C), jnp.float32),
    )(e0, e1, s1w, s1b.reshape(1, -1), s2, pw, pb.reshape(1, -1))


def _batchnorm_tanh(t):
    m = jnp.mean(t, axis=0, keepdims=True)
    v = jnp.mean((t - m) ** 2, axis=0, keepdims=True)
    return jnp.tanh((t - m) * lax.rsqrt(v + 1e-5))


def _finalize_body(x1_ref, x2_ref, g_ref, w_ref, b_ref, o_ref):
    g = jnp.tanh(g_ref[...])
    acc = g[:, 0:HID_C]
    for k in range(1, HEADS_C):
        acc = acc + g[:, k * HID_C:(k + 1) * HID_C]
    x3 = acc * (1.0 / HEADS_C)
    t = (x1_ref[...] + x2_ref[...] + x3) * (1.0 / 3.0)
    t = jnp.dot(t, w_ref[...], preferred_element_type=jnp.float32) + b_ref[...]
    o_ref[...] = _batchnorm_tanh(t)


def _finalize(x1, x2, g, w, b):
    n = x1.shape[0]
    return pl.pallas_call(
        _finalize_body,
        out_shape=jax.ShapeDtypeStruct((n, HID_C), jnp.float32),
    )(x1, x2, g, w, b.reshape(1, -1))


def _attr_body(a_ref, w_ref, b_ref, o_ref):
    t = (jnp.dot(a_ref[...], w_ref[...], preferred_element_type=jnp.float32)
         + b_ref[...])
    o_ref[...] = _batchnorm_tanh(t)



def kernel(sha_herb_edges1, sha_herb_edges2, sha_sym_edges1, sha_sym_edges2,
           hh_edges, ss_edges, kgOneHot, feature, sids, params):
    del sids
    emb = params['emb']
    allf = jnp.take(emb, feature[:, 0], axis=0)
    symptom1 = allf[:N_SYM_C]
    herb1 = allf[N_SYM_C:N_SYM_C + N_HERB_C]
    attribute1 = allf[N_SYM_C + N_HERB_C:]

    h1s, h1d = _pad_edges(sha_herb_edges1, EPH, NHP)
    h2s, h2d = _pad_edges(sha_herb_edges2, EPH, NHP)
    hhs, hhd = _pad_edges(hh_edges, EPH, NHP)
    s1s, s1d = _pad_edges(sha_sym_edges1, EPS, NSP)
    s2s, s2d = _pad_edges(sha_sym_edges2, EPS, NSP)
    sss, ssd = _pad_edges(ss_edges, EPS, NSP)
    ones = jnp.ones((SH_H,), jnp.float32)

    c_h1, c_h2, c_hh, c_s1, c_s2, c_ss = _sc_counts(
        h1s, h1d, h2s, h2d, hhs, hhd, s1s, s1d, s2s, s2d, sss, ssd, ones)
    c_h1 = c_h1.reshape(NHP, NHP)
    c_h2 = c_h2.reshape(NHP, NHP)
    c_hh = c_hh.reshape(NHP, NHP)
    c_s1 = c_s1.reshape(NSP, NSP)
    c_s2 = c_s2.reshape(NSP, NSP)
    c_ss = c_ss.reshape(NSP, NSP)

    herbinput = pl.pallas_call(
        _herbinput_body,
        out_shape=jax.ShapeDtypeStruct((N_HERB_C, HID_C), jnp.float32),
    )(herb1, kgOneHot.astype(jnp.float32), attribute1)

    xh = jnp.pad(herb1, ((0, NHP - N_HERB_C), (0, 0)))
    xhi = jnp.pad(herbinput, ((0, NHP - N_HERB_C), (0, 0)))
    xs = jnp.pad(symptom1, ((0, NSP - N_SYM_C), (0, 0)))

    ph = params['H_HAN']
    ps = params['S_HAN']
    g_h1 = _gat_attention(xh, ph['gats'][0]['W'], ph['gats'][0]['al'],
                          ph['gats'][0]['ar'], c_h1, NHP)
    g_h2 = _gat_attention(xh, ph['gats'][1]['W'], ph['gats'][1]['al'],
                          ph['gats'][1]['ar'], c_h2, NHP)
    g_hh = _gat_attention(xhi, params['hh']['W'], params['hh']['al'],
                          params['hh']['ar'], c_hh, NHP)
    g_s1 = _gat_attention(xs, ps['gats'][0]['W'], ps['gats'][0]['al'],
                          ps['gats'][0]['ar'], c_s1, NSP)
    g_s2 = _gat_attention(xs, ps['gats'][1]['W'], ps['gats'][1]['al'],
                          ps['gats'][1]['ar'], c_s2, NSP)
    g_ss = _gat_attention(xs, params['ss']['W'], params['ss']['al'],
                          params['ss']['ar'], c_ss, NSP)

    herb2 = _semantic(N_HERB_C, g_h1[:N_HERB_C], g_h2[:N_HERB_C],
                      ph['sem1']['W'], ph['sem1']['b'], ph['sem2'],
                      ph['pred']['W'], ph['pred']['b'])
    symptom2 = _semantic(N_SYM_C, g_s1[:N_SYM_C], g_s2[:N_SYM_C],
                         ps['sem1']['W'], ps['sem1']['b'], ps['sem2'],
                         ps['pred']['W'], ps['pred']['b'])

    herb = _finalize(herb1, herb2, g_hh[:N_HERB_C],
                     params['H_mlp']['W'], params['H_mlp']['b'])
    symptom = _finalize(symptom1, symptom2, g_ss[:N_SYM_C],
                        params['S_mlp']['W'], params['S_mlp']['b'])
    attribute = pl.pallas_call(
        _attr_body,
        out_shape=jax.ShapeDtypeStruct((N_ATT_C, HID_C), jnp.float32),
    )(attribute1, params['A_mlp']['W'], params['A_mlp']['b'].reshape(1, -1))

    return herb, symptom, attribute

# --- scband reference (transcript-rebuilt; emitter-appended) ---
"""Pipeline reference for scband-my-hanatt3-19481971655182 (READ-ONLY COPY).

The authoritative reference and input builder live on the scoring server;
editing this copy changes nothing except your own understanding.
"""

import jax, jax.numpy as jnp
import numpy as np

N_TOTAL = 1236
N_SYM = 390
N_HERB = 811
N_ATT = 35
HID = 256
HEADS = 8

def _gat_params(key, din, dout, heads):
    k1, k2, k3 = jax.random.split(key, 3)
    s = 1.0 / np.sqrt(din)
    return {'W': jax.random.normal(k1, (din, heads * dout)) * s,
            'al': jax.random.normal(k2, (heads, dout)) * 0.1,
            'ar': jax.random.normal(k3, (heads, dout)) * 0.1}

def _lin(key, din, dout):
    k1, k2 = jax.random.split(key)
    s = 1.0 / np.sqrt(din)
    return {'W': jax.random.uniform(k1, (din, dout), minval=-s, maxval=s),
            'b': jax.random.uniform(k2, (dout,), minval=-s, maxval=s)}

def _han_params(key, n_paths, din, dout, heads):
    keys = jax.random.split(key, n_paths + 3)
    feat = heads * dout
    return {'gats': [_gat_params(keys[i], din, dout, heads) for i in range(n_paths)],
            'sem1': _lin(keys[n_paths], feat, dout),
            'sem2': jax.random.normal(keys[n_paths + 1], (dout, 1)) / np.sqrt(dout),
            'pred': _lin(keys[n_paths + 2], feat, dout)}

def gat_conv(p, edge_index, x, n):
    # DGL-style GATConv: fc -> per-head attention logits -> edge softmax over dst -> segment_sum -> ELU
    h = (x @ p['W']).reshape(n, HEADS, -1)
    el = (h * p['al'][None]).sum(-1)
    er = (h * p['ar'][None]).sum(-1)
    src = edge_index[0]
    dst = edge_index[1]
    e = jax.nn.leaky_relu(el[src] + er[dst], 0.2)
    emax = jax.ops.segment_max(e, dst, num_segments=n)
    emax = jnp.where(jnp.isfinite(emax), emax, 0.0)
    ee = jnp.exp(e - emax[dst])
    den = jax.ops.segment_sum(ee, dst, num_segments=n)
    alpha = ee / (den[dst] + 1e-9)
    out = jax.ops.segment_sum(h[src] * alpha[:, :, None], dst, num_segments=n)
    return jax.nn.elu(out)

def han_layer(p, edges, feat, n):
    embs = [gat_conv(p['gats'][i], edges[i], feat, n).reshape(n, -1) for i in range(len(edges))]
    z = jnp.stack(embs, axis=1)
    w = (jnp.tanh(z @ p['sem1']['W'] + p['sem1']['b']) @ p['sem2']).mean(0)
    beta = jax.nn.softmax(w, axis=0)
    s = (beta[None] * z).sum(1)
    return s @ p['pred']['W'] + p['pred']['b']

def batchnorm(x):
    m = x.mean(0)
    v = x.var(0)
    return (x - m) / jnp.sqrt(v + 1e-5)

def setup_inputs(seed: int = 0):
    key = jax.random.key(seed)
    ks = [jax.random.fold_in(key, i) for i in range(20)]
    E_H = 52000
    E_S = 25000
    inp = {
        'sha_herb_edges1': jax.random.randint(ks[0], (2, E_H), 0, N_HERB),
        'sha_herb_edges2': jax.random.randint(ks[1], (2, E_H), 0, N_HERB),
        'sha_sym_edges1': jax.random.randint(ks[2], (2, E_S), 0, N_SYM),
        'sha_sym_edges2': jax.random.randint(ks[3], (2, E_S), 0, N_SYM),
        'hh_edges': jax.random.randint(ks[4], (2, E_H), 0, N_HERB),
        'ss_edges': jax.random.randint(ks[5], (2, E_S), 0, N_SYM),
        'kgOneHot': jax.random.uniform(ks[6], (N_HERB, N_ATT)),
        'feature': jnp.arange(N_TOTAL).reshape(N_TOTAL, 1),
        'sids': jax.random.randint(ks[7], (32,), 0, N_SYM),
    }
    params = {
        'emb': jax.random.normal(ks[8], (N_TOTAL, HID)),
        'H_HAN': _han_params(ks[9], 2, HID, HID, HEADS),
        'S_HAN': _han_params(ks[10], 2, HID, HID, HEADS),
        'hh': _gat_params(ks[11], HID, HID, HEADS),
        'ss': _gat_params(ks[12], HID, HID, HEADS),
        'H_mlp': _lin(ks[13], HID, HID),
        'S_mlp': _lin(ks[14], HID, HID),
        'A_mlp': _lin(ks[15], HID, HID),
    }
    inp['params'] = params
    return inp

def reference(sha_herb_edges1, sha_herb_edges2, sha_sym_edges1, sha_sym_edges2, hh_edges, ss_edges, kgOneHot, feature, sids, params):
    all_features = params['emb'][feature[:, 0]]
    herb1 = all_features[N_SYM:N_SYM + N_HERB]
    symptom1 = all_features[0:N_SYM]
    attribute1 = all_features[N_SYM + N_HERB:]
    herb2 = han_layer(params['H_HAN'], [sha_herb_edges1, sha_herb_edges2], herb1, N_HERB)
    symptom2 = han_layer(params['S_HAN'], [sha_sym_edges1, sha_sym_edges2], symptom1, N_SYM)
    kg1 = kgOneHot @ attribute1
    herbInput = (herb1 + kg1) / 2.0
    herb3 = jnp.tanh(gat_conv(params['hh'], hh_edges, herbInput, N_HERB)).mean(1)
    symptom3 = jnp.tanh(gat_conv(params['ss'], ss_edges, symptom1, N_SYM)).mean(1)
    herb = (herb1 + herb2 + herb3) / 3.0
    herb = jnp.tanh(batchnorm(herb @ params['H_mlp']['W'] + params['H_mlp']['b']))
    symptom = (symptom1 + symptom2 + symptom3) / 3.0
    symptom = jnp.tanh(batchnorm(symptom @ params['S_mlp']['W'] + params['S_mlp']['b']))
    attribute = jnp.tanh(batchnorm(attribute1 @ params['A_mlp']['W'] + params['A_mlp']['b']))
    return herb, symptom, attribute

if __name__ == "__main__":
    import jax
    _d = setup_inputs()
    print(jax.jit(kernel)(*tuple(_d.values())))

</pallas_src>

<mosaic_0001>
#map = affine_map<(d0, d1) -> (0)>
module attributes {stable_mosaic.version = 14 : i64} {
  func.func @_sc_count_body(%arg0: i32, %arg1: i32, %arg2: memref<53248xi32, #tpu.memory_space<hbm>>, %arg3: memref<53248xi32, #tpu.memory_space<hbm>>, %arg4: memref<53248xi32, #tpu.memory_space<hbm>>, %arg5: memref<53248xi32, #tpu.memory_space<hbm>>, %arg6: memref<53248xi32, #tpu.memory_space<hbm>>, %arg7: memref<53248xi32, #tpu.memory_space<hbm>>, %arg8: memref<28672xi32, #tpu.memory_space<hbm>>, %arg9: memref<28672xi32, #tpu.memory_space<hbm>>, %arg10: memref<28672xi32, #tpu.memory_space<hbm>>, %arg11: memref<28672xi32, #tpu.memory_space<hbm>>, %arg12: memref<28672xi32, #tpu.memory_space<hbm>>, %arg13: memref<28672xi32, #tpu.memory_space<hbm>>, %arg14: memref<3328xf32, #tpu.memory_space<hbm>>, %arg15: memref<802816xf32, #tpu.memory_space<hbm>>, %arg16: memref<802816xf32, #tpu.memory_space<hbm>>, %arg17: memref<802816xf32, #tpu.memory_space<hbm>>, %arg18: memref<262144xf32, #tpu.memory_space<hbm>>, %arg19: memref<262144xf32, #tpu.memory_space<hbm>>, %arg20: memref<262144xf32, #tpu.memory_space<hbm>>, %arg21: memref<802816xf32, #tpu.memory_space<vmem_shared>>, %arg22: memref<3328xi32, #tpu.memory_space<vmem>>, %arg23: memref<3328xi32, #tpu.memory_space<vmem>>, %arg24: memref<3328xi32, #tpu.memory_space<vmem>>, %arg25: memref<3328xf32, #tpu.memory_space<vmem>>, %arg26: memref<6272xf32, #tpu.memory_space<vmem>>) attributes {dimension_semantics = [#tpu.dimension_semantics<core_parallel>, #tpu.dimension_semantics<subcore_parallel>], iteration_bounds = array<i64: 2, 16>, scalar_prefetch = 0 : i64, scratch_operands = 6 : i64, tpu.core_type = #tpu.core_type<sc_vector_subcore>, window_params = [{transform_indices = #map}, {transform_indices = #map}, {transform_indices = #map}, {transform_indices = #map}, {transform_indices = #map}, {transform_indices = #map}, {transform_indices = #map}, {transform_indices = #map}, {transform_indices = #map}, {transform_indices = #map}, {transform_indices = #map}, {transform_indices = #map}, {transform_indices = #map}, {transform_indices = #map}, {transform_indices = #map}, {transform_indices = #map}, {transform_indices = #map}, {transform_indices = #map}, {transform_indices = #map}]} {
    "tpu.region"() ({
      %run_scoped3A = tpu.sem_alloc : memref<!tpu.dma_semaphore, #tpu.memory_space<semaphore_mem>>
      tpu.enqueue_dma source(%arg14 : memref<3328xf32, #tpu.memory_space<hbm>>) target(%arg25 : memref<3328xf32, #tpu.memory_space<vmem>>) target_semaphore(%run_scoped3A : memref<!tpu.dma_semaphore, #tpu.memory_space<semaphore_mem>>)
      tpu.wait_dma2 semaphore(%run_scoped3A : memref<!tpu.dma_semaphore, #tpu.memory_space<semaphore_mem>>) src(%arg14 : memref<3328xf32, #tpu.memory_space<hbm>>) dst(%arg25 : memref<3328xf32, #tpu.memory_space<vmem>>)
      tpu.yield
    }) : () -> ()
    %broadcast_in_dim3A = arith.constant 0.000000e+00 : f32
    %broadcast_in_dim3A_0 = vector.broadcast %broadcast_in_dim3A : f32 to vector<16xf32>
    %scan3A = arith.constant 0 : i32
    %scan3A_1 = arith.constant 0 : i32
    %scan3A_2 = arith.constant 392 : i32
    %scan3A_3 = arith.addi %scan3A_1, %scan3A_2 : i32
    %scan3A_4 = arith.constant 8 : i32
    scf.for %scan3A_13 = %scan3A_1 to %scan3A_3 step %scan3A_4  : i32 {
      %mul3A = arith.constant 16 : i32
      %mul3A_14 = arith.muli %scan3A_13, %mul3A : i32
      %swap3A = arith.index_cast %mul3A_14 : i32 to index
      %swap3A_15 = tpu.vector_load %arg26[%swap3A] {strides = array<i32>} : memref<6272xf32, #tpu.memory_space<vmem>>, vector<16xf32>,
      tpu.vector_store %arg26[%swap3A], %broadcast_in_dim3A_0 {strides = array<i32>} : memref<6272xf32, #tpu.memory_space<vmem>>, vector<16xf32>,
      %scan3A_16 = arith.constant 1 : i32
      %scan3A_17 = arith.addi %scan3A_13, %scan3A_16 : i32
      %mul3A_18 = arith.constant 16 : i32
      %mul3A_19 = arith.muli %scan3A_17, %mul3A_18 : i32
      %swap3A_20 = arith.index_cast %mul3A_19 : i32 to index
      %swap3A_21 = tpu.vector_load %arg26[%swap3A_20] {strides = array<i32>} : memref<6272xf32, #tpu.memory_space<vmem>>, vector<16xf32>,
      tpu.vector_store %arg26[%swap3A_20], %broadcast_in_dim3A_0 {strides = array<i32>} : memref<6272xf32, #tpu.memory_space<vmem>>, vector<16xf32>,
      %scan3A_22 = arith.constant 2 : i32
      %scan3A_23 = arith.addi %scan3A_13, %scan3A_22 : i32
      %mul3A_24 = arith.constant 16 : i32
      %mul3A_25 = arith.muli %scan3A_23, %mul3A_24 : i32
      %swap3A_26 = arith.index_cast %mul3A_25 : i32 to index
      %swap3A_27 = tpu.vector_load %arg26[%swap3A_26] {strides = array<i32>} : memref<6272xf32, #tpu.memory_space<vmem>>, vector<16xf32>,
      tpu.vector_store %arg26[%swap3A_26], %broadcast_in_dim3A_0 {strides = array<i32>} : memref<6272xf32, #tpu.memory_space<vmem>>, vector<16xf32>,
      %scan3A_28 = arith.constant 3 : i32
      %scan3A_29 = arith.addi %scan3A_13, %scan3A_28 : i32
      %mul3A_30 = arith.constant 16 : i32
      %mul3A_31 = arith.muli %scan3A_29, %mul3A_30 : i32
      %swap3A_32 = arith.index_cast %mul3A_31 : i32 to index
      %swap3A_33 = tpu.vector_load %arg26[%swap3A_32] {strides = array<i32>} : memref<6272xf32, #tpu.memory_space<vmem>>, vector<16xf32>,
      tpu.vector_store %arg26[%swap3A_32], %broadcast_in_dim3A_0 {strides = array<i32>} : memref<6272xf32, #tpu.memory_space<vmem>>, vector<16xf32>,
      %scan3A_34 = arith.constant 4 : i32
      %scan3A_35 = arith.addi %scan3A_13, %scan3A_34 : i32
      %mul3A_36 = arith.constant 16 : i32
      %mul3A_37 = arith.muli %scan3A_35, %mul3A_36 : i32
      %swap3A_38 = arith.index_cast %mul3A_37 : i32 to index
      %swap3A_39 = tpu.vector_load %arg26[%swap3A_38] {strides = array<i32>} : memref<6272xf32, #tpu.memory_space<vmem>>, vector<16xf32>,
      tpu.vector_store %arg26[%swap3A_38], %broadcast_in_dim3A_0 {strides = array<i32>} : memref<6272xf32, #tpu.memory_space<vmem>>, vector<16xf32>,
      %scan3A_40 = arith.constant 5 : i32
      %scan3A_41 = arith.addi %scan3A_13, %scan3A_40 : i32
      %mul3A_42 = arith.constant 16 : i32
      %mul3A_43 = arith.muli %scan3A_41, %mul3A_42 : i32
      %swap3A_44 = arith.index_cast %mul3A_43 : i32 to index
      %swap3A_45 = tpu.vector_load %arg26[%swap3A_44] {strides = array<i32>} : memref<6272xf32, #tpu.memory_space<vmem>>, vector<16xf32>,
      tpu.vector_store %arg26[%swap3A_44], %broadcast_in_dim3A_0 {strides = array<i32>} : memref<6272xf32, #tpu.memory_space<vmem>>, vector<16xf32>,
      %scan3A_46 = arith.constant 6 : i32
      %scan3A_47 = arith.addi %scan3A_13, %scan3A_46 : i32
      %mul3A_48 = arith.constant 16 : i32
      %mul3A_49 = arith.muli %scan3A_47, %mul3A_48 : i32
      %swap3A_50 = arith.index_cast %mul3A_49 : i32 to index
      %swap3A_51 = tpu.vector_load %arg26[%swap3A_50] {strides = array<i32>} : memref<6272xf32, #tpu.memory_space<vmem>>, vector<16xf32>,
      tpu.vector_store %arg26[%swap3A_50], %broadcast_in_dim3A_0 {strides = array<i32>} : memref<6272xf32, #tpu.memory_space<vmem>>, vector<16xf32>,
      %scan3A_52 = arith.constant 7 : i32
      %scan3A_53 = arith.addi %scan3A_13, %scan3A_52 : i32
      %mul3A_54 = arith.constant 16 : i32
      %mul3A_55 = arith.muli %scan3A_53, %mul3A_54 : i32
      %swap3A_56 = arith.index_cast %mul3A_55 : i32 to index
      %swap3A_57 = tpu.vector_load %arg26[%swap3A_56] {strides = array<i32>} : memref<6272xf32, #tpu.memory_space<vmem>>, vector<16xf32>,
      tpu.vector_store %arg26[%swap3A_56], %broadcast_in_dim3A_0 {strides = array<i32>} : memref<6272xf32, #tpu.memory_space<vmem>>, vector<16xf32>,
    }
    %scan3A_5 = arith.constant 392 : i32
    %eq3A = arith.constant 0 : i32
    %eq3A_6 = arith.cmpi eq, %arg0, %eq3A : i32
    %convert_element_type3A = arith.extui %eq3A_6 : i1 to i32
    %cond3A = arith.constant 0 : i32
    %cond3A_7 = arith.cmpi ne, %convert_element_type3A, %cond3A : i32
    scf.if %cond3A_7 {
      %barrier3A = arith.constant 0 : index
      tpu.barrier barrier_id(%barrier3A)
      %mul3A = arith.constant 50176 : i32
      %mul3A_13 = arith.muli %arg1, %mul3A : i32
      %add3A = arith.constant 0 : i32
      %add3A_14 = arith.addi %mul3A_13, %add3A : i32
      "tpu.region"() ({
        %run_scoped3A = tpu.sem_alloc : memref<!tpu.dma_semaphore, #tpu.memory_space<semaphore_mem>>
        %dma_start3A = arith.constant 0 : i32
        %dma_start3A_115 = tpu.memref_slice %arg26[%dma_start3A] : memref<6272xf32, #tpu.memory_space<vmem>> -> memref<6272xf32, #tpu.memory_space<vmem>>
        %dma_start3A_116 = tpu.memref_slice %arg21[%add3A_14] : memref<802816xf32, #tpu.memory_space<vmem_shared>> -> memref<6272xf32, #tpu.memory_space<vmem_shared>>
        %dma_start3A_117 = tpu.memref_slice %arg21[%add3A_14] : memref<802816xf32, #tpu.memory_space<vmem_shared>> -> memref<6272xf32, #tpu.memory_space<vmem_shared>>
        %dma_start3A_118 = arith.constant 0 : i32
        %dma_start3A_119 = tpu.memref_slice %arg26[%dma_start3A_118] : memref<6272xf32, #tpu.memory_space<vmem>> -> memref<6272xf32, #tpu.memory_space<vmem>>
        tpu.enqueue_dma source(%dma_start3A_119 : memref<6272xf32, #tpu.memory_space<vmem>>) target(%dma_start3A_117 : memref<6272xf32, #tpu.memory_space<vmem_shared>>) target_semaphore(%run_scoped3A : memref<!tpu.dma_semaphore, #tpu.memory_space<semaphore_mem>>)
        %dma_wait3A = arith.constant 0 : i32
        %dma_wait3A_120 = tpu.memref_slice %arg26[%dma_wait3A] : memref<6272xf32, #tpu.memory_space<vmem>> -> memref<6272xf32, #tpu.memory_space<vmem>>
        %dma_wait3A_121 = tpu.memref_slice %arg21[%add3A_14] : memref<802816xf32, #tpu.memory_space<vmem_shared>> -> memref<6272xf32, #tpu.memory_space<vmem_shared>>
        %dma_wait3A_122 = tpu.memref_slice %arg21[%add3A_14] : memref<802816xf32, #tpu.memory_space<vmem_shared>> -> memref<6272xf32, #tpu.memory_space<vmem_shared>>
        %dma_wait3A_123 = arith.constant 0 : i32
        %dma_wait3A_124 = tpu.memref_slice %arg26[%dma_wait3A_123] : memref<6272xf32, #tpu.memory_space<vmem>> -> memref<6272xf32, #tpu.memory_space<vmem>>
        tpu.wait_dma2 semaphore(%run_scoped3A : memref<!tpu.dma_semaphore, #tpu.memory_space<semaphore_mem>>) src(%dma_wait3A_124 : memref<6272xf32, #tpu.memory_space<vmem>>) dst(%dma_wait3A_122 : memref<6272xf32, #tpu.memory_space<vmem_shared>>)
        tpu.yield
      }) : () -> ()
      %add3A_15 = arith.constant 6272 : i32
      %add3A_16 = arith.addi %mul3A_13, %add3A_15 : i32
      "tpu.region"() ({
        %run_scoped3A = tpu.sem_alloc : memref<!tpu.dma_semaphore, #tpu.memory_space<semaphore_mem>>
        %dma_start3A = arith.constant 0 : i32
        %dma_start3A_115 = tpu.memref_slice %arg26[%dma_start3A] : memref<6272xf32, #tpu.memory_space<vmem>> -> memref<6272xf32, #tpu.memory_space<vmem>>
        %dma_start3A_116 = tpu.memref_slice %arg21[%add3A_16] : memref<802816xf32, #tpu.memory_space<vmem_shared>> -> memref<6272xf32, #tpu.memory_space<vmem_shared>>
        %dma_start3A_117 = tpu.memref_slice %arg21[%add3A_16] : memref<802816xf32, #tpu.memory_space<vmem_shared>> -> memref<6272xf32, #tpu.memory_space<vmem_shared>>
        %dma_start3A_118 = arith.constant 0 : i32
        %dma_start3A_119 = tpu.memref_slice %arg26[%dma_start3A_118] : memref<6272xf32, #tpu.memory_space<vmem>> -> memref<6272xf32, #tpu.memory_space<vmem>>
        tpu.enqueue_dma source(%dma_start3A_119 : memref<6272xf32, #tpu.memory_space<vmem>>) target(%dma_start3A_117 : memref<6272xf32, #tpu.memory_space<vmem_shared>>) target_semaphore(%run_scoped3A : memref<!tpu.dma_semaphore, #tpu.memory_space<semaphore_mem>>)
        %dma_wait3A = arith.constant 0 : i32
        %dma_wait3A_120 = tpu.memref_slice %arg26[%dma_wait3A] : memref<6272xf32, #tpu.memory_space<vmem>> -> memref<6272xf32, #tpu.memory_space<vmem>>
        %dma_wait3A_121 = tpu.memref_slice %arg21[%add3A_16] : memref<802816xf32, #tpu.memory_space<vmem_shared>> -> memref<6272xf32, #tpu.memory_space<vmem_shared>>
        %dma_wait3A_122 = tpu.memref_slice %arg21[%add3A_16] : memref<802816xf32, #tpu.memory_space<vmem_shared>> -> memref<6272xf32, #tpu.memory_space<vmem_shared>>
        %dma_wait3A_123 = arith.constant 0 : i32
        %dma_wait3A_124 = tpu.memref_slice %arg26[%dma_wait3A_123] : memref<6272xf32, #tpu.memory_space<vmem>> -> memref<6272xf32, #tpu.memory_space<vmem>>
        tpu.wait_dma2 semaphore(%run_scoped3A : memref<!tpu.dma_semaphore, #tpu.memory_space<semaphore_mem>>) src(%dma_wait3A_124 : memref<6272xf32, #tpu.memory_space<vmem>>) dst(%dma_wait3A_122 : memref<6272xf32, #tpu.memory_space<vmem_shared>>)
        tpu.yield
      }) : () -> ()
      %add3A_17 = arith.constant 12544 : i32
      %add3A_18 = arith.addi %mul3A_13, %add3A_17 : i32
      "tpu.region"() ({
        %run_scoped3A = tpu.sem_alloc : memref<!tpu.dma_semaphore, #tpu.memory_space<semaphore_mem>>
        %dma_start3A = arith.constant 0 : i32
        %dma_start3A_115 = tpu.memref_slice %arg26[%dma_start3A] : memref<6272xf32, #tpu.memory_space<vmem>> -> memref<6272xf32, #tpu.memory_space<vmem>>
        %dma_start3A_116 = tpu.memref_slice %arg21[%add3A_18] : memref<802816xf32, #tpu.memory_space<vmem_shared>> -> memref<6272xf32, #tpu.memory_space<vmem_shared>>
        %dma_start3A_117 = tpu.memref_slice %arg21[%add3A_18] : memref<802816xf32, #tpu.memory_space<vmem_shared>> -> memref<6272xf32, #tpu.memory_space<vmem_shared>>
        %dma_start3A_118 = arith.constant 0 : i32
        %dma_start3A_119 = tpu.memref_slice %arg26[%dma_start3A_118] : memref<6272xf32, #tpu.memory_space<vmem>> -> memref<6272xf32, #tpu.memory_space<vmem>>
        tpu.enqueue_dma source(%dma_start3A_119 : memref<6272xf32, #tpu.memory_space<vmem>>) target(%dma_start3A_117 : memref<6272xf32, #tpu.memory_space<vmem_shared>>) target_semaphore(%run_scoped3A : memref<!tpu.dma_semaphore, #tpu.memory_space<semaphore_mem>>)
        %dma_wait3A = arith.constant 0 : i32
        %dma_wait3A_120 = tpu.memref_slice %arg26[%dma_wait3A] : memref<6272xf32, #tpu.memory_space<vmem>> -> memref<6272xf32, #tpu.memory_space<vmem>>
        %dma_wait3A_121 = tpu.memref_slice %arg21[%add3A_18] : memref<802816xf32, #tpu.memory_space<vmem_shared>> -> memref<6272xf32, #tpu.memory_space<vmem_shared>>
        %dma_wait3A_122 = tpu.memref_slice %arg21[%add3A_18] : memref<802816xf32, #tpu.memory_space<vmem_shared>> -> memref<6272xf32, #tpu.memory_space<vmem_shared>>
        %dma_wait3A_123 = arith.constant 0 : i32
        %dma_wait3A_124 = tpu.memref_slice %arg26[%dma_wait3A_123] : memref<6272xf32, #tpu.memory_space<vmem>> -> memref<6272xf32, #tpu.memory_space<vmem>>
        tpu.wait_dma2 semaphore(%run_scoped3A : memref<!tpu.dma_semaphore, #tpu.memory_space<semaphore_mem>>) src(%dma_wait3A_124 : memref<6272xf32, #tpu.memory_space<vmem>>) dst(%dma_wait3A_122 : memref<6272xf32, #tpu.memory_space<vmem_shared>>)
        tpu.yield
      }) : () -> ()
      %add3A_19 = arith.constant 18816 : i32
      %add3A_20 = arith.addi %mul3A_13, %add3A_19 : i32
      "tpu.region"() ({
        %run_scoped3A = tpu.sem_alloc : memref<!tpu.dma_semaphore, #tpu.memory_space<semaphore_mem>>
        %dma_start3A = arith.constant 0 : i32
        %dma_start3A_115 = tpu.memref_slice %arg26[%dma_start3A] : memref<6272xf32, #tpu.memory_space<vmem>> -> memref<6272xf32, #tpu.memory_space<vmem>>
        %dma_start3A_116 = tpu.memref_slice %arg21[%add3A_20] : memref<802816xf32, #tpu.memory_space<vmem_shared>> -> memref<6272xf32, #tpu.memory_space<vmem_shared>>
        %dma_start3A_117 = tpu.memref_slice %arg21[%add3A_20] : memref<802816xf32, #tpu.memory_space<vmem_shared>> -> memref<6272xf32, #tpu.memory_space<vmem_shared>>
        %dma_start3A_118 = arith.constant 0 : i32
        %dma_start3A_119 = tpu.memref_slice %arg26[%dma_start3A_118] : memref<6272xf32, #tpu.memory_space<vmem>> -> memref<6272xf32, #tpu.memory_space<vmem>>
        tpu.enqueue_dma source(%dma_start3A_119 : memref<6272xf32, #tpu.memory_space<vmem>>) target(%dma_start3A_117 : memref<6272xf32, #tpu.memory_space<vmem_shared>>) target_semaphore(%run_scoped3A : memref<!tpu.dma_semaphore, #tpu.memory_space<semaphore_mem>>)
        %dma_wait3A = arith.constant 0 : i32
        %dma_wait3A_120 = tpu.memref_slice %arg26[%dma_wait3A] : memref<6272xf32, #tpu.memory_space<vmem>> -> memref<6272xf32, #tpu.memory_space<vmem>>
        %dma_wait3A_121 = tpu.memref_slice %arg21[%add3A_20] : memref<802816xf32, #tpu.memory_space<vmem_shared>> -> memref<6272xf32, #tpu.memory_space<vmem_shared>>
        %dma_wait3A_122 = tpu.memref_slice %arg21[%add3A_20] : memref<802816xf32, #tpu.memory_space<vmem_shared>> -> memref<6272xf32, #tpu.memory_space<vmem_shared>>
        %dma_wait3A_123 = arith.constant 0 : i32
        %dma_wait3A_124 = tpu.memref_slice %arg26[%dma_wait3A_123] : memref<6272xf32, #tpu.memory_space<vmem>> -> memref<6272xf32, #tpu.memory_space<vmem>>
        tpu.wait_dma2 semaphore(%run_scoped3A : memref<!tpu.dma_semaphore, #tpu.memory_space<semaphore_mem>>) src(%dma_wait3A_124 : memref<6272xf32, #tpu.memory_space<vmem>>) dst(%dma_wait3A_122 : memref<6272xf32, #tpu.memory_space<vmem_shared>>)
        tpu.yield
      }) : () -> ()
      %add3A_21 = arith.constant 25088 : i32
      %add3A_22 = arith.addi %mul3A_13, %add3A_21 : i32
      "tpu.region"() ({
        %run_scoped3A = tpu.sem_alloc : memref<!tpu.dma_semaphore, #tpu.memory_space<semaphore_mem>>
        %dma_start3A = arith.constant 0 : i32
        %dma_start3A_115 = tpu.memref_slice %arg26[%dma_start3A] : memref<6272xf32, #tpu.memory_space<vmem>> -> memref<6272xf32, #tpu.memory_space<vmem>>
        %dma_start3A_116 = tpu.memref_slice %arg21[%add3A_22] : memref<802816xf32, #tpu.memory_space<vmem_shared>> -> memref<6272xf32, #tpu.memory_space<vmem_shared>>
        %dma_start3A_117 = tpu.memref_slice %arg21[%add3A_22] : memref<802816xf32, #tpu.memory_space<vmem_shared>> -> memref<6272xf32, #tpu.memory_space<vmem_shared>>
        %dma_start3A_118 = arith.constant 0 : i32
        %dma_start3A_119 = tpu.memref_slice %arg26[%dma_start3A_118] : memref<6272xf32, #tpu.memory_space<vmem>> -> memref<6272xf32, #tpu.memory_space<vmem>>
        tpu.enqueue_dma source(%dma_start3A_119 : memref<6272xf32, #tpu.memory_space<vmem>>) target(%dma_start3A_117 : memref<6272xf32, #tpu.memory_space<vmem_shared>>) target_semaphore(%run_scoped3A : memref<!tpu.dma_semaphore, #tpu.memory_space<semaphore_mem>>)
        %dma_wait3A = arith.constant 0 : i32
        %dma_wait3A_120 = tpu.memref_slice %arg26[%dma_wait3A] : memref<6272xf32, #tpu.memory_space<vmem>> -> memref<6272xf32, #tpu.memory_space<vmem>>
        %dma_wait3A_121 = tpu.memref_slice %arg21[%add3A_22] : memref<802816xf32, #tpu.memory_space<vmem_shared>> -> memref<6272xf32, #tpu.memory_space<vmem_shared>>
        %dma_wait3A_122 = tpu.memref_slice %arg21[%add3A_22] : memref<802816xf32, #tpu.memory_space<vmem_shared>> -> memref<6272xf32, #tpu.memory_space<vmem_shared>>
        %dma_wait3A_123 = arith.constant 0 : i32
        %dma_wait3A_124 = tpu.memref_slice %arg26[%dma_wait3A_123] : memref<6272xf32, #tpu.memory_space<vmem>> -> memref<6272xf32, #tpu.memory_space<vmem>>
        tpu.wait_dma2 semaphore(%run_scoped3A : memref<!tpu.dma_semaphore, #tpu.memory_space<semaphore_mem>>) src(%dma_wait3A_124 : memref<6272xf32, #tpu.memory_space<vmem>>) dst(%dma_wait3A_122 : memref<6272xf32, #tpu.memory_space<vmem_shared>>)
        tpu.yield
      }) : () -> ()
      %add3A_23 = arith.constant 31360 : i32
      %add3A_24 = arith.addi %mul3A_13, %add3A_23 : i32
      "tpu.region"() ({
        %run_scoped3A = tpu.sem_alloc : memref<!tpu.dma_semaphore, #tpu.memory_space<semaphore_mem>>
        %dma_start3A = arith.constant 0 : i32
        %dma_start3A_115 = tpu.memref_slice %arg26[%dma_start3A] : memref<6272xf32, #tpu.memory_space<vmem>> -> memref<6272xf32, #tpu.memory_space<vmem>>
        %dma_start3A_116 = tpu.memref_slice %arg21[%add3A_24] : memref<802816xf32, #tpu.memory_space<vmem_shared>> -> memref<6272xf32, #tpu.memory_space<vmem_shared>>
        %dma_start3A_117 = tpu.memref_slice %arg21[%add3A_24] : memref<802816xf32, #tpu.memory_space<vmem_shared>> -> memref<6272xf32, #tpu.memory_space<vmem_shared>>
        %dma_start3A_118 = arith.constant 0 : i32
        %dma_start3A_119 = tpu.memref_slice %arg26[%dma_start3A_118] : memref<6272xf32, #tpu.memory_space<vmem>> -> memref<6272xf32, #tpu.memory_space<vmem>>
        tpu.enqueue_dma source(%dma_start3A_119 : memref<6272xf32, #tpu.memory_space<vmem>>) target(%dma_start3A_117 : memref<6272xf32, #tpu.memory_space<vmem_shared>>) target_semaphore(%run_scoped3A : memref<!tpu.dma_semaphore, #tpu.memory_space<semaphore_mem>>)
        %dma_wait3A = arith.constant 0 : i32
        %dma_wait3A_120 = tpu.memref_slice %arg26[%dma_wait3A] : memref<6272xf32, #tpu.memory_space<vmem>> -> memref<6272xf32, #tpu.memory_space<vmem>>
        %dma_wait3A_121 = tpu.memref_slice %arg21[%add3A_24] : memref<802816xf32, #tpu.memory_space<vmem_shared>> -> memref<6272xf32, #tpu.memory_space<vmem_shared>>
        %dma_wait3A_122 = tpu.memref_slice %arg21[%add3A_24] : memref<802816xf32, #tpu.memory_space<vmem_shared>> -> memref<6272xf32, #tpu.memory_space<vmem_shared>>
        %dma_wait3A_123 = arith.constant 0 : i32
        %dma_wait3A_124 = tpu.memref_slice %arg26[%dma_wait3A_123] : memref<6272xf32, #tpu.memory_space<vmem>> -> memref<6272xf32, #tpu.memory_space<vmem>>
        tpu.wait_dma2 semaphore(%run_scoped3A : memref<!tpu.dma_semaphore, #tpu.memory_space<semaphore_mem>>) src(%dma_wait3A_124 : memref<6272xf32, #tpu.memory_space<vmem>>) dst(%dma_wait3A_122 : memref<6272xf32, #tpu.memory_space<vmem_shared>>)
        tpu.yield
      }) : () -> ()
      %add3A_25 = arith.constant 37632 : i32
      %add3A_26 = arith.addi %mul3A_13, %add3A_25 : i32
      "tpu.region"() ({
        %run_scoped3A = tpu.sem_alloc : memref<!tpu.dma_semaphore, #tpu.memory_space<semaphore_mem>>
        %dma_start3A = arith.constant 0 : i32
        %dma_start3A_115 = tpu.memref_slice %arg26[%dma_start3A] : memref<6272xf32, #tpu.memory_space<vmem>> -> memref<6272xf32, #tpu.memory_space<vmem>>
        %dma_start3A_116 = tpu.memref_slice %arg21[%add3A_26] : memref<802816xf32, #tpu.memory_space<vmem_shared>> -> memref<6272xf32, #tpu.memory_space<vmem_shared>>
        %dma_start3A_117 = tpu.memref_slice %arg21[%add3A_26] : memref<802816xf32, #tpu.memory_space<vmem_shared>> -> memref<6272xf32, #tpu.memory_space<vmem_shared>>
        %dma_start3A_118 = arith.constant 0 : i32
        %dma_start3A_119 = tpu.memref_slice %arg26[%dma_start3A_118] : memref<6272xf32, #tpu.memory_space<vmem>> -> memref<6272xf32, #tpu.memory_space<vmem>>
        tpu.enqueue_dma source(%dma_start3A_119 : memref<6272xf32, #tpu.memory_space<vmem>>) target(%dma_start3A_117 : memref<6272xf32, #tpu.memory_space<vmem_shared>>) target_semaphore(%run_scoped3A : memref<!tpu.dma_semaphore, #tpu.memory_space<semaphore_mem>>)
        %dma_wait3A = arith.constant 0 : i32
        %dma_wait3A_120 = tpu.memref_slice %arg26[%dma_wait3A] : memref<6272xf32, #tpu.memory_space<vmem>> -> memref<6272xf32, #tpu.memory_space<vmem>>
        %dma_wait3A_121 = tpu.memref_slice %arg21[%add3A_26] : memref<802816xf32, #tpu.memory_space<vmem_shared>> -> memref<6272xf32, #tpu.memory_space<vmem_shared>>
        %dma_wait3A_122 = tpu.memref_slice %arg21[%add3A_26] : memref<802816xf32, #tpu.memory_space<vmem_shared>> -> memref<6272xf32, #tpu.memory_space<vmem_shared>>
        %dma_wait3A_123 = arith.constant 0 : i32
        %dma_wait3A_124 = tpu.memref_slice %arg26[%dma_wait3A_123] : memref<6272xf32, #tpu.memory_space<vmem>> -> memref<6272xf32, #tpu.memory_space<vmem>>
        tpu.wait_dma2 semaphore(%run_scoped3A : memref<!tpu.dma_semaphore, #tpu.memory_space<semaphore_mem>>) src(%dma_wait3A_124 : memref<6272xf32, #tpu.memory_space<vmem>>) dst(%dma_wait3A_122 : memref<6272xf32, #tpu.memory_space<vmem_shared>>)
        tpu.yield
      }) : () -> ()
      %add3A_27 = arith.constant 43904 : i32
      %add3A_28 = arith.addi %mul3A_13, %add3A_27 : i32
      "tpu.region"() ({
        %run_scoped3A = tpu.sem_alloc : memref<!tpu.dma_semaphore, #tpu.memory_space<semaphore_mem>>
        %dma_start3A = arith.constant 0 : i32
        %dma_start3A_115 = tpu.memref_slice %arg26[%dma_start3A] : memref<6272xf32, #tpu.memory_space<vmem>> -> memref<6272xf32, #tpu.memory_space<vmem>>
        %dma_start3A_116 = tpu.memref_slice %arg21[%add3A_28] : memref<802816xf32, #tpu.memory_space<vmem_shared>> -> memref<6272xf32, #tpu.memory_space<vmem_shared>>
        %dma_start3A_117 = tpu.memref_slice %arg21[%add3A_28] : memref<802816xf32, #tpu.memory_space<vmem_shared>> -> memref<6272xf32, #tpu.memory_space<vmem_shared>>
        %dma_start3A_118 = arith.constant 0 : i32
        %dma_start3A_119 = tpu.memref_slice %arg26[%dma_start3A_118] : memref<6272xf32, #tpu.memory_space<vmem>> -> memref<6272xf32, #tpu.memory_space<vmem>>
        tpu.enqueue_dma source(%dma_start3A_119 : memref<6272xf32, #tpu.memory_space<vmem>>) target(%dma_start3A_117 : memref<6272xf32, #tpu.memory_space<vmem_shared>>) target_semaphore(%run_scoped3A : memref<!tpu.dma_semaphore, #tpu.memory_space<semaphore_mem>>)
        %dma_wait3A = arith.constant 0 : i32
        %dma_wait3A_120 = tpu.memref_slice %arg26[%dma_wait3A] : memref<6272xf32, #tpu.memory_space<vmem>> -> memref<6272xf32, #tpu.memory_space<vmem>>
        %dma_wait3A_121 = tpu.memref_slice %arg21[%add3A_28] : memref<802816xf32, #tpu.memory_space<vmem_shared>> -> memref<6272xf32, #tpu.memory_space<vmem_shared>>
        %dma_wait3A_122 = tpu.memref_slice %arg21[%add3A_28] : memref<802816xf32, #tpu.memory_space<vmem_shared>> -> memref<6272xf32, #tpu.memory_space<vmem_shared>>
        %dma_wait3A_123 = arith.constant 0 : i32
        %dma_wait3A_124 = tpu.memref_slice %arg26[%dma_wait3A_123] : memref<6272xf32, #tpu.memory_space<vmem>> -> memref<6272xf32, #tpu.memory_space<vmem>>
        tpu.wait_dma2 semaphore(%run_scoped3A : memref<!tpu.dma_semaphore, #tpu.memory_space<semaphore_mem>>) src(%dma_wait3A_124 : memref<6272xf32, #tpu.memory_space<vmem>>) dst(%dma_wait3A_122 : memref<6272xf32, #tpu.memory_space<vmem_shared>>)
        tpu.yield
      }) : () -> ()
      %mul3A_29 = arith.constant 3328 : i32
      %mul3A_30 = arith.muli %arg1, %mul3A_29 : i32
      "tpu.region"() ({
        %run_scoped3A = tpu.sem_alloc : memref<!tpu.dma_semaphore, #tpu.memory_space<semaphore_mem>>
        %dma_start3A = arith.constant 0 : i32
        %dma_start3A_115 = tpu.memref_slice %arg22[%dma_start3A] : memref<3328xi32, #tpu.memory_space<vmem>> -> memref<3328xi32, #tpu.memory_space<vmem>>
        %dma_start3A_116 = tpu.memref_slice %arg2[%mul3A_30] : memref<53248xi32, #tpu.memory_space<hbm>> -> memref<3328xi32, #tpu.memory_space<hbm>>
        %dma_start3A_117 = arith.constant 0 : i32
        %dma_start3A_118 = tpu.memref_slice %arg22[%dma_start3A_117] : memref<3328xi32, #tpu.memory_space<vmem>> -> memref<3328xi32, #tpu.memory_space<vmem>>
        %dma_start3A_119 = tpu.memref_slice %arg2[%mul3A_30] : memref<53248xi32, #tpu.memory_space<hbm>> -> memref<3328xi32, #tpu.memory_space<hbm>>
        tpu.enqueue_dma source(%dma_start3A_119 : memref<3328xi32, #tpu.memory_space<hbm>>) target(%dma_start3A_118 : memref<3328xi32, #tpu.memory_space<vmem>>) target_semaphore(%run_scoped3A : memref<!tpu.dma_semaphore, #tpu.memory_space<semaphore_mem>>)
        %dma_wait3A = arith.constant 0 : i32
        %dma_wait3A_120 = tpu.memref_slice %arg22[%dma_wait3A] : memref<3328xi32, #tpu.memory_space<vmem>> -> memref<3328xi32, #tpu.memory_space<vmem>>
        %dma_wait3A_121 = tpu.memref_slice %arg2[%mul3A_30] : memref<53248xi32, #tpu.memory_space<hbm>> -> memref<3328xi32, #tpu.memory_space<hbm>>
        %dma_wait3A_122 = arith.constant 0 : i32
        %dma_wait3A_123 = tpu.memref_slice %arg22[%dma_wait3A_122] : memref<3328xi32, #tpu.memory_space<vmem>> -> memref<3328xi32, #tpu.memory_space<vmem>>
        %dma_wait3A_124 = tpu.memref_slice %arg2[%mul3A_30] : memref<53248xi32, #tpu.memory_space<hbm>> -> memref<3328xi32, #tpu.memory_space<hbm>>
        tpu.wait_dma2 semaphore(%run_scoped3A : memref<!tpu.dma_semaphore, #tpu.memory_space<semaphore_mem>>) src(%dma_wait3A_124 : memref<3328xi32, #tpu.memory_space<hbm>>) dst(%dma_wait3A_123 : memref<3328xi32, #tpu.memory_space<vmem>>)
        tpu.yield
      }) : () -> ()
      %mul3A_31 = arith.constant 3328 : i32
      %mul3A_32 = arith.muli %arg1, %mul3A_31 : i32
      "tpu.region"() ({
        %run_scoped3A = tpu.sem_alloc : memref<!tpu.dma_semaphore, #tpu.memory_space<semaphore_mem>>
        %dma_start3A = arith.constant 0 : i32
        %dma_start3A_115 = tpu.memref_slice %arg23[%dma_start3A] : memref<3328xi32, #tpu.memory_space<vmem>> -> memref<3328xi32, #tpu.memory_space<vmem>>
        %dma_start3A_116 = tpu.memref_slice %arg3[%mul3A_32] : memref<53248xi32, #tpu.memory_space<hbm>> -> memref<3328xi32, #tpu.memory_space<hbm>>
        %dma_start3A_117 = arith.constant 0 : i32
        %dma_start3A_118 = tpu.memref_slice %arg23[%dma_start3A_117] : memref<3328xi32, #tpu.memory_space<vmem>> -> memref<3328xi32, #tpu.memory_space<vmem>>
        %dma_start3A_119 = tpu.memref_slice %arg3[%mul3A_32] : memref<53248xi32, #tpu.memory_space<hbm>> -> memref<3328xi32, #tpu.memory_space<hbm>>
        tpu.enqueue_dma source(%dma_start3A_119 : memref<3328xi32, #tpu.memory_space<hbm>>) target(%dma_start3A_118 : memref<3328xi32, #tpu.memory_space<vmem>>) target_semaphore(%run_scoped3A : memref<!tpu.dma_semaphore, #tpu.memory_space<semaphore_mem>>)
        %dma_wait3A = arith.constant 0 : i32
        %dma_wait3A_120 = tpu.memref_slice %arg23[%dma_wait3A] : memref<3328xi32, #tpu.memory_space<vmem>> -> memref<3328xi32, #tpu.memory_space<vmem>>
        %dma_wait3A_121 = tpu.memref_slice %arg3[%mul3A_32] : memref<53248xi32, #tpu.memory_space<hbm>> -> memref<3328xi32, #tpu.memory_space<hbm>>
        %dma_wait3A_122 = arith.constant 0 : i32
        %dma_wait3A_123 = tpu.memref_slice %arg23[%dma_wait3A_122] : memref<3328xi32, #tpu.memory_space<vmem>> -> memref<3328xi32, #tpu.memory_space<vmem>>
        %dma_wait3A_124 = tpu.memref_slice %arg3[%mul3A_32] : memref<53248xi32, #tpu.memory_space<hbm>> -> memref<3328xi32, #tpu.memory_space<hbm>>
        tpu.wait_dma2 semaphore(%run_scoped3A : memref<!tpu.dma_semaphore, #tpu.memory_space<semaphore_mem>>) src(%dma_wait3A_124 : memref<3328xi32, #tpu.memory_space<hbm>>) dst(%dma_wait3A_123 : memref<3328xi32, #tpu.memory_space<vmem>>)
        tpu.yield
      }) : () -> ()
      %scan3A_33 = arith.constant 0 : i32
      %scan3A_34 = arith.constant 0 : i32
      %scan3A_35 = arith.constant 208 : i32
      %scan3A_36 = arith.addi %scan3A_34, %scan3A_35 : i32
      %scan3A_37 = arith.constant 8 : i32
      scf.for %scan3A_115 = %scan3A_34 to %scan3A_36 step %scan3A_37  : i32 {
        %mul3A_116 = arith.constant 16 : i32
        %mul3A_117 = arith.muli %scan3A_115, %mul3A_116 : i32
        %get3A = arith.index_cast %mul3A_117 : i32 to index
        %get3A_118 = tpu.vector_load %arg23[%get3A] {strides = array<i32>} : memref<3328xi32, #tpu.memory_space<vmem>>, vector<16xi32>,
        %mul3A_119 = arith.constant 896 : i32
        %mul3A_120 = vector.broadcast %mul3A_119 : i32 to vector<16xi32>
        %mul3A_121 = arith.muli %get3A_118, %mul3A_120 : vector<16xi32>
        %mul3A_122 = arith.constant 16 : i32
        %mul3A_123 = arith.muli %scan3A_115, %mul3A_122 : i32
        %get3A_124 = arith.index_cast %mul3A_123 : i32 to index
        %get3A_125 = tpu.vector_load %arg22[%get3A_124] {strides = array<i32>} : memref<3328xi32, #tpu.memory_space<vmem>>, vector<16xi32>,
        %add3A_126 = arith.addi %mul3A_121, %get3A_125 : vector<16xi32>
        %mul3A_127 = arith.constant 16 : i32
        %mul3A_128 = arith.muli %scan3A_115, %mul3A_127 : i32
        %swap3A = arith.index_cast %mul3A_128 : i32 to index
        %swap3A_129 = tpu.vector_load %arg24[%swap3A] {strides = array<i32>} : memref<3328xi32, #tpu.memory_space<vmem>>, vector<16xi32>,
        tpu.vector_store %arg24[%swap3A], %add3A_126 {strides = array<i32>} : memref<3328xi32, #tpu.memory_space<vmem>>, vector<16xi32>,
        %scan3A_130 = arith.constant 1 : i32
        %scan3A_131 = arith.addi %scan3A_115, %scan3A_130 : i32
        %mul3A_132 = arith.constant 16 : i32
        %mul3A_133 = arith.muli %scan3A_131, %mul3A_132 : i32
        %get3A_134 = arith.index_cast %mul3A_133 : i32 to index
        %get3A_135 = tpu.vector_load %arg23[%get3A_134] {strides = array<i32>} : memref<3328xi32, #tpu.memory_space<vmem>>, vector<16xi32>,
        %mul3A_136 = arith.constant 896 : i32
        %mul3A_137 = vector.broadcast %mul3A_136 : i32 to vector<16xi32>
        %mul3A_138 = arith.muli %get3A_135, %mul3A_137 : vector<16xi32>
        %mul3A_139 = arith.constant 16 : i32
        %mul3A_140 = arith.muli %scan3A_131, %mul3A_139 : i32
        %get3A_141 = arith.index_cast %mul3A_140 : i32 to index
        %get3A_142 = tpu.vector_load %arg22[%get3A_141] {strides = array<i32>} : memref<3328xi32, #tpu.memory_space<vmem>>, vector<16xi32>,
        %add3A_143 = arith.addi %mul3A_138, %get3A_142 : vector<16xi32>
        %mul3A_144 = arith.constant 16 : i32
        %mul3A_145 = arith.muli %scan3A_131, %mul3A_144 : i32
        %swap3A_146 = arith.index_cast %mul3A_145 : i32 to index
        %swap3A_147 = tpu.vector_load %arg24[%swap3A_146] {strides = array<i32>} : memref<3328xi32, #tpu.memory_space<vmem>>, vector<16xi32>,
        tpu.vector_store %arg24[%swap3A_146], %add3A_143 {strides = array<i32>} : memref<3328xi32, #tpu.memory_space<vmem>>, vector<16xi32>,
        %scan3A_148 = arith.constant 2 : i32
        %scan3A_149 = arith.addi %scan3A_115, %scan3A_148 : i32
        %mul3A_150 = arith.constant 16 : i32
        %mul3A_151 = arith.muli %scan3A_149, %mul3A_150 : i32
        %get3A_152 = arith.index_cast %mul3A_151 : i32 to index
        %get3A_153 = tpu.vector_load %arg23[%get3A_152] {strides = array<i32>} : memref<3328xi32, #tpu.memory_space<vmem>>, vector<16xi32>,
        %mul3A_154 = arith.constant 896 : i32
        %mul3A_155 = vector.broadcast %mul3A_154 : i32 to vector<16xi32>
        %mul3A_156 = arith.muli %get3A_153, %mul3A_155 : vector<16xi32>
        %mul3A_157 = arith.constant 16 : i32
        %mul3A_158 = arith.muli %scan3A_149, %mul3A_157 : i32
        %get3A_159 = arith.index_cast %mul3A_158 : i32 to index
        %get3A_160 = tpu.vector_load %arg22[%get3A_159] {strides = array<i32>} : memref<3328xi32, #tpu.memory_space<vmem>>, vector<16xi32>,
        %add3A_161 = arith.addi %mul3A_156, %get3A_160 : vector<16xi32>
        %mul3A_162 = arith.constant 16 : i32
        %mul3A_163 = arith.muli %scan3A_149, %mul3A_162 : i32
        %swap3A_164 = arith.index_cast %mul3A_163 : i32 to index
        %swap3A_165 = tpu.vector_load %arg24[%swap3A_164] {strides = array<i32>} : memref<3328xi32, #tpu.memory_space<vmem>>, vector<16xi32>,
        tpu.vector_store %arg24[%swap3A_164], %add3A_161 {strides = array<i32>} : memref<3328xi32, #tpu.memory_space<vmem>>, vector<16xi32>,
        %scan3A_166 = arith.constant 3 : i32
        %scan3A_167 = arith.addi %scan3A_115, %scan3A_166 : i32
        %mul3A_168 = arith.constant 16 : i32
        %mul3A_169 = arith.muli %scan3A_167, %mul3A_168 : i32
        %get3A_170 = arith.index_cast %mul3A_169 : i32 to index
        %get3A_171 = tpu.vector_load %arg23[%get3A_170] {strides = array<i32>} : memref<3328xi32, #tpu.memory_space<vmem>>, vector<16xi32>,
        %mul3A_172 = arith.constant 896 : i32
        %mul3A_173 = vector.broadcast %mul3A_172 : i32 to vector<16xi32>
        %mul3A_174 = arith.muli %get3A_171, %mul3A_173 : vector<16xi32>
        %mul3A_175 = arith.constant 16 : i32
        %mul3A_176 = arith.muli %scan3A_167, %mul3A_175 : i32
        %get3A_177 = arith.index_cast %mul3A_176 : i32 to index
        %get3A_178 = tpu.vector_load %arg22[%get3A_177] {strides = array<i32>} : memref<3328xi32, #tpu.memory_space<vmem>>, vector<16xi32>,
        %add3A_179 = arith.addi %mul3A_174, %get3A_178 : vector<16xi32>
        %mul3A_180 = arith.constant 16 : i32
        %mul3A_181 = arith.muli %scan3A_167, %mul3A_180 : i32
        %swap3A_182 = arith.index_cast %mul3A_181 : i32 to index
        %swap3A_183 = tpu.vector_load %arg24[%swap3A_182] {strides = array<i32>} : memref<3328xi32, #tpu.memory_space<vmem>>, vector<16xi32>,
        tpu.vector_store %arg24[%swap3A_182], %add3A_179 {strides = array<i32>} : memref<3328xi32, #tpu.memory_space<vmem>>, vector<16xi32>,
        %scan3A_184 = arith.constant 4 : i32
        %scan3A_185 = arith.addi %scan3A_115, %scan3A_184 : i32
        %mul3A_186 = arith.constant 16 : i32
        %mul3A_187 = arith.muli %scan3A_185, %mul3A_186 : i32
        %get3A_188 = arith.index_cast %mul3A_187 : i32 to index
        %get3A_189 = tpu.vector_load %arg23[%get3A_188] {strides = array<i32>} : memref<3328xi32, #tpu.memory_space<vmem>>, vector<16xi32>,
        %mul3A_190 = arith.constant 896 : i32
        %mul3A_191 = vector.broadcast %mul3A_190 : i32 to vector<16xi32>
        %mul3A_192 = arith.muli %get3A_189, %mul3A_191 : vector<16xi32>
        %mul3A_193 = arith.constant 16 : i32
        %mul3A_194 = arith.muli %scan3A_185, %mul3A_193 : i32
        %get3A_195 = arith.index_cast %mul3A_194 : i32 to index
        %get3A_196 = tpu.vector_load %arg22[%get3A_195] {strides = array<i32>} : memref<3328xi32, #tpu.memory_space<vmem>>, vector<16xi32>,
        %add3A_197 = arith.addi %mul3A_192, %get3A_196 : vector<16xi32>
        %mul3A_198 = arith.constant 16 : i32
        %mul3A_199 = arith.muli %scan3A_185, %mul3A_198 : i32
        %swap3A_200 = arith.index_cast %mul3A_199 : i32 to index
        %swap3A_201 = tpu.vector_load %arg24[%swap3A_200] {strides = array<i32>} : memref<3328xi32, #tpu.memory_space<vmem>>, vector<16xi32>,
        tpu.vector_store %arg24[%swap3A_200], %add3A_197 {strides = array<i32>} : memref<3328xi32, #tpu.memory_space<vmem>>, vector<16xi32>,
        %scan3A_202 = arith.constant 5 : i32
        %scan3A_203 = arith.addi %scan3A_115, %scan3A_202 : i32
        %mul3A_204 = arith.constant 16 : i32
        %mul3A_205 = arith.muli %scan3A_203, %mul3A_204 : i32
        %get3A_206 = arith.index_cast %mul3A_205 : i32 to index
        %get3A_207 = tpu.vector_load %arg23[%get3A_206] {strides = array<i32>} : memref<3328xi32, #tpu.memory_space<vmem>>, vector<16xi32>,
        %mul3A_208 = arith.constant 896 : i32
        %mul3A_209 = vector.broadcast %mul3A_208 : i32 to vector<16xi32>
        %mul3A_210 = arith.muli %get3A_207, %mul3A_209 : vector<16xi32>
        %mul3A_211 = arith.constant 16 : i32
        %mul3A_212 = arith.muli %scan3A_203, %mul3A_211 : i32
        %get3A_213 = arith.index_cast %mul3A_212 : i32 to index
        %get3A_214 = tpu.vector_load %arg22[%get3A_213] {strides = array<i32>} : memref<3328xi32, #tpu.memory_space<vmem>>, vector<16xi32>,
        %add3A_215 = arith.addi %mul3A_210, %get3A_214 : vector<16xi32>
        %mul3A_216 = arith.constant 16 : i32
        %mul3A_217 = arith.muli %scan3A_203, %mul3A_216 : i32
        %swap3A_218 = arith.index_cast %mul3A_217 : i32 to index
        %swap3A_219 = tpu.vector_load %arg24[%swap3A_218] {strides = array<i32>} : memref<3328xi32, #tpu.memory_space<vmem>>, vector<16xi32>,
        tpu.vector_store %arg24[%swap3A_218], %add3A_215 {strides = array<i32>} : memref<3328xi32, #tpu.memory_space<vmem>>, vector<16xi32>,
        %scan3A_220 = arith.constant 6 : i32
        %scan3A_221 = arith.addi %scan3A_115, %scan3A_220 : i32
        %mul3A_222 = arith.constant 16 : i32
        %mul3A_223 = arith.muli %scan3A_221, %mul3A_222 : i32
        %get3A_224 = arith.index_cast %mul3A_223 : i32 to index
        %get3A_225 = tpu.vector_load %arg23[%get3A_224] {strides = array<i32>} : memref<3328xi32, #tpu.memory_space<vmem>>, vector<16xi32>,
        %mul3A_226 = arith.constant 896 : i32
        %mul3A_227 = vector.broadcast %mul3A_226 : i32 to vector<16xi32>
        %mul3A_228 = arith.muli %get3A_225, %mul3A_227 : vector<16xi32>
        %mul3A_229 = arith.constant 16 : i32
        %mul3A_230 = arith.muli %scan3A_221, %mul3A_229 : i32
        %get3A_231 = arith.index_cast %mul3A_230 : i32 to index
        %get3A_232 = tpu.vector_load %arg22[%get3A_231] {strides = array<i32>} : memref<3328xi32, #tpu.memory_space<vmem>>, vector<16xi32>,
        %add3A_233 = arith.addi %mul3A_228, %get3A_232 : vector<16xi32>
        %mul3A_234 = arith.constant 16 : i32
        %mul3A_235 = arith.muli %scan3A_221, %mul3A_234 : i32
        %swap3A_236 = arith.index_cast %mul3A_235 : i32 to index
        %swap3A_237 = tpu.vector_load %arg24[%swap3A_236] {strides = array<i32>} : memref<3328xi32, #tpu.memory_space<vmem>>, vector<16xi32>,
        tpu.vector_store %arg24[%swap3A_236], %add3A_233 {strides = array<i32>} : memref<3328xi32, #tpu.memory_space<vmem>>, vector<16xi32>,
        %scan3A_238 = arith.constant 7 : i32
        %scan3A_239 = arith.addi %scan3A_115, %scan3A_238 : i32
        %mul3A_240 = arith.constant 16 : i32
        %mul3A_241 = arith.muli %scan3A_239, %mul3A_240 : i32
        %get3A_242 = arith.index_cast %mul3A_241 : i32 to index
        %get3A_243 = tpu.vector_load %arg23[%get3A_242] {strides = array<i32>} : memref<3328xi32, #tpu.memory_space<vmem>>, vector<16xi32>,
        %mul3A_244 = arith.constant 896 : i32
        %mul3A_245 = vector.broadcast %mul3A_244 : i32 to vector<16xi32>
        %mul3A_246 = arith.muli %get3A_243, %mul3A_245 : vector<16xi32>
        %mul3A_247 = arith.constant 16 : i32
        %mul3A_248 = arith.muli %scan3A_239, %mul3A_247 : i32
        %get3A_249 = arith.index_cast %mul3A_248 : i32 to index
        %get3A_250 = tpu.vector_load %arg22[%get3A_249] {strides = array<i32>} : memref<3328xi32, #tpu.memory_space<vmem>>, vector<16xi32>,
        %add3A_251 = arith.addi %mul3A_246, %get3A_250 : vector<16xi32>
        %mul3A_252 = arith.constant 16 : i32
        %mul3A_253 = arith.muli %scan3A_239, %mul3A_252 : i32
        %swap3A_254 = arith.index_cast %mul3A_253 : i32 to index
        %swap3A_255 = tpu.vector_load %arg24[%swap3A_254] {strides = array<i32>} : memref<3328xi32, #tpu.memory_space<vmem>>, vector<16xi32>,
        tpu.vector_store %arg24[%swap3A_254], %add3A_251 {strides = array<i32>} : memref<3328xi32, #tpu.memory_space<vmem>>, vector<16xi32>,
      }
      %scan3A_38 = arith.constant 208 : i32
      %barrier3A_39 = arith.constant 0 : index
      tpu.barrier barrier_id(%barrier3A_39)
      "tpu.region"() ({
        %run_scoped3A = tpu.sem_alloc : memref<!tpu.dma_semaphore, #tpu.memory_space<semaphore_mem>>
        %dma_start3A = arith.constant 0 : i32
        %dma_start3A_115 = tpu.memref_slice %arg25[%dma_start3A] : memref<3328xf32, #tpu.memory_space<vmem>> -> memref<3328xf32, #tpu.memory_space<vmem>>
        %dma_start3A_116 = arith.constant 0 : i32
        %dma_start3A_117 = tpu.memref_slice %arg24[%dma_start3A_116] : memref<3328xi32, #tpu.memory_space<vmem>> -> memref<3328xi32, #tpu.memory_space<vmem>>
        %dma_start3A_118 = arith.constant 0 : i32
        %dma_start3A_119 = tpu.memref_slice %arg21[%dma_start3A_118] : memref<802816xf32, #tpu.memory_space<vmem_shared>> -> memref<802816xf32, #tpu.memory_space<vmem_shared>>
        tpu.enqueue_indirect_dma source(%dma_start3A_115 : memref<3328xf32, #tpu.memory_space<vmem>>) target(%dma_start3A_119 : memref<802816xf32, #tpu.memory_space<vmem_shared>>) offsets(%dma_start3A_117 : memref<3328xi32, #tpu.memory_space<vmem>>) semaphore(%run_scoped3A : memref<!tpu.dma_semaphore, #tpu.memory_space<semaphore_mem>>) {add = true}
        %dma_wait3A = arith.constant 0 : i32
        %dma_wait3A_120 = tpu.memref_slice %arg25[%dma_wait3A] : memref<3328xf32, #tpu.memory_space<vmem>> -> memref<3328xf32, #tpu.memory_space<vmem>>
        %dma_wait3A_121 = arith.constant 0 : i32
        %dma_wait3A_122 = tpu.memref_slice %arg24[%dma_wait3A_121] : memref<3328xi32, #tpu.memory_space<vmem>> -> memref<3328xi32, #tpu.memory_space<vmem>>
        %dma_wait3A_123 = arith.constant 0 : i32
        %dma_wait3A_124 = tpu.memref_slice %arg21[%dma_wait3A_123] : memref<802816xf32, #tpu.memory_space<vmem_shared>> -> memref<802816xf32, #tpu.memory_space<vmem_shared>>
        tpu.wait_indirect_dma semaphore(%run_scoped3A : memref<!tpu.dma_semaphore, #tpu.memory_space<semaphore_mem>>) src(%dma_wait3A_120 : memref<3328xf32, #tpu.memory_space<vmem>>) dst(%dma_wait3A_124 : memref<802816xf32, #tpu.memory_space<vmem_shared>>)
        tpu.yield
      }) : () -> ()
      %barrier3A_40 = arith.constant 0 : index
      tpu.barrier barrier_id(%barrier3A_40)
      %mul3A_41 = arith.constant 50176 : i32
      %mul3A_42 = arith.muli %arg1, %mul3A_41 : i32
      %mul3A_43 = arith.constant 50176 : i32
      %mul3A_44 = arith.muli %arg1, %mul3A_43 : i32
      "tpu.region"() ({
        %run_scoped3A = tpu.sem_alloc : memref<!tpu.dma_semaphore, #tpu.memory_space<semaphore_mem>>
        %dma_start3A = tpu.memref_slice %arg15[%mul3A_44] : memref<802816xf32, #tpu.memory_space<hbm>> -> memref<50176xf32, #tpu.memory_space<hbm>>
        %dma_start3A_115 = tpu.memref_slice %arg21[%mul3A_42] : memref<802816xf32, #tpu.memory_space<vmem_shared>> -> memref<50176xf32, #tpu.memory_space<vmem_shared>>
        tpu.enqueue_dma source(%dma_start3A_115 : memref<50176xf32, #tpu.memory_space<vmem_shared>>) target(%dma_start3A : memref<50176xf32, #tpu.memory_space<hbm>>) target_semaphore(%run_scoped3A : memref<!tpu.dma_semaphore, #tpu.memory_space<semaphore_mem>>)
        %dma_wait3A = tpu.memref_slice %arg15[%mul3A_44] : memref<802816xf32, #tpu.memory_space<hbm>> -> memref<50176xf32, #tpu.memory_space<hbm>>
        %dma_wait3A_116 = tpu.memref_slice %arg21[%mul3A_42] : memref<802816xf32, #tpu.memory_space<vmem_shared>> -> memref<50176xf32, #tpu.memory_space<vmem_shared>>
        tpu.wait_dma2 semaphore(%run_scoped3A : memref<!tpu.dma_semaphore, #tpu.memory_space<semaphore_mem>>) src(%dma_wait3A_116 : memref<50176xf32, #tpu.memory_space<vmem_shared>>) dst(%dma_wait3A : memref<50176xf32, #tpu.memory_space<hbm>>)
        tpu.yield
      }) : () -> ()
      %barrier3A_45 = arith.constant 0 : index
      tpu.barrier barrier_id(%barrier3A_45)
      %mul3A_46 = arith.constant 50176 : i32
      %mul3A_47 = arith.muli %arg1, %mul3A_46 : i32
      %add3A_48 = arith.constant 0 : i32
      %add3A_49 = arith.addi %mul3A_47, %add3A_48 : i32
      "tpu.region"() ({
        %run_scoped3A = tpu.sem_alloc : memref<!tpu.dma_semaphore, #tpu.memory_space<semaphore_mem>>
        %dma_start3A = arith.constant 0 : i32
        %dma_start3A_115 = tpu.memref_slice %arg26[%dma_start3A] : memref<6272xf32, #tpu.memory_space<vmem>> -> memref<6272xf32, #tpu.memory_space<vmem>>
        %dma_start3A_116 = tpu.memref_slice %arg21[%add3A_49] : memref<802816xf32, #tpu.memory_space<vmem_shared>> -> memref<6272xf32, #tpu.memory_space<vmem_shared>>
        %dma_start3A_117 = tpu.memref_slice %arg21[%add3A_49] : memref<802816xf32, #tpu.memory_space<vmem_shared>> -> memref<6272xf32, #tpu.memory_space<vmem_shared>>
        %dma_start3A_118 = arith.constant 0 : i32
        %dma_start3A_119 = tpu.memref_slice %arg26[%dma_start3A_118] : memref<6272xf32, #tpu.memory_space<vmem>> -> memref<6272xf32, #tpu.memory_space<vmem>>
        tpu.enqueue_dma source(%dma_start3A_119 : memref<6272xf32, #tpu.memory_space<vmem>>) target(%dma_start3A_117 : memref<6272xf32, #tpu.memory_space<vmem_shared>>) target_semaphore(%run_scoped3A : memref<!tpu.dma_semaphore, #tpu.memory_space<semaphore_mem>>)
        %dma_wait3A = arith.constant 0 : i32
        %dma_wait3A_120 = tpu.memref_slice %arg26[%dma_wait3A] : memref<6272xf32, #tpu.memory_space<vmem>> -> memref<6272xf32, #tpu.memory_space<vmem>>
        %dma_wait3A_121 = tpu.memref_slice %arg21[%add3A_49] : memref<802816xf32, #tpu.memory_space<vmem_shared>> -> memref<6272xf32, #tpu.memory_space<vmem_shared>>
        %dma_wait3A_122 = tpu.memref_slice %arg21[%add3A_49] : memref<802816xf32, #tpu.memory_space<vmem_shared>> -> memref<6272xf32, #tpu.memory_space<vmem_shared>>
        %dma_wait3A_123 = arith.constant 0 : i32
        %dma_wait3A_124 = tpu.memref_slice %arg26[%dma_wait3A_123] : memref<6272xf32, #tpu.memory_space<vmem>> -> memref<6272xf32, #tpu.memory_space<vmem>>
        tpu.wait_dma2 semaphore(%run_scoped3A : memref<!tpu.dma_semaphore, #tpu.memory_space<semaphore_mem>>) src(%dma_wait3A_124 : memref<6272xf32, #tpu.memory_space<vmem>>) dst(%dma_wait3A_122 : memref<6272xf32, #tpu.memory_space<vmem_shared>>)
        tpu.yield
      }) : () -> ()
      %add3A_50 = arith.constant 6272 : i32
      %add3A_51 = arith.addi %mul3A_47, %add3A_50 : i32
      "tpu.region"() ({
        %run_scoped3A = tpu.sem_alloc : memref<!tpu.dma_semaphore, #tpu.memory_space<semaphore_mem>>
        %dma_start3A = arith.constant 0 : i32
        %dma_start3A_115 = tpu.memref_slice %arg26[%dma_start3A] : memref<6272xf32, #tpu.memory_space<vmem>> -> memref<6272xf32, #tpu.memory_space<vmem>>
        %dma_start3A_116 = tpu.memref_slice %arg21[%add3A_51] : memref<802816xf32, #tpu.memory_space<vmem_shared>> -> memref<6272xf32, #tpu.memory_space<vmem_shared>>
        %dma_start3A_117 = tpu.memref_slice %arg21[%add3A_51] : memref<802816xf32, #tpu.memory_space<vmem_shared>> -> memref<6272xf32, #tpu.memory_space<vmem_shared>>
        %dma_start3A_118 = arith.constant 0 : i32
        %dma_start3A_119 = tpu.memref_slice %arg26[%dma_start3A_118] : memref<6272xf32, #tpu.memory_space<vmem>> -> memref<6272xf32, #tpu.memory_space<vmem>>
        tpu.enqueue_dma source(%dma_start3A_119 : memref<6272xf32, #tpu.memory_space<vmem>>) target(%dma_start3A_117 : memref<6272xf32, #tpu.memory_space<vmem_shared>>) target_semaphore(%run_scoped3A : memref<!tpu.dma_semaphore, #tpu.memory_space<semaphore_mem>>)
        %dma_wait3A = arith.constant 0 : i32
        %dma_wait3A_120 = tpu.memref_slice %arg26[%dma_wait3A] : memref<6272xf32, #tpu.memory_space<vmem>> -> memref<6272xf32, #tpu.memory_space<vmem>>
        %dma_wait3A_121 = tpu.memref_slice %arg21[%add3A_51] : memref<802816xf32, #tpu.memory_space<vmem_shared>> -> memref<6272xf32, #tpu.memory_space<vmem_shared>>
        %dma_wait3A_122 = tpu.memref_slice %arg21[%add3A_51] : memref<802816xf32, #tpu.memory_space<vmem_shared>> -> memref<6272xf32, #tpu.memory_space<vmem_shared>>
        %dma_wait3A_123 = arith.constant 0 : i32
        %dma_wait3A_124 = tpu.memref_slice %arg26[%dma_wait3A_123] : memref<6272xf32, #tpu.memory_space<vmem>> -> memref<6272xf32, #tpu.memory_space<vmem>>
        tpu.wait_dma2 semaphore(%run_scoped3A : memref<!tpu.dma_semaphore, #tpu.memory_space<semaphore_mem>>) src(%dma_wait3A_124 : memref<6272xf32, #tpu.memory_space<vmem>>) dst(%dma_wait3A_122 : memref<6272xf32, #tpu.memory_space<vmem_shared>>)
        tpu.yield
      }) : () -> ()
      %add3A_52 = arith.constant 12544 : i32
      %add3A_53 = arith.addi %mul3A_47, %add3A_52 : i32
      "tpu.region"() ({
        %run_scoped3A = tpu.sem_alloc : memref<!tpu.dma_semaphore, #tpu.memory_space<semaphore_mem>>
        %dma_start3A = arith.constant 0 : i32
        %dma_start3A_115 = tpu.memref_slice %arg26[%dma_start3A] : memref<6272xf32, #tpu.memory_space<vmem>> -> memref<6272xf32, #tpu.memory_space<vmem>>
        %dma_start3A_116 = tpu.memref_slice %arg21[%add3A_53] : memref<802816xf32, #tpu.memory_space<vmem_shared>> -> memref<6272xf32, #tpu.memory_space<vmem_shared>>
        %dma_start3A_117 = tpu.memref_slice %arg21[%add3A_53] : memref<802816xf32, #tpu.memory_space<vmem_shared>> -> memref<6272xf32, #tpu.memory_space<vmem_shared>>
        %dma_start3A_118 = arith.constant 0 : i32
        %dma_start3A_119 = tpu.memref_slice %arg26[%dma_start3A_118] : memref<6272xf32, #tpu.memory_space<vmem>> -> memref<6272xf32, #tpu.memory_space<vmem>>
        tpu.enqueue_dma source(%dma_start3A_119 : memref<6272xf32, #tpu.memory_space<vmem>>) target(%dma_start3A_117 : memref<6272xf32, #tpu.memory_space<vmem_shared>>) target_semaphore(%run_scoped3A : memref<!tpu.dma_semaphore, #tpu.memory_space<semaphore_mem>>)
        %dma_wait3A = arith.constant 0 : i32
        %dma_wait3A_120 = tpu.memref_slice %arg26[%dma_wait3A] : memref<6272xf32, #tpu.memory_space<vmem>> -> memref<6272xf32, #tpu.memory_space<vmem>>
        %dma_wait3A_121 = tpu.memref_slice %arg21[%add3A_53] : memref<802816xf32, #tpu.memory_space<vmem_shared>> -> memref<6272xf32, #tpu.memory_space<vmem_shared>>
        %dma_wait3A_122 = tpu.memref_slice %arg21[%add3A_53] : memref<802816xf32, #tpu.memory_space<vmem_shared>> -> memref<6272xf32, #tpu.memory_space<vmem_shared>>
        %dma_wait3A_123 = arith.constant 0 : i32
        %dma_wait3A_124 = tpu.memref_slice %arg26[%dma_wait3A_123] : memref<6272xf32, #tpu.memory_space<vmem>> -> memref<6272xf32, #tpu.memory_space<vmem>>
        tpu.wait_dma2 semaphore(%run_scoped3A : memref<!tpu.dma_semaphore, #tpu.memory_space<semaphore_mem>>) src(%dma_wait3A_124 : memref<6272xf32, #tpu.memory_space<vmem>>) dst(%dma_wait3A_122 : memref<6272xf32, #tpu.memory_space<vmem_shared>>)
        tpu.yield
      }) : () -> ()
      %add3A_54 = arith.constant 18816 : i32
      %add3A_55 = arith.addi %mul3A_47, %add3A_54 : i32
      "tpu.region"() ({
        %run_scoped3A = tpu.sem_alloc : memref<!tpu.dma_semaphore, #tpu.memory_space<semaphore_mem>>
        %dma_start3A = arith.constant 0 : i32
        %dma_start3A_115 = tpu.memref_slice %arg26[%dma_start3A] : memref<6272xf32, #tpu.memory_space<vmem>> -> memref<6272xf32, #tpu.memory_space<vmem>>
        %dma_start3A_116 = tpu.memref_slice %arg21[%add3A_55] : memref<802816xf32, #tpu.memory_space<vmem_shared>> -> memref<6272xf32, #tpu.memory_space<vmem_shared>>
        %dma_start3A_117 = tpu.memref_slice %arg21[%add3A_55] : memref<802816xf32, #tpu.memory_space<vmem_shared>> -> memref<6272xf32, #tpu.memory_space<vmem_shared>>
        %dma_start3A_118 = arith.constant 0 : i32
        %dma_start3A_119 = tpu.memref_slice %arg26[%dma_start3A_118] : memref<6272xf32, #tpu.memory_space<vmem>> -> memref<6272xf32, #tpu.memory_space<vmem>>
        tpu.enqueue_dma source(%dma_start3A_119 : memref<6272xf32, #tpu.memory_space<vmem>>) target(%dma_start3A_117 : memref<6272xf32, #tpu.memory_space<vmem_shared>>) target_semaphore(%run_scoped3A : memref<!tpu.dma_semaphore, #tpu.memory_space<semaphore_mem>>)
        %dma_wait3A = arith.constant 0 : i32
        %dma_wait3A_120 = tpu.memref_slice %arg26[%dma_wait3A] : memref<6272xf32, #tpu.memory_space<vmem>> -> memref<6272xf32, #tpu.memory_space<vmem>>
        %dma_wait3A_121 = tpu.memref_slice %arg21[%add3A_55] : memref<802816xf32, #tpu.memory_space<vmem_shared>> -> memref<6272xf32, #tpu.memory_space<vmem_shared>>
        %dma_wait3A_122 = tpu.memref_slice %arg21[%add3A_55] : memref<802816xf32, #tpu.memory_space<vmem_shared>> -> memref<6272xf32, #tpu.memory_space<vmem_shared>>
        %dma_wait3A_123 = arith.constant 0 : i32
        %dma_wait3A_124 = tpu.memref_slice %arg26[%dma_wait3A_123] : memref<6272xf32, #tpu.memory_space<vmem>> -> memref<6272xf32, #tpu.memory_space<vmem>>
        tpu.wait_dma2 semaphore(%run_scoped3A : memref<!tpu.dma_semaphore, #tpu.memory_space<semaphore_mem>>) src(%dma_wait3A_124 : memref<6272xf32, #tpu.memory_space<vmem>>) dst(%dma_wait3A_122 : memref<6272xf32, #tpu.memory_space<vmem_shared>>)
        tpu.yield
      }) : () -> ()
      %add3A_56 = arith.constant 25088 : i32
      %add3A_57 = arith.addi %mul3A_47, %add3A_56 : i32
      "tpu.region"() ({
        %run_scoped3A = tpu.sem_alloc : memref<!tpu.dma_semaphore, #tpu.memory_space<semaphore_mem>>
        %dma_start3A = arith.constant 0 : i32
        %dma_start3A_115 = tpu.memref_slice %arg26[%dma_start3A] : memref<6272xf32, #tpu.memory_space<vmem>> -> memref<6272xf32, #tpu.memory_space<vmem>>
        %dma_start3A_116 = tpu.memref_slice %arg21[%add3A_57] : memref<802816xf32, #tpu.memory_space<vmem_shared>> -> memref<6272xf32, #tpu.memory_space<vmem_shared>>
        %dma_start3A_117 = tpu.memref_slice %arg21[%add3A_57] : memref<802816xf32, #tpu.memory_space<vmem_shared>> -> memref<6272xf32, #tpu.memory_space<vmem_shared>>
        %dma_start3A_118 = arith.constant 0 : i32
        %dma_start3A_119 = tpu.memref_slice %arg26[%dma_start3A_118] : memref<6272xf32, #tpu.memory_space<vmem>> -> memref<6272xf32, #tpu.memory_space<vmem>>
        tpu.enqueue_dma source(%dma_start3A_119 : memref<6272xf32, #tpu.memory_space<vmem>>) target(%dma_start3A_117 : memref<6272xf32, #tpu.memory_space<vmem_shared>>) target_semaphore(%run_scoped3A : memref<!tpu.dma_semaphore, #tpu.memory_space<semaphore_mem>>)
        %dma_wait3A = arith.constant 0 : i32
        %dma_wait3A_120 = tpu.memref_slice %arg26[%dma_wait3A] : memref<6272xf32, #tpu.memory_space<vmem>> -> memref<6272xf32, #tpu.memory_space<vmem>>
        %dma_wait3A_121 = tpu.memref_slice %arg21[%add3A_57] : memref<802816xf32, #tpu.memory_space<vmem_shared>> -> memref<6272xf32, #tpu.memory_space<vmem_shared>>
        %dma_wait3A_122 = tpu.memref_slice %arg21[%add3A_57] : memref<802816xf32, #tpu.memory_space<vmem_shared>> -> memref<6272xf32, #tpu.memory_space<vmem_shared>>
        %dma_wait3A_123 = arith.constant 0 : i32
        %dma_wait3A_124 = tpu.memref_slice %arg26[%dma_wait3A_123] : memref<6272xf32, #tpu.memory_space<vmem>> -> memref<6272xf32, #tpu.memory_space<vmem>>
        tpu.wait_dma2 semaphore(%run_scoped3A : memref<!tpu.dma_semaphore, #tpu.memory_space<semaphore_mem>>) src(%dma_wait3A_124 : memref<6272xf32, #tpu.memory_space<vmem>>) dst(%dma_wait3A_122 : memref<6272xf32, #tpu.memory_space<vmem_shared>>)
        tpu.yield
      }) : () -> ()
      %add3A_58 = arith.constant 31360 : i32
      %add3A_59 = arith.addi %mul3A_47, %add3A_58 : i32
      "tpu.region"() ({
        %run_scoped3A = tpu.sem_alloc : memref<!tpu.dma_semaphore, #tpu.memory_space<semaphore_mem>>
        %dma_start3A = arith.constant 0 : i32
        %dma_start3A_115 = tpu.memref_slice %arg26[%dma_start3A] : memref<6272xf32, #tpu.memory_space<vmem>> -> memref<6272xf32, #tpu.memory_space<vmem>>
        %dma_start3A_116 = tpu.memref_slice %arg21[%add3A_59] : memref<802816xf32, #tpu.memory_space<vmem_shared>> -> memref<6272xf32, #tpu.memory_space<vmem_shared>>
        %dma_start3A_117 = tpu.memref_slice %arg21[%add3A_59] : memref<802816xf32, #tpu.memory_space<vmem_shared>> -> memref<6272xf32, #tpu.memory_space<vmem_shared>>
        %dma_start3A_118 = arith.constant 0 : i32
        %dma_start3A_119 = tpu.memref_slice %arg26[%dma_start3A_118] : memref<6272xf32, #tpu.memory_space<vmem>> -> memref<6272xf32, #tpu.memory_space<vmem>>
        tpu.enqueue_dma source(%dma_start3A_119 : memref<6272xf32, #tpu.memory_space<vmem>>) target(%dma_start3A_117 : memref<6272xf32, #tpu.memory_space<vmem_shared>>) target_semaphore(%run_scoped3A : memref<!tpu.dma_semaphore, #tpu.memory_space<semaphore_mem>>)
        %dma_wait3A = arith.constant 0 : i32
        %dma_wait3A_120 = tpu.memref_slice %arg26[%dma_wait3A] : memref<6272xf32, #tpu.memory_space<vmem>> -> memref<6272xf32, #tpu.memory_space<vmem>>
        %dma_wait3A_121 = tpu.memref_slice %arg21[%add3A_59] : memref<802816xf32, #tpu.memory_space<vmem_shared>> -> memref<6272xf32, #tpu.memory_space<vmem_shared>>
        %dma_wait3A_122 = tpu.memref_slice %arg21[%add3A_59] : memref<802816xf32, #tpu.memory_space<vmem_shared>> -> memref<6272xf32, #tpu.memory_space<vmem_shared>>
        %dma_wait3A_123 = arith.constant 0 : i32
        %dma_wait3A_124 = tpu.memref_slice %arg26[%dma_wait3A_123] : memref<6272xf32, #tpu.memory_space<vmem>> -> memref<6272xf32, #tpu.memory_space<vmem>>
        tpu.wait_dma2 semaphore(%run_scoped3A : memref<!tpu.dma_semaphore, #tpu.memory_space<semaphore_mem>>) src(%dma_wait3A_124 : memref<6272xf32, #tpu.memory_space<vmem>>) dst(%dma_wait3A_122 : memref<6272xf32, #tpu.memory_space<vmem_shared>>)
        tpu.yield
      }) : () -> ()
      %add3A_60 = arith.constant 37632 : i32
      %add3A_61 = arith.addi %mul3A_47, %add3A_60 : i32
      "tpu.region"() ({
        %run_scoped3A = tpu.sem_alloc : memref<!tpu.dma_semaphore, #tpu.memory_space<semaphore_mem>>
        %dma_start3A = arith.constant 0 : i32
        %dma_start3A_115 = tpu.memref_slice %arg26[%dma_start3A] : memref<6272xf32, #tpu.memory_space<vmem>> -> memref<6272xf32, #tpu.memory_space<vmem>>
        %dma_start3A_116 = tpu.memref_slice %arg21[%add3A_61] : memref<802816xf32, #tpu.memory_space<vmem_shared>> -> memref<6272xf32, #tpu.memory_space<vmem_shared>>
        %dma_start3A_117 = tpu.memref_slice %arg21[%add3A_61] : memref<802816xf32, #tpu.memory_space<vmem_shared>> -> memref<6272xf32, #tpu.memory_space<vmem_shared>>
        %dma_start3A_118 = arith.constant 0 : i32
        %dma_start3A_119 = tpu.memref_slice %arg26[%dma_start3A_118] : memref<6272xf32, #tpu.memory_space<vmem>> -> memref<6272xf32, #tpu.memory_space<vmem>>
        tpu.enqueue_dma source(%dma_start3A_119 : memref<6272xf32, #tpu.memory_space<vmem>>) target(%dma_start3A_117 : memref<6272xf32, #tpu.memory_space<vmem_shared>>) target_semaphore(%run_scoped3A : memref<!tpu.dma_semaphore, #tpu.memory_space<semaphore_mem>>)
        %dma_wait3A = arith.constant 0 : i32
        %dma_wait3A_120 = tpu.memref_slice %arg26[%dma_wait3A] : memref<6272xf32, #tpu.memory_space<vmem>> -> memref<6272xf32, #tpu.memory_space<vmem>>
        %dma_wait3A_121 = tpu.memref_slice %arg21[%add3A_61] : memref<802816xf32, #tpu.memory_space<vmem_shared>> -> memref<6272xf32, #tpu.memory_space<vmem_shared>>
        %dma_wait3A_122 = tpu.memref_slice %arg21[%add3A_61] : memref<802816xf32, #tpu.memory_space<vmem_shared>> -> memref<6272xf32, #tpu.memory_space<vmem_shared>>
        %dma_wait3A_123 = arith.constant 0 : i32
        %dma_wait3A_124 = tpu.memref_slice %arg26[%dma_wait3A_123] : memref<6272xf32, #tpu.memory_space<vmem>> -> memref<6272xf32, #tpu.memory_space<vmem>>
        tpu.wait_dma2 semaphore(%run_scoped3A : memref<!tpu.dma_semaphore, #tpu.memory_space<semaphore_mem>>) src(%dma_wait3A_124 : memref<6272xf32, #tpu.memory_space<vmem>>) dst(%dma_wait3A_122 : memref<6272xf32, #tpu.memory_space<vmem_shared>>)
        tpu.yield
      }) : () -> ()
      %add3A_62 = arith.constant 43904 : i32
      %add3A_63 = arith.addi %mul3A_47, %add3A_62 : i32
      "tpu.region"() ({
        %run_scoped3A = tpu.sem_alloc : memref<!tpu.dma_semaphore, #tpu.memory_space<semaphore_mem>>
        %dma_start3A = arith.constant 0 : i32
        %dma_start3A_115 = tpu.memref_slice %arg26[%dma_start3A] : memref<6272xf32, #tpu.memory_space<vmem>> -> memref<6272xf32, #tpu.memory_space<vmem>>
        %dma_start3A_116 = tpu.memref_slice %arg21[%add3A_63] : memref<802816xf32, #tpu.memory_space<vmem_shared>> -> memref<6272xf32, #tpu.memory_space<vmem_shared>>
        %dma_start3A_117 = tpu.memref_slice %arg21[%add3A_63] : memref<802816xf32, #tpu.memory_space<vmem_shared>> -> memref<6272xf32, #tpu.memory_space<vmem_shared>>
        %dma_start3A_118 = arith.constant 0 : i32
        %dma_start3A_119 = tpu.memref_slice %arg26[%dma_start3A_118] : memref<6272xf32, #tpu.memory_space<vmem>> -> memref<6272xf32, #tpu.memory_space<vmem>>
        tpu.enqueue_dma source(%dma_start3A_119 : memref<6272xf32, #tpu.memory_space<vmem>>) target(%dma_start3A_117 : memref<6272xf32, #tpu.memory_space<vmem_shared>>) target_semaphore(%run_scoped3A : memref<!tpu.dma_semaphore, #tpu.memory_space<semaphore_mem>>)
        %dma_wait3A = arith.constant 0 : i32
        %dma_wait3A_120 = tpu.memref_slice %arg26[%dma_wait3A] : memref<6272xf32, #tpu.memory_space<vmem>> -> memref<6272xf32, #tpu.memory_space<vmem>>
        %dma_wait3A_121 = tpu.memref_slice %arg21[%add3A_63] : memref<802816xf32, #tpu.memory_space<vmem_shared>> -> memref<6272xf32, #tpu.memory_space<vmem_shared>>
        %dma_wait3A_122 = tpu.memref_slice %arg21[%add3A_63] : memref<802816xf32, #tpu.memory_space<vmem_shared>> -> memref<6272xf32, #tpu.memory_space<vmem_shared>>
        %dma_wait3A_123 = arith.constant 0 : i32
        %dma_wait3A_124 = tpu.memref_slice %arg26[%dma_wait3A_123] : memref<6272xf32, #tpu.memory_space<vmem>> -> memref<6272xf32, #tpu.memory_space<vmem>>
        tpu.wait_dma2 semaphore(%run_scoped3A : memref<!tpu.dma_semaphore, #tpu.memory_space<semaphore_mem>>) src(%dma_wait3A_124 : memref<6272xf32, #tpu.memory_space<vmem>>) dst(%dma_wait3A_122 : memref<6272xf32, #tpu.memory_space<vmem_shared>>)
        tpu.yield
      }) : () -> ()
      %mul3A_64 = arith.constant 3328 : i32
      %mul3A_65 = arith.muli %arg1, %mul3A_64 : i32
      "tpu.region"() ({
        %run_scoped3A = tpu.sem_alloc : memref<!tpu.dma_semaphore, #tpu.memory_space<semaphore_mem>>
        %dma_start3A = arith.constant 0 : i32
        %dma_start3A_115 = tpu.memref_slice %arg22[%dma_start3A] : memref<3328xi32, #tpu.memory_space<vmem>> -> memref<3328xi32, #tpu.memory_space<vmem>>
        %dma_start3A_116 = tpu.memref_slice %arg4[%mul3A_65] : memref<53248xi32, #tpu.memory_space<hbm>> -> memref<3328xi32, #tpu.memory_space<hbm>>
        %dma_start3A_117 = arith.constant 0 : i32
        %dma_start3A_118 = tpu.memref_slice %arg22[%dma_start3A_117] : memref<3328xi32, #tpu.memory_space<vmem>> -> memref<3328xi32, #tpu.memory_space<vmem>>
        %dma_start3A_119 = tpu.memref_slice %arg4[%mul3A_65] : memref<53248xi32, #tpu.memory_space<hbm>> -> memref<3328xi32, #tpu.memory_space<hbm>>
        tpu.enqueue_dma source(%dma_start3A_119 : memref<3328xi32, #tpu.memory_space<hbm>>) target(%dma_start3A_118 : memref<3328xi32, #tpu.memory_space<vmem>>) target_semaphore(%run_scoped3A : memref<!tpu.dma_semaphore, #tpu.memory_space<semaphore_mem>>)
        %dma_wait3A = arith.constant 0 : i32
        %dma_wait3A_120 = tpu.memref_slice %arg22[%dma_wait3A] : memref<3328xi32, #tpu.memory_space<vmem>> -> memref<3328xi32, #tpu.memory_space<vmem>>
        %dma_wait3A_121 = tpu.memref_slice %arg4[%mul3A_65] : memref<53248xi32, #tpu.memory_space<hbm>> -> memref<3328xi32, #tpu.memory_space<hbm>>
        %dma_wait3A_122 = arith.constant 0 : i32
        %dma_wait3A_123 = tpu.memref_slice %arg22[%dma_wait3A_122] : memref<3328xi32, #tpu.memory_space<vmem>> -> memref<3328xi32, #tpu.memory_space<vmem>>
        %dma_wait3A_124 = tpu.memref_slice %arg4[%mul3A_65] : memref<53248xi32, #tpu.memory_space<hbm>> -> memref<3328xi32, #tpu.memory_space<hbm>>
        tpu.wait_dma2 semaphore(%run_scoped3A : memref<!tpu.dma_semaphore, #tpu.memory_space<semaphore_mem>>) src(%dma_wait3A_124 : memref<3328xi32, #tpu.memory_space<hbm>>) dst(%dma_wait3A_123 : memref<3328xi32, #tpu.memory_space<vmem>>)
        tpu.yield
      }) : () -> ()
      %mul3A_66 = arith.constant 3328 : i32
      %mul3A_67 = arith.muli %arg1, %mul3A_66 : i32
      "tpu.region"() ({
        %run_scoped3A = tpu.sem_alloc : memref<!tpu.dma_semaphore, #tpu.memory_space<semaphore_mem>>
        %dma_start3A = arith.constant 0 : i32
        %dma_start3A_115 = tpu.memref_slice %arg23[%dma_start3A] : memref<3328xi32, #tpu.memory_space<vmem>> -> memref<3328xi32, #tpu.memory_space<vmem>>
        %dma_start3A_116 = tpu.memref_slice %arg5[%mul3A_67] : memref<53248xi32, #tpu.memory_space<hbm>> -> memref<3328xi32, #tpu.memory_space<hbm>>
        %dma_start3A_117 = arith.constant 0 : i32
        %dma_start3A_118 = tpu.memref_slice %arg23[%dma_start3A_117] : memref<3328xi32, #tpu.memory_space<vmem>> -> memref<3328xi32, #tpu.memory_space<vmem>>
        %dma_start3A_119 = tpu.memref_slice %arg5[%mul3A_67] : memref<53248xi32, #tpu.memory_space<hbm>> -> memref<3328xi32, #tpu.memory_space<hbm>>
        tpu.enqueue_dma source(%dma_start3A_119 : memref<3328xi32, #tpu.memory_space<hbm>>) target(%dma_start3A_118 : memref<3328xi32, #tpu.memory_space<vmem>>) target_semaphore(%run_scoped3A : memref<!tpu.dma_semaphore, #tpu.memory_space<semaphore_mem>>)
        %dma_wait3A = arith.constant 0 : i32
        %dma_wait3A_120 = tpu.memref_slice %arg23[%dma_wait3A] : memref<3328xi32, #tpu.memory_space<vmem>> -> memref<3328xi32, #tpu.memory_space<vmem>>
        %dma_wait3A_121 = tpu.memref_slice %arg5[%mul3A_67] : memref<53248xi32, #tpu.memory_space<hbm>> -> memref<3328xi32, #tpu.memory_space<hbm>>
        %dma_wait3A_122 = arith.constant 0 : i32
        %dma_wait3A_123 = tpu.memref_slice %arg23[%dma_wait3A_122] : memref<3328xi32, #tpu.memory_space<vmem>> -> memref<3328xi32, #tpu.memory_space<vmem>>
        %dma_wait3A_124 = tpu.memref_slice %arg5[%mul3A_67] : memref<53248xi32, #tpu.memory_space<hbm>> -> memref<3328xi32, #tpu.memory_space<hbm>>
        tpu.wait_dma2 semaphore(%run_scoped3A : memref<!tpu.dma_semaphore, #tpu.memory_space<semaphore_mem>>) src(%dma_wait3A_124 : memref<3328xi32, #tpu.memory_space<hbm>>) dst(%dma_wait3A_123 : memref<3328xi32, #tpu.memory_space<vmem>>)
        tpu.yield
      }) : () -> ()
      %scan3A_68 = arith.constant 0 : i32
      %scan3A_69 = arith.constant 0 : i32
      %scan3A_70 = arith.constant 208 : i32
      %scan3A_71 = arith.addi %scan3A_69, %scan3A_70 : i32
      %scan3A_72 = arith.constant 8 : i32
      scf.for %scan3A_115 = %scan3A_69 to %scan3A_71 step %scan3A_72  : i32 {
        %mul3A_116 = arith.constant 16 : i32
        %mul3A_117 = arith.muli %scan3A_115, %mul3A_116 : i32
        %get3A = arith.index_cast %mul3A_117 : i32 to index
        %get3A_118 = tpu.vector_load %arg23[%get3A] {strides = array<i32>} : memref<3328xi32, #tpu.memory_space<vmem>>, vector<16xi32>,
        %mul3A_119 = arith.constant 896 : i32
        %mul3A_120 = vector.broadcast %mul3A_119 : i32 to vector<16xi32>
        %mul3A_121 = arith.muli %get3A_118, %mul3A_120 : vector<16xi32>
        %mul3A_122 = arith.constant 16 : i32
        %mul3A_123 = arith.muli %scan3A_115, %mul3A_122 : i32
        %get3A_124 = arith.index_cast %mul3A_123 : i32 to index
        %get3A_125 = tpu.vector_load %arg22[%get3A_124] {strides = array<i32>} : memref<3328xi32, #tpu.memory_space<vmem>>, vector<16xi32>,
        %add3A_126 = arith.addi %mul3A_121, %get3A_125 : vector<16xi32>
        %mul3A_127 = arith.constant 16 : i32
        %mul3A_128 = arith.muli %scan3A_115, %mul3A_127 : i32
        %swap3A = arith.index_cast %mul3A_128 : i32 to index
        %swap3A_129 = tpu.vector_load %arg24[%swap3A] {strides = array<i32>} : memref<3328xi32, #tpu.memory_space<vmem>>, vector<16xi32>,
        tpu.vector_store %arg24[%swap3A], %add3A_126 {strides = array<i32>} : memref<3328xi32, #tpu.memory_space<vmem>>, vector<16xi32>,
        %scan3A_130 = arith.constant 1 : i32
        %scan3A_131 = arith.addi %scan3A_115, %scan3A_130 : i32
        %mul3A_132 = arith.constant 16 : i32
        %mul3A_133 = arith.muli %scan3A_131, %mul3A_132 : i32
        %get3A_134 = arith.index_cast %mul3A_133 : i32 to index
        %get3A_135 = tpu.vector_load %arg23[%get3A_134] {strides = array<i32>} : memref<3328xi32, #tpu.memory_space<vmem>>, vector<16xi32>,
        %mul3A_136 = arith.constant 896 : i32
        %mul3A_137 = vector.broadcast %mul3A_136 : i32 to vector<16xi32>
        %mul3A_138 = arith.muli %get3A_135, %mul3A_137 : vector<16xi32>
        %mul3A_139 = arith.constant 16 : i32
        %mul3A_140 = arith.muli %scan3A_131, %mul3A_139 : i32
        %get3A_141 = arith.index_cast %mul3A_140 : i32 to index
        %get3A_142 = tpu.vector_load %arg22[%get3A_141] {strides = array<i32>} : memref<3328xi32, #tpu.memory_space<vmem>>, vector<16xi32>,
        %add3A_143 = arith.addi %mul3A_138, %get3A_142 : vector<16xi32>
        %mul3A_144 = arith.constant 16 : i32
        %mul3A_145 = arith.muli %scan3A_131, %mul3A_144 : i32
        %swap3A_146 = arith.index_cast %mul3A_145 : i32 to index
        %swap3A_147 = tpu.vector_load %arg24[%swap3A_146] {strides = array<i32>} : memref<3328xi32, #tpu.memory_space<vmem>>, vector<16xi32>,
        tpu.vector_store %arg24[%swap3A_146], %add3A_143 {strides = array<i32>} : memref<3328xi32, #tpu.memory_space<vmem>>, vector<16xi32>,
        %scan3A_148 = arith.constant 2 : i32
        %scan3A_149 = arith.addi %scan3A_115, %scan3A_148 : i32
        %mul3A_150 = arith.constant 16 : i32
        %mul3A_151 = arith.muli %scan3A_149, %mul3A_150 : i32
        %get3A_152 = arith.index_cast %mul3A_151 : i32 to index
        %get3A_153 = tpu.vector_load %arg23[%get3A_152] {strides = array<i32>} : memref<3328xi32, #tpu.memory_space<vmem>>, vector<16xi32>,
        %mul3A_154 = arith.constant 896 : i32
        %mul3A_155 = vector.broadcast %mul3A_154 : i32 to vector<16xi32>
        %mul3A_156 = arith.muli %get3A_153, %mul3A_155 : vector<16xi32>
        %mul3A_157 = arith.constant 16 : i32
        %mul3A_158 = arith.muli %scan3A_149, %mul3A_157 : i32
        %get3A_159 = arith.index_cast %mul3A_158 : i32 to index
        %get3A_160 = tpu.vector_load %arg22[%get3A_159] {strides = array<i32>} : memref<3328xi32, #tpu.memory_space<vmem>>, vector<16xi32>,
        %add3A_161 = arith.addi %mul3A_156, %get3A_160 : vector<16xi32>
        %mul3A_162 = arith.constant 16 : i32
        %mul3A_163 = arith.muli %scan3A_149, %mul3A_162 : i32
        %swap3A_164 = arith.index_cast %mul3A_163 : i32 to index
        %swap3A_165 = tpu.vector_load %arg24[%swap3A_164] {strides = array<i32>} : memref<3328xi32, #tpu.memory_space<vmem>>, vector<16xi32>,
        tpu.vector_store %arg24[%swap3A_164], %add3A_161 {strides = array<i32>} : memref<3328xi32, #tpu.memory_space<vmem>>, vector<16xi32>,
        %scan3A_166 = arith.constant 3 : i32
        %scan3A_167 = arith.addi %scan3A_115, %scan3A_166 : i32
        %mul3A_168 = arith.constant 16 : i32
        %mul3A_169 = arith.muli %scan3A_167, %mul3A_168 : i32
        %get3A_170 = arith.index_cast %mul3A_169 : i32 to index
        %get3A_171 = tpu.vector_load %arg23[%get3A_170] {strides = array<i32>} : memref<3328xi32, #tpu.memory_space<vmem>>, vector<16xi32>,
        %mul3A_172 = arith.constant 896 : i32
        %mul3A_173 = vector.broadcast %mul3A_172 : i32 to vector<16xi32>
        %mul3A_174 = arith.muli %get3A_171, %mul3A_173 : vector<16xi32>
        %mul3A_175 = arith.constant 16 : i32
        %mul3A_176 = arith.muli %scan3A_167, %mul3A_175 : i32
        %get3A_177 = arith.index_cast %mul3A_176 : i32 to index
        %get3A_178 = tpu.vector_load %arg22[%get3A_177] {strides = array<i32>} : memref<3328xi32, #tpu.memory_space<vmem>>, vector<16xi32>,
        %add3A_179 = arith.addi %mul3A_174, %get3A_178 : vector<16xi32>
        %mul3A_180 = arith.constant 16 : i32
        %mul3A_181 = arith.muli %scan3A_167, %mul3A_180 : i32
        %swap3A_182 = arith.index_cast %mul3A_181 : i32 to index
        %swap3A_183 = tpu.vector_load %arg24[%swap3A_182] {strides = array<i32>} : memref<3328xi32, #tpu.memory_space<vmem>>, vector<16xi32>,
        tpu.vector_store %arg24[%swap3A_182], %add3A_179 {strides = array<i32>} : memref<3328xi32, #tpu.memory_space<vmem>>, vector<16xi32>,
        %scan3A_184 = arith.constant 4 : i32
        %scan3A_185 = arith.addi %scan3A_115, %scan3A_184 : i32
        %mul3A_186 = arith.constant 16 : i32
        %mul3A_187 = arith.muli %scan3A_185, %mul3A_186 : i32
        %get3A_188 = arith.index_cast %mul3A_187 : i32 to index
        %get3A_189 = tpu.vector_load %arg23[%get3A_188] {strides = array<i32>} : memref<3328xi32, #tpu.memory_space<vmem>>, vector<16xi32>,
        %mul3A_190 = arith.constant 896 : i32
        %mul3A_191 = vector.broadcast %mul3A_190 : i32 to vector<16xi32>
        %mul3A_192 = arith.muli %get3A_189, %mul3A_191 : vector<16xi32>
        %mul3A_193 = arith.constant 16 : i32
        %mul3A_194 = arith.muli %scan3A_185, %mul3A_193 : i32
        %get3A_195 = arith.index_cast %mul3A_194 : i32 to index
        %get3A_196 = tpu.vector_load %arg22[%get3A_195] {strides = array<i32>} : memref<3328xi32, #tpu.memory_space<vmem>>, vector<16xi32>,
        %add3A_197 = arith.addi %mul3A_192, %get3A_196 : vector<16xi32>
        %mul3A_198 = arith.constant 16 : i32
        %mul3A_199 = arith.muli %scan3A_185, %mul3A_198 : i32
        %swap3A_200 = arith.index_cast %mul3A_199 : i32 to index
        %swap3A_201 = tpu.vector_load %arg24[%swap3A_200] {strides = array<i32>} : memref<3328xi32, #tpu.memory_space<vmem>>, vector<16xi32>,
        tpu.vector_store %arg24[%swap3A_200], %add3A_197 {strides = array<i32>} : memref<3328xi32, #tpu.memory_space<vmem>>, vector<16xi32>,
        %scan3A_202 = arith.constant 5 : i32
        %scan3A_203 = arith.addi %scan3A_115, %scan3A_202 : i32
        %mul3A_204 = arith.constant 16 : i32
        %mul3A_205 = arith.muli %scan3A_203, %mul3A_204 : i32
        %get3A_206 = arith.index_cast %mul3A_205 : i32 to index
        %get3A_207 = tpu.vector_load %arg23[%get3A_206] {strides = array<i32>} : memref<3328xi32, #tpu.memory_space<vmem>>, vector<16xi32>,
        %mul3A_208 = arith.constant 896 : i32
        %mul3A_209 = vector.broadcast %mul3A_208 : i32 to vector<16xi32>
        %mul3A_210 = arith.muli %get3A_207, %mul3A_209 : vector<16xi32>
        %mul3A_211 = arith.constant 16 : i32
        %mul3A_212 = arith.muli %scan3A_203, %mul3A_211 : i32
        %get3A_213 = arith.index_cast %mul3A_212 : i32 to index
        %get3A_214 = tpu.vector_load %arg22[%get3A_213] {strides = array<i32>} : memref<3328xi32, #tpu.memory_space<vmem>>, vector<16xi32>,
        %add3A_215 = arith.addi %mul3A_210, %get3A_214 : vector<16xi32>
        %mul3A_216 = arith.constant 16 : i32
        %mul3A_217 = arith.muli %scan3A_203, %mul3A_216 : i32
        %swap3A_218 = arith.index_cast %mul3A_217 : i32 to index
        %swap3A_219 = tpu.vector_load %arg24[%swap3A_218] {strides = array<i32>} : memref<3328xi32, #tpu.memory_space<vmem>>, vector<16xi32>,
        tpu.vector_store %arg24[%swap3A_218], %add3A_215 {strides = array<i32>} : memref<3328xi32, #tpu.memory_space<vmem>>, vector<16xi32>,
        %scan3A_220 = arith.constant 6 : i32
        %scan3A_221 = arith.addi %scan3A_115, %scan3A_220 : i32
        %mul3A_222 = arith.constant 16 : i32
        %mul3A_223 = arith.muli %scan3A_221, %mul3A_222 : i32
        %get3A_224 = arith.index_cast %mul3A_223 : i32 to index
        %get3A_225 = tpu.vector_load %arg23[%get3A_224] {strides = array<i32>} : memref<3328xi32, #tpu.memory_space<vmem>>, vector<16xi32>,
        %mul3A_226 = arith.constant 896 : i32
        %mul3A_227 = vector.broadcast %mul3A_226 : i32 to vector<16xi32>
        %mul3A_228 = arith.muli %get3A_225, %mul3A_227 : vector<16xi32>
        %mul3A_229 = arith.constant 16 : i32
        %mul3A_230 = arith.muli %scan3A_221, %mul3A_229 : i32
        %get3A_231 = arith.index_cast %mul3A_230 : i32 to index
        %get3A_232 = tpu.vector_load %arg22[%get3A_231] {strides = array<i32>} : memref<3328xi32, #tpu.memory_space<vmem>>, vector<16xi32>,
        %add3A_233 = arith.addi %mul3A_228, %get3A_232 : vector<16xi32>
        %mul3A_234 = arith.constant 16 : i32
        %mul3A_235 = arith.muli %scan3A_221, %mul3A_234 : i32
        %swap3A_236 = arith.index_cast %mul3A_235 : i32 to index
        %swap3A_237 = tpu.vector_load %arg24[%swap3A_236] {strides = array<i32>} : memref<3328xi32, #tpu.memory_space<vmem>>, vector<16xi32>,
        tpu.vector_store %arg24[%swap3A_236], %add3A_233 {strides = array<i32>} : memref<3328xi32, #tpu.memory_space<vmem>>, vector<16xi32>,
        %scan3A_238 = arith.constant 7 : i32
        %scan3A_239 = arith.addi %scan3A_115, %scan3A_238 : i32
        %mul3A_240 = arith.constant 16 : i32
        %mul3A_241 = arith.muli %scan3A_239, %mul3A_240 : i32
        %get3A_242 = arith.index_cast %mul3A_241 : i32 to index
        %get3A_243 = tpu.vector_load %arg23[%get3A_242] {strides = array<i32>} : memref<3328xi32, #tpu.memory_space<vmem>>, vector<16xi32>,
        %mul3A_244 = arith.constant 896 : i32
        %mul3A_245 = vector.broadcast %mul3A_244 : i32 to vector<16xi32>
        %mul3A_246 = arith.muli %get3A_243, %mul3A_245 : vector<16xi32>
        %mul3A_247 = arith.constant 16 : i32
        %mul3A_248 = arith.muli %scan3A_239, %mul3A_247 : i32
        %get3A_249 = arith.index_cast %mul3A_248 : i32 to index
        %get3A_250 = tpu.vector_load %arg22[%get3A_249] {strides = array<i32>} : memref<3328xi32, #tpu.memory_space<vmem>>, vector<16xi32>,
        %add3A_251 = arith.addi %mul3A_246, %get3A_250 : vector<16xi32>
        %mul3A_252 = arith.constant 16 : i32
        %mul3A_253 = arith.muli %scan3A_239, %mul3A_252 : i32
        %swap3A_254 = arith.index_cast %mul3A_253 : i32 to index
        %swap3A_255 = tpu.vector_load %arg24[%swap3A_254] {strides = array<i32>} : memref<3328xi32, #tpu.memory_space<vmem>>, vector<16xi32>,
        tpu.vector_store %arg24[%swap3A_254], %add3A_251 {strides = array<i32>} : memref<3328xi32, #tpu.memory_space<vmem>>, vector<16xi32>,
      }
      %scan3A_73 = arith.constant 208 : i32
      %barrier3A_74 = arith.constant 0 : index
      tpu.barrier barrier_id(%barrier3A_74)
      "tpu.region"() ({
        %run_scoped3A = tpu.sem_alloc : memref<!tpu.dma_semaphore, #tpu.memory_space<semaphore_mem>>
        %dma_start3A = arith.constant 0 : i32
        %dma_start3A_115 = tpu.memref_slice %arg25[%dma_start3A] : memref<3328xf32, #tpu.memory_space<vmem>> -> memref<3328xf32, #tpu.memory_space<vmem>>
        %dma_start3A_116 = arith.constant 0 : i32
        %dma_start3A_117 = tpu.memref_slice %arg24[%dma_start3A_116] : memref<3328xi32, #tpu.memory_space<vmem>> -> memref<3328xi32, #tpu.memory_space<vmem>>
        %dma_start3A_118 = arith.constant 0 : i32
        %dma_start3A_119 = tpu.memref_slice %arg21[%dma_start3A_118] : memref<802816xf32, #tpu.memory_space<vmem_shared>> -> memref<802816xf32, #tpu.memory_space<vmem_shared>>
        tpu.enqueue_indirect_dma source(%dma_start3A_115 : memref<3328xf32, #tpu.memory_space<vmem>>) target(%dma_start3A_119 : memref<802816xf32, #tpu.memory_space<vmem_shared>>) offsets(%dma_start3A_117 : memref<3328xi32, #tpu.memory_space<vmem>>) semaphore(%run_scoped3A : memref<!tpu.dma_semaphore, #tpu.memory_space<semaphore_mem>>) {add = true}
        %dma_wait3A = arith.constant 0 : i32
        %dma_wait3A_120 = tpu.memref_slice %arg25[%dma_wait3A] : memref<3328xf32, #tpu.memory_space<vmem>> -> memref<3328xf32, #tpu.memory_space<vmem>>
        %dma_wait3A_121 = arith.constant 0 : i32
        %dma_wait3A_122 = tpu.memref_slice %arg24[%dma_wait3A_121] : memref<3328xi32, #tpu.memory_space<vmem>> -> memref<3328xi32, #tpu.memory_space<vmem>>
        %dma_wait3A_123 = arith.constant 0 : i32
        %dma_wait3A_124 = tpu.memref_slice %arg21[%dma_wait3A_123] : memref<802816xf32, #tpu.memory_space<vmem_shared>> -> memref<802816xf32, #tpu.memory_space<vmem_shared>>
        tpu.wait_indirect_dma semaphore(%run_scoped3A : memref<!tpu.dma_semaphore, #tpu.memory_space<semaphore_mem>>) src(%dma_wait3A_120 : memref<3328xf32, #tpu.memory_space<vmem>>) dst(%dma_wait3A_124 : memref<802816xf32, #tpu.memory_space<vmem_shared>>)
        tpu.yield
      }) : () -> ()
      %barrier3A_75 = arith.constant 0 : index
      tpu.barrier barrier_id(%barrier3A_75)
      %mul3A_76 = arith.constant 50176 : i32
      %mul3A_77 = arith.muli %arg1, %mul3A_76 : i32
      %mul3A_78 = arith.constant 50176 : i32
      %mul3A_79 = arith.muli %arg1, %mul3A_78 : i32
      "tpu.region"() ({
        %run_scoped3A = tpu.sem_alloc : memref<!tpu.dma_semaphore, #tpu.memory_space<semaphore_mem>>
        %dma_start3A = tpu.memref_slice %arg16[%mul3A_79] : memref<802816xf32, #tpu.memory_space<hbm>> -> memref<50176xf32, #tpu.memory_space<hbm>>
        %dma_start3A_115 = tpu.memref_slice %arg21[%mul3A_77] : memref<802816xf32, #tpu.memory_space<vmem_shared>> -> memref<50176xf32, #tpu.memory_space<vmem_shared>>
        tpu.enqueue_dma source(%dma_start3A_115 : memref<50176xf32, #tpu.memory_space<vmem_shared>>) target(%dma_start3A : memref<50176xf32, #tpu.memory_space<hbm>>) target_semaphore(%run_scoped3A : memref<!tpu.dma_semaphore, #tpu.memory_space<semaphore_mem>>)
        %dma_wait3A = tpu.memref_slice %arg16[%mul3A_79] : memref<802816xf32, #tpu.memory_space<hbm>> -> memref<50176xf32, #tpu.memory_space<hbm>>
        %dma_wait3A_116 = tpu.memref_slice %arg21[%mul3A_77] : memref<802816xf32, #tpu.memory_space<vmem_shared>> -> memref<50176xf32, #tpu.memory_space<vmem_shared>>
        tpu.wait_dma2 semaphore(%run_scoped3A : memref<!tpu.dma_semaphore, #tpu.memory_space<semaphore_mem>>) src(%dma_wait3A_116 : memref<50176xf32, #tpu.memory_space<vmem_shared>>) dst(%dma_wait3A : memref<50176xf32, #tpu.memory_space<hbm>>)
        tpu.yield
      }) : () -> ()
      %barrier3A_80 = arith.constant 0 : index
      tpu.barrier barrier_id(%barrier3A_80)
      %mul3A_81 = arith.constant 16384 : i32
      %mul3A_82 = arith.muli %arg1, %mul3A_81 : i32
      %add3A_83 = arith.constant 0 : i32
      %add3A_84 = arith.addi %mul3A_82, %add3A_83 : i32
      "tpu.region"() ({
        %run_scoped3A = tpu.sem_alloc : memref<!tpu.dma_semaphore, #tpu.memory_space<semaphore_mem>>
        %dma_start3A = arith.constant 0 : i32
        %dma_start3A_115 = tpu.memref_slice %arg26[%dma_start3A] : memref<6272xf32, #tpu.memory_space<vmem>> -> memref<2048xf32, #tpu.memory_space<vmem>>
        %dma_start3A_116 = tpu.memref_slice %arg21[%add3A_84] : memref<802816xf32, #tpu.memory_space<vmem_shared>> -> memref<2048xf32, #tpu.memory_space<vmem_shared>>
        %dma_start3A_117 = tpu.memref_slice %arg21[%add3A_84] : memref<802816xf32, #tpu.memory_space<vmem_shared>> -> memref<2048xf32, #tpu.memory_space<vmem_shared>>
        %dma_start3A_118 = arith.constant 0 : i32
        %dma_start3A_119 = tpu.memref_slice %arg26[%dma_start3A_118] : memref<6272xf32, #tpu.memory_space<vmem>> -> memref<2048xf32, #tpu.memory_space<vmem>>
        tpu.enqueue_dma source(%dma_start3A_119 : memref<2048xf32, #tpu.memory_space<vmem>>) target(%dma_start3A_117 : memref<2048xf32, #tpu.memory_space<vmem_shared>>) target_semaphore(%run_scoped3A : memref<!tpu.dma_semaphore, #tpu.memory_space<semaphore_mem>>)
        %dma_wait3A = arith.constant 0 : i32
        %dma_wait3A_120 = tpu.memref_slice %arg26[%dma_wait3A] : memref<6272xf32, #tpu.memory_space<vmem>> -> memref<2048xf32, #tpu.memory_space<vmem>>
        %dma_wait3A_121 = tpu.memref_slice %arg21[%add3A_84] : memref<802816xf32, #tpu.memory_space<vmem_shared>> -> memref<2048xf32, #tpu.memory_space<vmem_shared>>
        %dma_wait3A_122 = tpu.memref_slice %arg21[%add3A_84] : memref<802816xf32, #tpu.memory_space<vmem_shared>> -> memref<2048xf32, #tpu.memory_space<vmem_shared>>
        %dma_wait3A_123 = arith.constant 0 : i32
        %dma_wait3A_124 = tpu.memref_slice %arg26[%dma_wait3A_123] : memref<6272xf32, #tpu.memory_space<vmem>> -> memref<2048xf32, #tpu.memory_space<vmem>>
        tpu.wait_dma2 semaphore(%run_scoped3A : memref<!tpu.dma_semaphore, #tpu.memory_space<semaphore_mem>>) src(%dma_wait3A_124 : memref<2048xf32, #tpu.memory_space<vmem>>) dst(%dma_wait3A_122 : memref<2048xf32, #tpu.memory_space<vmem_shared>>)
        tpu.yield
      }) : () -> ()
      %add3A_85 = arith.constant 2048 : i32
      %add3A_86 = arith.addi %mul3A_82, %add3A_85 : i32
      "tpu.region"() ({
        %run_scoped3A = tpu.sem_alloc : memref<!tpu.dma_semaphore, #tpu.memory_space<semaphore_mem>>
        %dma_start3A = arith.constant 0 : i32
        %dma_start3A_115 = tpu.memref_slice %arg26[%dma_start3A] : memref<6272xf32, #tpu.memory_space<vmem>> -> memref<2048xf32, #tpu.memory_space<vmem>>
        %dma_start3A_116 = tpu.memref_slice %arg21[%add3A_86] : memref<802816xf32, #tpu.memory_space<vmem_shared>> -> memref<2048xf32, #tpu.memory_space<vmem_shared>>
        %dma_start3A_117 = tpu.memref_slice %arg21[%add3A_86] : memref<802816xf32, #tpu.memory_space<vmem_shared>> -> memref<2048xf32, #tpu.memory_space<vmem_shared>>
        %dma_start3A_118 = arith.constant 0 : i32
        %dma_start3A_119 = tpu.memref_slice %arg26[%dma_start3A_118] : memref<6272xf32, #tpu.memory_space<vmem>> -> memref<2048xf32, #tpu.memory_space<vmem>>
        tpu.enqueue_dma source(%dma_start3A_119 : memref<2048xf32, #tpu.memory_space<vmem>>) target(%dma_start3A_117 : memref<2048xf32, #tpu.memory_space<vmem_shared>>) target_semaphore(%run_scoped3A : memref<!tpu.dma_semaphore, #tpu.memory_space<semaphore_mem>>)
        %dma_wait3A = arith.constant 0 : i32
        %dma_wait3A_120 = tpu.memref_slice %arg26[%dma_wait3A] : memref<6272xf32, #tpu.memory_space<vmem>> -> memref<2048xf32, #tpu.memory_space<vmem>>
        %dma_wait3A_121 = tpu.memref_slice %arg21[%add3A_86] : memref<802816xf32, #tpu.memory_space<vmem_shared>> -> memref<2048xf32, #tpu.memory_space<vmem_shared>>
        %dma_wait3A_122 = tpu.memref_slice %arg21[%add3A_86] : memref<802816xf32, #tpu.memory_space<vmem_shared>> -> memref<2048xf32, #tpu.memory_space<vmem_shared>>
        %dma_wait3A_123 = arith.constant 0 : i32
        %dma_wait3A_124 = tpu.memref_slice %arg26[%dma_wait3A_123] : memref<6272xf32, #tpu.memory_space<vmem>> -> memref<2048xf32, #tpu.memory_space<vmem>>
        tpu.wait_dma2 semaphore(%run_scoped3A : memref<!tpu.dma_semaphore, #tpu.memory_space<semaphore_mem>>) src(%dma_wait3A_124 : memref<2048xf32, #tpu.memory_space<vmem>>) dst(%dma_wait3A_122 : memref<2048xf32, #tpu.memory_space<vmem_shared>>)
        tpu.yield
      }) : () -> ()
      %add3A_87 = arith.constant 4096 : i32
      %add3A_88 = arith.addi %mul3A_82, %add3A_87 : i32
      "tpu.region"() ({
        %run_scoped3A = tpu.sem_alloc : memref<!tpu.dma_semaphore, #tpu.memory_space<semaphore_mem>>
        %dma_start3A = arith.constant 0 : i32
        %dma_start3A_115 = tpu.memref_slice %arg26[%dma_start3A] : memref<6272xf32, #tpu.memory_space<vmem>> -> memref<2048xf32, #tpu.memory_space<vmem>>
        %dma_start3A_116 = tpu.memref_slice %arg21[%add3A_88] : memref<802816xf32, #tpu.memory_space<vmem_shared>> -> memref<2048xf32, #tpu.memory_space<vmem_shared>>
        %dma_start3A_117 = tpu.memref_slice %arg21[%add3A_88] : memref<802816xf32, #tpu.memory_space<vmem_shared>> -> memref<2048xf32, #tpu.memory_space<vmem_shared>>
        %dma_start3A_118 = arith.constant 0 : i32
        %dma_start3A_119 = tpu.memref_slice %arg26[%dma_start3A_118] : memref<6272xf32, #tpu.memory_space<vmem>> -> memref<2048xf32, #tpu.memory_space<vmem>>
        tpu.enqueue_dma source(%dma_start3A_119 : memref<2048xf32, #tpu.memory_space<vmem>>) target(%dma_start3A_117 : memref<2048xf32, #tpu.memory_space<vmem_shared>>) target_semaphore(%run_scoped3A : memref<!tpu.dma_semaphore, #tpu.memory_space<semaphore_mem>>)
        %dma_wait3A = arith.constant 0 : i32
        %dma_wait3A_120 = tpu.memref_slice %arg26[%dma_wait3A] : memref<6272xf32, #tpu.memory_space<vmem>> -> memref<2048xf32, #tpu.memory_space<vmem>>
        %dma_wait3A_121 = tpu.memref_slice %arg21[%add3A_88] : memref<802816xf32, #tpu.memory_space<vmem_shared>> -> memref<2048xf32, #tpu.memory_space<vmem_shared>>
        %dma_wait3A_122 = tpu.memref_slice %arg21[%add3A_88] : memref<802816xf32, #tpu.memory_space<vmem_shared>> -> memref<2048xf32, #tpu.memory_space<vmem_shared>>
        %dma_wait3A_123 = arith.constant 0 : i32
        %dma_wait3A_124 = tpu.memref_slice %arg26[%dma_wait3A_123] : memref<6272xf32, #tpu.memory_space<vmem>> -> memref<2048xf32, #tpu.memory_space<vmem>>
        tpu.wait_dma2 semaphore(%run_scoped3A : memref<!tpu.dma_semaphore, #tpu.memory_space<semaphore_mem>>) src(%dma_wait3A_124 : memref<2048xf32, #tpu.memory_space<vmem>>) dst(%dma_wait3A_122 : memref<2048xf32, #tpu.memory_space<vmem_shared>>)
        tpu.yield
      }) : () -> ()
      %add3A_89 = arith.constant 6144 : i32
      %add3A_90 = arith.addi %mul3A_82, %add3A_89 : i32
      "tpu.region"() ({
        %run_scoped3A = tpu.sem_alloc : memref<!tpu.dma_semaphore, #tpu.memory_space<semaphore_mem>>
        %dma_start3A = arith.constant 0 : i32
        %dma_start3A_115 = tpu.memref_slice %arg26[%dma_start3A] : memref<6272xf32, #tpu.memory_space<vmem>> -> memref<2048xf32, #tpu.memory_space<vmem>>
        %dma_start3A_116 = tpu.memref_slice %arg21[%add3A_90] : memref<802816xf32, #tpu.memory_space<vmem_shared>> -> memref<2048xf32, #tpu.memory_space<vmem_shared>>
        %dma_start3A_117 = tpu.memref_slice %arg21[%add3A_90] : memref<802816xf32, #tpu.memory_space<vmem_shared>> -> memref<2048xf32, #tpu.memory_space<vmem_shared>>
        %dma_start3A_118 = arith.constant 0 : i32
        %dma_start3A_119 = tpu.memref_slice %arg26[%dma_start3A_118] : memref<6272xf32, #tpu.memory_space<vmem>> -> memref<2048xf32, #tpu.memory_space<vmem>>
        tpu.enqueue_dma source(%dma_start3A_119 : memref<2048xf32, #tpu.memory_space<vmem>>) target(%dma_start3A_117 : memref<2048xf32, #tpu.memory_space<vmem_shared>>) target_semaphore(%run_scoped3A : memref<!tpu.dma_semaphore, #tpu.memory_space<semaphore_mem>>)
        %dma_wait3A = arith.constant 0 : i32
        %dma_wait3A_120 = tpu.memref_slice %arg26[%dma_wait3A] : memref<6272xf32, #tpu.memory_space<vmem>> -> memref<2048xf32, #tpu.memory_space<vmem>>
        %dma_wait3A_121 = tpu.memref_slice %arg21[%add3A_90] : memref<802816xf32, #tpu.memory_space<vmem_shared>> -> memref<2048xf32, #tpu.memory_space<vmem_shared>>
        %dma_wait3A_122 = tpu.memref_slice %arg21[%add3A_90] : memref<802816xf32, #tpu.memory_space<vmem_shared>> -> memref<2048xf32, #tpu.memory_space<vmem_shared>>
        %dma_wait3A_123 = arith.constant 0 : i32
        %dma_wait3A_124 = tpu.memref_slice %arg26[%dma_wait3A_123] : memref<6272xf32, #tpu.memory_space<vmem>> -> memref<2048xf32, #tpu.memory_space<vmem>>
        tpu.wait_dma2 semaphore(%run_scoped3A : memref<!tpu.dma_semaphore, #tpu.memory_space<semaphore_mem>>) src(%dma_wait3A_124 : memref<2048xf32, #tpu.memory_space<vmem>>) dst(%dma_wait3A_122 : memref<2048xf32, #tpu.memory_space<vmem_shared>>)
        tpu.yield
      }) : () -> ()
      %add3A_91 = arith.constant 8192 : i32
      %add3A_92 = arith.addi %mul3A_82, %add3A_91 : i32
      "tpu.region"() ({
        %run_scoped3A = tpu.sem_alloc : memref<!tpu.dma_semaphore, #tpu.memory_space<semaphore_mem>>
        %dma_start3A = arith.constant 0 : i32
        %dma_start3A_115 = tpu.memref_slice %arg26[%dma_start3A] : memref<6272xf32, #tpu.memory_space<vmem>> -> memref<2048xf32, #tpu.memory_space<vmem>>
        %dma_start3A_116 = tpu.memref_slice %arg21[%add3A_92] : memref<802816xf32, #tpu.memory_space<vmem_shared>> -> memref<2048xf32, #tpu.memory_space<vmem_shared>>
        %dma_start3A_117 = tpu.memref_slice %arg21[%add3A_92] : memref<802816xf32, #tpu.memory_space<vmem_shared>> -> memref<2048xf32, #tpu.memory_space<vmem_shared>>
        %dma_start3A_118 = arith.constant 0 : i32
        %dma_start3A_119 = tpu.memref_slice %arg26[%dma_start3A_118] : memref<6272xf32, #tpu.memory_space<vmem>> -> memref<2048xf32, #tpu.memory_space<vmem>>
        tpu.enqueue_dma source(%dma_start3A_119 : memref<2048xf32, #tpu.memory_space<vmem>>) target(%dma_start3A_117 : memref<2048xf32, #tpu.memory_space<vmem_shared>>) target_semaphore(%run_scoped3A : memref<!tpu.dma_semaphore, #tpu.memory_space<semaphore_mem>>)
        %dma_wait3A = arith.constant 0 : i32
        %dma_wait3A_120 = tpu.memref_slice %arg26[%dma_wait3A] : memref<6272xf32, #tpu.memory_space<vmem>> -> memref<2048xf32, #tpu.memory_space<vmem>>
        %dma_wait3A_121 = tpu.memref_slice %arg21[%add3A_92] : memref<802816xf32, #tpu.memory_space<vmem_shared>> -> memref<2048xf32, #tpu.memory_space<vmem_shared>>
        %dma_wait3A_122 = tpu.memref_slice %arg21[%add3A_92] : memref<802816xf32, #tpu.memory_space<vmem_shared>> -> memref<2048xf32, #tpu.memory_space<vmem_shared>>
        %dma_wait3A_123 = arith.constant 0 : i32
        %dma_wait3A_124 = tpu.memref_slice %arg26[%dma_wait3A_123] : memref<6272xf32, #tpu.memory_space<vmem>> -> memref<2048xf32, #tpu.memory_space<vmem>>
        tpu.wait_dma2 semaphore(%run_scoped3A : memref<!tpu.dma_semaphore, #tpu.memory_space<semaphore_mem>>) src(%dma_wait3A_124 : memref<2048xf32, #tpu.memory_space<vmem>>) dst(%dma_wait3A_122 : memref<2048xf32, #tpu.memory_space<vmem_shared>>)
        tpu.yield
      }) : () -> ()
      %add3A_93 = arith.constant 10240 : i32
      %add3A_94 = arith.addi %mul3A_82, %add3A_93 : i32
      "tpu.region"() ({
        %run_scoped3A = tpu.sem_alloc : memref<!tpu.dma_semaphore, #tpu.memory_space<semaphore_mem>>
        %dma_start3A = arith.constant 0 : i32
        %dma_start3A_115 = tpu.memref_slice %arg26[%dma_start3A] : memref<6272xf32, #tpu.memory_space<vmem>> -> memref<2048xf32, #tpu.memory_space<vmem>>
        %dma_start3A_116 = tpu.memref_slice %arg21[%add3A_94] : memref<802816xf32, #tpu.memory_space<vmem_shared>> -> memref<2048xf32, #tpu.memory_space<vmem_shared>>
        %dma_start3A_117 = tpu.memref_slice %arg21[%add3A_94] : memref<802816xf32, #tpu.memory_space<vmem_shared>> -> memref<2048xf32, #tpu.memory_space<vmem_shared>>
        %dma_start3A_118 = arith.constant 0 : i32
        %dma_start3A_119 = tpu.memref_slice %arg26[%dma_start3A_118] : memref<6272xf32, #tpu.memory_space<vmem>> -> memref<2048xf32, #tpu.memory_space<vmem>>
        tpu.enqueue_dma source(%dma_start3A_119 : memref<2048xf32, #tpu.memory_space<vmem>>) target(%dma_start3A_117 : memref<2048xf32, #tpu.memory_space<vmem_shared>>) target_semaphore(%run_scoped3A : memref<!tpu.dma_semaphore, #tpu.memory_space<semaphore_mem>>)
        %dma_wait3A = arith.constant 0 : i32
        %dma_wait3A_120 = tpu.memref_slice %arg26[%dma_wait3A] : memref<6272xf32, #tpu.memory_space<vmem>> -> memref<2048xf32, #tpu.memory_space<vmem>>
        %dma_wait3A_121 = tpu.memref_slice %arg21[%add3A_94] : memref<802816xf32, #tpu.memory_space<vmem_shared>> -> memref<2048xf32, #tpu.memory_space<vmem_shared>>
        %dma_wait3A_122 = tpu.memref_slice %arg21[%add3A_94] : memref<802816xf32, #tpu.memory_space<vmem_shared>> -> memref<2048xf32, #tpu.memory_space<vmem_shared>>
        %dma_wait3A_123 = arith.constant 0 : i32
        %dma_wait3A_124 = tpu.memref_slice %arg26[%dma_wait3A_123] : memref<6272xf32, #tpu.memory_space<vmem>> -> memref<2048xf32, #tpu.memory_space<vmem>>
        tpu.wait_dma2 semaphore(%run_scoped3A : memref<!tpu.dma_semaphore, #tpu.memory_space<semaphore_mem>>) src(%dma_wait3A_124 : memref<2048xf32, #tpu.memory_space<vmem>>) dst(%dma_wait3A_122 : memref<2048xf32, #tpu.memory_space<vmem_shared>>)
        tpu.yield
      }) : () -> ()
      %add3A_95 = arith.constant 12288 : i32
      %add3A_96 = arith.addi %mul3A_82, %add3A_95 : i32
      "tpu.region"() ({
        %run_scoped3A = tpu.sem_alloc : memref<!tpu.dma_semaphore, #tpu.memory_space<semaphore_mem>>
        %dma_start3A = arith.constant 0 : i32
        %dma_start3A_115 = tpu.memref_slice %arg26[%dma_start3A] : memref<6272xf32, #tpu.memory_space<vmem>> -> memref<2048xf32, #tpu.memory_space<vmem>>
        %dma_start3A_116 = tpu.memref_slice %arg21[%add3A_96] : memref<802816xf32, #tpu.memory_space<vmem_shared>> -> memref<2048xf32, #tpu.memory_space<vmem_shared>>
        %dma_start3A_117 = tpu.memref_slice %arg21[%add3A_96] : memref<802816xf32, #tpu.memory_space<vmem_shared>> -> memref<2048xf32, #tpu.memory_space<vmem_shared>>
        %dma_start3A_118 = arith.constant 0 : i32
        %dma_start3A_119 = tpu.memref_slice %arg26[%dma_start3A_118] : memref<6272xf32, #tpu.memory_space<vmem>> -> memref<2048xf32, #tpu.memory_space<vmem>>
        tpu.enqueue_dma source(%dma_start3A_119 : memref<2048xf32, #tpu.memory_space<vmem>>) target(%dma_start3A_117 : memref<2048xf32, #tpu.memory_space<vmem_shared>>) target_semaphore(%run_scoped3A : memref<!tpu.dma_semaphore, #tpu.memory_space<semaphore_mem>>)
        %dma_wait3A = arith.constant 0 : i32
        %dma_wait3A_120 = tpu.memref_slice %arg26[%dma_wait3A] : memref<6272xf32, #tpu.memory_space<vmem>> -> memref<2048xf32, #tpu.memory_space<vmem>>
        %dma_wait3A_121 = tpu.memref_slice %arg21[%add3A_96] : memref<802816xf32, #tpu.memory_space<vmem_shared>> -> memref<2048xf32, #tpu.memory_space<vmem_shared>>
        %dma_wait3A_122 = tpu.memref_slice %arg21[%add3A_96] : memref<802816xf32, #tpu.memory_space<vmem_shared>> -> memref<2048xf32, #tpu.memory_space<vmem_shared>>
        %dma_wait3A_123 = arith.constant 0 : i32
        %dma_wait3A_124 = tpu.memref_slice %arg26[%dma_wait3A_123] : memref<6272xf32, #tpu.memory_space<vmem>> -> memref<2048xf32, #tpu.memory_space<vmem>>
        tpu.wait_dma2 semaphore(%run_scoped3A : memref<!tpu.dma_semaphore, #tpu.memory_space<semaphore_mem>>) src(%dma_wait3A_124 : memref<2048xf32, #tpu.memory_space<vmem>>) dst(%dma_wait3A_122 : memref<2048xf32, #tpu.memory_space<vmem_shared>>)
        tpu.yield
      }) : () -> ()
      %add3A_97 = arith.constant 14336 : i32
      %add3A_98 = arith.addi %mul3A_82, %add3A_97 : i32
      "tpu.region"() ({
        %run_scoped3A = tpu.sem_alloc : memref<!tpu.dma_semaphore, #tpu.memory_space<semaphore_mem>>
        %dma_start3A = arith.constant 0 : i32
        %dma_start3A_115 = tpu.memref_slice %arg26[%dma_start3A] : memref<6272xf32, #tpu.memory_space<vmem>> -> memref<2048xf32, #tpu.memory_space<vmem>>
        %dma_start3A_116 = tpu.memref_slice %arg21[%add3A_98] : memref<802816xf32, #tpu.memory_space<vmem_shared>> -> memref<2048xf32, #tpu.memory_space<vmem_shared>>
        %dma_start3A_117 = tpu.memref_slice %arg21[%add3A_98] : memref<802816xf32, #tpu.memory_space<vmem_shared>> -> memref<2048xf32, #tpu.memory_space<vmem_shared>>
        %dma_start3A_118 = arith.constant 0 : i32
        %dma_start3A_119 = tpu.memref_slice %arg26[%dma_start3A_118] : memref<6272xf32, #tpu.memory_space<vmem>> -> memref<2048xf32, #tpu.memory_space<vmem>>
        tpu.enqueue_dma source(%dma_start3A_119 : memref<2048xf32, #tpu.memory_space<vmem>>) target(%dma_start3A_117 : memref<2048xf32, #tpu.memory_space<vmem_shared>>) target_semaphore(%run_scoped3A : memref<!tpu.dma_semaphore, #tpu.memory_space<semaphore_mem>>)
        %dma_wait3A = arith.constant 0 : i32
        %dma_wait3A_120 = tpu.memref_slice %arg26[%dma_wait3A] : memref<6272xf32, #tpu.memory_space<vmem>> -> memref<2048xf32, #tpu.memory_space<vmem>>
        %dma_wait3A_121 = tpu.memref_slice %arg21[%add3A_98] : memref<802816xf32, #tpu.memory_space<vmem_shared>> -> memref<2048xf32, #tpu.memory_space<vmem_shared>>
        %dma_wait3A_122 = tpu.memref_slice %arg21[%add3A_98] : memref<802816xf32, #tpu.memory_space<vmem_shared>> -> memref<2048xf32, #tpu.memory_space<vmem_shared>>
        %dma_wait3A_123 = arith.constant 0 : i32
        %dma_wait3A_124 = tpu.memref_slice %arg26[%dma_wait3A_123] : memref<6272xf32, #tpu.memory_space<vmem>> -> memref<2048xf32, #tpu.memory_space<vmem>>
        tpu.wait_dma2 semaphore(%run_scoped3A : memref<!tpu.dma_semaphore, #tpu.memory_space<semaphore_mem>>) src(%dma_wait3A_124 : memref<2048xf32, #tpu.memory_space<vmem>>) dst(%dma_wait3A_122 : memref<2048xf32, #tpu.memory_space<vmem_shared>>)
        tpu.yield
      }) : () -> ()
      %mul3A_99 = arith.constant 1792 : i32
      %mul3A_100 = arith.muli %arg1, %mul3A_99 : i32
      "tpu.region"() ({
        %run_scoped3A = tpu.sem_alloc : memref<!tpu.dma_semaphore, #tpu.memory_space<semaphore_mem>>
        %dma_start3A = arith.constant 0 : i32
        %dma_start3A_115 = tpu.memref_slice %arg22[%dma_start3A] : memref<3328xi32, #tpu.memory_space<vmem>> -> memref<1792xi32, #tpu.memory_space<vmem>>
        %dma_start3A_116 = tpu.memref_slice %arg8[%mul3A_100] : memref<28672xi32, #tpu.memory_space<hbm>> -> memref<1792xi32, #tpu.memory_space<hbm>>
        %dma_start3A_117 = arith.constant 0 : i32
        %dma_start3A_118 = tpu.memref_slice %arg22[%dma_start3A_117] : memref<3328xi32, #tpu.memory_space<vmem>> -> memref<1792xi32, #tpu.memory_space<vmem>>
        %dma_start3A_119 = tpu.memref_slice %arg8[%mul3A_100] : memref<28672xi32, #tpu.memory_space<hbm>> -> memref<1792xi32, #tpu.memory_space<hbm>>
        tpu.enqueue_dma source(%dma_start3A_119 : memref<1792xi32, #tpu.memory_space<hbm>>) target(%dma_start3A_118 : memref<1792xi32, #tpu.memory_space<vmem>>) target_semaphore(%run_scoped3A : memref<!tpu.dma_semaphore, #tpu.memory_space<semaphore_mem>>)
        %dma_wait3A = arith.constant 0 : i32
        %dma_wait3A_120 = tpu.memref_slice %arg22[%dma_wait3A] : memref<3328xi32, #tpu.memory_space<vmem>> -> memref<1792xi32, #tpu.memory_space<vmem>>
        %dma_wait3A_121 = tpu.memref_slice %arg8[%mul3A_100] : memref<28672xi32, #tpu.memory_space<hbm>> -> memref<1792xi32, #tpu.memory_space<hbm>>
        %dma_wait3A_122 = arith.constant 0 : i32
        %dma_wait3A_123 = tpu.memref_slice %arg22[%dma_wait3A_122] : memref<3328xi32, #tpu.memory_space<vmem>> -> memref<1792xi32, #tpu.memory_space<vmem>>
        %dma_wait3A_124 = tpu.memref_slice %arg8[%mul3A_100] : memref<28672xi32, #tpu.memory_space<hbm>> -> memref<1792xi32, #tpu.memory_space<hbm>>
        tpu.wait_dma2 semaphore(%run_scoped3A : memref<!tpu.dma_semaphore, #tpu.memory_space<semaphore_mem>>) src(%dma_wait3A_124 : memref<1792xi32, #tpu.memory_space<hbm>>) dst(%dma_wait3A_123 : memref<1792xi32, #tpu.memory_space<vmem>>)
        tpu.yield
      }) : () -> ()
      %mul3A_101 = arith.constant 1792 : i32
      %mul3A_102 = arith.muli %arg1, %mul3A_101 : i32
      "tpu.region"() ({
        %run_scoped3A = tpu.sem_alloc : memref<!tpu.dma_semaphore, #tpu.memory_space<semaphore_mem>>
        %dma_start3A = arith.constant 0 : i32
        %dma_start3A_115 = tpu.memref_slice %arg23[%dma_start3A] : memref<3328xi32, #tpu.memory_space<vmem>> -> memref<1792xi32, #tpu.memory_space<vmem>>
        %dma_start3A_116 = tpu.memref_slice %arg9[%mul3A_102] : memref<28672xi32, #tpu.memory_space<hbm>> -> memref<1792xi32, #tpu.memory_space<hbm>>
        %dma_start3A_117 = arith.constant 0 : i32
        %dma_start3A_118 = tpu.memref_slice %arg23[%dma_start3A_117] : memref<3328xi32, #tpu.memory_space<vmem>> -> memref<1792xi32, #tpu.memory_space<vmem>>
        %dma_start3A_119 = tpu.memref_slice %arg9[%mul3A_102] : memref<28672xi32, #tpu.memory_space<hbm>> -> memref<1792xi32, #tpu.memory_space<hbm>>
        tpu.enqueue_dma source(%dma_start3A_119 : memref<1792xi32, #tpu.memory_space<hbm>>) target(%dma_start3A_118 : memref<1792xi32, #tpu.memory_space<vmem>>) target_semaphore(%run_scoped3A : memref<!tpu.dma_semaphore, #tpu.memory_space<semaphore_mem>>)
        %dma_wait3A = arith.constant 0 : i32
        %dma_wait3A_120 = tpu.memref_slice %arg23[%dma_wait3A] : memref<3328xi32, #tpu.memory_space<vmem>> -> memref<1792xi32, #tpu.memory_space<vmem>>
        %dma_wait3A_121 = tpu.memref_slice %arg9[%mul3A_102] : memref<28672xi32, #tpu.memory_space<hbm>> -> memref<1792xi32, #tpu.memory_space<hbm>>
        %dma_wait3A_122 = arith.constant 0 : i32
        %dma_wait3A_123 = tpu.memref_slice %arg23[%dma_wait3A_122] : memref<3328xi32, #tpu.memory_space<vmem>> -> memref<1792xi32, #tpu.memory_space<vmem>>
        %dma_wait3A_124 = tpu.memref_slice %arg9[%mul3A_102] : memref<28672xi32, #tpu.memory_space<hbm>> -> memref<1792xi32, #tpu.memory_space<hbm>>
        tpu.wait_dma2 semaphore(%run_scoped3A : memref<!tpu.dma_semaphore, #tpu.memory_space<semaphore_mem>>) src(%dma_wait3A_124 : memref<1792xi32, #tpu.memory_space<hbm>>) dst(%dma_wait3A_123 : memref<1792xi32, #tpu.memory_space<vmem>>)
        tpu.yield
      }) : () -> ()
      %scan3A_103 = arith.constant 0 : i32
      %scan3A_104 = arith.constant 0 : i32
      %scan3A_105 = arith.constant 112 : i32
      %scan3A_106 = arith.addi %scan3A_104, %scan3A_105 : i32
      %scan3A_107 = arith.constant 8 : i32
      scf.for %scan3A_115 = %scan3A_104 to %scan3A_106 step %scan3A_107  : i32 {
        %mul3A_116 = arith.constant 16 : i32
        %mul3A_117 = arith.muli %scan3A_115, %mul3A_116 : i32
        %get3A = arith.index_cast %mul3A_117 : i32 to index
        %get3A_118 = tpu.vector_load %arg23[%get3A] {strides = array<i32>} : memref<3328xi32, #tpu.memory_space<vmem>>, vector<16xi32>,
        %mul3A_119 = arith.constant 512 : i32
        %mul3A_120 = vector.broadcast %mul3A_119 : i32 to vector<16xi32>
        %mul3A_121 = arith.muli %get3A_118, %mul3A_120 : vector<16xi32>
        %mul3A_122 = arith.constant 16 : i32
        %mul3A_123 = arith.muli %scan3A_115, %mul3A_122 : i32
        %get3A_124 = arith.index_cast %mul3A_123 : i32 to index
        %get3A_125 = tpu.vector_load %arg22[%get3A_124] {strides = array<i32>} : memref<3328xi32, #tpu.memory_space<vmem>>, vector<16xi32>,
        %add3A_126 = arith.addi %mul3A_121, %get3A_125 : vector<16xi32>
        %mul3A_127 = arith.constant 16 : i32
        %mul3A_128 = arith.muli %scan3A_115, %mul3A_127 : i32
        %swap3A = arith.index_cast %mul3A_128 : i32 to index
        %swap3A_129 = tpu.vector_load %arg24[%swap3A] {strides = array<i32>} : memref<3328xi32, #tpu.memory_space<vmem>>, vector<16xi32>,
        tpu.vector_store %arg24[%swap3A], %add3A_126 {strides = array<i32>} : memref<3328xi32, #tpu.memory_space<vmem>>, vector<16xi32>,
        %scan3A_130 = arith.constant 1 : i32
        %scan3A_131 = arith.addi %scan3A_115, %scan3A_130 : i32
        %mul3A_132 = arith.constant 16 : i32
        %mul3A_133 = arith.muli %scan3A_131, %mul3A_132 : i32
        %get3A_134 = arith.index_cast %mul3A_133 : i32 to index
        %get3A_135 = tpu.vector_load %arg23[%get3A_134] {strides = array<i32>} : memref<3328xi32, #tpu.memory_space<vmem>>, vector<16xi32>,
        %mul3A_136 = arith.constant 512 : i32
        %mul3A_137 = vector.broadcast %mul3A_136 : i32 to vector<16xi32>
        %mul3A_138 = arith.muli %get3A_135, %mul3A_137 : vector<16xi32>
        %mul3A_139 = arith.constant 16 : i32
        %mul3A_140 = arith.muli %scan3A_131, %mul3A_139 : i32
        %get3A_141 = arith.index_cast %mul3A_140 : i32 to index
        %get3A_142 = tpu.vector_load %arg22[%get3A_141] {strides = array<i32>} : memref<3328xi32, #tpu.memory_space<vmem>>, vector<16xi32>,
        %add3A_143 = arith.addi %mul3A_138, %get3A_142 : vector<16xi32>
        %mul3A_144 = arith.constant 16 : i32
        %mul3A_145 = arith.muli %scan3A_131, %mul3A_144 : i32
        %swap3A_146 = arith.index_cast %mul3A_145 : i32 to index
        %swap3A_147 = tpu.vector_load %arg24[%swap3A_146] {strides = array<i32>} : memref<3328xi32, #tpu.memory_space<vmem>>, vector<16xi32>,
        tpu.vector_store %arg24[%swap3A_146], %add3A_143 {strides = array<i32>} : memref<3328xi32, #tpu.memory_space<vmem>>, vector<16xi32>,
        %scan3A_148 = arith.constant 2 : i32
        %scan3A_149 = arith.addi %scan3A_115, %scan3A_148 : i32
        %mul3A_150 = arith.constant 16 : i32
        %mul3A_151 = arith.muli %scan3A_149, %mul3A_150 : i32
        %get3A_152 = arith.index_cast %mul3A_151 : i32 to index
        %get3A_153 = tpu.vector_load %arg23[%get3A_152] {strides = array<i32>} : memref<3328xi32, #tpu.memory_space<vmem>>, vector<16xi32>,
        %mul3A_154 = arith.constant 512 : i32
        %mul3A_155 = vector.broadcast %mul3A_154 : i32 to vector<16xi32>
        %mul3A_156 = arith.muli %get3A_153, %mul3A_155 : vector<16xi32>
        %mul3A_157 = arith.constant 16 : i32
        %mul3A_158 = arith.muli %scan3A_149, %mul3A_157 : i32
        %get3A_159 = arith.index_cast %mul3A_158 : i32 to index
        %get3A_160 = tpu.vector_load %arg22[%get3A_159] {strides = array<i32>} : memref<3328xi32, #tpu.memory_space<vmem>>, vector<16xi32>,
        %add3A_161 = arith.addi %mul3A_156, %get3A_160 : vector<16xi32>
        %mul3A_162 = arith.constant 16 : i32
        %mul3A_163 = arith.muli %scan3A_149, %mul3A_162 : i32
        %swap3A_164 = arith.index_cast %mul3A_163 : i32 to index
        %swap3A_165 = tpu.vector_load %arg24[%swap3A_164] {strides = array<i32>} : memref<3328xi32, #tpu.memory_space<vmem>>, vector<16xi32>,
        tpu.vector_store %arg24[%swap3A_164], %add3A_161 {strides = array<i32>} : memref<3328xi32, #tpu.memory_space<vmem>>, vector<16xi32>,
        %scan3A_166 = arith.constant 3 : i32
        %scan3A_167 = arith.addi %scan3A_115, %scan3A_166 : i32
        %mul3A_168 = arith.constant 16 : i32
        %mul3A_169 = arith.muli %scan3A_167, %mul3A_168 : i32
        %get3A_170 = arith.index_cast %mul3A_169 : i32 to index
        %get3A_171 = tpu.vector_load %arg23[%get3A_170] {strides = array<i32>} : memref<3328xi32, #tpu.memory_space<vmem>>, vector<16xi32>,
        %mul3A_172 = arith.constant 512 : i32
        %mul3A_173 = vector.broadcast %mul3A_172 : i32 to vector<16xi32>
        %mul3A_174 = arith.muli %get3A_171, %mul3A_173 : vector<16xi32>
        %mul3A_175 = arith.constant 16 : i32
        %mul3A_176 = arith.muli %scan3A_167, %mul3A_175 : i32
        %get3A_177 = arith.index_cast %mul3A_176 : i32 to index
        %get3A_178 = tpu.vector_load %arg22[%get3A_177] {strides = array<i32>} : memref<3328xi32, #tpu.memory_space<vmem>>, vector<16xi32>,
        %add3A_179 = arith.addi %mul3A_174, %get3A_178 : vector<16xi32>
        %mul3A_180 = arith.constant 16 : i32
        %mul3A_181 = arith.muli %scan3A_167, %mul3A_180 : i32
        %swap3A_182 = arith.index_cast %mul3A_181 : i32 to index
        %swap3A_183 = tpu.vector_load %arg24[%swap3A_182] {strides = array<i32>} : memref<3328xi32, #tpu.memory_space<vmem>>, vector<16xi32>,
        tpu.vector_store %arg24[%swap3A_182], %add3A_179 {strides = array<i32>} : memref<3328xi32, #tpu.memory_space<vmem>>, vector<16xi32>,
        %scan3A_184 = arith.constant 4 : i32
        %scan3A_185 = arith.addi %scan3A_115, %scan3A_184 : i32
        %mul3A_186 = arith.constant 16 : i32
        %mul3A_187 = arith.muli %scan3A_185, %mul3A_186 : i32
        %get3A_188 = arith.index_cast %mul3A_187 : i32 to index
        %get3A_189 = tpu.vector_load %arg23[%get3A_188] {strides = array<i32>} : memref<3328xi32, #tpu.memory_space<vmem>>, vector<16xi32>,
        %mul3A_190 = arith.constant 512 : i32
        %mul3A_191 = vector.broadcast %mul3A_190 : i32 to vector<16xi32>
        %mul3A_192 = arith.muli %get3A_189, %mul3A_191 : vector<16xi32>
        %mul3A_193 = arith.constant 16 : i32
        %mul3A_194 = arith.muli %scan3A_185, %mul3A_193 : i32
        %get3A_195 = arith.index_cast %mul3A_194 : i32 to index
        %get3A_196 = tpu.vector_load %arg22[%get3A_195] {strides = array<i32>} : memref<3328xi32, #tpu.memory_space<vmem>>, vector<16xi32>,
        %add3A_197 = arith.addi %mul3A_192, %get3A_196 : vector<16xi32>
        %mul3A_198 = arith.constant 16 : i32
        %mul3A_199 = arith.muli %scan3A_185, %mul3A_198 : i32
        %swap3A_200 = arith.index_cast %mul3A_199 : i32 to index
        %swap3A_201 = tpu.vector_load %arg24[%swap3A_200] {strides = array<i32>} : memref<3328xi32, #tpu.memory_space<vmem>>, vector<16xi32>,
        tpu.vector_store %arg24[%swap3A_200], %add3A_197 {strides = array<i32>} : memref<3328xi32, #tpu.memory_space<vmem>>, vector<16xi32>,
        %scan3A_202 = arith.constant 5 : i32
        %scan3A_203 = arith.addi %scan3A_115, %scan3A_202 : i32
        %mul3A_204 = arith.constant 16 : i32
        %mul3A_205 = arith.muli %scan3A_203, %mul3A_204 : i32
        %get3A_206 = arith.index_cast %mul3A_205 : i32 to index
        %get3A_207 = tpu.vector_load %arg23[%get3A_206] {strides = array<i32>} : memref<3328xi32, #tpu.memory_space<vmem>>, vector<16xi32>,
        %mul3A_208 = arith.constant 512 : i32
        %mul3A_209 = vector.broadcast %mul3A_208 : i32 to vector<16xi32>
        %mul3A_210 = arith.muli %get3A_207, %mul3A_209 : vector<16xi32>
        %mul3A_211 = arith.constant 16 : i32
        %mul3A_212 = arith.muli %scan3A_203, %mul3A_211 : i32
        %get3A_213 = arith.index_cast %mul3A_212 : i32 to index
        %get3A_214 = tpu.vector_load %arg22[%get3A_213] {strides = array<i32>} : memref<3328xi32, #tpu.memory_space<vmem>>, vector<16xi32>,
        %add3A_215 = arith.addi %mul3A_210, %get3A_214 : vector<16xi32>
        %mul3A_216 = arith.constant 16 : i32
        %mul3A_217 = arith.muli %scan3A_203, %mul3A_216 : i32
        %swap3A_218 = arith.index_cast %mul3A_217 : i32 to index
        %swap3A_219 = tpu.vector_load %arg24[%swap3A_218] {strides = array<i32>} : memref<3328xi32, #tpu.memory_space<vmem>>, vector<16xi32>,
        tpu.vector_store %arg24[%swap3A_218], %add3A_215 {strides = array<i32>} : memref<3328xi32, #tpu.memory_space<vmem>>, vector<16xi32>,
        %scan3A_220 = arith.constant 6 : i32
        %scan3A_221 = arith.addi %scan3A_115, %scan3A_220 : i32
        %mul3A_222 = arith.constant 16 : i32
        %mul3A_223 = arith.muli %scan3A_221, %mul3A_222 : i32
        %get3A_224 = arith.index_cast %mul3A_223 : i32 to index
        %get3A_225 = tpu.vector_load %arg23[%get3A_224] {strides = array<i32>} : memref<3328xi32, #tpu.memory_space<vmem>>, vector<16xi32>,
        %mul3A_226 = arith.constant 512 : i32
        %mul3A_227 = vector.broadcast %mul3A_226 : i32 to vector<16xi32>
        %mul3A_228 = arith.muli %get3A_225, %mul3A_227 : vector<16xi32>
        %mul3A_229 = arith.constant 16 : i32
        %mul3A_230 = arith.muli %scan3A_221, %mul3A_229 : i32
        %get3A_231 = arith.index_cast %mul3A_230 : i32 to index
        %get3A_232 = tpu.vector_load %arg22[%get3A_231] {strides = array<i32>} : memref<3328xi32, #tpu.memory_space<vmem>>, vector<16xi32>,
        %add3A_233 = arith.addi %mul3A_228, %get3A_232 : vector<16xi32>
        %mul3A_234 = arith.constant 16 : i32
        %mul3A_235 = arith.muli %scan3A_221, %mul3A_234 : i32
        %swap3A_236 = arith.index_cast %mul3A_235 : i32 to index
        %swap3A_237 = tpu.vector_load %arg24[%swap3A_236] {strides = array<i32>} : memref<3328xi32, #tpu.memory_space<vmem>>, vector<16xi32>,
        tpu.vector_store %arg24[%swap3A_236], %add3A_233 {strides = array<i32>} : memref<3328xi32, #tpu.memory_space<vmem>>, vector<16xi32>,
        %scan3A_238 = arith.constant 7 : i32
        %scan3A_239 = arith.addi %scan3A_115, %scan3A_238 : i32
        %mul3A_240 = arith.constant 16 : i32
        %mul3A_241 = arith.muli %scan3A_239, %mul3A_240 : i32
        %get3A_242 = arith.index_cast %mul3A_241 : i32 to index
        %get3A_243 = tpu.vector_load %arg23[%get3A_242] {strides = array<i32>} : memref<3328xi32, #tpu.memory_space<vmem>>, vector<16xi32>,
        %mul3A_244 = arith.constant 512 : i32
        %mul3A_245 = vector.broadcast %mul3A_244 : i32 to vector<16xi32>
        %mul3A_246 = arith.muli %get3A_243, %mul3A_245 : vector<16xi32>
        %mul3A_247 = arith.constant 16 : i32
        %mul3A_248 = arith.muli %scan3A_239, %mul3A_247 : i32
        %get3A_249 = arith.index_cast %mul3A_248 : i32 to index
        %get3A_250 = tpu.vector_load %arg22[%get3A_249] {strides = array<i32>} : memref<3328xi32, #tpu.memory_space<vmem>>, vector<16xi32>,
        %add3A_251 = arith.addi %mul3A_246, %get3A_250 : vector<16xi32>
        %mul3A_252 = arith.constant 16 : i32
        %mul3A_253 = arith.muli %scan3A_239, %mul3A_252 : i32
        %swap3A_254 = arith.index_cast %mul3A_253 : i32 to index
        %swap3A_255 = tpu.vector_load %arg24[%swap3A_254] {strides = array<i32>} : memref<3328xi32, #tpu.memory_space<vmem>>, vector<16xi32>,
        tpu.vector_store %arg24[%swap3A_254], %add3A_251 {strides = array<i32>} : memref<3328xi32, #tpu.memory_space<vmem>>, vector<16xi32>,
      }
      %scan3A_108 = arith.constant 112 : i32
      %barrier3A_109 = arith.constant 0 : index
      tpu.barrier barrier_id(%barrier3A_109)
      "tpu.region"() ({
        %run_scoped3A = tpu.sem_alloc : memref<!tpu.dma_semaphore, #tpu.memory_space<semaphore_mem>>
        %dma_start3A = arith.constant 0 : i32
        %dma_start3A_115 = tpu.memref_slice %arg25[%dma_start3A] : memref<3328xf32, #tpu.memory_space<vmem>> -> memref<1792xf32, #tpu.memory_space<vmem>>
        %dma_start3A_116 = arith.constant 0 : i32
        %dma_start3A_117 = tpu.memref_slice %arg24[%dma_start3A_116] : memref<3328xi32, #tpu.memory_space<vmem>> -> memref<1792xi32, #tpu.memory_space<vmem>>
        %dma_start3A_118 = arith.constant 0 : i32
        %dma_start3A_119 = tpu.memref_slice %arg21[%dma_start3A_118] : memref<802816xf32, #tpu.memory_space<vmem_shared>> -> memref<802816xf32, #tpu.memory_space<vmem_shared>>
        tpu.enqueue_indirect_dma source(%dma_start3A_115 : memref<1792xf32, #tpu.memory_space<vmem>>) target(%dma_start3A_119 : memref<802816xf32, #tpu.memory_space<vmem_shared>>) offsets(%dma_start3A_117 : memref<1792xi32, #tpu.memory_space<vmem>>) semaphore(%run_scoped3A : memref<!tpu.dma_semaphore, #tpu.memory_space<semaphore_mem>>) {add = true}
        %dma_wait3A = arith.constant 0 : i32
        %dma_wait3A_120 = tpu.memref_slice %arg25[%dma_wait3A] : memref<3328xf32, #tpu.memory_space<vmem>> -> memref<1792xf32, #tpu.memory_space<vmem>>
        %dma_wait3A_121 = arith.constant 0 : i32
        %dma_wait3A_122 = tpu.memref_slice %arg24[%dma_wait3A_121] : memref<3328xi32, #tpu.memory_space<vmem>> -> memref<1792xi32, #tpu.memory_space<vmem>>
        %dma_wait3A_123 = arith.constant 0 : i32
        %dma_wait3A_124 = tpu.memref_slice %arg21[%dma_wait3A_123] : memref<802816xf32, #tpu.memory_space<vmem_shared>> -> memref<802816xf32, #tpu.memory_space<vmem_shared>>
        tpu.wait_indirect_dma semaphore(%run_scoped3A : memref<!tpu.dma_semaphore, #tpu.memory_space<semaphore_mem>>) src(%dma_wait3A_120 : memref<1792xf32, #tpu.memory_space<vmem>>) dst(%dma_wait3A_124 : memref<802816xf32, #tpu.memory_space<vmem_shared>>)
        tpu.yield
      }) : () -> ()
      %barrier3A_110 = arith.constant 0 : index
      tpu.barrier barrier_id(%barrier3A_110)
      %mul3A_111 = arith.constant 16384 : i32
      %mul3A_112 = arith.muli %arg1, %mul3A_111 : i32
      %mul3A_113 = arith.constant 16384 : i32
      %mul3A_114 = arith.muli %arg1, %mul3A_113 : i32
      "tpu.region"() ({
        %run_scoped3A = tpu.sem_alloc : memref<!tpu.dma_semaphore, #tpu.memory_space<semaphore_mem>>
        %dma_start3A = tpu.memref_slice %arg18[%mul3A_114] : memref<262144xf32, #tpu.memory_space<hbm>> -> memref<16384xf32, #tpu.memory_space<hbm>>
        %dma_start3A_115 = tpu.memref_slice %arg21[%mul3A_112] : memref<802816xf32, #tpu.memory_space<vmem_shared>> -> memref<16384xf32, #tpu.memory_space<vmem_shared>>
        tpu.enqueue_dma source(%dma_start3A_115 : memref<16384xf32, #tpu.memory_space<vmem_shared>>) target(%dma_start3A : memref<16384xf32, #tpu.memory_space<hbm>>) target_semaphore(%run_scoped3A : memref<!tpu.dma_semaphore, #tpu.memory_space<semaphore_mem>>)
        %dma_wait3A = tpu.memref_slice %arg18[%mul3A_114] : memref<262144xf32, #tpu.memory_space<hbm>> -> memref<16384xf32, #tpu.memory_space<hbm>>
        %dma_wait3A_116 = tpu.memref_slice %arg21[%mul3A_112] : memref<802816xf32, #tpu.memory_space<vmem_shared>> -> memref<16384xf32, #tpu.memory_space<vmem_shared>>
        tpu.wait_dma2 semaphore(%run_scoped3A : memref<!tpu.dma_semaphore, #tpu.memory_space<semaphore_mem>>) src(%dma_wait3A_116 : memref<16384xf32, #tpu.memory_space<vmem_shared>>) dst(%dma_wait3A : memref<16384xf32, #tpu.memory_space<hbm>>)
        tpu.yield
      }) : () -> ()
    } else {
    }
    %eq3A_8 = arith.constant 1 : i32
    %eq3A_9 = arith.cmpi eq, %arg0, %eq3A_8 : i32
    %convert_element_type3A_10 = arith.extui %eq3A_9 : i1 to i32
    %cond3A_11 = arith.constant 0 : i32
    %cond3A_12 = arith.cmpi ne, %convert_element_type3A_10, %cond3A_11 : i32
    scf.if %cond3A_12 {
      %barrier3A = arith.constant 0 : index
      tpu.barrier barrier_id(%barrier3A)
      %mul3A = arith.constant 50176 : i32
      %mul3A_13 = arith.muli %arg1, %mul3A : i32
      %add3A = arith.constant 0 : i32
      %add3A_14 = arith.addi %mul3A_13, %add3A : i32
      "tpu.region"() ({
        %run_scoped3A = tpu.sem_alloc : memref<!tpu.dma_semaphore, #tpu.memory_space<semaphore_mem>>
        %dma_start3A = arith.constant 0 : i32
        %dma_start3A_115 = tpu.memref_slice %arg26[%dma_start3A] : memref<6272xf32, #tpu.memory_space<vmem>> -> memref<6272xf32, #tpu.memory_space<vmem>>
        %dma_start3A_116 = tpu.memref_slice %arg21[%add3A_14] : memref<802816xf32, #tpu.memory_space<vmem_shared>> -> memref<6272xf32, #tpu.memory_space<vmem_shared>>
        %dma_start3A_117 = tpu.memref_slice %arg21[%add3A_14] : memref<802816xf32, #tpu.memory_space<vmem_shared>> -> memref<6272xf32, #tpu.memory_space<vmem_shared>>
        %dma_start3A_118 = arith.constant 0 : i32
        %dma_start3A_119 = tpu.memref_slice %arg26[%dma_start3A_118] : memref<6272xf32, #tpu.memory_space<vmem>> -> memref<6272xf32, #tpu.memory_space<vmem>>
        tpu.enqueue_dma source(%dma_start3A_119 : memref<6272xf32, #tpu.memory_space<vmem>>) target(%dma_start3A_117 : memref<6272xf32, #tpu.memory_space<vmem_shared>>) target_semaphore(%run_scoped3A : memref<!tpu.dma_semaphore, #tpu.memory_space<semaphore_mem>>)
        %dma_wait3A = arith.constant 0 : i32
        %dma_wait3A_120 = tpu.memref_slice %arg26[%dma_wait3A] : memref<6272xf32, #tpu.memory_space<vmem>> -> memref<6272xf32, #tpu.memory_space<vmem>>
        %dma_wait3A_121 = tpu.memref_slice %arg21[%add3A_14] : memref<802816xf32, #tpu.memory_space<vmem_shared>> -> memref<6272xf32, #tpu.memory_space<vmem_shared>>
        %dma_wait3A_122 = tpu.memref_slice %arg21[%add3A_14] : memref<802816xf32, #tpu.memory_space<vmem_shared>> -> memref<6272xf32, #tpu.memory_space<vmem_shared>>
        %dma_wait3A_123 = arith.constant 0 : i32
        %dma_wait3A_124 = tpu.memref_slice %arg26[%dma_wait3A_123] : memref<6272xf32, #tpu.memory_space<vmem>> -> memref<6272xf32, #tpu.memory_space<vmem>>
        tpu.wait_dma2 semaphore(%run_scoped3A : memref<!tpu.dma_semaphore, #tpu.memory_space<semaphore_mem>>) src(%dma_wait3A_124 : memref<6272xf32, #tpu.memory_space<vmem>>) dst(%dma_wait3A_122 : memref<6272xf32, #tpu.memory_space<vmem_shared>>)
        tpu.yield
      }) : () -> ()
      %add3A_15 = arith.constant 6272 : i32
      %add3A_16 = arith.addi %mul3A_13, %add3A_15 : i32
      "tpu.region"() ({
        %run_scoped3A = tpu.sem_alloc : memref<!tpu.dma_semaphore, #tpu.memory_space<semaphore_mem>>
        %dma_start3A = arith.constant 0 : i32
        %dma_start3A_115 = tpu.memref_slice %arg26[%dma_start3A] : memref<6272xf32, #tpu.memory_space<vmem>> -> memref<6272xf32, #tpu.memory_space<vmem>>
        %dma_start3A_116 = tpu.memref_slice %arg21[%add3A_16] : memref<802816xf32, #tpu.memory_space<vmem_shared>> -> memref<6272xf32, #tpu.memory_space<vmem_shared>>
        %dma_start3A_117 = tpu.memref_slice %arg21[%add3A_16] : memref<802816xf32, #tpu.memory_space<vmem_shared>> -> memref<6272xf32, #tpu.memory_space<vmem_shared>>
        %dma_start3A_118 = arith.constant 0 : i32
        %dma_start3A_119 = tpu.memref_slice %arg26[%dma_start3A_118] : memref<6272xf32, #tpu.memory_space<vmem>> -> memref<6272xf32, #tpu.memory_space<vmem>>
        tpu.enqueue_dma source(%dma_start3A_119 : memref<6272xf32, #tpu.memory_space<vmem>>) target(%dma_start3A_117 : memref<6272xf32, #tpu.memory_space<vmem_shared>>) target_semaphore(%run_scoped3A : memref<!tpu.dma_semaphore, #tpu.memory_space<semaphore_mem>>)
        %dma_wait3A = arith.constant 0 : i32
        %dma_wait3A_120 = tpu.memref_slice %arg26[%dma_wait3A] : memref<6272xf32, #tpu.memory_space<vmem>> -> memref<6272xf32, #tpu.memory_space<vmem>>
        %dma_wait3A_121 = tpu.memref_slice %arg21[%add3A_16] : memref<802816xf32, #tpu.memory_space<vmem_shared>> -> memref<6272xf32, #tpu.memory_space<vmem_shared>>
        %dma_wait3A_122 = tpu.memref_slice %arg21[%add3A_16] : memref<802816xf32, #tpu.memory_space<vmem_shared>> -> memref<6272xf32, #tpu.memory_space<vmem_shared>>
        %dma_wait3A_123 = arith.constant 0 : i32
        %dma_wait3A_124 = tpu.memref_slice %arg26[%dma_wait3A_123] : memref<6272xf32, #tpu.memory_space<vmem>> -> memref<6272xf32, #tpu.memory_space<vmem>>
        tpu.wait_dma2 semaphore(%run_scoped3A : memref<!tpu.dma_semaphore, #tpu.memory_space<semaphore_mem>>) src(%dma_wait3A_124 : memref<6272xf32, #tpu.memory_space<vmem>>) dst(%dma_wait3A_122 : memref<6272xf32, #tpu.memory_space<vmem_shared>>)
        tpu.yield
      }) : () -> ()
      %add3A_17 = arith.constant 12544 : i32
      %add3A_18 = arith.addi %mul3A_13, %add3A_17 : i32
      "tpu.region"() ({
        %run_scoped3A = tpu.sem_alloc : memref<!tpu.dma_semaphore, #tpu.memory_space<semaphore_mem>>
        %dma_start3A = arith.constant 0 : i32
        %dma_start3A_115 = tpu.memref_slice %arg26[%dma_start3A] : memref<6272xf32, #tpu.memory_space<vmem>> -> memref<6272xf32, #tpu.memory_space<vmem>>
        %dma_start3A_116 = tpu.memref_slice %arg21[%add3A_18] : memref<802816xf32, #tpu.memory_space<vmem_shared>> -> memref<6272xf32, #tpu.memory_space<vmem_shared>>
        %dma_start3A_117 = tpu.memref_slice %arg21[%add3A_18] : memref<802816xf32, #tpu.memory_space<vmem_shared>> -> memref<6272xf32, #tpu.memory_space<vmem_shared>>
        %dma_start3A_118 = arith.constant 0 : i32
        %dma_start3A_119 = tpu.memref_slice %arg26[%dma_start3A_118] : memref<6272xf32, #tpu.memory_space<vmem>> -> memref<6272xf32, #tpu.memory_space<vmem>>
        tpu.enqueue_dma source(%dma_start3A_119 : memref<6272xf32, #tpu.memory_space<vmem>>) target(%dma_start3A_117 : memref<6272xf32, #tpu.memory_space<vmem_shared>>) target_semaphore(%run_scoped3A : memref<!tpu.dma_semaphore, #tpu.memory_space<semaphore_mem>>)
        %dma_wait3A = arith.constant 0 : i32
        %dma_wait3A_120 = tpu.memref_slice %arg26[%dma_wait3A] : memref<6272xf32, #tpu.memory_space<vmem>> -> memref<6272xf32, #tpu.memory_space<vmem>>
        %dma_wait3A_121 = tpu.memref_slice %arg21[%add3A_18] : memref<802816xf32, #tpu.memory_space<vmem_shared>> -> memref<6272xf32, #tpu.memory_space<vmem_shared>>
        %dma_wait3A_122 = tpu.memref_slice %arg21[%add3A_18] : memref<802816xf32, #tpu.memory_space<vmem_shared>> -> memref<6272xf32, #tpu.memory_space<vmem_shared>>
        %dma_wait3A_123 = arith.constant 0 : i32
        %dma_wait3A_124 = tpu.memref_slice %arg26[%dma_wait3A_123] : memref<6272xf32, #tpu.memory_space<vmem>> -> memref<6272xf32, #tpu.memory_space<vmem>>
        tpu.wait_dma2 semaphore(%run_scoped3A : memref<!tpu.dma_semaphore, #tpu.memory_space<semaphore_mem>>) src(%dma_wait3A_124 : memref<6272xf32, #tpu.memory_space<vmem>>) dst(%dma_wait3A_122 : memref<6272xf32, #tpu.memory_space<vmem_shared>>)
        tpu.yield
      }) : () -> ()
      %add3A_19 = arith.constant 18816 : i32
      %add3A_20 = arith.addi %mul3A_13, %add3A_19 : i32
      "tpu.region"() ({
        %run_scoped3A = tpu.sem_alloc : memref<!tpu.dma_semaphore, #tpu.memory_space<semaphore_mem>>
        %dma_start3A = arith.constant 0 : i32
        %dma_start3A_115 = tpu.memref_slice %arg26[%dma_start3A] : memref<6272xf32, #tpu.memory_space<vmem>> -> memref<6272xf32, #tpu.memory_space<vmem>>
        %dma_start3A_116 = tpu.memref_slice %arg21[%add3A_20] : memref<802816xf32, #tpu.memory_space<vmem_shared>> -> memref<6272xf32, #tpu.memory_space<vmem_shared>>
        %dma_start3A_117 = tpu.memref_slice %arg21[%add3A_20] : memref<802816xf32, #tpu.memory_space<vmem_shared>> -> memref<6272xf32, #tpu.memory_space<vmem_shared>>
        %dma_start3A_118 = arith.constant 0 : i32
        %dma_start3A_119 = tpu.memref_slice %arg26[%dma_start3A_118] : memref<6272xf32, #tpu.memory_space<vmem>> -> memref<6272xf32, #tpu.memory_space<vmem>>
        tpu.enqueue_dma source(%dma_start3A_119 : memref<6272xf32, #tpu.memory_space<vmem>>) target(%dma_start3A_117 : memref<6272xf32, #tpu.memory_space<vmem_shared>>) target_semaphore(%run_scoped3A : memref<!tpu.dma_semaphore, #tpu.memory_space<semaphore_mem>>)
        %dma_wait3A = arith.constant 0 : i32
        %dma_wait3A_120 = tpu.memref_slice %arg26[%dma_wait3A] : memref<6272xf32, #tpu.memory_space<vmem>> -> memref<6272xf32, #tpu.memory_space<vmem>>
        %dma_wait3A_121 = tpu.memref_slice %arg21[%add3A_20] : memref<802816xf32, #tpu.memory_space<vmem_shared>> -> memref<6272xf32, #tpu.memory_space<vmem_shared>>
        %dma_wait3A_122 = tpu.memref_slice %arg21[%add3A_20] : memref<802816xf32, #tpu.memory_space<vmem_shared>> -> memref<6272xf32, #tpu.memory_space<vmem_shared>>
        %dma_wait3A_123 = arith.constant 0 : i32
        %dma_wait3A_124 = tpu.memref_slice %arg26[%dma_wait3A_123] : memref<6272xf32, #tpu.memory_space<vmem>> -> memref<6272xf32, #tpu.memory_space<vmem>>
        tpu.wait_dma2 semaphore(%run_scoped3A : memref<!tpu.dma_semaphore, #tpu.memory_space<semaphore_mem>>) src(%dma_wait3A_124 : memref<6272xf32, #tpu.memory_space<vmem>>) dst(%dma_wait3A_122 : memref<6272xf32, #tpu.memory_space<vmem_shared>>)
        tpu.yield
      }) : () -> ()
      %add3A_21 = arith.constant 25088 : i32
      %add3A_22 = arith.addi %mul3A_13, %add3A_21 : i32
      "tpu.region"() ({
        %run_scoped3A = tpu.sem_alloc : memref<!tpu.dma_semaphore, #tpu.memory_space<semaphore_mem>>
        %dma_start3A = arith.constant 0 : i32
        %dma_start3A_115 = tpu.memref_slice %arg26[%dma_start3A] : memref<6272xf32, #tpu.memory_space<vmem>> -> memref<6272xf32, #tpu.memory_space<vmem>>
        %dma_start3A_116 = tpu.memref_slice %arg21[%add3A_22] : memref<802816xf32, #tpu.memory_space<vmem_shared>> -> memref<6272xf32, #tpu.memory_space<vmem_shared>>
        %dma_start3A_117 = tpu.memref_slice %arg21[%add3A_22] : memref<802816xf32, #tpu.memory_space<vmem_shared>> -> memref<6272xf32, #tpu.memory_space<vmem_shared>>
        %dma_start3A_118 = arith.constant 0 : i32
        %dma_start3A_119 = tpu.memref_slice %arg26[%dma_start3A_118] : memref<6272xf32, #tpu.memory_space<vmem>> -> memref<6272xf32, #tpu.memory_space<vmem>>
        tpu.enqueue_dma source(%dma_start3A_119 : memref<6272xf32, #tpu.memory_space<vmem>>) target(%dma_start3A_117 : memref<6272xf32, #tpu.memory_space<vmem_shared>>) target_semaphore(%run_scoped3A : memref<!tpu.dma_semaphore, #tpu.memory_space<semaphore_mem>>)
        %dma_wait3A = arith.constant 0 : i32
        %dma_wait3A_120 = tpu.memref_slice %arg26[%dma_wait3A] : memref<6272xf32, #tpu.memory_space<vmem>> -> memref<6272xf32, #tpu.memory_space<vmem>>
        %dma_wait3A_121 = tpu.memref_slice %arg21[%add3A_22] : memref<802816xf32, #tpu.memory_space<vmem_shared>> -> memref<6272xf32, #tpu.memory_space<vmem_shared>>
        %dma_wait3A_122 = tpu.memref_slice %arg21[%add3A_22] : memref<802816xf32, #tpu.memory_space<vmem_shared>> -> memref<6272xf32, #tpu.memory_space<vmem_shared>>
        %dma_wait3A_123 = arith.constant 0 : i32
        %dma_wait3A_124 = tpu.memref_slice %arg26[%dma_wait3A_123] : memref<6272xf32, #tpu.memory_space<vmem>> -> memref<6272xf32, #tpu.memory_space<vmem>>
        tpu.wait_dma2 semaphore(%run_scoped3A : memref<!tpu.dma_semaphore, #tpu.memory_space<semaphore_mem>>) src(%dma_wait3A_124 : memref<6272xf32, #tpu.memory_space<vmem>>) dst(%dma_wait3A_122 : memref<6272xf32, #tpu.memory_space<vmem_shared>>)
        tpu.yield
      }) : () -> ()
      %add3A_23 = arith.constant 31360 : i32
      %add3A_24 = arith.addi %mul3A_13, %add3A_23 : i32
      "tpu.region"() ({
        %run_scoped3A = tpu.sem_alloc : memref<!tpu.dma_semaphore, #tpu.memory_space<semaphore_mem>>
        %dma_start3A = arith.constant 0 : i32
        %dma_start3A_115 = tpu.memref_slice %arg26[%dma_start3A] : memref<6272xf32, #tpu.memory_space<vmem>> -> memref<6272xf32, #tpu.memory_space<vmem>>
        %dma_start3A_116 = tpu.memref_slice %arg21[%add3A_24] : memref<802816xf32, #tpu.memory_space<vmem_shared>> -> memref<6272xf32, #tpu.memory_space<vmem_shared>>
        %dma_start3A_117 = tpu.memref_slice %arg21[%add3A_24] : memref<802816xf32, #tpu.memory_space<vmem_shared>> -> memref<6272xf32, #tpu.memory_space<vmem_shared>>
        %dma_start3A_118 = arith.constant 0 : i32
        %dma_start3A_119 = tpu.memref_slice %arg26[%dma_start3A_118] : memref<6272xf32, #tpu.memory_space<vmem>> -> memref<6272xf32, #tpu.memory_space<vmem>>
        tpu.enqueue_dma source(%dma_start3A_119 : memref<6272xf32, #tpu.memory_space<vmem>>) target(%dma_start3A_117 : memref<6272xf32, #tpu.memory_space<vmem_shared>>) target_semaphore(%run_scoped3A : memref<!tpu.dma_semaphore, #tpu.memory_space<semaphore_mem>>)
        %dma_wait3A = arith.constant 0 : i32
        %dma_wait3A_120 = tpu.memref_slice %arg26[%dma_wait3A] : memref<6272xf32, #tpu.memory_space<vmem>> -> memref<6272xf32, #tpu.memory_space<vmem>>
        %dma_wait3A_121 = tpu.memref_slice %arg21[%add3A_24] : memref<802816xf32, #tpu.memory_space<vmem_shared>> -> memref<6272xf32, #tpu.memory_space<vmem_shared>>
        %dma_wait3A_122 = tpu.memref_slice %arg21[%add3A_24] : memref<802816xf32, #tpu.memory_space<vmem_shared>> -> memref<6272xf32, #tpu.memory_space<vmem_shared>>
        %dma_wait3A_123 = arith.constant 0 : i32
        %dma_wait3A_124 = tpu.memref_slice %arg26[%dma_wait3A_123] : memref<6272xf32, #tpu.memory_space<vmem>> -> memref<6272xf32, #tpu.memory_space<vmem>>
        tpu.wait_dma2 semaphore(%run_scoped3A : memref<!tpu.dma_semaphore, #tpu.memory_space<semaphore_mem>>) src(%dma_wait3A_124 : memref<6272xf32, #tpu.memory_space<vmem>>) dst(%dma_wait3A_122 : memref<6272xf32, #tpu.memory_space<vmem_shared>>)
        tpu.yield
      }) : () -> ()
      %add3A_25 = arith.constant 37632 : i32
      %add3A_26 = arith.addi %mul3A_13, %add3A_25 : i32
      "tpu.region"() ({
        %run_scoped3A = tpu.sem_alloc : memref<!tpu.dma_semaphore, #tpu.memory_space<semaphore_mem>>
        %dma_start3A = arith.constant 0 : i32
        %dma_start3A_115 = tpu.memref_slice %arg26[%dma_start3A] : memref<6272xf32, #tpu.memory_space<vmem>> -> memref<6272xf32, #tpu.memory_space<vmem>>
        %dma_start3A_116 = tpu.memref_slice %arg21[%add3A_26] : memref<802816xf32, #tpu.memory_space<vmem_shared>> -> memref<6272xf32, #tpu.memory_space<vmem_shared>>
        %dma_start3A_117 = tpu.memref_slice %arg21[%add3A_26] : memref<802816xf32, #tpu.memory_space<vmem_shared>> -> memref<6272xf32, #tpu.memory_space<vmem_shared>>
        %dma_start3A_118 = arith.constant 0 : i32
        %dma_start3A_119 = tpu.memref_slice %arg26[%dma_start3A_118] : memref<6272xf32, #tpu.memory_space<vmem>> -> memref<6272xf32, #tpu.memory_space<vmem>>
        tpu.enqueue_dma source(%dma_start3A_119 : memref<6272xf32, #tpu.memory_space<vmem>>) target(%dma_start3A_117 : memref<6272xf32, #tpu.memory_space<vmem_shared>>) target_semaphore(%run_scoped3A : memref<!tpu.dma_semaphore, #tpu.memory_space<semaphore_mem>>)
        %dma_wait3A = arith.constant 0 : i32
        %dma_wait3A_120 = tpu.memref_slice %arg26[%dma_wait3A] : memref<6272xf32, #tpu.memory_space<vmem>> -> memref<6272xf32, #tpu.memory_space<vmem>>
        %dma_wait3A_121 = tpu.memref_slice %arg21[%add3A_26] : memref<802816xf32, #tpu.memory_space<vmem_shared>> -> memref<6272xf32, #tpu.memory_space<vmem_shared>>
        %dma_wait3A_122 = tpu.memref_slice %arg21[%add3A_26] : memref<802816xf32, #tpu.memory_space<vmem_shared>> -> memref<6272xf32, #tpu.memory_space<vmem_shared>>
        %dma_wait3A_123 = arith.constant 0 : i32
        %dma_wait3A_124 = tpu.memref_slice %arg26[%dma_wait3A_123] : memref<6272xf32, #tpu.memory_space<vmem>> -> memref<6272xf32, #tpu.memory_space<vmem>>
        tpu.wait_dma2 semaphore(%run_scoped3A : memref<!tpu.dma_semaphore, #tpu.memory_space<semaphore_mem>>) src(%dma_wait3A_124 : memref<6272xf32, #tpu.memory_space<vmem>>) dst(%dma_wait3A_122 : memref<6272xf32, #tpu.memory_space<vmem_shared>>)
        tpu.yield
      }) : () -> ()
      %add3A_27 = arith.constant 43904 : i32
      %add3A_28 = arith.addi %mul3A_13, %add3A_27 : i32
      "tpu.region"() ({
        %run_scoped3A = tpu.sem_alloc : memref<!tpu.dma_semaphore, #tpu.memory_space<semaphore_mem>>
        %dma_start3A = arith.constant 0 : i32
        %dma_start3A_115 = tpu.memref_slice %arg26[%dma_start3A] : memref<6272xf32, #tpu.memory_space<vmem>> -> memref<6272xf32, #tpu.memory_space<vmem>>
        %dma_start3A_116 = tpu.memref_slice %arg21[%add3A_28] : memref<802816xf32, #tpu.memory_space<vmem_shared>> -> memref<6272xf32, #tpu.memory_space<vmem_shared>>
        %dma_start3A_117 = tpu.memref_slice %arg21[%add3A_28] : memref<802816xf32, #tpu.memory_space<vmem_shared>> -> memref<6272xf32, #tpu.memory_space<vmem_shared>>
        %dma_start3A_118 = arith.constant 0 : i32
        %dma_start3A_119 = tpu.memref_slice %arg26[%dma_start3A_118] : memref<6272xf32, #tpu.memory_space<vmem>> -> memref<6272xf32, #tpu.memory_space<vmem>>
        tpu.enqueue_dma source(%dma_start3A_119 : memref<6272xf32, #tpu.memory_space<vmem>>) target(%dma_start3A_117 : memref<6272xf32, #tpu.memory_space<vmem_shared>>) target_semaphore(%run_scoped3A : memref<!tpu.dma_semaphore, #tpu.memory_space<semaphore_mem>>)
        %dma_wait3A = arith.constant 0 : i32
        %dma_wait3A_120 = tpu.memref_slice %arg26[%dma_wait3A] : memref<6272xf32, #tpu.memory_space<vmem>> -> memref<6272xf32, #tpu.memory_space<vmem>>
        %dma_wait3A_121 = tpu.memref_slice %arg21[%add3A_28] : memref<802816xf32, #tpu.memory_space<vmem_shared>> -> memref<6272xf32, #tpu.memory_space<vmem_shared>>
        %dma_wait3A_122 = tpu.memref_slice %arg21[%add3A_28] : memref<802816xf32, #tpu.memory_space<vmem_shared>> -> memref<6272xf32, #tpu.memory_space<vmem_shared>>
        %dma_wait3A_123 = arith.constant 0 : i32
        %dma_wait3A_124 = tpu.memref_slice %arg26[%dma_wait3A_123] : memref<6272xf32, #tpu.memory_space<vmem>> -> memref<6272xf32, #tpu.memory_space<vmem>>
        tpu.wait_dma2 semaphore(%run_scoped3A : memref<!tpu.dma_semaphore, #tpu.memory_space<semaphore_mem>>) src(%dma_wait3A_124 : memref<6272xf32, #tpu.memory_space<vmem>>) dst(%dma_wait3A_122 : memref<6272xf32, #tpu.memory_space<vmem_shared>>)
        tpu.yield
      }) : () -> ()
      %mul3A_29 = arith.constant 3328 : i32
      %mul3A_30 = arith.muli %arg1, %mul3A_29 : i32
      "tpu.region"() ({
        %run_scoped3A = tpu.sem_alloc : memref<!tpu.dma_semaphore, #tpu.memory_space<semaphore_mem>>
        %dma_start3A = arith.constant 0 : i32
        %dma_start3A_115 = tpu.memref_slice %arg22[%dma_start3A] : memref<3328xi32, #tpu.memory_space<vmem>> -> memref<3328xi32, #tpu.memory_space<vmem>>
        %dma_start3A_116 = tpu.memref_slice %arg6[%mul3A_30] : memref<53248xi32, #tpu.memory_space<hbm>> -> memref<3328xi32, #tpu.memory_space<hbm>>
        %dma_start3A_117 = arith.constant 0 : i32
        %dma_start3A_118 = tpu.memref_slice %arg22[%dma_start3A_117] : memref<3328xi32, #tpu.memory_space<vmem>> -> memref<3328xi32, #tpu.memory_space<vmem>>
        %dma_start3A_119 = tpu.memref_slice %arg6[%mul3A_30] : memref<53248xi32, #tpu.memory_space<hbm>> -> memref<3328xi32, #tpu.memory_space<hbm>>
        tpu.enqueue_dma source(%dma_start3A_119 : memref<3328xi32, #tpu.memory_space<hbm>>) target(%dma_start3A_118 : memref<3328xi32, #tpu.memory_space<vmem>>) target_semaphore(%run_scoped3A : memref<!tpu.dma_semaphore, #tpu.memory_space<semaphore_mem>>)
        %dma_wait3A = arith.constant 0 : i32
        %dma_wait3A_120 = tpu.memref_slice %arg22[%dma_wait3A] : memref<3328xi32, #tpu.memory_space<vmem>> -> memref<3328xi32, #tpu.memory_space<vmem>>
        %dma_wait3A_121 = tpu.memref_slice %arg6[%mul3A_30] : memref<53248xi32, #tpu.memory_space<hbm>> -> memref<3328xi32, #tpu.memory_space<hbm>>
        %dma_wait3A_122 = arith.constant 0 : i32
        %dma_wait3A_123 = tpu.memref_slice %arg22[%dma_wait3A_122] : memref<3328xi32, #tpu.memory_space<vmem>> -> memref<3328xi32, #tpu.memory_space<vmem>>
        %dma_wait3A_124 = tpu.memref_slice %arg6[%mul3A_30] : memref<53248xi32, #tpu.memory_space<hbm>> -> memref<3328xi32, #tpu.memory_space<hbm>>
        tpu.wait_dma2 semaphore(%run_scoped3A : memref<!tpu.dma_semaphore, #tpu.memory_space<semaphore_mem>>) src(%dma_wait3A_124 : memref<3328xi32, #tpu.memory_space<hbm>>) dst(%dma_wait3A_123 : memref<3328xi32, #tpu.memory_space<vmem>>)
        tpu.yield
      }) : () -> ()
      %mul3A_31 = arith.constant 3328 : i32
      %mul3A_32 = arith.muli %arg1, %mul3A_31 : i32
      "tpu.region"() ({
        %run_scoped3A = tpu.sem_alloc : memref<!tpu.dma_semaphore, #tpu.memory_space<semaphore_mem>>
        %dma_start3A = arith.constant 0 : i32
        %dma_start3A_115 = tpu.memref_slice %arg23[%dma_start3A] : memref<3328xi32, #tpu.memory_space<vmem>> -> memref<3328xi32, #tpu.memory_space<vmem>>
        %dma_start3A_116 = tpu.memref_slice %arg7[%mul3A_32] : memref<53248xi32, #tpu.memory_space<hbm>> -> memref<3328xi32, #tpu.memory_space<hbm>>
        %dma_start3A_117 = arith.constant 0 : i32
        %dma_start3A_118 = tpu.memref_slice %arg23[%dma_start3A_117] : memref<3328xi32, #tpu.memory_space<vmem>> -> memref<3328xi32, #tpu.memory_space<vmem>>
        %dma_start3A_119 = tpu.memref_slice %arg7[%mul3A_32] : memref<53248xi32, #tpu.memory_space<hbm>> -> memref<3328xi32, #tpu.memory_space<hbm>>
        tpu.enqueue_dma source(%dma_start3A_119 : memref<3328xi32, #tpu.memory_space<hbm>>) target(%dma_start3A_118 : memref<3328xi32, #tpu.memory_space<vmem>>) target_semaphore(%run_scoped3A : memref<!tpu.dma_semaphore, #tpu.memory_space<semaphore_mem>>)
        %dma_wait3A = arith.constant 0 : i32
        %dma_wait3A_120 = tpu.memref_slice %arg23[%dma_wait3A] : memref<3328xi32, #tpu.memory_space<vmem>> -> memref<3328xi32, #tpu.memory_space<vmem>>
        %dma_wait3A_121 = tpu.memref_slice %arg7[%mul3A_32] : memref<53248xi32, #tpu.memory_space<hbm>> -> memref<3328xi32, #tpu.memory_space<hbm>>
        %dma_wait3A_122 = arith.constant 0 : i32
        %dma_wait3A_123 = tpu.memref_slice %arg23[%dma_wait3A_122] : memref<3328xi32, #tpu.memory_space<vmem>> -> memref<3328xi32, #tpu.memory_space<vmem>>
        %dma_wait3A_124 = tpu.memref_slice %arg7[%mul3A_32] : memref<53248xi32, #tpu.memory_space<hbm>> -> memref<3328xi32, #tpu.memory_space<hbm>>
        tpu.wait_dma2 semaphore(%run_scoped3A : memref<!tpu.dma_semaphore, #tpu.memory_space<semaphore_mem>>) src(%dma_wait3A_124 : memref<3328xi32, #tpu.memory_space<hbm>>) dst(%dma_wait3A_123 : memref<3328xi32, #tpu.memory_space<vmem>>)
        tpu.yield
      }) : () -> ()
      %scan3A_33 = arith.constant 0 : i32
      %scan3A_34 = arith.constant 0 : i32
      %scan3A_35 = arith.constant 208 : i32
      %scan3A_36 = arith.addi %scan3A_34, %scan3A_35 : i32
      %scan3A_37 = arith.constant 8 : i32
      scf.for %scan3A_115 = %scan3A_34 to %scan3A_36 step %scan3A_37  : i32 {
        %mul3A_116 = arith.constant 16 : i32
        %mul3A_117 = arith.muli %scan3A_115, %mul3A_116 : i32
        %get3A = arith.index_cast %mul3A_117 : i32 to index
        %get3A_118 = tpu.vector_load %arg23[%get3A] {strides = array<i32>} : memref<3328xi32, #tpu.memory_space<vmem>>, vector<16xi32>,
        %mul3A_119 = arith.constant 896 : i32
        %mul3A_120 = vector.broadcast %mul3A_119 : i32 to vector<16xi32>
        %mul3A_121 = arith.muli %get3A_118, %mul3A_120 : vector<16xi32>
        %mul3A_122 = arith.constant 16 : i32
        %mul3A_123 = arith.muli %scan3A_115, %mul3A_122 : i32
        %get3A_124 = arith.index_cast %mul3A_123 : i32 to index
        %get3A_125 = tpu.vector_load %arg22[%get3A_124] {strides = array<i32>} : memref<3328xi32, #tpu.memory_space<vmem>>, vector<16xi32>,
        %add3A_126 = arith.addi %mul3A_121, %get3A_125 : vector<16xi32>
        %mul3A_127 = arith.constant 16 : i32
        %mul3A_128 = arith.muli %scan3A_115, %mul3A_127 : i32
        %swap3A = arith.index_cast %mul3A_128 : i32 to index
        %swap3A_129 = tpu.vector_load %arg24[%swap3A] {strides = array<i32>} : memref<3328xi32, #tpu.memory_space<vmem>>, vector<16xi32>,
        tpu.vector_store %arg24[%swap3A], %add3A_126 {strides = array<i32>} : memref<3328xi32, #tpu.memory_space<vmem>>, vector<16xi32>,
        %scan3A_130 = arith.constant 1 : i32
        %scan3A_131 = arith.addi %scan3A_115, %scan3A_130 : i32
        %mul3A_132 = arith.constant 16 : i32
        %mul3A_133 = arith.muli %scan3A_131, %mul3A_132 : i32
        %get3A_134 = arith.index_cast %mul3A_133 : i32 to index
        %get3A_135 = tpu.vector_load %arg23[%get3A_134] {strides = array<i32>} : memref<3328xi32, #tpu.memory_space<vmem>>, vector<16xi32>,
        %mul3A_136 = arith.constant 896 : i32
        %mul3A_137 = vector.broadcast %mul3A_136 : i32 to vector<16xi32>
        %mul3A_138 = arith.muli %get3A_135, %mul3A_137 : vector<16xi32>
        %mul3A_139 = arith.constant 16 : i32
        %mul3A_140 = arith.muli %scan3A_131, %mul3A_139 : i32
        %get3A_141 = arith.index_cast %mul3A_140 : i32 to index
        %get3A_142 = tpu.vector_load %arg22[%get3A_141] {strides = array<i32>} : memref<3328xi32, #tpu.memory_space<vmem>>, vector<16xi32>,
        %add3A_143 = arith.addi %mul3A_138, %get3A_142 : vector<16xi32>
        %mul3A_144 = arith.constant 16 : i32
        %mul3A_145 = arith.muli %scan3A_131, %mul3A_144 : i32
        %swap3A_146 = arith.index_cast %mul3A_145 : i32 to index
        %swap3A_147 = tpu.vector_load %arg24[%swap3A_146] {strides = array<i32>} : memref<3328xi32, #tpu.memory_space<vmem>>, vector<16xi32>,
        tpu.vector_store %arg24[%swap3A_146], %add3A_143 {strides = array<i32>} : memref<3328xi32, #tpu.memory_space<vmem>>, vector<16xi32>,
        %scan3A_148 = arith.constant 2 : i32
        %scan3A_149 = arith.addi %scan3A_115, %scan3A_148 : i32
        %mul3A_150 = arith.constant 16 : i32
        %mul3A_151 = arith.muli %scan3A_149, %mul3A_150 : i32
        %get3A_152 = arith.index_cast %mul3A_151 : i32 to index
        %get3A_153 = tpu.vector_load %arg23[%get3A_152] {strides = array<i32>} : memref<3328xi32, #tpu.memory_space<vmem>>, vector<16xi32>,
        %mul3A_154 = arith.constant 896 : i32
        %mul3A_155 = vector.broadcast %mul3A_154 : i32 to vector<16xi32>
        %mul3A_156 = arith.muli %get3A_153, %mul3A_155 : vector<16xi32>
        %mul3A_157 = arith.constant 16 : i32
        %mul3A_158 = arith.muli %scan3A_149, %mul3A_157 : i32
        %get3A_159 = arith.index_cast %mul3A_158 : i32 to index
        %get3A_160 = tpu.vector_load %arg22[%get3A_159] {strides = array<i32>} : memref<3328xi32, #tpu.memory_space<vmem>>, vector<16xi32>,
        %add3A_161 = arith.addi %mul3A_156, %get3A_160 : vector<16xi32>
        %mul3A_162 = arith.constant 16 : i32
        %mul3A_163 = arith.muli %scan3A_149, %mul3A_162 : i32
        %swap3A_164 = arith.index_cast %mul3A_163 : i32 to index
        %swap3A_165 = tpu.vector_load %arg24[%swap3A_164] {strides = array<i32>} : memref<3328xi32, #tpu.memory_space<vmem>>, vector<16xi32>,
        tpu.vector_store %arg24[%swap3A_164], %add3A_161 {strides = array<i32>} : memref<3328xi32, #tpu.memory_space<vmem>>, vector<16xi32>,
        %scan3A_166 = arith.constant 3 : i32
        %scan3A_167 = arith.addi %scan3A_115, %scan3A_166 : i32
        %mul3A_168 = arith.constant 16 : i32
        %mul3A_169 = arith.muli %scan3A_167, %mul3A_168 : i32
        %get3A_170 = arith.index_cast %mul3A_169 : i32 to index
        %get3A_171 = tpu.vector_load %arg23[%get3A_170] {strides = array<i32>} : memref<3328xi32, #tpu.memory_space<vmem>>, vector<16xi32>,
        %mul3A_172 = arith.constant 896 : i32
        %mul3A_173 = vector.broadcast %mul3A_172 : i32 to vector<16xi32>
        %mul3A_174 = arith.muli %get3A_171, %mul3A_173 : vector<16xi32>
        %mul3A_175 = arith.constant 16 : i32
        %mul3A_176 = arith.muli %scan3A_167, %mul3A_175 : i32
        %get3A_177 = arith.index_cast %mul3A_176 : i32 to index
        %get3A_178 = tpu.vector_load %arg22[%get3A_177] {strides = array<i32>} : memref<3328xi32, #tpu.memory_space<vmem>>, vector<16xi32>,
        %add3A_179 = arith.addi %mul3A_174, %get3A_178 : vector<16xi32>
        %mul3A_180 = arith.constant 16 : i32
        %mul3A_181 = arith.muli %scan3A_167, %mul3A_180 : i32
        %swap3A_182 = arith.index_cast %mul3A_181 : i32 to index
        %swap3A_183 = tpu.vector_load %arg24[%swap3A_182] {strides = array<i32>} : memref<3328xi32, #tpu.memory_space<vmem>>, vector<16xi32>,
        tpu.vector_store %arg24[%swap3A_182], %add3A_179 {strides = array<i32>} : memref<3328xi32, #tpu.memory_space<vmem>>, vector<16xi32>,
        %scan3A_184 = arith.constant 4 : i32
        %scan3A_185 = arith.addi %scan3A_115, %scan3A_184 : i32
        %mul3A_186 = arith.constant 16 : i32
        %mul3A_187 = arith.muli %scan3A_185, %mul3A_186 : i32
        %get3A_188 = arith.index_cast %mul3A_187 : i32 to index
        %get3A_189 = tpu.vector_load %arg23[%get3A_188] {strides = array<i32>} : memref<3328xi32, #tpu.memory_space<vmem>>, vector<16xi32>,
        %mul3A_190 = arith.constant 896 : i32
        %mul3A_191 = vector.broadcast %mul3A_190 : i32 to vector<16xi32>
        %mul3A_192 = arith.muli %get3A_189, %mul3A_191 : vector<16xi32>
        %mul3A_193 = arith.constant 16 : i32
        %mul3A_194 = arith.muli %scan3A_185, %mul3A_193 : i32
        %get3A_195 = arith.index_cast %mul3A_194 : i32 to index
        %get3A_196 = tpu.vector_load %arg22[%get3A_195] {strides = array<i32>} : memref<3328xi32, #tpu.memory_space<vmem>>, vector<16xi32>,
        %add3A_197 = arith.addi %mul3A_192, %get3A_196 : vector<16xi32>
        %mul3A_198 = arith.constant 16 : i32
        %mul3A_199 = arith.muli %scan3A_185, %mul3A_198 : i32
        %swap3A_200 = arith.index_cast %mul3A_199 : i32 to index
        %swap3A_201 = tpu.vector_load %arg24[%swap3A_200] {strides = array<i32>} : memref<3328xi32, #tpu.memory_space<vmem>>, vector<16xi32>,
        tpu.vector_store %arg24[%swap3A_200], %add3A_197 {strides = array<i32>} : memref<3328xi32, #tpu.memory_space<vmem>>, vector<16xi32>,
        %scan3A_202 = arith.constant 5 : i32
        %scan3A_203 = arith.addi %scan3A_115, %scan3A_202 : i32
        %mul3A_204 = arith.constant 16 : i32
        %mul3A_205 = arith.muli %scan3A_203, %mul3A_204 : i32
        %get3A_206 = arith.index_cast %mul3A_205 : i32 to index
        %get3A_207 = tpu.vector_load %arg23[%get3A_206] {strides = array<i32>} : memref<3328xi32, #tpu.memory_space<vmem>>, vector<16xi32>,
        %mul3A_208 = arith.constant 896 : i32
        %mul3A_209 = vector.broadcast %mul3A_208 : i32 to vector<16xi32>
        %mul3A_210 = arith.muli %get3A_207, %mul3A_209 : vector<16xi32>
        %mul3A_211 = arith.constant 16 : i32
        %mul3A_212 = arith.muli %scan3A_203, %mul3A_211 : i32
        %get3A_213 = arith.index_cast %mul3A_212 : i32 to index
        %get3A_214 = tpu.vector_load %arg22[%get3A_213] {strides = array<i32>} : memref<3328xi32, #tpu.memory_space<vmem>>, vector<16xi32>,
        %add3A_215 = arith.addi %mul3A_210, %get3A_214 : vector<16xi32>
        %mul3A_216 = arith.constant 16 : i32
        %mul3A_217 = arith.muli %scan3A_203, %mul3A_216 : i32
        %swap3A_218 = arith.index_cast %mul3A_217 : i32 to index
        %swap3A_219 = tpu.vector_load %arg24[%swap3A_218] {strides = array<i32>} : memref<3328xi32, #tpu.memory_space<vmem>>, vector<16xi32>,
        tpu.vector_store %arg24[%swap3A_218], %add3A_215 {strides = array<i32>} : memref<3328xi32, #tpu.memory_space<vmem>>, vector<16xi32>,
        %scan3A_220 = arith.constant 6 : i32
        %scan3A_221 = arith.addi %scan3A_115, %scan3A_220 : i32
        %mul3A_222 = arith.constant 16 : i32
        %mul3A_223 = arith.muli %scan3A_221, %mul3A_222 : i32
        %get3A_224 = arith.index_cast %mul3A_223 : i32 to index
        %get3A_225 = tpu.vector_load %arg23[%get3A_224] {strides = array<i32>} : memref<3328xi32, #tpu.memory_space<vmem>>, vector<16xi32>,
        %mul3A_226 = arith.constant 896 : i32
        %mul3A_227 = vector.broadcast %mul3A_226 : i32 to vector<16xi32>
        %mul3A_228 = arith.muli %get3A_225, %mul3A_227 : vector<16xi32>
        %mul3A_229 = arith.constant 16 : i32
        %mul3A_230 = arith.muli %scan3A_221, %mul3A_229 : i32
        %get3A_231 = arith.index_cast %mul3A_230 : i32 to index
        %get3A_232 = tpu.vector_load %arg22[%get3A_231] {strides = array<i32>} : memref<3328xi32, #tpu.memory_space<vmem>>, vector<16xi32>,
        %add3A_233 = arith.addi %mul3A_228, %get3A_232 : vector<16xi32>
        %mul3A_234 = arith.constant 16 : i32
        %mul3A_235 = arith.muli %scan3A_221, %mul3A_234 : i32
        %swap3A_236 = arith.index_cast %mul3A_235 : i32 to index
        %swap3A_237 = tpu.vector_load %arg24[%swap3A_236] {strides = array<i32>} : memref<3328xi32, #tpu.memory_space<vmem>>, vector<16xi32>,
        tpu.vector_store %arg24[%swap3A_236], %add3A_233 {strides = array<i32>} : memref<3328xi32, #tpu.memory_space<vmem>>, vector<16xi32>,
        %scan3A_238 = arith.constant 7 : i32
        %scan3A_239 = arith.addi %scan3A_115, %scan3A_238 : i32
        %mul3A_240 = arith.constant 16 : i32
        %mul3A_241 = arith.muli %scan3A_239, %mul3A_240 : i32
        %get3A_242 = arith.index_cast %mul3A_241 : i32 to index
        %get3A_243 = tpu.vector_load %arg23[%get3A_242] {strides = array<i32>} : memref<3328xi32, #tpu.memory_space<vmem>>, vector<16xi32>,
        %mul3A_244 = arith.constant 896 : i32
        %mul3A_245 = vector.broadcast %mul3A_244 : i32 to vector<16xi32>
        %mul3A_246 = arith.muli %get3A_243, %mul3A_245 : vector<16xi32>
        %mul3A_247 = arith.constant 16 : i32
        %mul3A_248 = arith.muli %scan3A_239, %mul3A_247 : i32
        %get3A_249 = arith.index_cast %mul3A_248 : i32 to index
        %get3A_250 = tpu.vector_load %arg22[%get3A_249] {strides = array<i32>} : memref<3328xi32, #tpu.memory_space<vmem>>, vector<16xi32>,
        %add3A_251 = arith.addi %mul3A_246, %get3A_250 : vector<16xi32>
        %mul3A_252 = arith.constant 16 : i32
        %mul3A_253 = arith.muli %scan3A_239, %mul3A_252 : i32
        %swap3A_254 = arith.index_cast %mul3A_253 : i32 to index
        %swap3A_255 = tpu.vector_load %arg24[%swap3A_254] {strides = array<i32>} : memref<3328xi32, #tpu.memory_space<vmem>>, vector<16xi32>,
        tpu.vector_store %arg24[%swap3A_254], %add3A_251 {strides = array<i32>} : memref<3328xi32, #tpu.memory_space<vmem>>, vector<16xi32>,
      }
      %scan3A_38 = arith.constant 208 : i32
      %barrier3A_39 = arith.constant 0 : index
      tpu.barrier barrier_id(%barrier3A_39)
      "tpu.region"() ({
        %run_scoped3A = tpu.sem_alloc : memref<!tpu.dma_semaphore, #tpu.memory_space<semaphore_mem>>
        %dma_start3A = arith.constant 0 : i32
        %dma_start3A_115 = tpu.memref_slice %arg25[%dma_start3A] : memref<3328xf32, #tpu.memory_space<vmem>> -> memref<3328xf32, #tpu.memory_space<vmem>>
        %dma_start3A_116 = arith.constant 0 : i32
        %dma_start3A_117 = tpu.memref_slice %arg24[%dma_start3A_116] : memref<3328xi32, #tpu.memory_space<vmem>> -> memref<3328xi32, #tpu.memory_space<vmem>>
        %dma_start3A_118 = arith.constant 0 : i32
        %dma_start3A_119 = tpu.memref_slice %arg21[%dma_start3A_118] : memref<802816xf32, #tpu.memory_space<vmem_shared>> -> memref<802816xf32, #tpu.memory_space<vmem_shared>>
        tpu.enqueue_indirect_dma source(%dma_start3A_115 : memref<3328xf32, #tpu.memory_space<vmem>>) target(%dma_start3A_119 : memref<802816xf32, #tpu.memory_space<vmem_shared>>) offsets(%dma_start3A_117 : memref<3328xi32, #tpu.memory_space<vmem>>) semaphore(%run_scoped3A : memref<!tpu.dma_semaphore, #tpu.memory_space<semaphore_mem>>) {add = true}
        %dma_wait3A = arith.constant 0 : i32
        %dma_wait3A_120 = tpu.memref_slice %arg25[%dma_wait3A] : memref<3328xf32, #tpu.memory_space<vmem>> -> memref<3328xf32, #tpu.memory_space<vmem>>
        %dma_wait3A_121 = arith.constant 0 : i32
        %dma_wait3A_122 = tpu.memref_slice %arg24[%dma_wait3A_121] : memref<3328xi32, #tpu.memory_space<vmem>> -> memref<3328xi32, #tpu.memory_space<vmem>>
        %dma_wait3A_123 = arith.constant 0 : i32
        %dma_wait3A_124 = tpu.memref_slice %arg21[%dma_wait3A_123] : memref<802816xf32, #tpu.memory_space<vmem_shared>> -> memref<802816xf32, #tpu.memory_space<vmem_shared>>
        tpu.wait_indirect_dma semaphore(%run_scoped3A : memref<!tpu.dma_semaphore, #tpu.memory_space<semaphore_mem>>) src(%dma_wait3A_120 : memref<3328xf32, #tpu.memory_space<vmem>>) dst(%dma_wait3A_124 : memref<802816xf32, #tpu.memory_space<vmem_shared>>)
        tpu.yield
      }) : () -> ()
      %barrier3A_40 = arith.constant 0 : index
      tpu.barrier barrier_id(%barrier3A_40)
      %mul3A_41 = arith.constant 50176 : i32
      %mul3A_42 = arith.muli %arg1, %mul3A_41 : i32
      %mul3A_43 = arith.constant 50176 : i32
      %mul3A_44 = arith.muli %arg1, %mul3A_43 : i32
      "tpu.region"() ({
        %run_scoped3A = tpu.sem_alloc : memref<!tpu.dma_semaphore, #tpu.memory_space<semaphore_mem>>
        %dma_start3A = tpu.memref_slice %arg17[%mul3A_44] : memref<802816xf32, #tpu.memory_space<hbm>> -> memref<50176xf32, #tpu.memory_space<hbm>>
        %dma_start3A_115 = tpu.memref_slice %arg21[%mul3A_42] : memref<802816xf32, #tpu.memory_space<vmem_shared>> -> memref<50176xf32, #tpu.memory_space<vmem_shared>>
        tpu.enqueue_dma source(%dma_start3A_115 : memref<50176xf32, #tpu.memory_space<vmem_shared>>) target(%dma_start3A : memref<50176xf32, #tpu.memory_space<hbm>>) target_semaphore(%run_scoped3A : memref<!tpu.dma_semaphore, #tpu.memory_space<semaphore_mem>>)
        %dma_wait3A = tpu.memref_slice %arg17[%mul3A_44] : memref<802816xf32, #tpu.memory_space<hbm>> -> memref<50176xf32, #tpu.memory_space<hbm>>
        %dma_wait3A_116 = tpu.memref_slice %arg21[%mul3A_42] : memref<802816xf32, #tpu.memory_space<vmem_shared>> -> memref<50176xf32, #tpu.memory_space<vmem_shared>>
        tpu.wait_dma2 semaphore(%run_scoped3A : memref<!tpu.dma_semaphore, #tpu.memory_space<semaphore_mem>>) src(%dma_wait3A_116 : memref<50176xf32, #tpu.memory_space<vmem_shared>>) dst(%dma_wait3A : memref<50176xf32, #tpu.memory_space<hbm>>)
        tpu.yield
      }) : () -> ()
      %barrier3A_45 = arith.constant 0 : index
      tpu.barrier barrier_id(%barrier3A_45)
      %mul3A_46 = arith.constant 16384 : i32
      %mul3A_47 = arith.muli %arg1, %mul3A_46 : i32
      %add3A_48 = arith.constant 0 : i32
      %add3A_49 = arith.addi %mul3A_47, %add3A_48 : i32
      "tpu.region"() ({
        %run_scoped3A = tpu.sem_alloc : memref<!tpu.dma_semaphore, #tpu.memory_space<semaphore_mem>>
        %dma_start3A = arith.constant 0 : i32
        %dma_start3A_115 = tpu.memref_slice %arg26[%dma_start3A] : memref<6272xf32, #tpu.memory_space<vmem>> -> memref<2048xf32, #tpu.memory_space<vmem>>
        %dma_start3A_116 = tpu.memref_slice %arg21[%add3A_49] : memref<802816xf32, #tpu.memory_space<vmem_shared>> -> memref<2048xf32, #tpu.memory_space<vmem_shared>>
        %dma_start3A_117 = tpu.memref_slice %arg21[%add3A_49] : memref<802816xf32, #tpu.memory_space<vmem_shared>> -> memref<2048xf32, #tpu.memory_space<vmem_shared>>
        %dma_start3A_118 = arith.constant 0 : i32
        %dma_start3A_119 = tpu.memref_slice %arg26[%dma_start3A_118] : memref<6272xf32, #tpu.memory_space<vmem>> -> memref<2048xf32, #tpu.memory_space<vmem>>
        tpu.enqueue_dma source(%dma_start3A_119 : memref<2048xf32, #tpu.memory_space<vmem>>) target(%dma_start3A_117 : memref<2048xf32, #tpu.memory_space<vmem_shared>>) target_semaphore(%run_scoped3A : memref<!tpu.dma_semaphore, #tpu.memory_space<semaphore_mem>>)
        %dma_wait3A = arith.constant 0 : i32
        %dma_wait3A_120 = tpu.memref_slice %arg26[%dma_wait3A] : memref<6272xf32, #tpu.memory_space<vmem>> -> memref<2048xf32, #tpu.memory_space<vmem>>
        %dma_wait3A_121 = tpu.memref_slice %arg21[%add3A_49] : memref<802816xf32, #tpu.memory_space<vmem_shared>> -> memref<2048xf32, #tpu.memory_space<vmem_shared>>
        %dma_wait3A_122 = tpu.memref_slice %arg21[%add3A_49] : memref<802816xf32, #tpu.memory_space<vmem_shared>> -> memref<2048xf32, #tpu.memory_space<vmem_shared>>
        %dma_wait3A_123 = arith.constant 0 : i32
        %dma_wait3A_124 = tpu.memref_slice %arg26[%dma_wait3A_123] : memref<6272xf32, #tpu.memory_space<vmem>> -> memref<2048xf32, #tpu.memory_space<vmem>>
        tpu.wait_dma2 semaphore(%run_scoped3A : memref<!tpu.dma_semaphore, #tpu.memory_space<semaphore_mem>>) src(%dma_wait3A_124 : memref<2048xf32, #tpu.memory_space<vmem>>) dst(%dma_wait3A_122 : memref<2048xf32, #tpu.memory_space<vmem_shared>>)
        tpu.yield
      }) : () -> ()
      %add3A_50 = arith.constant 2048 : i32
      %add3A_51 = arith.addi %mul3A_47, %add3A_50 : i32
      "tpu.region"() ({
        %run_scoped3A = tpu.sem_alloc : memref<!tpu.dma_semaphore, #tpu.memory_space<semaphore_mem>>
        %dma_start3A = arith.constant 0 : i32
        %dma_start3A_115 = tpu.memref_slice %arg26[%dma_start3A] : memref<6272xf32, #tpu.memory_space<vmem>> -> memref<2048xf32, #tpu.memory_space<vmem>>
        %dma_start3A_116 = tpu.memref_slice %arg21[%add3A_51] : memref<802816xf32, #tpu.memory_space<vmem_shared>> -> memref<2048xf32, #tpu.memory_space<vmem_shared>>
        %dma_start3A_117 = tpu.memref_slice %arg21[%add3A_51] : memref<802816xf32, #tpu.memory_space<vmem_shared>> -> memref<2048xf32, #tpu.memory_space<vmem_shared>>
        %dma_start3A_118 = arith.constant 0 : i32
        %dma_start3A_119 = tpu.memref_slice %arg26[%dma_start3A_118] : memref<6272xf32, #tpu.memory_space<vmem>> -> memref<2048xf32, #tpu.memory_space<vmem>>
        tpu.enqueue_dma source(%dma_start3A_119 : memref<2048xf32, #tpu.memory_space<vmem>>) target(%dma_start3A_117 : memref<2048xf32, #tpu.memory_space<vmem_shared>>) target_semaphore(%run_scoped3A : memref<!tpu.dma_semaphore, #tpu.memory_space<semaphore_mem>>)
        %dma_wait3A = arith.constant 0 : i32
        %dma_wait3A_120 = tpu.memref_slice %arg26[%dma_wait3A] : memref<6272xf32, #tpu.memory_space<vmem>> -> memref<2048xf32, #tpu.memory_space<vmem>>
        %dma_wait3A_121 = tpu.memref_slice %arg21[%add3A_51] : memref<802816xf32, #tpu.memory_space<vmem_shared>> -> memref<2048xf32, #tpu.memory_space<vmem_shared>>
        %dma_wait3A_122 = tpu.memref_slice %arg21[%add3A_51] : memref<802816xf32, #tpu.memory_space<vmem_shared>> -> memref<2048xf32, #tpu.memory_space<vmem_shared>>
        %dma_wait3A_123 = arith.constant 0 : i32
        %dma_wait3A_124 = tpu.memref_slice %arg26[%dma_wait3A_123] : memref<6272xf32, #tpu.memory_space<vmem>> -> memref<2048xf32, #tpu.memory_space<vmem>>
        tpu.wait_dma2 semaphore(%run_scoped3A : memref<!tpu.dma_semaphore, #tpu.memory_space<semaphore_mem>>) src(%dma_wait3A_124 : memref<2048xf32, #tpu.memory_space<vmem>>) dst(%dma_wait3A_122 : memref<2048xf32, #tpu.memory_space<vmem_shared>>)
        tpu.yield
      }) : () -> ()
      %add3A_52 = arith.constant 4096 : i32
      %add3A_53 = arith.addi %mul3A_47, %add3A_52 : i32
      "tpu.region"() ({
        %run_scoped3A = tpu.sem_alloc : memref<!tpu.dma_semaphore, #tpu.memory_space<semaphore_mem>>
        %dma_start3A = arith.constant 0 : i32
        %dma_start3A_115 = tpu.memref_slice %arg26[%dma_start3A] : memref<6272xf32, #tpu.memory_space<vmem>> -> memref<2048xf32, #tpu.memory_space<vmem>>
        %dma_start3A_116 = tpu.memref_slice %arg21[%add3A_53] : memref<802816xf32, #tpu.memory_space<vmem_shared>> -> memref<2048xf32, #tpu.memory_space<vmem_shared>>
        %dma_start3A_117 = tpu.memref_slice %arg21[%add3A_53] : memref<802816xf32, #tpu.memory_space<vmem_shared>> -> memref<2048xf32, #tpu.memory_space<vmem_shared>>
        %dma_start3A_118 = arith.constant 0 : i32
        %dma_start3A_119 = tpu.memref_slice %arg26[%dma_start3A_118] : memref<6272xf32, #tpu.memory_space<vmem>> -> memref<2048xf32, #tpu.memory_space<vmem>>
        tpu.enqueue_dma source(%dma_start3A_119 : memref<2048xf32, #tpu.memory_space<vmem>>) target(%dma_start3A_117 : memref<2048xf32, #tpu.memory_space<vmem_shared>>) target_semaphore(%run_scoped3A : memref<!tpu.dma_semaphore, #tpu.memory_space<semaphore_mem>>)
        %dma_wait3A = arith.constant 0 : i32
        %dma_wait3A_120 = tpu.memref_slice %arg26[%dma_wait3A] : memref<6272xf32, #tpu.memory_space<vmem>> -> memref<2048xf32, #tpu.memory_space<vmem>>
        %dma_wait3A_121 = tpu.memref_slice %arg21[%add3A_53] : memref<802816xf32, #tpu.memory_space<vmem_shared>> -> memref<2048xf32, #tpu.memory_space<vmem_shared>>
        %dma_wait3A_122 = tpu.memref_slice %arg21[%add3A_53] : memref<802816xf32, #tpu.memory_space<vmem_shared>> -> memref<2048xf32, #tpu.memory_space<vmem_shared>>
        %dma_wait3A_123 = arith.constant 0 : i32
        %dma_wait3A_124 = tpu.memref_slice %arg26[%dma_wait3A_123] : memref<6272xf32, #tpu.memory_space<vmem>> -> memref<2048xf32, #tpu.memory_space<vmem>>
        tpu.wait_dma2 semaphore(%run_scoped3A : memref<!tpu.dma_semaphore, #tpu.memory_space<semaphore_mem>>) src(%dma_wait3A_124 : memref<2048xf32, #tpu.memory_space<vmem>>) dst(%dma_wait3A_122 : memref<2048xf32, #tpu.memory_space<vmem_shared>>)
        tpu.yield
      }) : () -> ()
      %add3A_54 = arith.constant 6144 : i32
      %add3A_55 = arith.addi %mul3A_47, %add3A_54 : i32
      "tpu.region"() ({
        %run_scoped3A = tpu.sem_alloc : memref<!tpu.dma_semaphore, #tpu.memory_space<semaphore_mem>>
        %dma_start3A = arith.constant 0 : i32
        %dma_start3A_115 = tpu.memref_slice %arg26[%dma_start3A] : memref<6272xf32, #tpu.memory_space<vmem>> -> memref<2048xf32, #tpu.memory_space<vmem>>
        %dma_start3A_116 = tpu.memref_slice %arg21[%add3A_55] : memref<802816xf32, #tpu.memory_space<vmem_shared>> -> memref<2048xf32, #tpu.memory_space<vmem_shared>>
        %dma_start3A_117 = tpu.memref_slice %arg21[%add3A_55] : memref<802816xf32, #tpu.memory_space<vmem_shared>> -> memref<2048xf32, #tpu.memory_space<vmem_shared>>
        %dma_start3A_118 = arith.constant 0 : i32
        %dma_start3A_119 = tpu.memref_slice %arg26[%dma_start3A_118] : memref<6272xf32, #tpu.memory_space<vmem>> -> memref<2048xf32, #tpu.memory_space<vmem>>
        tpu.enqueue_dma source(%dma_start3A_119 : memref<2048xf32, #tpu.memory_space<vmem>>) target(%dma_start3A_117 : memref<2048xf32, #tpu.memory_space<vmem_shared>>) target_semaphore(%run_scoped3A : memref<!tpu.dma_semaphore, #tpu.memory_space<semaphore_mem>>)
        %dma_wait3A = arith.constant 0 : i32
        %dma_wait3A_120 = tpu.memref_slice %arg26[%dma_wait3A] : memref<6272xf32, #tpu.memory_space<vmem>> -> memref<2048xf32, #tpu.memory_space<vmem>>
        %dma_wait3A_121 = tpu.memref_slice %arg21[%add3A_55] : memref<802816xf32, #tpu.memory_space<vmem_shared>> -> memref<2048xf32, #tpu.memory_space<vmem_shared>>
        %dma_wait3A_122 = tpu.memref_slice %arg21[%add3A_55] : memref<802816xf32, #tpu.memory_space<vmem_shared>> -> memref<2048xf32, #tpu.memory_space<vmem_shared>>
        %dma_wait3A_123 = arith.constant 0 : i32
        %dma_wait3A_124 = tpu.memref_slice %arg26[%dma_wait3A_123] : memref<6272xf32, #tpu.memory_space<vmem>> -> memref<2048xf32, #tpu.memory_space<vmem>>
        tpu.wait_dma2 semaphore(%run_scoped3A : memref<!tpu.dma_semaphore, #tpu.memory_space<semaphore_mem>>) src(%dma_wait3A_124 : memref<2048xf32, #tpu.memory_space<vmem>>) dst(%dma_wait3A_122 : memref<2048xf32, #tpu.memory_space<vmem_shared>>)
        tpu.yield
      }) : () -> ()
      %add3A_56 = arith.constant 8192 : i32
      %add3A_57 = arith.addi %mul3A_47, %add3A_56 : i32
      "tpu.region"() ({
        %run_scoped3A = tpu.sem_alloc : memref<!tpu.dma_semaphore, #tpu.memory_space<semaphore_mem>>
        %dma_start3A = arith.constant 0 : i32
        %dma_start3A_115 = tpu.memref_slice %arg26[%dma_start3A] : memref<6272xf32, #tpu.memory_space<vmem>> -> memref<2048xf32, #tpu.memory_space<vmem>>
        %dma_start3A_116 = tpu.memref_slice %arg21[%add3A_57] : memref<802816xf32, #tpu.memory_space<vmem_shared>> -> memref<2048xf32, #tpu.memory_space<vmem_shared>>
        %dma_start3A_117 = tpu.memref_slice %arg21[%add3A_57] : memref<802816xf32, #tpu.memory_space<vmem_shared>> -> memref<2048xf32, #tpu.memory_space<vmem_shared>>
        %dma_start3A_118 = arith.constant 0 : i32
        %dma_start3A_119 = tpu.memref_slice %arg26[%dma_start3A_118] : memref<6272xf32, #tpu.memory_space<vmem>> -> memref<2048xf32, #tpu.memory_space<vmem>>
        tpu.enqueue_dma source(%dma_start3A_119 : memref<2048xf32, #tpu.memory_space<vmem>>) target(%dma_start3A_117 : memref<2048xf32, #tpu.memory_space<vmem_shared>>) target_semaphore(%run_scoped3A : memref<!tpu.dma_semaphore, #tpu.memory_space<semaphore_mem>>)
        %dma_wait3A = arith.constant 0 : i32
        %dma_wait3A_120 = tpu.memref_slice %arg26[%dma_wait3A] : memref<6272xf32, #tpu.memory_space<vmem>> -> memref<2048xf32, #tpu.memory_space<vmem>>
        %dma_wait3A_121 = tpu.memref_slice %arg21[%add3A_57] : memref<802816xf32, #tpu.memory_space<vmem_shared>> -> memref<2048xf32, #tpu.memory_space<vmem_shared>>
        %dma_wait3A_122 = tpu.memref_slice %arg21[%add3A_57] : memref<802816xf32, #tpu.memory_space<vmem_shared>> -> memref<2048xf32, #tpu.memory_space<vmem_shared>>
        %dma_wait3A_123 = arith.constant 0 : i32
        %dma_wait3A_124 = tpu.memref_slice %arg26[%dma_wait3A_123] : memref<6272xf32, #tpu.memory_space<vmem>> -> memref<2048xf32, #tpu.memory_space<vmem>>
        tpu.wait_dma2 semaphore(%run_scoped3A : memref<!tpu.dma_semaphore, #tpu.memory_space<semaphore_mem>>) src(%dma_wait3A_124 : memref<2048xf32, #tpu.memory_space<vmem>>) dst(%dma_wait3A_122 : memref<2048xf32, #tpu.memory_space<vmem_shared>>)
        tpu.yield
      }) : () -> ()
      %add3A_58 = arith.constant 10240 : i32
      %add3A_59 = arith.addi %mul3A_47, %add3A_58 : i32
      "tpu.region"() ({
        %run_scoped3A = tpu.sem_alloc : memref<!tpu.dma_semaphore, #tpu.memory_space<semaphore_mem>>
        %dma_start3A = arith.constant 0 : i32
        %dma_start3A_115 = tpu.memref_slice %arg26[%dma_start3A] : memref<6272xf32, #tpu.memory_space<vmem>> -> memref<2048xf32, #tpu.memory_space<vmem>>
        %dma_start3A_116 = tpu.memref_slice %arg21[%add3A_59] : memref<802816xf32, #tpu.memory_space<vmem_shared>> -> memref<2048xf32, #tpu.memory_space<vmem_shared>>
        %dma_start3A_117 = tpu.memref_slice %arg21[%add3A_59] : memref<802816xf32, #tpu.memory_space<vmem_shared>> -> memref<2048xf32, #tpu.memory_space<vmem_shared>>
        %dma_start3A_118 = arith.constant 0 : i32
        %dma_start3A_119 = tpu.memref_slice %arg26[%dma_start3A_118] : memref<6272xf32, #tpu.memory_space<vmem>> -> memref<2048xf32, #tpu.memory_space<vmem>>
        tpu.enqueue_dma source(%dma_start3A_119 : memref<2048xf32, #tpu.memory_space<vmem>>) target(%dma_start3A_117 : memref<2048xf32, #tpu.memory_space<vmem_shared>>) target_semaphore(%run_scoped3A : memref<!tpu.dma_semaphore, #tpu.memory_space<semaphore_mem>>)
        %dma_wait3A = arith.constant 0 : i32
        %dma_wait3A_120 = tpu.memref_slice %arg26[%dma_wait3A] : memref<6272xf32, #tpu.memory_space<vmem>> -> memref<2048xf32, #tpu.memory_space<vmem>>
        %dma_wait3A_121 = tpu.memref_slice %arg21[%add3A_59] : memref<802816xf32, #tpu.memory_space<vmem_shared>> -> memref<2048xf32, #tpu.memory_space<vmem_shared>>
        %dma_wait3A_122 = tpu.memref_slice %arg21[%add3A_59] : memref<802816xf32, #tpu.memory_space<vmem_shared>> -> memref<2048xf32, #tpu.memory_space<vmem_shared>>
        %dma_wait3A_123 = arith.constant 0 : i32
        %dma_wait3A_124 = tpu.memref_slice %arg26[%dma_wait3A_123] : memref<6272xf32, #tpu.memory_space<vmem>> -> memref<2048xf32, #tpu.memory_space<vmem>>
        tpu.wait_dma2 semaphore(%run_scoped3A : memref<!tpu.dma_semaphore, #tpu.memory_space<semaphore_mem>>) src(%dma_wait3A_124 : memref<2048xf32, #tpu.memory_space<vmem>>) dst(%dma_wait3A_122 : memref<2048xf32, #tpu.memory_space<vmem_shared>>)
        tpu.yield
      }) : () -> ()
      %add3A_60 = arith.constant 12288 : i32
      %add3A_61 = arith.addi %mul3A_47, %add3A_60 : i32
      "tpu.region"() ({
        %run_scoped3A = tpu.sem_alloc : memref<!tpu.dma_semaphore, #tpu.memory_space<semaphore_mem>>
        %dma_start3A = arith.constant 0 : i32
        %dma_start3A_115 = tpu.memref_slice %arg26[%dma_start3A] : memref<6272xf32, #tpu.memory_space<vmem>> -> memref<2048xf32, #tpu.memory_space<vmem>>
        %dma_start3A_116 = tpu.memref_slice %arg21[%add3A_61] : memref<802816xf32, #tpu.memory_space<vmem_shared>> -> memref<2048xf32, #tpu.memory_space<vmem_shared>>
        %dma_start3A_117 = tpu.memref_slice %arg21[%add3A_61] : memref<802816xf32, #tpu.memory_space<vmem_shared>> -> memref<2048xf32, #tpu.memory_space<vmem_shared>>
        %dma_start3A_118 = arith.constant 0 : i32
        %dma_start3A_119 = tpu.memref_slice %arg26[%dma_start3A_118] : memref<6272xf32, #tpu.memory_space<vmem>> -> memref<2048xf32, #tpu.memory_space<vmem>>
        tpu.enqueue_dma source(%dma_start3A_119 : memref<2048xf32, #tpu.memory_space<vmem>>) target(%dma_start3A_117 : memref<2048xf32, #tpu.memory_space<vmem_shared>>) target_semaphore(%run_scoped3A : memref<!tpu.dma_semaphore, #tpu.memory_space<semaphore_mem>>)
        %dma_wait3A = arith.constant 0 : i32
        %dma_wait3A_120 = tpu.memref_slice %arg26[%dma_wait3A] : memref<6272xf32, #tpu.memory_space<vmem>> -> memref<2048xf32, #tpu.memory_space<vmem>>
        %dma_wait3A_121 = tpu.memref_slice %arg21[%add3A_61] : memref<802816xf32, #tpu.memory_space<vmem_shared>> -> memref<2048xf32, #tpu.memory_space<vmem_shared>>
        %dma_wait3A_122 = tpu.memref_slice %arg21[%add3A_61] : memref<802816xf32, #tpu.memory_space<vmem_shared>> -> memref<2048xf32, #tpu.memory_space<vmem_shared>>
        %dma_wait3A_123 = arith.constant 0 : i32
        %dma_wait3A_124 = tpu.memref_slice %arg26[%dma_wait3A_123] : memref<6272xf32, #tpu.memory_space<vmem>> -> memref<2048xf32, #tpu.memory_space<vmem>>
        tpu.wait_dma2 semaphore(%run_scoped3A : memref<!tpu.dma_semaphore, #tpu.memory_space<semaphore_mem>>) src(%dma_wait3A_124 : memref<2048xf32, #tpu.memory_space<vmem>>) dst(%dma_wait3A_122 : memref<2048xf32, #tpu.memory_space<vmem_shared>>)
        tpu.yield
      }) : () -> ()
      %add3A_62 = arith.constant 14336 : i32
      %add3A_63 = arith.addi %mul3A_47, %add3A_62 : i32
      "tpu.region"() ({
        %run_scoped3A = tpu.sem_alloc : memref<!tpu.dma_semaphore, #tpu.memory_space<semaphore_mem>>
        %dma_start3A = arith.constant 0 : i32
        %dma_start3A_115 = tpu.memref_slice %arg26[%dma_start3A] : memref<6272xf32, #tpu.memory_space<vmem>> -> memref<2048xf32, #tpu.memory_space<vmem>>
        %dma_start3A_116 = tpu.memref_slice %arg21[%add3A_63] : memref<802816xf32, #tpu.memory_space<vmem_shared>> -> memref<2048xf32, #tpu.memory_space<vmem_shared>>
        %dma_start3A_117 = tpu.memref_slice %arg21[%add3A_63] : memref<802816xf32, #tpu.memory_space<vmem_shared>> -> memref<2048xf32, #tpu.memory_space<vmem_shared>>
        %dma_start3A_118 = arith.constant 0 : i32
        %dma_start3A_119 = tpu.memref_slice %arg26[%dma_start3A_118] : memref<6272xf32, #tpu.memory_space<vmem>> -> memref<2048xf32, #tpu.memory_space<vmem>>
        tpu.enqueue_dma source(%dma_start3A_119 : memref<2048xf32, #tpu.memory_space<vmem>>) target(%dma_start3A_117 : memref<2048xf32, #tpu.memory_space<vmem_shared>>) target_semaphore(%run_scoped3A : memref<!tpu.dma_semaphore, #tpu.memory_space<semaphore_mem>>)
        %dma_wait3A = arith.constant 0 : i32
        %dma_wait3A_120 = tpu.memref_slice %arg26[%dma_wait3A] : memref<6272xf32, #tpu.memory_space<vmem>> -> memref<2048xf32, #tpu.memory_space<vmem>>
        %dma_wait3A_121 = tpu.memref_slice %arg21[%add3A_63] : memref<802816xf32, #tpu.memory_space<vmem_shared>> -> memref<2048xf32, #tpu.memory_space<vmem_shared>>
        %dma_wait3A_122 = tpu.memref_slice %arg21[%add3A_63] : memref<802816xf32, #tpu.memory_space<vmem_shared>> -> memref<2048xf32, #tpu.memory_space<vmem_shared>>
        %dma_wait3A_123 = arith.constant 0 : i32
        %dma_wait3A_124 = tpu.memref_slice %arg26[%dma_wait3A_123] : memref<6272xf32, #tpu.memory_space<vmem>> -> memref<2048xf32, #tpu.memory_space<vmem>>
        tpu.wait_dma2 semaphore(%run_scoped3A : memref<!tpu.dma_semaphore, #tpu.memory_space<semaphore_mem>>) src(%dma_wait3A_124 : memref<2048xf32, #tpu.memory_space<vmem>>) dst(%dma_wait3A_122 : memref<2048xf32, #tpu.memory_space<vmem_shared>>)
        tpu.yield
      }) : () -> ()
      %mul3A_64 = arith.constant 1792 : i32
      %mul3A_65 = arith.muli %arg1, %mul3A_64 : i32
      "tpu.region"() ({
        %run_scoped3A = tpu.sem_alloc : memref<!tpu.dma_semaphore, #tpu.memory_space<semaphore_mem>>
        %dma_start3A = arith.constant 0 : i32
        %dma_start3A_115 = tpu.memref_slice %arg22[%dma_start3A] : memref<3328xi32, #tpu.memory_space<vmem>> -> memref<1792xi32, #tpu.memory_space<vmem>>
        %dma_start3A_116 = tpu.memref_slice %arg10[%mul3A_65] : memref<28672xi32, #tpu.memory_space<hbm>> -> memref<1792xi32, #tpu.memory_space<hbm>>
        %dma_start3A_117 = arith.constant 0 : i32
        %dma_start3A_118 = tpu.memref_slice %arg22[%dma_start3A_117] : memref<3328xi32, #tpu.memory_space<vmem>> -> memref<1792xi32, #tpu.memory_space<vmem>>
        %dma_start3A_119 = tpu.memref_slice %arg10[%mul3A_65] : memref<28672xi32, #tpu.memory_space<hbm>> -> memref<1792xi32, #tpu.memory_space<hbm>>
        tpu.enqueue_dma source(%dma_start3A_119 : memref<1792xi32, #tpu.memory_space<hbm>>) target(%dma_start3A_118 : memref<1792xi32, #tpu.memory_space<vmem>>) target_semaphore(%run_scoped3A : memref<!tpu.dma_semaphore, #tpu.memory_space<semaphore_mem>>)
        %dma_wait3A = arith.constant 0 : i32
        %dma_wait3A_120 = tpu.memref_slice %arg22[%dma_wait3A] : memref<3328xi32, #tpu.memory_space<vmem>> -> memref<1792xi32, #tpu.memory_space<vmem>>
        %dma_wait3A_121 = tpu.memref_slice %arg10[%mul3A_65] : memref<28672xi32, #tpu.memory_space<hbm>> -> memref<1792xi32, #tpu.memory_space<hbm>>
        %dma_wait3A_122 = arith.constant 0 : i32
        %dma_wait3A_123 = tpu.memref_slice %arg22[%dma_wait3A_122] : memref<3328xi32, #tpu.memory_space<vmem>> -> memref<1792xi32, #tpu.memory_space<vmem>>
        %dma_wait3A_124 = tpu.memref_slice %arg10[%mul3A_65] : memref<28672xi32, #tpu.memory_space<hbm>> -> memref<1792xi32, #tpu.memory_space<hbm>>
        tpu.wait_dma2 semaphore(%run_scoped3A : memref<!tpu.dma_semaphore, #tpu.memory_space<semaphore_mem>>) src(%dma_wait3A_124 : memref<1792xi32, #tpu.memory_space<hbm>>) dst(%dma_wait3A_123 : memref<1792xi32, #tpu.memory_space<vmem>>)
        tpu.yield
      }) : () -> ()
      %mul3A_66 = arith.constant 1792 : i32
      %mul3A_67 = arith.muli %arg1, %mul3A_66 : i32
      "tpu.region"() ({
        %run_scoped3A = tpu.sem_alloc : memref<!tpu.dma_semaphore, #tpu.memory_space<semaphore_mem>>
        %dma_start3A = arith.constant 0 : i32
        %dma_start3A_115 = tpu.memref_slice %arg23[%dma_start3A] : memref<3328xi32, #tpu.memory_space<vmem>> -> memref<1792xi32, #tpu.memory_space<vmem>>
        %dma_start3A_116 = tpu.memref_slice %arg11[%mul3A_67] : memref<28672xi32, #tpu.memory_space<hbm>> -> memref<1792xi32, #tpu.memory_space<hbm>>
        %dma_start3A_117 = arith.constant 0 : i32
        %dma_start3A_118 = tpu.memref_slice %arg23[%dma_start3A_117] : memref<3328xi32, #tpu.memory_space<vmem>> -> memref<1792xi32, #tpu.memory_space<vmem>>
        %dma_start3A_119 = tpu.memref_slice %arg11[%mul3A_67] : memref<28672xi32, #tpu.memory_space<hbm>> -> memref<1792xi32, #tpu.memory_space<hbm>>
        tpu.enqueue_dma source(%dma_start3A_119 : memref<1792xi32, #tpu.memory_space<hbm>>) target(%dma_start3A_118 : memref<1792xi32, #tpu.memory_space<vmem>>) target_semaphore(%run_scoped3A : memref<!tpu.dma_semaphore, #tpu.memory_space<semaphore_mem>>)
        %dma_wait3A = arith.constant 0 : i32
        %dma_wait3A_120 = tpu.memref_slice %arg23[%dma_wait3A] : memref<3328xi32, #tpu.memory_space<vmem>> -> memref<1792xi32, #tpu.memory_space<vmem>>
        %dma_wait3A_121 = tpu.memref_slice %arg11[%mul3A_67] : memref<28672xi32, #tpu.memory_space<hbm>> -> memref<1792xi32, #tpu.memory_space<hbm>>
        %dma_wait3A_122 = arith.constant 0 : i32
        %dma_wait3A_123 = tpu.memref_slice %arg23[%dma_wait3A_122] : memref<3328xi32, #tpu.memory_space<vmem>> -> memref<1792xi32, #tpu.memory_space<vmem>>
        %dma_wait3A_124 = tpu.memref_slice %arg11[%mul3A_67] : memref<28672xi32, #tpu.memory_space<hbm>> -> memref<1792xi32, #tpu.memory_space<hbm>>
        tpu.wait_dma2 semaphore(%run_scoped3A : memref<!tpu.dma_semaphore, #tpu.memory_space<semaphore_mem>>) src(%dma_wait3A_124 : memref<1792xi32, #tpu.memory_space<hbm>>) dst(%dma_wait3A_123 : memref<1792xi32, #tpu.memory_space<vmem>>)
        tpu.yield
      }) : () -> ()
      %scan3A_68 = arith.constant 0 : i32
      %scan3A_69 = arith.constant 0 : i32
      %scan3A_70 = arith.constant 112 : i32
      %scan3A_71 = arith.addi %scan3A_69, %scan3A_70 : i32
      %scan3A_72 = arith.constant 8 : i32
      scf.for %scan3A_115 = %scan3A_69 to %scan3A_71 step %scan3A_72  : i32 {
        %mul3A_116 = arith.constant 16 : i32
        %mul3A_117 = arith.muli %scan3A_115, %mul3A_116 : i32
        %get3A = arith.index_cast %mul3A_117 : i32 to index
        %get3A_118 = tpu.vector_load %arg23[%get3A] {strides = array<i32>} : memref<3328xi32, #tpu.memory_space<vmem>>, vector<16xi32>,
        %mul3A_119 = arith.constant 512 : i32
        %mul3A_120 = vector.broadcast %mul3A_119 : i32 to vector<16xi32>
        %mul3A_121 = arith.muli %get3A_118, %mul3A_120 : vector<16xi32>
        %mul3A_122 = arith.constant 16 : i32
        %mul3A_123 = arith.muli %scan3A_115, %mul3A_122 : i32
        %get3A_124 = arith.index_cast %mul3A_123 : i32 to index
        %get3A_125 = tpu.vector_load %arg22[%get3A_124] {strides = array<i32>} : memref<3328xi32, #tpu.memory_space<vmem>>, vector<16xi32>,
        %add3A_126 = arith.addi %mul3A_121, %get3A_125 : vector<16xi32>
        %mul3A_127 = arith.constant 16 : i32
        %mul3A_128 = arith.muli %scan3A_115, %mul3A_127 : i32
        %swap3A = arith.index_cast %mul3A_128 : i32 to index
        %swap3A_129 = tpu.vector_load %arg24[%swap3A] {strides = array<i32>} : memref<3328xi32, #tpu.memory_space<vmem>>, vector<16xi32>,
        tpu.vector_store %arg24[%swap3A], %add3A_126 {strides = array<i32>} : memref<3328xi32, #tpu.memory_space<vmem>>, vector<16xi32>,
        %scan3A_130 = arith.constant 1 : i32
        %scan3A_131 = arith.addi %scan3A_115, %scan3A_130 : i32
        %mul3A_132 = arith.constant 16 : i32
        %mul3A_133 = arith.muli %scan3A_131, %mul3A_132 : i32
        %get3A_134 = arith.index_cast %mul3A_133 : i32 to index
        %get3A_135 = tpu.vector_load %arg23[%get3A_134] {strides = array<i32>} : memref<3328xi32, #tpu.memory_space<vmem>>, vector<16xi32>,
        %mul3A_136 = arith.constant 512 : i32
        %mul3A_137 = vector.broadcast %mul3A_136 : i32 to vector<16xi32>
        %mul3A_138 = arith.muli %get3A_135, %mul3A_137 : vector<16xi32>
        %mul3A_139 = arith.constant 16 : i32
        %mul3A_140 = arith.muli %scan3A_131, %mul3A_139 : i32
        %get3A_141 = arith.index_cast %mul3A_140 : i32 to index
        %get3A_142 = tpu.vector_load %arg22[%get3A_141] {strides = array<i32>} : memref<3328xi32, #tpu.memory_space<vmem>>, vector<16xi32>,
        %add3A_143 = arith.addi %mul3A_138, %get3A_142 : vector<16xi32>
        %mul3A_144 = arith.constant 16 : i32
        %mul3A_145 = arith.muli %scan3A_131, %mul3A_144 : i32
        %swap3A_146 = arith.index_cast %mul3A_145 : i32 to index
        %swap3A_147 = tpu.vector_load %arg24[%swap3A_146] {strides = array<i32>} : memref<3328xi32, #tpu.memory_space<vmem>>, vector<16xi32>,
        tpu.vector_store %arg24[%swap3A_146], %add3A_143 {strides = array<i32>} : memref<3328xi32, #tpu.memory_space<vmem>>, vector<16xi32>,
        %scan3A_148 = arith.constant 2 : i32
        %scan3A_149 = arith.addi %scan3A_115, %scan3A_148 : i32
        %mul3A_150 = arith.constant 16 : i32
        %mul3A_151 = arith.muli %scan3A_149, %mul3A_150 : i32
        %get3A_152 = arith.index_cast %mul3A_151 : i32 to index
        %get3A_153 = tpu.vector_load %arg23[%get3A_152] {strides = array<i32>} : memref<3328xi32, #tpu.memory_space<vmem>>, vector<16xi32>,
        %mul3A_154 = arith.constant 512 : i32
        %mul3A_155 = vector.broadcast %mul3A_154 : i32 to vector<16xi32>
        %mul3A_156 = arith.muli %get3A_153, %mul3A_155 : vector<16xi32>
        %mul3A_157 = arith.constant 16 : i32
        %mul3A_158 = arith.muli %scan3A_149, %mul3A_157 : i32
        %get3A_159 = arith.index_cast %mul3A_158 : i32 to index
        %get3A_160 = tpu.vector_load %arg22[%get3A_159] {strides = array<i32>} : memref<3328xi32, #tpu.memory_space<vmem>>, vector<16xi32>,
        %add3A_161 = arith.addi %mul3A_156, %get3A_160 : vector<16xi32>
        %mul3A_162 = arith.constant 16 : i32
        %mul3A_163 = arith.muli %scan3A_149, %mul3A_162 : i32
        %swap3A_164 = arith.index_cast %mul3A_163 : i32 to index
        %swap3A_165 = tpu.vector_load %arg24[%swap3A_164] {strides = array<i32>} : memref<3328xi32, #tpu.memory_space<vmem>>, vector<16xi32>,
        tpu.vector_store %arg24[%swap3A_164], %add3A_161 {strides = array<i32>} : memref<3328xi32, #tpu.memory_space<vmem>>, vector<16xi32>,
        %scan3A_166 = arith.constant 3 : i32
        %scan3A_167 = arith.addi %scan3A_115, %scan3A_166 : i32
        %mul3A_168 = arith.constant 16 : i32
        %mul3A_169 = arith.muli %scan3A_167, %mul3A_168 : i32
        %get3A_170 = arith.index_cast %mul3A_169 : i32 to index
        %get3A_171 = tpu.vector_load %arg23[%get3A_170] {strides = array<i32>} : memref<3328xi32, #tpu.memory_space<vmem>>, vector<16xi32>,
        %mul3A_172 = arith.constant 512 : i32
        %mul3A_173 = vector.broadcast %mul3A_172 : i32 to vector<16xi32>
        %mul3A_174 = arith.muli %get3A_171, %mul3A_173 : vector<16xi32>
        %mul3A_175 = arith.constant 16 : i32
        %mul3A_176 = arith.muli %scan3A_167, %mul3A_175 : i32
        %get3A_177 = arith.index_cast %mul3A_176 : i32 to index
        %get3A_178 = tpu.vector_load %arg22[%get3A_177] {strides = array<i32>} : memref<3328xi32, #tpu.memory_space<vmem>>, vector<16xi32>,
        %add3A_179 = arith.addi %mul3A_174, %get3A_178 : vector<16xi32>
        %mul3A_180 = arith.constant 16 : i32
        %mul3A_181 = arith.muli %scan3A_167, %mul3A_180 : i32
        %swap3A_182 = arith.index_cast %mul3A_181 : i32 to index
        %swap3A_183 = tpu.vector_load %arg24[%swap3A_182] {strides = array<i32>} : memref<3328xi32, #tpu.memory_space<vmem>>, vector<16xi32>,
        tpu.vector_store %arg24[%swap3A_182], %add3A_179 {strides = array<i32>} : memref<3328xi32, #tpu.memory_space<vmem>>, vector<16xi32>,
        %scan3A_184 = arith.constant 4 : i32
        %scan3A_185 = arith.addi %scan3A_115, %scan3A_184 : i32
        %mul3A_186 = arith.constant 16 : i32
        %mul3A_187 = arith.muli %scan3A_185, %mul3A_186 : i32
        %get3A_188 = arith.index_cast %mul3A_187 : i32 to index
        %get3A_189 = tpu.vector_load %arg23[%get3A_188] {strides = array<i32>} : memref<3328xi32, #tpu.memory_space<vmem>>, vector<16xi32>,
        %mul3A_190 = arith.constant 512 : i32
        %mul3A_191 = vector.broadcast %mul3A_190 : i32 to vector<16xi32>
        %mul3A_192 = arith.muli %get3A_189, %mul3A_191 : vector<16xi32>
        %mul3A_193 = arith.constant 16 : i32
        %mul3A_194 = arith.muli %scan3A_185, %mul3A_193 : i32
        %get3A_195 = arith.index_cast %mul3A_194 : i32 to index
        %get3A_196 = tpu.vector_load %arg22[%get3A_195] {strides = array<i32>} : memref<3328xi32, #tpu.memory_space<vmem>>, vector<16xi32>,
        %add3A_197 = arith.addi %mul3A_192, %get3A_196 : vector<16xi32>
        %mul3A_198 = arith.constant 16 : i32
        %mul3A_199 = arith.muli %scan3A_185, %mul3A_198 : i32
        %swap3A_200 = arith.index_cast %mul3A_199 : i32 to index
        %swap3A_201 = tpu.vector_load %arg24[%swap3A_200] {strides = array<i32>} : memref<3328xi32, #tpu.memory_space<vmem>>, vector<16xi32>,
        tpu.vector_store %arg24[%swap3A_200], %add3A_197 {strides = array<i32>} : memref<3328xi32, #tpu.memory_space<vmem>>, vector<16xi32>,
        %scan3A_202 = arith.constant 5 : i32
        %scan3A_203 = arith.addi %scan3A_115, %scan3A_202 : i32
        %mul3A_204 = arith.constant 16 : i32
        %mul3A_205 = arith.muli %scan3A_203, %mul3A_204 : i32
        %get3A_206 = arith.index_cast %mul3A_205 : i32 to index
        %get3A_207 = tpu.vector_load %arg23[%get3A_206] {strides = array<i32>} : memref<3328xi32, #tpu.memory_space<vmem>>, vector<16xi32>,
        %mul3A_208 = arith.constant 512 : i32
        %mul3A_209 = vector.broadcast %mul3A_208 : i32 to vector<16xi32>
        %mul3A_210 = arith.muli %get3A_207, %mul3A_209 : vector<16xi32>
        %mul3A_211 = arith.constant 16 : i32
        %mul3A_212 = arith.muli %scan3A_203, %mul3A_211 : i32
        %get3A_213 = arith.index_cast %mul3A_212 : i32 to index
        %get3A_214 = tpu.vector_load %arg22[%get3A_213] {strides = array<i32>} : memref<3328xi32, #tpu.memory_space<vmem>>, vector<16xi32>,
        %add3A_215 = arith.addi %mul3A_210, %get3A_214 : vector<16xi32>
        %mul3A_216 = arith.constant 16 : i32
        %mul3A_217 = arith.muli %scan3A_203, %mul3A_216 : i32
        %swap3A_218 = arith.index_cast %mul3A_217 : i32 to index
        %swap3A_219 = tpu.vector_load %arg24[%swap3A_218] {strides = array<i32>} : memref<3328xi32, #tpu.memory_space<vmem>>, vector<16xi32>,
        tpu.vector_store %arg24[%swap3A_218], %add3A_215 {strides = array<i32>} : memref<3328xi32, #tpu.memory_space<vmem>>, vector<16xi32>,
        %scan3A_220 = arith.constant 6 : i32
        %scan3A_221 = arith.addi %scan3A_115, %scan3A_220 : i32
        %mul3A_222 = arith.constant 16 : i32
        %mul3A_223 = arith.muli %scan3A_221, %mul3A_222 : i32
        %get3A_224 = arith.index_cast %mul3A_223 : i32 to index
        %get3A_225 = tpu.vector_load %arg23[%get3A_224] {strides = array<i32>} : memref<3328xi32, #tpu.memory_space<vmem>>, vector<16xi32>,
        %mul3A_226 = arith.constant 512 : i32
        %mul3A_227 = vector.broadcast %mul3A_226 : i32 to vector<16xi32>
        %mul3A_228 = arith.muli %get3A_225, %mul3A_227 : vector<16xi32>
        %mul3A_229 = arith.constant 16 : i32
        %mul3A_230 = arith.muli %scan3A_221, %mul3A_229 : i32
        %get3A_231 = arith.index_cast %mul3A_230 : i32 to index
        %get3A_232 = tpu.vector_load %arg22[%get3A_231] {strides = array<i32>} : memref<3328xi32, #tpu.memory_space<vmem>>, vector<16xi32>,
        %add3A_233 = arith.addi %mul3A_228, %get3A_232 : vector<16xi32>
        %mul3A_234 = arith.constant 16 : i32
        %mul3A_235 = arith.muli %scan3A_221, %mul3A_234 : i32
        %swap3A_236 = arith.index_cast %mul3A_235 : i32 to index
        %swap3A_237 = tpu.vector_load %arg24[%swap3A_236] {strides = array<i32>} : memref<3328xi32, #tpu.memory_space<vmem>>, vector<16xi32>,
        tpu.vector_store %arg24[%swap3A_236], %add3A_233 {strides = array<i32>} : memref<3328xi32, #tpu.memory_space<vmem>>, vector<16xi32>,
        %scan3A_238 = arith.constant 7 : i32
        %scan3A_239 = arith.addi %scan3A_115, %scan3A_238 : i32
        %mul3A_240 = arith.constant 16 : i32
        %mul3A_241 = arith.muli %scan3A_239, %mul3A_240 : i32
        %get3A_242 = arith.index_cast %mul3A_241 : i32 to index
        %get3A_243 = tpu.vector_load %arg23[%get3A_242] {strides = array<i32>} : memref<3328xi32, #tpu.memory_space<vmem>>, vector<16xi32>,
        %mul3A_244 = arith.constant 512 : i32
        %mul3A_245 = vector.broadcast %mul3A_244 : i32 to vector<16xi32>
        %mul3A_246 = arith.muli %get3A_243, %mul3A_245 : vector<16xi32>
        %mul3A_247 = arith.constant 16 : i32
        %mul3A_248 = arith.muli %scan3A_239, %mul3A_247 : i32
        %get3A_249 = arith.index_cast %mul3A_248 : i32 to index
        %get3A_250 = tpu.vector_load %arg22[%get3A_249] {strides = array<i32>} : memref<3328xi32, #tpu.memory_space<vmem>>, vector<16xi32>,
        %add3A_251 = arith.addi %mul3A_246, %get3A_250 : vector<16xi32>
        %mul3A_252 = arith.constant 16 : i32
        %mul3A_253 = arith.muli %scan3A_239, %mul3A_252 : i32
        %swap3A_254 = arith.index_cast %mul3A_253 : i32 to index
        %swap3A_255 = tpu.vector_load %arg24[%swap3A_254] {strides = array<i32>} : memref<3328xi32, #tpu.memory_space<vmem>>, vector<16xi32>,
        tpu.vector_store %arg24[%swap3A_254], %add3A_251 {strides = array<i32>} : memref<3328xi32, #tpu.memory_space<vmem>>, vector<16xi32>,
      }
      %scan3A_73 = arith.constant 112 : i32
      %barrier3A_74 = arith.constant 0 : index
      tpu.barrier barrier_id(%barrier3A_74)
      "tpu.region"() ({
        %run_scoped3A = tpu.sem_alloc : memref<!tpu.dma_semaphore, #tpu.memory_space<semaphore_mem>>
        %dma_start3A = arith.constant 0 : i32
        %dma_start3A_115 = tpu.memref_slice %arg25[%dma_start3A] : memref<3328xf32, #tpu.memory_space<vmem>> -> memref<1792xf32, #tpu.memory_space<vmem>>
        %dma_start3A_116 = arith.constant 0 : i32
        %dma_start3A_117 = tpu.memref_slice %arg24[%dma_start3A_116] : memref<3328xi32, #tpu.memory_space<vmem>> -> memref<1792xi32, #tpu.memory_space<vmem>>
        %dma_start3A_118 = arith.constant 0 : i32
        %dma_start3A_119 = tpu.memref_slice %arg21[%dma_start3A_118] : memref<802816xf32, #tpu.memory_space<vmem_shared>> -> memref<802816xf32, #tpu.memory_space<vmem_shared>>
        tpu.enqueue_indirect_dma source(%dma_start3A_115 : memref<1792xf32, #tpu.memory_space<vmem>>) target(%dma_start3A_119 : memref<802816xf32, #tpu.memory_space<vmem_shared>>) offsets(%dma_start3A_117 : memref<1792xi32, #tpu.memory_space<vmem>>) semaphore(%run_scoped3A : memref<!tpu.dma_semaphore, #tpu.memory_space<semaphore_mem>>) {add = true}
        %dma_wait3A = arith.constant 0 : i32
        %dma_wait3A_120 = tpu.memref_slice %arg25[%dma_wait3A] : memref<3328xf32, #tpu.memory_space<vmem>> -> memref<1792xf32, #tpu.memory_space<vmem>>
        %dma_wait3A_121 = arith.constant 0 : i32
        %dma_wait3A_122 = tpu.memref_slice %arg24[%dma_wait3A_121] : memref<3328xi32, #tpu.memory_space<vmem>> -> memref<1792xi32, #tpu.memory_space<vmem>>
        %dma_wait3A_123 = arith.constant 0 : i32
        %dma_wait3A_124 = tpu.memref_slice %arg21[%dma_wait3A_123] : memref<802816xf32, #tpu.memory_space<vmem_shared>> -> memref<802816xf32, #tpu.memory_space<vmem_shared>>
        tpu.wait_indirect_dma semaphore(%run_scoped3A : memref<!tpu.dma_semaphore, #tpu.memory_space<semaphore_mem>>) src(%dma_wait3A_120 : memref<1792xf32, #tpu.memory_space<vmem>>) dst(%dma_wait3A_124 : memref<802816xf32, #tpu.memory_space<vmem_shared>>)
        tpu.yield
      }) : () -> ()
      %barrier3A_75 = arith.constant 0 : index
      tpu.barrier barrier_id(%barrier3A_75)
      %mul3A_76 = arith.constant 16384 : i32
      %mul3A_77 = arith.muli %arg1, %mul3A_76 : i32
      %mul3A_78 = arith.constant 16384 : i32
      %mul3A_79 = arith.muli %arg1, %mul3A_78 : i32
      "tpu.region"() ({
        %run_scoped3A = tpu.sem_alloc : memref<!tpu.dma_semaphore, #tpu.memory_space<semaphore_mem>>
        %dma_start3A = tpu.memref_slice %arg19[%mul3A_79] : memref<262144xf32, #tpu.memory_space<hbm>> -> memref<16384xf32, #tpu.memory_space<hbm>>
        %dma_start3A_115 = tpu.memref_slice %arg21[%mul3A_77] : memref<802816xf32, #tpu.memory_space<vmem_shared>> -> memref<16384xf32, #tpu.memory_space<vmem_shared>>
        tpu.enqueue_dma source(%dma_start3A_115 : memref<16384xf32, #tpu.memory_space<vmem_shared>>) target(%dma_start3A : memref<16384xf32, #tpu.memory_space<hbm>>) target_semaphore(%run_scoped3A : memref<!tpu.dma_semaphore, #tpu.memory_space<semaphore_mem>>)
        %dma_wait3A = tpu.memref_slice %arg19[%mul3A_79] : memref<262144xf32, #tpu.memory_space<hbm>> -> memref<16384xf32, #tpu.memory_space<hbm>>
        %dma_wait3A_116 = tpu.memref_slice %arg21[%mul3A_77] : memref<802816xf32, #tpu.memory_space<vmem_shared>> -> memref<16384xf32, #tpu.memory_space<vmem_shared>>
        tpu.wait_dma2 semaphore(%run_scoped3A : memref<!tpu.dma_semaphore, #tpu.memory_space<semaphore_mem>>) src(%dma_wait3A_116 : memref<16384xf32, #tpu.memory_space<vmem_shared>>) dst(%dma_wait3A : memref<16384xf32, #tpu.memory_space<hbm>>)
        tpu.yield
      }) : () -> ()
      %barrier3A_80 = arith.constant 0 : index
      tpu.barrier barrier_id(%barrier3A_80)
      %mul3A_81 = arith.constant 16384 : i32
      %mul3A_82 = arith.muli %arg1, %mul3A_81 : i32
      %add3A_83 = arith.constant 0 : i32
      %add3A_84 = arith.addi %mul3A_82, %add3A_83 : i32
      "tpu.region"() ({
        %run_scoped3A = tpu.sem_alloc : memref<!tpu.dma_semaphore, #tpu.memory_space<semaphore_mem>>
        %dma_start3A = arith.constant 0 : i32
        %dma_start3A_115 = tpu.memref_slice %arg26[%dma_start3A] : memref<6272xf32, #tpu.memory_space<vmem>> -> memref<2048xf32, #tpu.memory_space<vmem>>
        %dma_start3A_116 = tpu.memref_slice %arg21[%add3A_84] : memref<802816xf32, #tpu.memory_space<vmem_shared>> -> memref<2048xf32, #tpu.memory_space<vmem_shared>>
        %dma_start3A_117 = tpu.memref_slice %arg21[%add3A_84] : memref<802816xf32, #tpu.memory_space<vmem_shared>> -> memref<2048xf32, #tpu.memory_space<vmem_shared>>
        %dma_start3A_118 = arith.constant 0 : i32
        %dma_start3A_119 = tpu.memref_slice %arg26[%dma_start3A_118] : memref<6272xf32, #tpu.memory_space<vmem>> -> memref<2048xf32, #tpu.memory_space<vmem>>
        tpu.enqueue_dma source(%dma_start3A_119 : memref<2048xf32, #tpu.memory_space<vmem>>) target(%dma_start3A_117 : memref<2048xf32, #tpu.memory_space<vmem_shared>>) target_semaphore(%run_scoped3A : memref<!tpu.dma_semaphore, #tpu.memory_space<semaphore_mem>>)
        %dma_wait3A = arith.constant 0 : i32
        %dma_wait3A_120 = tpu.memref_slice %arg26[%dma_wait3A] : memref<6272xf32, #tpu.memory_space<vmem>> -> memref<2048xf32, #tpu.memory_space<vmem>>
        %dma_wait3A_121 = tpu.memref_slice %arg21[%add3A_84] : memref<802816xf32, #tpu.memory_space<vmem_shared>> -> memref<2048xf32, #tpu.memory_space<vmem_shared>>
        %dma_wait3A_122 = tpu.memref_slice %arg21[%add3A_84] : memref<802816xf32, #tpu.memory_space<vmem_shared>> -> memref<2048xf32, #tpu.memory_space<vmem_shared>>
        %dma_wait3A_123 = arith.constant 0 : i32
        %dma_wait3A_124 = tpu.memref_slice %arg26[%dma_wait3A_123] : memref<6272xf32, #tpu.memory_space<vmem>> -> memref<2048xf32, #tpu.memory_space<vmem>>
        tpu.wait_dma2 semaphore(%run_scoped3A : memref<!tpu.dma_semaphore, #tpu.memory_space<semaphore_mem>>) src(%dma_wait3A_124 : memref<2048xf32, #tpu.memory_space<vmem>>) dst(%dma_wait3A_122 : memref<2048xf32, #tpu.memory_space<vmem_shared>>)
        tpu.yield
      }) : () -> ()
      %add3A_85 = arith.constant 2048 : i32
      %add3A_86 = arith.addi %mul3A_82, %add3A_85 : i32
      "tpu.region"() ({
        %run_scoped3A = tpu.sem_alloc : memref<!tpu.dma_semaphore, #tpu.memory_space<semaphore_mem>>
        %dma_start3A = arith.constant 0 : i32
        %dma_start3A_115 = tpu.memref_slice %arg26[%dma_start3A] : memref<6272xf32, #tpu.memory_space<vmem>> -> memref<2048xf32, #tpu.memory_space<vmem>>
        %dma_start3A_116 = tpu.memref_slice %arg21[%add3A_86] : memref<802816xf32, #tpu.memory_space<vmem_shared>> -> memref<2048xf32, #tpu.memory_space<vmem_shared>>
        %dma_start3A_117 = tpu.memref_slice %arg21[%add3A_86] : memref<802816xf32, #tpu.memory_space<vmem_shared>> -> memref<2048xf32, #tpu.memory_space<vmem_shared>>
        %dma_start3A_118 = arith.constant 0 : i32
        %dma_start3A_119 = tpu.memref_slice %arg26[%dma_start3A_118] : memref<6272xf32, #tpu.memory_space<vmem>> -> memref<2048xf32, #tpu.memory_space<vmem>>
        tpu.enqueue_dma source(%dma_start3A_119 : memref<2048xf32, #tpu.memory_space<vmem>>) target(%dma_start3A_117 : memref<2048xf32, #tpu.memory_space<vmem_shared>>) target_semaphore(%run_scoped3A : memref<!tpu.dma_semaphore, #tpu.memory_space<semaphore_mem>>)
        %dma_wait3A = arith.constant 0 : i32
        %dma_wait3A_120 = tpu.memref_slice %arg26[%dma_wait3A] : memref<6272xf32, #tpu.memory_space<vmem>> -> memref<2048xf32, #tpu.memory_space<vmem>>
        %dma_wait3A_121 = tpu.memref_slice %arg21[%add3A_86] : memref<802816xf32, #tpu.memory_space<vmem_shared>> -> memref<2048xf32, #tpu.memory_space<vmem_shared>>
        %dma_wait3A_122 = tpu.memref_slice %arg21[%add3A_86] : memref<802816xf32, #tpu.memory_space<vmem_shared>> -> memref<2048xf32, #tpu.memory_space<vmem_shared>>
        %dma_wait3A_123 = arith.constant 0 : i32
        %dma_wait3A_124 = tpu.memref_slice %arg26[%dma_wait3A_123] : memref<6272xf32, #tpu.memory_space<vmem>> -> memref<2048xf32, #tpu.memory_space<vmem>>
        tpu.wait_dma2 semaphore(%run_scoped3A : memref<!tpu.dma_semaphore, #tpu.memory_space<semaphore_mem>>) src(%dma_wait3A_124 : memref<2048xf32, #tpu.memory_space<vmem>>) dst(%dma_wait3A_122 : memref<2048xf32, #tpu.memory_space<vmem_shared>>)
        tpu.yield
      }) : () -> ()
      %add3A_87 = arith.constant 4096 : i32
      %add3A_88 = arith.addi %mul3A_82, %add3A_87 : i32
      "tpu.region"() ({
        %run_scoped3A = tpu.sem_alloc : memref<!tpu.dma_semaphore, #tpu.memory_space<semaphore_mem>>
        %dma_start3A = arith.constant 0 : i32
        %dma_start3A_115 = tpu.memref_slice %arg26[%dma_start3A] : memref<6272xf32, #tpu.memory_space<vmem>> -> memref<2048xf32, #tpu.memory_space<vmem>>
        %dma_start3A_116 = tpu.memref_slice %arg21[%add3A_88] : memref<802816xf32, #tpu.memory_space<vmem_shared>> -> memref<2048xf32, #tpu.memory_space<vmem_shared>>
        %dma_start3A_117 = tpu.memref_slice %arg21[%add3A_88] : memref<802816xf32, #tpu.memory_space<vmem_shared>> -> memref<2048xf32, #tpu.memory_space<vmem_shared>>
        %dma_start3A_118 = arith.constant 0 : i32
        %dma_start3A_119 = tpu.memref_slice %arg26[%dma_start3A_118] : memref<6272xf32, #tpu.memory_space<vmem>> -> memref<2048xf32, #tpu.memory_space<vmem>>
        tpu.enqueue_dma source(%dma_start3A_119 : memref<2048xf32, #tpu.memory_space<vmem>>) target(%dma_start3A_117 : memref<2048xf32, #tpu.memory_space<vmem_shared>>) target_semaphore(%run_scoped3A : memref<!tpu.dma_semaphore, #tpu.memory_space<semaphore_mem>>)
        %dma_wait3A = arith.constant 0 : i32
        %dma_wait3A_120 = tpu.memref_slice %arg26[%dma_wait3A] : memref<6272xf32, #tpu.memory_space<vmem>> -> memref<2048xf32, #tpu.memory_space<vmem>>
        %dma_wait3A_121 = tpu.memref_slice %arg21[%add3A_88] : memref<802816xf32, #tpu.memory_space<vmem_shared>> -> memref<2048xf32, #tpu.memory_space<vmem_shared>>
        %dma_wait3A_122 = tpu.memref_slice %arg21[%add3A_88] : memref<802816xf32, #tpu.memory_space<vmem_shared>> -> memref<2048xf32, #tpu.memory_space<vmem_shared>>
        %dma_wait3A_123 = arith.constant 0 : i32
        %dma_wait3A_124 = tpu.memref_slice %arg26[%dma_wait3A_123] : memref<6272xf32, #tpu.memory_space<vmem>> -> memref<2048xf32, #tpu.memory_space<vmem>>
        tpu.wait_dma2 semaphore(%run_scoped3A : memref<!tpu.dma_semaphore, #tpu.memory_space<semaphore_mem>>) src(%dma_wait3A_124 : memref<2048xf32, #tpu.memory_space<vmem>>) dst(%dma_wait3A_122 : memref<2048xf32, #tpu.memory_space<vmem_shared>>)
        tpu.yield
      }) : () -> ()
      %add3A_89 = arith.constant 6144 : i32
      %add3A_90 = arith.addi %mul3A_82, %add3A_89 : i32
      "tpu.region"() ({
        %run_scoped3A = tpu.sem_alloc : memref<!tpu.dma_semaphore, #tpu.memory_space<semaphore_mem>>
        %dma_start3A = arith.constant 0 : i32
        %dma_start3A_115 = tpu.memref_slice %arg26[%dma_start3A] : memref<6272xf32, #tpu.memory_space<vmem>> -> memref<2048xf32, #tpu.memory_space<vmem>>
        %dma_start3A_116 = tpu.memref_slice %arg21[%add3A_90] : memref<802816xf32, #tpu.memory_space<vmem_shared>> -> memref<2048xf32, #tpu.memory_space<vmem_shared>>
        %dma_start3A_117 = tpu.memref_slice %arg21[%add3A_90] : memref<802816xf32, #tpu.memory_space<vmem_shared>> -> memref<2048xf32, #tpu.memory_space<vmem_shared>>
        %dma_start3A_118 = arith.constant 0 : i32
        %dma_start3A_119 = tpu.memref_slice %arg26[%dma_start3A_118] : memref<6272xf32, #tpu.memory_space<vmem>> -> memref<2048xf32, #tpu.memory_space<vmem>>
        tpu.enqueue_dma source(%dma_start3A_119 : memref<2048xf32, #tpu.memory_space<vmem>>) target(%dma_start3A_117 : memref<2048xf32, #tpu.memory_space<vmem_shared>>) target_semaphore(%run_scoped3A : memref<!tpu.dma_semaphore, #tpu.memory_space<semaphore_mem>>)
        %dma_wait3A = arith.constant 0 : i32
        %dma_wait3A_120 = tpu.memref_slice %arg26[%dma_wait3A] : memref<6272xf32, #tpu.memory_space<vmem>> -> memref<2048xf32, #tpu.memory_space<vmem>>
        %dma_wait3A_121 = tpu.memref_slice %arg21[%add3A_90] : memref<802816xf32, #tpu.memory_space<vmem_shared>> -> memref<2048xf32, #tpu.memory_space<vmem_shared>>
        %dma_wait3A_122 = tpu.memref_slice %arg21[%add3A_90] : memref<802816xf32, #tpu.memory_space<vmem_shared>> -> memref<2048xf32, #tpu.memory_space<vmem_shared>>
        %dma_wait3A_123 = arith.constant 0 : i32
        %dma_wait3A_124 = tpu.memref_slice %arg26[%dma_wait3A_123] : memref<6272xf32, #tpu.memory_space<vmem>> -> memref<2048xf32, #tpu.memory_space<vmem>>
        tpu.wait_dma2 semaphore(%run_scoped3A : memref<!tpu.dma_semaphore, #tpu.memory_space<semaphore_mem>>) src(%dma_wait3A_124 : memref<2048xf32, #tpu.memory_space<vmem>>) dst(%dma_wait3A_122 : memref<2048xf32, #tpu.memory_space<vmem_shared>>)
        tpu.yield
      }) : () -> ()
      %add3A_91 = arith.constant 8192 : i32
      %add3A_92 = arith.addi %mul3A_82, %add3A_91 : i32
      "tpu.region"() ({
        %run_scoped3A = tpu.sem_alloc : memref<!tpu.dma_semaphore, #tpu.memory_space<semaphore_mem>>
        %dma_start3A = arith.constant 0 : i32
        %dma_start3A_115 = tpu.memref_slice %arg26[%dma_start3A] : memref<6272xf32, #tpu.memory_space<vmem>> -> memref<2048xf32, #tpu.memory_space<vmem>>
        %dma_start3A_116 = tpu.memref_slice %arg21[%add3A_92] : memref<802816xf32, #tpu.memory_space<vmem_shared>> -> memref<2048xf32, #tpu.memory_space<vmem_shared>>
        %dma_start3A_117 = tpu.memref_slice %arg21[%add3A_92] : memref<802816xf32, #tpu.memory_space<vmem_shared>> -> memref<2048xf32, #tpu.memory_space<vmem_shared>>
        %dma_start3A_118 = arith.constant 0 : i32
        %dma_start3A_119 = tpu.memref_slice %arg26[%dma_start3A_118] : memref<6272xf32, #tpu.memory_space<vmem>> -> memref<2048xf32, #tpu.memory_space<vmem>>
        tpu.enqueue_dma source(%dma_start3A_119 : memref<2048xf32, #tpu.memory_space<vmem>>) target(%dma_start3A_117 : memref<2048xf32, #tpu.memory_space<vmem_shared>>) target_semaphore(%run_scoped3A : memref<!tpu.dma_semaphore, #tpu.memory_space<semaphore_mem>>)
        %dma_wait3A = arith.constant 0 : i32
        %dma_wait3A_120 = tpu.memref_slice %arg26[%dma_wait3A] : memref<6272xf32, #tpu.memory_space<vmem>> -> memref<2048xf32, #tpu.memory_space<vmem>>
        %dma_wait3A_121 = tpu.memref_slice %arg21[%add3A_92] : memref<802816xf32, #tpu.memory_space<vmem_shared>> -> memref<2048xf32, #tpu.memory_space<vmem_shared>>
        %dma_wait3A_122 = tpu.memref_slice %arg21[%add3A_92] : memref<802816xf32, #tpu.memory_space<vmem_shared>> -> memref<2048xf32, #tpu.memory_space<vmem_shared>>
        %dma_wait3A_123 = arith.constant 0 : i32
        %dma_wait3A_124 = tpu.memref_slice %arg26[%dma_wait3A_123] : memref<6272xf32, #tpu.memory_space<vmem>> -> memref<2048xf32, #tpu.memory_space<vmem>>
        tpu.wait_dma2 semaphore(%run_scoped3A : memref<!tpu.dma_semaphore, #tpu.memory_space<semaphore_mem>>) src(%dma_wait3A_124 : memref<2048xf32, #tpu.memory_space<vmem>>) dst(%dma_wait3A_122 : memref<2048xf32, #tpu.memory_space<vmem_shared>>)
        tpu.yield
      }) : () -> ()
      %add3A_93 = arith.constant 10240 : i32
      %add3A_94 = arith.addi %mul3A_82, %add3A_93 : i32
      "tpu.region"() ({
        %run_scoped3A = tpu.sem_alloc : memref<!tpu.dma_semaphore, #tpu.memory_space<semaphore_mem>>
        %dma_start3A = arith.constant 0 : i32
        %dma_start3A_115 = tpu.memref_slice %arg26[%dma_start3A] : memref<6272xf32, #tpu.memory_space<vmem>> -> memref<2048xf32, #tpu.memory_space<vmem>>
        %dma_start3A_116 = tpu.memref_slice %arg21[%add3A_94] : memref<802816xf32, #tpu.memory_space<vmem_shared>> -> memref<2048xf32, #tpu.memory_space<vmem_shared>>
        %dma_start3A_117 = tpu.memref_slice %arg21[%add3A_94] : memref<802816xf32, #tpu.memory_space<vmem_shared>> -> memref<2048xf32, #tpu.memory_space<vmem_shared>>
        %dma_start3A_118 = arith.constant 0 : i32
        %dma_start3A_119 = tpu.memref_slice %arg26[%dma_start3A_118] : memref<6272xf32, #tpu.memory_space<vmem>> -> memref<2048xf32, #tpu.memory_space<vmem>>
        tpu.enqueue_dma source(%dma_start3A_119 : memref<2048xf32, #tpu.memory_space<vmem>>) target(%dma_start3A_117 : memref<2048xf32, #tpu.memory_space<vmem_shared>>) target_semaphore(%run_scoped3A : memref<!tpu.dma_semaphore, #tpu.memory_space<semaphore_mem>>)
        %dma_wait3A = arith.constant 0 : i32
        %dma_wait3A_120 = tpu.memref_slice %arg26[%dma_wait3A] : memref<6272xf32, #tpu.memory_space<vmem>> -> memref<2048xf32, #tpu.memory_space<vmem>>
        %dma_wait3A_121 = tpu.memref_slice %arg21[%add3A_94] : memref<802816xf32, #tpu.memory_space<vmem_shared>> -> memref<2048xf32, #tpu.memory_space<vmem_shared>>
        %dma_wait3A_122 = tpu.memref_slice %arg21[%add3A_94] : memref<802816xf32, #tpu.memory_space<vmem_shared>> -> memref<2048xf32, #tpu.memory_space<vmem_shared>>
        %dma_wait3A_123 = arith.constant 0 : i32
        %dma_wait3A_124 = tpu.memref_slice %arg26[%dma_wait3A_123] : memref<6272xf32, #tpu.memory_space<vmem>> -> memref<2048xf32, #tpu.memory_space<vmem>>
        tpu.wait_dma2 semaphore(%run_scoped3A : memref<!tpu.dma_semaphore, #tpu.memory_space<semaphore_mem>>) src(%dma_wait3A_124 : memref<2048xf32, #tpu.memory_space<vmem>>) dst(%dma_wait3A_122 : memref<2048xf32, #tpu.memory_space<vmem_shared>>)
        tpu.yield
      }) : () -> ()
      %add3A_95 = arith.constant 12288 : i32
      %add3A_96 = arith.addi %mul3A_82, %add3A_95 : i32
      "tpu.region"() ({
        %run_scoped3A = tpu.sem_alloc : memref<!tpu.dma_semaphore, #tpu.memory_space<semaphore_mem>>
        %dma_start3A = arith.constant 0 : i32
        %dma_start3A_115 = tpu.memref_slice %arg26[%dma_start3A] : memref<6272xf32, #tpu.memory_space<vmem>> -> memref<2048xf32, #tpu.memory_space<vmem>>
        %dma_start3A_116 = tpu.memref_slice %arg21[%add3A_96] : memref<802816xf32, #tpu.memory_space<vmem_shared>> -> memref<2048xf32, #tpu.memory_space<vmem_shared>>
        %dma_start3A_117 = tpu.memref_slice %arg21[%add3A_96] : memref<802816xf32, #tpu.memory_space<vmem_shared>> -> memref<2048xf32, #tpu.memory_space<vmem_shared>>
        %dma_start3A_118 = arith.constant 0 : i32
        %dma_start3A_119 = tpu.memref_slice %arg26[%dma_start3A_118] : memref<6272xf32, #tpu.memory_space<vmem>> -> memref<2048xf32, #tpu.memory_space<vmem>>
        tpu.enqueue_dma source(%dma_start3A_119 : memref<2048xf32, #tpu.memory_space<vmem>>) target(%dma_start3A_117 : memref<2048xf32, #tpu.memory_space<vmem_shared>>) target_semaphore(%run_scoped3A : memref<!tpu.dma_semaphore, #tpu.memory_space<semaphore_mem>>)
        %dma_wait3A = arith.constant 0 : i32
        %dma_wait3A_120 = tpu.memref_slice %arg26[%dma_wait3A] : memref<6272xf32, #tpu.memory_space<vmem>> -> memref<2048xf32, #tpu.memory_space<vmem>>
        %dma_wait3A_121 = tpu.memref_slice %arg21[%add3A_96] : memref<802816xf32, #tpu.memory_space<vmem_shared>> -> memref<2048xf32, #tpu.memory_space<vmem_shared>>
        %dma_wait3A_122 = tpu.memref_slice %arg21[%add3A_96] : memref<802816xf32, #tpu.memory_space<vmem_shared>> -> memref<2048xf32, #tpu.memory_space<vmem_shared>>
        %dma_wait3A_123 = arith.constant 0 : i32
        %dma_wait3A_124 = tpu.memref_slice %arg26[%dma_wait3A_123] : memref<6272xf32, #tpu.memory_space<vmem>> -> memref<2048xf32, #tpu.memory_space<vmem>>
        tpu.wait_dma2 semaphore(%run_scoped3A : memref<!tpu.dma_semaphore, #tpu.memory_space<semaphore_mem>>) src(%dma_wait3A_124 : memref<2048xf32, #tpu.memory_space<vmem>>) dst(%dma_wait3A_122 : memref<2048xf32, #tpu.memory_space<vmem_shared>>)
        tpu.yield
      }) : () -> ()
      %add3A_97 = arith.constant 14336 : i32
      %add3A_98 = arith.addi %mul3A_82, %add3A_97 : i32
      "tpu.region"() ({
        %run_scoped3A = tpu.sem_alloc : memref<!tpu.dma_semaphore, #tpu.memory_space<semaphore_mem>>
        %dma_start3A = arith.constant 0 : i32
        %dma_start3A_115 = tpu.memref_slice %arg26[%dma_start3A] : memref<6272xf32, #tpu.memory_space<vmem>> -> memref<2048xf32, #tpu.memory_space<vmem>>
        %dma_start3A_116 = tpu.memref_slice %arg21[%add3A_98] : memref<802816xf32, #tpu.memory_space<vmem_shared>> -> memref<2048xf32, #tpu.memory_space<vmem_shared>>
        %dma_start3A_117 = tpu.memref_slice %arg21[%add3A_98] : memref<802816xf32, #tpu.memory_space<vmem_shared>> -> memref<2048xf32, #tpu.memory_space<vmem_shared>>
        %dma_start3A_118 = arith.constant 0 : i32
        %dma_start3A_119 = tpu.memref_slice %arg26[%dma_start3A_118] : memref<6272xf32, #tpu.memory_space<vmem>> -> memref<2048xf32, #tpu.memory_space<vmem>>
        tpu.enqueue_dma source(%dma_start3A_119 : memref<2048xf32, #tpu.memory_space<vmem>>) target(%dma_start3A_117 : memref<2048xf32, #tpu.memory_space<vmem_shared>>) target_semaphore(%run_scoped3A : memref<!tpu.dma_semaphore, #tpu.memory_space<semaphore_mem>>)
        %dma_wait3A = arith.constant 0 : i32
        %dma_wait3A_120 = tpu.memref_slice %arg26[%dma_wait3A] : memref<6272xf32, #tpu.memory_space<vmem>> -> memref<2048xf32, #tpu.memory_space<vmem>>
        %dma_wait3A_121 = tpu.memref_slice %arg21[%add3A_98] : memref<802816xf32, #tpu.memory_space<vmem_shared>> -> memref<2048xf32, #tpu.memory_space<vmem_shared>>
        %dma_wait3A_122 = tpu.memref_slice %arg21[%add3A_98] : memref<802816xf32, #tpu.memory_space<vmem_shared>> -> memref<2048xf32, #tpu.memory_space<vmem_shared>>
        %dma_wait3A_123 = arith.constant 0 : i32
        %dma_wait3A_124 = tpu.memref_slice %arg26[%dma_wait3A_123] : memref<6272xf32, #tpu.memory_space<vmem>> -> memref<2048xf32, #tpu.memory_space<vmem>>
        tpu.wait_dma2 semaphore(%run_scoped3A : memref<!tpu.dma_semaphore, #tpu.memory_space<semaphore_mem>>) src(%dma_wait3A_124 : memref<2048xf32, #tpu.memory_space<vmem>>) dst(%dma_wait3A_122 : memref<2048xf32, #tpu.memory_space<vmem_shared>>)
        tpu.yield
      }) : () -> ()
      %mul3A_99 = arith.constant 1792 : i32
      %mul3A_100 = arith.muli %arg1, %mul3A_99 : i32
      "tpu.region"() ({
        %run_scoped3A = tpu.sem_alloc : memref<!tpu.dma_semaphore, #tpu.memory_space<semaphore_mem>>
        %dma_start3A = arith.constant 0 : i32
        %dma_start3A_115 = tpu.memref_slice %arg22[%dma_start3A] : memref<3328xi32, #tpu.memory_space<vmem>> -> memref<1792xi32, #tpu.memory_space<vmem>>
        %dma_start3A_116 = tpu.memref_slice %arg12[%mul3A_100] : memref<28672xi32, #tpu.memory_space<hbm>> -> memref<1792xi32, #tpu.memory_space<hbm>>
        %dma_start3A_117 = arith.constant 0 : i32
        %dma_start3A_118 = tpu.memref_slice %arg22[%dma_start3A_117] : memref<3328xi32, #tpu.memory_space<vmem>> -> memref<1792xi32, #tpu.memory_space<vmem>>
        %dma_start3A_119 = tpu.memref_slice %arg12[%mul3A_100] : memref<28672xi32, #tpu.memory_space<hbm>> -> memref<1792xi32, #tpu.memory_space<hbm>>
        tpu.enqueue_dma source(%dma_start3A_119 : memref<1792xi32, #tpu.memory_space<hbm>>) target(%dma_start3A_118 : memref<1792xi32, #tpu.memory_space<vmem>>) target_semaphore(%run_scoped3A : memref<!tpu.dma_semaphore, #tpu.memory_space<semaphore_mem>>)
        %dma_wait3A = arith.constant 0 : i32
        %dma_wait3A_120 = tpu.memref_slice %arg22[%dma_wait3A] : memref<3328xi32, #tpu.memory_space<vmem>> -> memref<1792xi32, #tpu.memory_space<vmem>>
        %dma_wait3A_121 = tpu.memref_slice %arg12[%mul3A_100] : memref<28672xi32, #tpu.memory_space<hbm>> -> memref<1792xi32, #tpu.memory_space<hbm>>
        %dma_wait3A_122 = arith.constant 0 : i32
        %dma_wait3A_123 = tpu.memref_slice %arg22[%dma_wait3A_122] : memref<3328xi32, #tpu.memory_space<vmem>> -> memref<1792xi32, #tpu.memory_space<vmem>>
        %dma_wait3A_124 = tpu.memref_slice %arg12[%mul3A_100] : memref<28672xi32, #tpu.memory_space<hbm>> -> memref<1792xi32, #tpu.memory_space<hbm>>
        tpu.wait_dma2 semaphore(%run_scoped3A : memref<!tpu.dma_semaphore, #tpu.memory_space<semaphore_mem>>) src(%dma_wait3A_124 : memref<1792xi32, #tpu.memory_space<hbm>>) dst(%dma_wait3A_123 : memref<1792xi32, #tpu.memory_space<vmem>>)
        tpu.yield
      }) : () -> ()
      %mul3A_101 = arith.constant 1792 : i32
      %mul3A_102 = arith.muli %arg1, %mul3A_101 : i32
      "tpu.region"() ({
        %run_scoped3A = tpu.sem_alloc : memref<!tpu.dma_semaphore, #tpu.memory_space<semaphore_mem>>
        %dma_start3A = arith.constant 0 : i32
        %dma_start3A_115 = tpu.memref_slice %arg23[%dma_start3A] : memref<3328xi32, #tpu.memory_space<vmem>> -> memref<1792xi32, #tpu.memory_space<vmem>>
        %dma_start3A_116 = tpu.memref_slice %arg13[%mul3A_102] : memref<28672xi32, #tpu.memory_space<hbm>> -> memref<1792xi32, #tpu.memory_space<hbm>>
        %dma_start3A_117 = arith.constant 0 : i32
        %dma_start3A_118 = tpu.memref_slice %arg23[%dma_start3A_117] : memref<3328xi32, #tpu.memory_space<vmem>> -> memref<1792xi32, #tpu.memory_space<vmem>>
        %dma_start3A_119 = tpu.memref_slice %arg13[%mul3A_102] : memref<28672xi32, #tpu.memory_space<hbm>> -> memref<1792xi32, #tpu.memory_space<hbm>>
        tpu.enqueue_dma source(%dma_start3A_119 : memref<1792xi32, #tpu.memory_space<hbm>>) target(%dma_start3A_118 : memref<1792xi32, #tpu.memory_space<vmem>>) target_semaphore(%run_scoped3A : memref<!tpu.dma_semaphore, #tpu.memory_space<semaphore_mem>>)
        %dma_wait3A = arith.constant 0 : i32
        %dma_wait3A_120 = tpu.memref_slice %arg23[%dma_wait3A] : memref<3328xi32, #tpu.memory_space<vmem>> -> memref<1792xi32, #tpu.memory_space<vmem>>
        %dma_wait3A_121 = tpu.memref_slice %arg13[%mul3A_102] : memref<28672xi32, #tpu.memory_space<hbm>> -> memref<1792xi32, #tpu.memory_space<hbm>>
        %dma_wait3A_122 = arith.constant 0 : i32
        %dma_wait3A_123 = tpu.memref_slice %arg23[%dma_wait3A_122] : memref<3328xi32, #tpu.memory_space<vmem>> -> memref<1792xi32, #tpu.memory_space<vmem>>
        %dma_wait3A_124 = tpu.memref_slice %arg13[%mul3A_102] : memref<28672xi32, #tpu.memory_space<hbm>> -> memref<1792xi32, #tpu.memory_space<hbm>>
        tpu.wait_dma2 semaphore(%run_scoped3A : memref<!tpu.dma_semaphore, #tpu.memory_space<semaphore_mem>>) src(%dma_wait3A_124 : memref<1792xi32, #tpu.memory_space<hbm>>) dst(%dma_wait3A_123 : memref<1792xi32, #tpu.memory_space<vmem>>)
        tpu.yield
      }) : () -> ()
      %scan3A_103 = arith.constant 0 : i32
      %scan3A_104 = arith.constant 0 : i32
      %scan3A_105 = arith.constant 112 : i32
      %scan3A_106 = arith.addi %scan3A_104, %scan3A_105 : i32
      %scan3A_107 = arith.constant 8 : i32
      scf.for %scan3A_115 = %scan3A_104 to %scan3A_106 step %scan3A_107  : i32 {
        %mul3A_116 = arith.constant 16 : i32
        %mul3A_117 = arith.muli %scan3A_115, %mul3A_116 : i32
        %get3A = arith.index_cast %mul3A_117 : i32 to index
        %get3A_118 = tpu.vector_load %arg23[%get3A] {strides = array<i32>} : memref<3328xi32, #tpu.memory_space<vmem>>, vector<16xi32>,
        %mul3A_119 = arith.constant 512 : i32
        %mul3A_120 = vector.broadcast %mul3A_119 : i32 to vector<16xi32>
        %mul3A_121 = arith.muli %get3A_118, %mul3A_120 : vector<16xi32>
        %mul3A_122 = arith.constant 16 : i32
        %mul3A_123 = arith.muli %scan3A_115, %mul3A_122 : i32
        %get3A_124 = arith.index_cast %mul3A_123 : i32 to index
        %get3A_125 = tpu.vector_load %arg22[%get3A_124] {strides = array<i32>} : memref<3328xi32, #tpu.memory_space<vmem>>, vector<16xi32>,
        %add3A_126 = arith.addi %mul3A_121, %get3A_125 : vector<16xi32>
        %mul3A_127 = arith.constant 16 : i32
        %mul3A_128 = arith.muli %scan3A_115, %mul3A_127 : i32
        %swap3A = arith.index_cast %mul3A_128 : i32 to index
        %swap3A_129 = tpu.vector_load %arg24[%swap3A] {strides = array<i32>} : memref<3328xi32, #tpu.memory_space<vmem>>, vector<16xi32>,
        tpu.vector_store %arg24[%swap3A], %add3A_126 {strides = array<i32>} : memref<3328xi32, #tpu.memory_space<vmem>>, vector<16xi32>,
        %scan3A_130 = arith.constant 1 : i32
        %scan3A_131 = arith.addi %scan3A_115, %scan3A_130 : i32
        %mul3A_132 = arith.constant 16 : i32
        %mul3A_133 = arith.muli %scan3A_131, %mul3A_132 : i32
        %get3A_134 = arith.index_cast %mul3A_133 : i32 to index
        %get3A_135 = tpu.vector_load %arg23[%get3A_134] {strides = array<i32>} : memref<3328xi32, #tpu.memory_space<vmem>>, vector<16xi32>,
        %mul3A_136 = arith.constant 512 : i32
        %mul3A_137 = vector.broadcast %mul3A_136 : i32 to vector<16xi32>
        %mul3A_138 = arith.muli %get3A_135, %mul3A_137 : vector<16xi32>
        %mul3A_139 = arith.constant 16 : i32
        %mul3A_140 = arith.muli %scan3A_131, %mul3A_139 : i32
        %get3A_141 = arith.index_cast %mul3A_140 : i32 to index
        %get3A_142 = tpu.vector_load %arg22[%get3A_141] {strides = array<i32>} : memref<3328xi32, #tpu.memory_space<vmem>>, vector<16xi32>,
        %add3A_143 = arith.addi %mul3A_138, %get3A_142 : vector<16xi32>
        %mul3A_144 = arith.constant 16 : i32
        %mul3A_145 = arith.muli %scan3A_131, %mul3A_144 : i32
        %swap3A_146 = arith.index_cast %mul3A_145 : i32 to index
        %swap3A_147 = tpu.vector_load %arg24[%swap3A_146] {strides = array<i32>} : memref<3328xi32, #tpu.memory_space<vmem>>, vector<16xi32>,
        tpu.vector_store %arg24[%swap3A_146], %add3A_143 {strides = array<i32>} : memref<3328xi32, #tpu.memory_space<vmem>>, vector<16xi32>,
        %scan3A_148 = arith.constant 2 : i32
        %scan3A_149 = arith.addi %scan3A_115, %scan3A_148 : i32
        %mul3A_150 = arith.constant 16 : i32
        %mul3A_151 = arith.muli %scan3A_149, %mul3A_150 : i32
        %get3A_152 = arith.index_cast %mul3A_151 : i32 to index
        %get3A_153 = tpu.vector_load %arg23[%get3A_152] {strides = array<i32>} : memref<3328xi32, #tpu.memory_space<vmem>>, vector<16xi32>,
        %mul3A_154 = arith.constant 512 : i32
        %mul3A_155 = vector.broadcast %mul3A_154 : i32 to vector<16xi32>
        %mul3A_156 = arith.muli %get3A_153, %mul3A_155 : vector<16xi32>
        %mul3A_157 = arith.constant 16 : i32
        %mul3A_158 = arith.muli %scan3A_149, %mul3A_157 : i32
        %get3A_159 = arith.index_cast %mul3A_158 : i32 to index
        %get3A_160 = tpu.vector_load %arg22[%get3A_159] {strides = array<i32>} : memref<3328xi32, #tpu.memory_space<vmem>>, vector<16xi32>,
        %add3A_161 = arith.addi %mul3A_156, %get3A_160 : vector<16xi32>
        %mul3A_162 = arith.constant 16 : i32
        %mul3A_163 = arith.muli %scan3A_149, %mul3A_162 : i32
        %swap3A_164 = arith.index_cast %mul3A_163 : i32 to index
        %swap3A_165 = tpu.vector_load %arg24[%swap3A_164] {strides = array<i32>} : memref<3328xi32, #tpu.memory_space<vmem>>, vector<16xi32>,
        tpu.vector_store %arg24[%swap3A_164], %add3A_161 {strides = array<i32>} : memref<3328xi32, #tpu.memory_space<vmem>>, vector<16xi32>,
        %scan3A_166 = arith.constant 3 : i32
        %scan3A_167 = arith.addi %scan3A_115, %scan3A_166 : i32
        %mul3A_168 = arith.constant 16 : i32
        %mul3A_169 = arith.muli %scan3A_167, %mul3A_168 : i32
        %get3A_170 = arith.index_cast %mul3A_169 : i32 to index
        %get3A_171 = tpu.vector_load %arg23[%get3A_170] {strides = array<i32>} : memref<3328xi32, #tpu.memory_space<vmem>>, vector<16xi32>,
        %mul3A_172 = arith.constant 512 : i32
        %mul3A_173 = vector.broadcast %mul3A_172 : i32 to vector<16xi32>
        %mul3A_174 = arith.muli %get3A_171, %mul3A_173 : vector<16xi32>
        %mul3A_175 = arith.constant 16 : i32
        %mul3A_176 = arith.muli %scan3A_167, %mul3A_175 : i32
        %get3A_177 = arith.index_cast %mul3A_176 : i32 to index
        %get3A_178 = tpu.vector_load %arg22[%get3A_177] {strides = array<i32>} : memref<3328xi32, #tpu.memory_space<vmem>>, vector<16xi32>,
        %add3A_179 = arith.addi %mul3A_174, %get3A_178 : vector<16xi32>
        %mul3A_180 = arith.constant 16 : i32
        %mul3A_181 = arith.muli %scan3A_167, %mul3A_180 : i32
        %swap3A_182 = arith.index_cast %mul3A_181 : i32 to index
        %swap3A_183 = tpu.vector_load %arg24[%swap3A_182] {strides = array<i32>} : memref<3328xi32, #tpu.memory_space<vmem>>, vector<16xi32>,
        tpu.vector_store %arg24[%swap3A_182], %add3A_179 {strides = array<i32>} : memref<3328xi32, #tpu.memory_space<vmem>>, vector<16xi32>,
        %scan3A_184 = arith.constant 4 : i32
        %scan3A_185 = arith.addi %scan3A_115, %scan3A_184 : i32
        %mul3A_186 = arith.constant 16 : i32
        %mul3A_187 = arith.muli %scan3A_185, %mul3A_186 : i32
        %get3A_188 = arith.index_cast %mul3A_187 : i32 to index
        %get3A_189 = tpu.vector_load %arg23[%get3A_188] {strides = array<i32>} : memref<3328xi32, #tpu.memory_space<vmem>>, vector<16xi32>,
        %mul3A_190 = arith.constant 512 : i32
        %mul3A_191 = vector.broadcast %mul3A_190 : i32 to vector<16xi32>
        %mul3A_192 = arith.muli %get3A_189, %mul3A_191 : vector<16xi32>
        %mul3A_193 = arith.constant 16 : i32
        %mul3A_194 = arith.muli %scan3A_185, %mul3A_193 : i32
        %get3A_195 = arith.index_cast %mul3A_194 : i32 to index
        %get3A_196 = tpu.vector_load %arg22[%get3A_195] {strides = array<i32>} : memref<3328xi32, #tpu.memory_space<vmem>>, vector<16xi32>,
        %add3A_197 = arith.addi %mul3A_192, %get3A_196 : vector<16xi32>
        %mul3A_198 = arith.constant 16 : i32
        %mul3A_199 = arith.muli %scan3A_185, %mul3A_198 : i32
        %swap3A_200 = arith.index_cast %mul3A_199 : i32 to index
        %swap3A_201 = tpu.vector_load %arg24[%swap3A_200] {strides = array<i32>} : memref<3328xi32, #tpu.memory_space<vmem>>, vector<16xi32>,
        tpu.vector_store %arg24[%swap3A_200], %add3A_197 {strides = array<i32>} : memref<3328xi32, #tpu.memory_space<vmem>>, vector<16xi32>,
        %scan3A_202 = arith.constant 5 : i32
        %scan3A_203 = arith.addi %scan3A_115, %scan3A_202 : i32
        %mul3A_204 = arith.constant 16 : i32
        %mul3A_205 = arith.muli %scan3A_203, %mul3A_204 : i32
        %get3A_206 = arith.index_cast %mul3A_205 : i32 to index
        %get3A_207 = tpu.vector_load %arg23[%get3A_206] {strides = array<i32>} : memref<3328xi32, #tpu.memory_space<vmem>>, vector<16xi32>,
        %mul3A_208 = arith.constant 512 : i32
        %mul3A_209 = vector.broadcast %mul3A_208 : i32 to vector<16xi32>
        %mul3A_210 = arith.muli %get3A_207, %mul3A_209 : vector<16xi32>
        %mul3A_211 = arith.constant 16 : i32
        %mul3A_212 = arith.muli %scan3A_203, %mul3A_211 : i32
        %get3A_213 = arith.index_cast %mul3A_212 : i32 to index
        %get3A_214 = tpu.vector_load %arg22[%get3A_213] {strides = array<i32>} : memref<3328xi32, #tpu.memory_space<vmem>>, vector<16xi32>,
        %add3A_215 = arith.addi %mul3A_210, %get3A_214 : vector<16xi32>
        %mul3A_216 = arith.constant 16 : i32
        %mul3A_217 = arith.muli %scan3A_203, %mul3A_216 : i32
        %swap3A_218 = arith.index_cast %mul3A_217 : i32 to index
        %swap3A_219 = tpu.vector_load %arg24[%swap3A_218] {strides = array<i32>} : memref<3328xi32, #tpu.memory_space<vmem>>, vector<16xi32>,
        tpu.vector_store %arg24[%swap3A_218], %add3A_215 {strides = array<i32>} : memref<3328xi32, #tpu.memory_space<vmem>>, vector<16xi32>,
        %scan3A_220 = arith.constant 6 : i32
        %scan3A_221 = arith.addi %scan3A_115, %scan3A_220 : i32
        %mul3A_222 = arith.constant 16 : i32
        %mul3A_223 = arith.muli %scan3A_221, %mul3A_222 : i32
        %get3A_224 = arith.index_cast %mul3A_223 : i32 to index
        %get3A_225 = tpu.vector_load %arg23[%get3A_224] {strides = array<i32>} : memref<3328xi32, #tpu.memory_space<vmem>>, vector<16xi32>,
        %mul3A_226 = arith.constant 512 : i32
        %mul3A_227 = vector.broadcast %mul3A_226 : i32 to vector<16xi32>
        %mul3A_228 = arith.muli %get3A_225, %mul3A_227 : vector<16xi32>
        %mul3A_229 = arith.constant 16 : i32
        %mul3A_230 = arith.muli %scan3A_221, %mul3A_229 : i32
        %get3A_231 = arith.index_cast %mul3A_230 : i32 to index
        %get3A_232 = tpu.vector_load %arg22[%get3A_231] {strides = array<i32>} : memref<3328xi32, #tpu.memory_space<vmem>>, vector<16xi32>,
        %add3A_233 = arith.addi %mul3A_228, %get3A_232 : vector<16xi32>
        %mul3A_234 = arith.constant 16 : i32
        %mul3A_235 = arith.muli %scan3A_221, %mul3A_234 : i32
        %swap3A_236 = arith.index_cast %mul3A_235 : i32 to index
        %swap3A_237 = tpu.vector_load %arg24[%swap3A_236] {strides = array<i32>} : memref<3328xi32, #tpu.memory_space<vmem>>, vector<16xi32>,
        tpu.vector_store %arg24[%swap3A_236], %add3A_233 {strides = array<i32>} : memref<3328xi32, #tpu.memory_space<vmem>>, vector<16xi32>,
        %scan3A_238 = arith.constant 7 : i32
        %scan3A_239 = arith.addi %scan3A_115, %scan3A_238 : i32
        %mul3A_240 = arith.constant 16 : i32
        %mul3A_241 = arith.muli %scan3A_239, %mul3A_240 : i32
        %get3A_242 = arith.index_cast %mul3A_241 : i32 to index
        %get3A_243 = tpu.vector_load %arg23[%get3A_242] {strides = array<i32>} : memref<3328xi32, #tpu.memory_space<vmem>>, vector<16xi32>,
        %mul3A_244 = arith.constant 512 : i32
        %mul3A_245 = vector.broadcast %mul3A_244 : i32 to vector<16xi32>
        %mul3A_246 = arith.muli %get3A_243, %mul3A_245 : vector<16xi32>
        %mul3A_247 = arith.constant 16 : i32
        %mul3A_248 = arith.muli %scan3A_239, %mul3A_247 : i32
        %get3A_249 = arith.index_cast %mul3A_248 : i32 to index
        %get3A_250 = tpu.vector_load %arg22[%get3A_249] {strides = array<i32>} : memref<3328xi32, #tpu.memory_space<vmem>>, vector<16xi32>,
        %add3A_251 = arith.addi %mul3A_246, %get3A_250 : vector<16xi32>
        %mul3A_252 = arith.constant 16 : i32
        %mul3A_253 = arith.muli %scan3A_239, %mul3A_252 : i32
        %swap3A_254 = arith.index_cast %mul3A_253 : i32 to index
        %swap3A_255 = tpu.vector_load %arg24[%swap3A_254] {strides = array<i32>} : memref<3328xi32, #tpu.memory_space<vmem>>, vector<16xi32>,
        tpu.vector_store %arg24[%swap3A_254], %add3A_251 {strides = array<i32>} : memref<3328xi32, #tpu.memory_space<vmem>>, vector<16xi32>,
      }
      %scan3A_108 = arith.constant 112 : i32
      %barrier3A_109 = arith.constant 0 : index
      tpu.barrier barrier_id(%barrier3A_109)
      "tpu.region"() ({
        %run_scoped3A = tpu.sem_alloc : memref<!tpu.dma_semaphore, #tpu.memory_space<semaphore_mem>>
        %dma_start3A = arith.constant 0 : i32
        %dma_start3A_115 = tpu.memref_slice %arg25[%dma_start3A] : memref<3328xf32, #tpu.memory_space<vmem>> -> memref<1792xf32, #tpu.memory_space<vmem>>
        %dma_start3A_116 = arith.constant 0 : i32
        %dma_start3A_117 = tpu.memref_slice %arg24[%dma_start3A_116] : memref<3328xi32, #tpu.memory_space<vmem>> -> memref<1792xi32, #tpu.memory_space<vmem>>
        %dma_start3A_118 = arith.constant 0 : i32
        %dma_start3A_119 = tpu.memref_slice %arg21[%dma_start3A_118] : memref<802816xf32, #tpu.memory_space<vmem_shared>> -> memref<802816xf32, #tpu.memory_space<vmem_shared>>
        tpu.enqueue_indirect_dma source(%dma_start3A_115 : memref<1792xf32, #tpu.memory_space<vmem>>) target(%dma_start3A_119 : memref<802816xf32, #tpu.memory_space<vmem_shared>>) offsets(%dma_start3A_117 : memref<1792xi32, #tpu.memory_space<vmem>>) semaphore(%run_scoped3A : memref<!tpu.dma_semaphore, #tpu.memory_space<semaphore_mem>>) {add = true}
        %dma_wait3A = arith.constant 0 : i32
        %dma_wait3A_120 = tpu.memref_slice %arg25[%dma_wait3A] : memref<3328xf32, #tpu.memory_space<vmem>> -> memref<1792xf32, #tpu.memory_space<vmem>>
        %dma_wait3A_121 = arith.constant 0 : i32
        %dma_wait3A_122 = tpu.memref_slice %arg24[%dma_wait3A_121] : memref<3328xi32, #tpu.memory_space<vmem>> -> memref<1792xi32, #tpu.memory_space<vmem>>
        %dma_wait3A_123 = arith.constant 0 : i32
        %dma_wait3A_124 = tpu.memref_slice %arg21[%dma_wait3A_123] : memref<802816xf32, #tpu.memory_space<vmem_shared>> -> memref<802816xf32, #tpu.memory_space<vmem_shared>>
        tpu.wait_indirect_dma semaphore(%run_scoped3A : memref<!tpu.dma_semaphore, #tpu.memory_space<semaphore_mem>>) src(%dma_wait3A_120 : memref<1792xf32, #tpu.memory_space<vmem>>) dst(%dma_wait3A_124 : memref<802816xf32, #tpu.memory_space<vmem_shared>>)
        tpu.yield
      }) : () -> ()
      %barrier3A_110 = arith.constant 0 : index
      tpu.barrier barrier_id(%barrier3A_110)
      %mul3A_111 = arith.constant 16384 : i32
      %mul3A_112 = arith.muli %arg1, %mul3A_111 : i32
      %mul3A_113 = arith.constant 16384 : i32
      %mul3A_114 = arith.muli %arg1, %mul3A_113 : i32
      "tpu.region"() ({
        %run_scoped3A = tpu.sem_alloc : memref<!tpu.dma_semaphore, #tpu.memory_space<semaphore_mem>>
        %dma_start3A = tpu.memref_slice %arg20[%mul3A_114] : memref<262144xf32, #tpu.memory_space<hbm>> -> memref<16384xf32, #tpu.memory_space<hbm>>
        %dma_start3A_115 = tpu.memref_slice %arg21[%mul3A_112] : memref<802816xf32, #tpu.memory_space<vmem_shared>> -> memref<16384xf32, #tpu.memory_space<vmem_shared>>
        tpu.enqueue_dma source(%dma_start3A_115 : memref<16384xf32, #tpu.memory_space<vmem_shared>>) target(%dma_start3A : memref<16384xf32, #tpu.memory_space<hbm>>) target_semaphore(%run_scoped3A : memref<!tpu.dma_semaphore, #tpu.memory_space<semaphore_mem>>)
        %dma_wait3A = tpu.memref_slice %arg20[%mul3A_114] : memref<262144xf32, #tpu.memory_space<hbm>> -> memref<16384xf32, #tpu.memory_space<hbm>>
        %dma_wait3A_116 = tpu.memref_slice %arg21[%mul3A_112] : memref<802816xf32, #tpu.memory_space<vmem_shared>> -> memref<16384xf32, #tpu.memory_space<vmem_shared>>
        tpu.wait_dma2 semaphore(%run_scoped3A : memref<!tpu.dma_semaphore, #tpu.memory_space<semaphore_mem>>) src(%dma_wait3A_116 : memref<16384xf32, #tpu.memory_space<vmem_shared>>) dst(%dma_wait3A : memref<16384xf32, #tpu.memory_space<hbm>>)
        tpu.yield
      }) : () -> ()
    } else {
    }
    return
  }
}

module attributes {stable_mosaic.version = 14 : i64} {
  func.func @_herbinput_body(%arg0: memref<811x256xf32, #tpu.memory_space<vmem>>, %arg1: memref<811x35xf32, #tpu.memory_space<vmem>>, %arg2: memref<35x256xf32, #tpu.memory_space<vmem>>, %arg3: memref<811x256xf32, #tpu.memory_space<vmem>>) attributes {dimension_semantics = [], scalar_prefetch = 0 : i64, scratch_operands = 0 : i64, tpu.core_type = #tpu.core_type<tc>} {
    %get3A = arith.constant 0 : index
    %get3A_0 = arith.constant 0 : index
    %get3A_1 = vector.load %arg1[%get3A, %get3A_0] : memref<811x35xf32, #tpu.memory_space<vmem>>, vector<811x35xf32>
    %get3A_2 = arith.constant 0 : index
    %get3A_3 = arith.constant 0 : index
    %get3A_4 = vector.load %arg2[%get3A_2, %get3A_3] : memref<35x256xf32, #tpu.memory_space<vmem>>, vector<35x256xf32>
    %dot_general3A = arith.constant dense<0.000000e+00> : vector<811x256xf32>
    %dot_general3A_5 = tpu.matmul %get3A_1, %get3A_4, %dot_general3A {dimension_numbers = #tpu.dot_dimension_numbers<[1], [0], [0], [1], [0, 0, 1, 1], [], []>, transpose_lhs_hint = false} : vector<811x35xf32>, vector<35x256xf32>, vector<811x256xf32> -> vector<811x256xf32>
    %get3A_6 = arith.constant 0 : index
    %get3A_7 = arith.constant 0 : index
    %get3A_8 = vector.load %arg0[%get3A_6, %get3A_7] : memref<811x256xf32, #tpu.memory_space<vmem>>, vector<811x256xf32>
    %add3A = arith.addf %get3A_8, %dot_general3A_5 : vector<811x256xf32>
    %mul3A = arith.constant 5.000000e-01 : f32
    %mul3A_9 = vector.broadcast %mul3A : f32 to vector<811x256xf32>
    %mul3A_10 = arith.mulf %add3A, %mul3A_9 : vector<811x256xf32>
    %swap3A = arith.constant 0 : index
    %swap3A_11 = arith.constant 0 : index
    %swap3A_12 = vector.load %arg3[%swap3A, %swap3A_11] : memref<811x256xf32, #tpu.memory_space<vmem>>, vector<811x256xf32>
    tpu.vector_store %arg3[%swap3A, %swap3A_11], %mul3A_10 {strides = array<i32>} : memref<811x256xf32, #tpu.memory_space<vmem>>, vector<811x256xf32>,
    return
  }
}

module attributes {stable_mosaic.version = 14 : i64} {
  func.func @_attr_body(%arg0: memref<35x256xf32, #tpu.memory_space<vmem>>, %arg1: memref<256x256xf32, #tpu.memory_space<vmem>>, %arg2: memref<1x256xf32, #tpu.memory_space<vmem>>, %arg3: memref<35x256xf32, #tpu.memory_space<vmem>>) attributes {dimension_semantics = [], scalar_prefetch = 0 : i64, scratch_operands = 0 : i64, tpu.core_type = #tpu.core_type<tc>} {
    %get3A = arith.constant 0 : index
    %get3A_0 = arith.constant 0 : index
    %get3A_1 = vector.load %arg0[%get3A, %get3A_0] : memref<35x256xf32, #tpu.memory_space<vmem>>, vector<35x256xf32>
    %get3A_2 = arith.constant 0 : index
    %get3A_3 = arith.constant 0 : index
    %get3A_4 = vector.load %arg1[%get3A_2, %get3A_3] : memref<256x256xf32, #tpu.memory_space<vmem>>, vector<256x256xf32>
    %dot_general3A = arith.constant dense<0.000000e+00> : vector<35x256xf32>
    %dot_general3A_5 = tpu.matmul %get3A_1, %get3A_4, %dot_general3A {dimension_numbers = #tpu.dot_dimension_numbers<[1], [0], [0], [1], [0, 0, 1, 1], [], []>, transpose_lhs_hint = false} : vector<35x256xf32>, vector<256x256xf32>, vector<35x256xf32> -> vector<35x256xf32>
    %get3A_6 = arith.constant 0 : index
    %get3A_7 = arith.constant 0 : index
    %get3A_8 = vector.load %arg2[%get3A_6, %get3A_7] : memref<1x256xf32, #tpu.memory_space<vmem>>, vector<1x256xf32>
    %add3A = vector.broadcast %get3A_8 : vector<1x256xf32> to vector<35x256xf32>
    %add3A_9 = arith.addf %dot_general3A_5, %add3A : vector<35x256xf32>
    %reduce_sum3A = arith.constant dense<0.000000e+00> : vector<256xf32>
    %reduce_sum3A_10 = vector.multi_reduction <add>, %add3A_9, %reduce_sum3A [0] : vector<35x256xf32> to vector<256xf32>
    %broadcast_in_dim3A = vector.shape_cast %reduce_sum3A_10 : vector<256xf32> to vector<1x256xf32>
    %div3A = arith.constant 3.500000e+01 : f32
    %div3A_11 = vector.broadcast %div3A : f32 to vector<1x256xf32>
    %div3A_12 = arith.divf %broadcast_in_dim3A, %div3A_11 : vector<1x256xf32>
    %sub3A = vector.broadcast %div3A_12 : vector<1x256xf32> to vector<35x256xf32>
    %sub3A_13 = arith.subf %add3A_9, %sub3A : vector<35x256xf32>
    %integer_pow3A = arith.mulf %sub3A_13, %sub3A_13 : vector<35x256xf32>
    %reduce_sum3A_14 = arith.constant dense<0.000000e+00> : vector<256xf32>
    %reduce_sum3A_15 = vector.multi_reduction <add>, %integer_pow3A, %reduce_sum3A_14 [0] : vector<35x256xf32> to vector<256xf32>
    %broadcast_in_dim3A_16 = vector.shape_cast %reduce_sum3A_15 : vector<256xf32> to vector<1x256xf32>
    %div3A_17 = arith.constant 3.500000e+01 : f32
    %div3A_18 = vector.broadcast %div3A_17 : f32 to vector<1x256xf32>
    %div3A_19 = arith.divf %broadcast_in_dim3A_16, %div3A_18 : vector<1x256xf32>
    %sub3A_20 = vector.broadcast %div3A_12 : vector<1x256xf32> to vector<35x256xf32>
    %sub3A_21 = arith.subf %add3A_9, %sub3A_20 : vector<35x256xf32>
    %add3A_22 = arith.constant 9.99999974E-6 : f32
    %add3A_23 = vector.broadcast %add3A_22 : f32 to vector<1x256xf32>
    %add3A_24 = arith.addf %div3A_19, %add3A_23 : vector<1x256xf32>
    %rsqrt3A = math.rsqrt %add3A_24 : vector<1x256xf32>
    %mul3A = vector.broadcast %rsqrt3A : vector<1x256xf32> to vector<35x256xf32>
    %mul3A_25 = arith.mulf %sub3A_21, %mul3A : vector<35x256xf32>
    %tanh3A = math.tanh %mul3A_25 : vector<35x256xf32>
    %swap3A = arith.constant 0 : index
    %swap3A_26 = arith.constant 0 : index
    %swap3A_27 = vector.load %arg3[%swap3A, %swap3A_26] : memref<35x256xf32, #tpu.memory_space<vmem>>, vector<35x256xf32>
    tpu.vector_store %arg3[%swap3A, %swap3A_26], %tanh3A {strides = array<i32>} : memref<35x256xf32, #tpu.memory_space<vmem>>, vector<35x256xf32>,
    return
  }
}

module attributes {stable_mosaic.version = 14 : i64} {
  func.func @_gat_body(%arg0: i32, %arg1: memref<512x256xf32, #tpu.memory_space<vmem>>, %arg2: memref<256x256xf32, #tpu.memory_space<vmem>>, %arg3: memref<1x1x256xf32, #tpu.memory_space<vmem>>, %arg4: memref<1x1x256xf32, #tpu.memory_space<vmem>>, %arg5: memref<512x512xf32, #tpu.memory_space<vmem>>, %arg6: memref<512x256xf32, #tpu.memory_space<vmem>>) attributes {dimension_semantics = [#tpu.dimension_semantics<arbitrary>], iteration_bounds = array<i64: 8>, scalar_prefetch = 0 : i64, scratch_operands = 0 : i64, tpu.core_type = #tpu.core_type<tc>, window_params = [{pipeline_mode = #tpu.pipeline_mode<synchronous>, transform_indices = @transform_0, window_bounds = array<i64: 512, 256>}, {transform_indices = @transform_1, window_bounds = array<i64: 256, 256>}, {transform_indices = @transform_2, window_bounds = array<i64: 1, 1, 256>}, {transform_indices = @transform_3, window_bounds = array<i64: 1, 1, 256>}, {pipeline_mode = #tpu.pipeline_mode<synchronous>, transform_indices = @transform_4, window_bounds = array<i64: 512, 512>}, {transform_indices = @transform_5, window_bounds = array<i64: 512, 256>}]} {
    %get3A = arith.constant 0 : index
    %get3A_0 = arith.constant 0 : index
    %get3A_1 = vector.load %arg1[%get3A, %get3A_0] : memref<512x256xf32, #tpu.memory_space<vmem>>, vector<512x256xf32>
    %get3A_2 = arith.constant 0 : index
    %get3A_3 = arith.constant 0 : index
    %get3A_4 = vector.load %arg2[%get3A_2, %get3A_3] : memref<256x256xf32, #tpu.memory_space<vmem>>, vector<256x256xf32>
    %dot_general3A = arith.constant dense<0.000000e+00> : vector<512x256xf32>
    %dot_general3A_5 = tpu.matmul %get3A_1, %get3A_4, %dot_general3A {dimension_numbers = #tpu.dot_dimension_numbers<[1], [0], [0], [1], [0, 0, 1, 1], [], []>, transpose_lhs_hint = false} : vector<512x256xf32>, vector<256x256xf32>, vector<512x256xf32> -> vector<512x256xf32>
    %get3A_6 = arith.constant 0 : index
    %get3A_7 = arith.constant 0 : index
    %get3A_8 = arith.constant 0 : index
    %get3A_9 = vector.load %arg3[%get3A_6, %get3A_7, %get3A_8] : memref<1x1x256xf32, #tpu.memory_space<vmem>>, vector<1x1x256xf32>
    %get3A_10 = vector.shape_cast %get3A_9 : vector<1x1x256xf32> to vector<1x256xf32>
    %get3A_11 = arith.constant 0 : index
    %get3A_12 = arith.constant 0 : index
    %get3A_13 = arith.constant 0 : index
    %get3A_14 = vector.load %arg4[%get3A_11, %get3A_12, %get3A_13] : memref<1x1x256xf32, #tpu.memory_space<vmem>>, vector<1x1x256xf32>
    %get3A_15 = vector.shape_cast %get3A_14 : vector<1x1x256xf32> to vector<1x256xf32>
    %dot_general3A_16 = arith.constant dense<0.000000e+00> : vector<1x512xf32>
    %dot_general3A_17 = tpu.matmul %get3A_10, %dot_general3A_5, %dot_general3A_16 {dimension_numbers = #tpu.dot_dimension_numbers<[1], [1], [0], [0], [0, 0, 1, 0], [], []>, transpose_lhs_hint = false} : vector<1x256xf32>, vector<512x256xf32>, vector<1x512xf32> -> vector<1x512xf32>
    %dot_general3A_18 = arith.constant dense<0.000000e+00> : vector<512x1xf32>
    %dot_general3A_19 = tpu.matmul %dot_general3A_5, %get3A_15, %dot_general3A_18 {dimension_numbers = #tpu.dot_dimension_numbers<[1], [1], [0], [0], [0, 0, 1, 0], [], []>, transpose_lhs_hint = false} : vector<512x256xf32>, vector<1x256xf32>, vector<512x1xf32> -> vector<512x1xf32>
    %add3A = vector.broadcast %dot_general3A_17 : vector<1x512xf32> to vector<512x512xf32>
    %add3A_20 = vector.broadcast %dot_general3A_19 : vector<512x1xf32> to vector<512x512xf32>
    %add3A_21 = arith.addf %add3A, %add3A_20 : vector<512x512xf32>
    %ge3A = arith.constant 0.000000e+00 : f32
    %ge3A_22 = vector.broadcast %ge3A : f32 to vector<512x512xf32>
    %ge3A_23 = arith.cmpf oge, %add3A_21, %ge3A_22 : vector<512x512xf32>
    %mul3A = arith.constant 2.000000e-01 : f32
    %mul3A_24 = vector.broadcast %mul3A : f32 to vector<512x512xf32>
    %mul3A_25 = arith.mulf %mul3A_24, %add3A_21 : vector<512x512xf32>
    %select_n3A = arith.select %ge3A_23, %add3A_21, %mul3A_25 : vector<512x512xi1>, vector<512x512xf32>
    %get3A_26 = arith.constant 0 : index
    %get3A_27 = arith.constant 0 : index
    %get3A_28 = vector.load %arg5[%get3A_26, %get3A_27] : memref<512x512xf32, #tpu.memory_space<vmem>>, vector<512x512xf32>
    %gt3A = arith.constant 0.000000e+00 : f32
    %gt3A_29 = vector.broadcast %gt3A : f32 to vector<512x512xf32>
    %gt3A_30 = arith.cmpf ogt, %get3A_28, %gt3A_29 : vector<512x512xf32>
    %jit3A = arith.constant -1.000000e+30 : f32
    %broadcast_in_dim3A = vector.broadcast %jit3A : f32 to vector<512x512xf32>
    %select_n3A_31 = arith.select %gt3A_30, %select_n3A, %broadcast_in_dim3A : vector<512x512xi1>, vector<512x512xf32>
    %reduce_max3A = arith.constant dense<0xFF800000> : vector<512xf32>
    %reduce_max3A_32 = vector.multi_reduction <maximumf>, %select_n3A_31, %reduce_max3A [1] : vector<512x512xf32> to vector<512xf32>
    %broadcast_in_dim3A_33 = vector.shape_cast %reduce_max3A_32 : vector<512xf32> to vector<512x1xf32>
    %gt3A_34 = arith.constant -1.000000e+29 : f32
    %gt3A_35 = vector.broadcast %gt3A_34 : f32 to vector<512x1xf32>
    %gt3A_36 = arith.cmpf ogt, %broadcast_in_dim3A_33, %gt3A_35 : vector<512x1xf32>
    %jit3A_37 = arith.constant 0.000000e+00 : f32
    %broadcast_in_dim3A_38 = vector.broadcast %jit3A_37 : f32 to vector<512x1xf32>
    %select_n3A_39 = arith.select %gt3A_36, %broadcast_in_dim3A_33, %broadcast_in_dim3A_38 : vector<512x1xi1>, vector<512x1xf32>
    %sub3A = vector.broadcast %select_n3A_39 : vector<512x1xf32> to vector<512x512xf32>
    %sub3A_40 = arith.subf %select_n3A, %sub3A : vector<512x512xf32>
    %exp3A = math.exp %sub3A_40 : vector<512x512xf32>
    %jit3A_41 = arith.constant 0.000000e+00 : f32
    %broadcast_in_dim3A_42 = vector.broadcast %jit3A_41 : f32 to vector<512x512xf32>
    %select_n3A_43 = arith.select %gt3A_30, %exp3A, %broadcast_in_dim3A_42 : vector<512x512xi1>, vector<512x512xf32>
    %mul3A_44 = arith.mulf %select_n3A_43, %get3A_28 : vector<512x512xf32>
    %reduce_sum3A = arith.constant dense<0.000000e+00> : vector<512xf32>
    %reduce_sum3A_45 = vector.multi_reduction <add>, %mul3A_44, %reduce_sum3A [1] : vector<512x512xf32> to vector<512xf32>
    %broadcast_in_dim3A_46 = vector.shape_cast %reduce_sum3A_45 : vector<512xf32> to vector<512x1xf32>
    %add3A_47 = arith.constant 9.99999971E-10 : f32
    %add3A_48 = vector.broadcast %add3A_47 : f32 to vector<512x1xf32>
    %add3A_49 = arith.addf %broadcast_in_dim3A_46, %add3A_48 : vector<512x1xf32>
    %div3A = vector.broadcast %add3A_49 : vector<512x1xf32> to vector<512x512xf32>
    %div3A_50 = arith.divf %mul3A_44, %div3A : vector<512x512xf32>
    %dot_general3A_51 = arith.constant dense<0.000000e+00> : vector<512x256xf32>
    %dot_general3A_52 = tpu.matmul %div3A_50, %dot_general3A_5, %dot_general3A_51 {dimension_numbers = #tpu.dot_dimension_numbers<[1], [0], [0], [1], [0, 0, 1, 1], [], []>, transpose_lhs_hint = false} : vector<512x512xf32>, vector<512x256xf32>, vector<512x256xf32> -> vector<512x256xf32>
    %gt3A_53 = arith.constant 0.000000e+00 : f32
    %gt3A_54 = vector.broadcast %gt3A_53 : f32 to vector<512x256xf32>
    %gt3A_55 = arith.cmpf ogt, %dot_general3A_52, %gt3A_54 : vector<512x256xf32>
    %min3A = arith.constant 0.000000e+00 : f32
    %min3A_56 = vector.broadcast %min3A : f32 to vector<512x256xf32>
    %min3A_57 = arith.minimumf %dot_general3A_52, %min3A_56 : vector<512x256xf32>
    %exp3A_58 = math.exp %min3A_57 : vector<512x256xf32>
    %sub3A_59 = arith.constant 1.000000e+00 : f32
    %sub3A_60 = vector.broadcast %sub3A_59 : f32 to vector<512x256xf32>
    %sub3A_61 = arith.subf %exp3A_58, %sub3A_60 : vector<512x256xf32>
    %select_n3A_62 = arith.select %gt3A_55, %dot_general3A_52, %sub3A_61 : vector<512x256xi1>, vector<512x256xf32>
    %swap3A = arith.constant 0 : index
    %swap3A_63 = arith.constant 0 : index
    %swap3A_64 = vector.load %arg6[%swap3A, %swap3A_63] : memref<512x256xf32, #tpu.memory_space<vmem>>, vector<512x256xf32>
    tpu.vector_store %arg6[%swap3A, %swap3A_63], %select_n3A_62 {strides = array<i32>} : memref<512x256xf32, #tpu.memory_space<vmem>>, vector<512x256xf32>,
    return
  }
  func.func @transform_0(%arg0: i32) -> (i32, i32) {
    %c0_i32 = arith.constant 0 : i32
    %c0_i32_0 = arith.constant 0 : i32
    %c0_i32_1 = arith.constant 0 : i32
    return %c0_i32, %c0_i32_0 : i32, i32
  }
  func.func @transform_1(%arg0: i32) -> (i32, i32) {
    %c0_i32 = arith.constant 0 : i32
    %c0_i32_0 = arith.constant 0 : i32
    return %c0_i32, %arg0 : i32, i32
  }
  func.func @transform_2(%arg0: i32) -> (i32, i32, i32) {
    %c0_i32 = arith.constant 0 : i32
    %c0_i32_0 = arith.constant 0 : i32
    %c0_i32_1 = arith.constant 0 : i32
    return %arg0, %c0_i32, %c0_i32_0 : i32, i32, i32
  }
  func.func @transform_3(%arg0: i32) -> (i32, i32, i32) {
    %c0_i32 = arith.constant 0 : i32
    %c0_i32_0 = arith.constant 0 : i32
    %c0_i32_1 = arith.constant 0 : i32
    return %arg0, %c0_i32, %c0_i32_0 : i32, i32, i32
  }
  func.func @transform_4(%arg0: i32) -> (i32, i32) {
    %c0_i32 = arith.constant 0 : i32
    %c0_i32_0 = arith.constant 0 : i32
    %c0_i32_1 = arith.constant 0 : i32
    return %c0_i32, %c0_i32_0 : i32, i32
  }
  func.func @transform_5(%arg0: i32) -> (i32, i32) {
    %c0_i32 = arith.constant 0 : i32
    %c0_i32_0 = arith.constant 0 : i32
    return %c0_i32, %arg0 : i32, i32
  }
}

module attributes {stable_mosaic.version = 14 : i64} {
  func.func @_gat_body(%arg0: i32, %arg1: memref<896x256xf32, #tpu.memory_space<vmem>>, %arg2: memref<256x256xf32, #tpu.memory_space<vmem>>, %arg3: memref<1x1x256xf32, #tpu.memory_space<vmem>>, %arg4: memref<1x1x256xf32, #tpu.memory_space<vmem>>, %arg5: memref<896x896xf32, #tpu.memory_space<vmem>>, %arg6: memref<896x256xf32, #tpu.memory_space<vmem>>) attributes {dimension_semantics = [#tpu.dimension_semantics<arbitrary>], iteration_bounds = array<i64: 8>, scalar_prefetch = 0 : i64, scratch_operands = 0 : i64, tpu.core_type = #tpu.core_type<tc>, window_params = [{pipeline_mode = #tpu.pipeline_mode<synchronous>, transform_indices = @transform_0, window_bounds = array<i64: 896, 256>}, {transform_indices = @transform_1, window_bounds = array<i64: 256, 256>}, {transform_indices = @transform_2, window_bounds = array<i64: 1, 1, 256>}, {transform_indices = @transform_3, window_bounds = array<i64: 1, 1, 256>}, {pipeline_mode = #tpu.pipeline_mode<synchronous>, transform_indices = @transform_4, window_bounds = array<i64: 896, 896>}, {transform_indices = @transform_5, window_bounds = array<i64: 896, 256>}]} {
    %get3A = arith.constant 0 : index
    %get3A_0 = arith.constant 0 : index
    %get3A_1 = vector.load %arg1[%get3A, %get3A_0] : memref<896x256xf32, #tpu.memory_space<vmem>>, vector<896x256xf32>
    %get3A_2 = arith.constant 0 : index
    %get3A_3 = arith.constant 0 : index
    %get3A_4 = vector.load %arg2[%get3A_2, %get3A_3] : memref<256x256xf32, #tpu.memory_space<vmem>>, vector<256x256xf32>
    %dot_general3A = arith.constant dense<0.000000e+00> : vector<896x256xf32>
    %dot_general3A_5 = tpu.matmul %get3A_1, %get3A_4, %dot_general3A {dimension_numbers = #tpu.dot_dimension_numbers<[1], [0], [0], [1], [0, 0, 1, 1], [], []>, transpose_lhs_hint = false} : vector<896x256xf32>, vector<256x256xf32>, vector<896x256xf32> -> vector<896x256xf32>
    %get3A_6 = arith.constant 0 : index
    %get3A_7 = arith.constant 0 : index
    %get3A_8 = arith.constant 0 : index
    %get3A_9 = vector.load %arg3[%get3A_6, %get3A_7, %get3A_8] : memref<1x1x256xf32, #tpu.memory_space<vmem>>, vector<1x1x256xf32>
    %get3A_10 = vector.shape_cast %get3A_9 : vector<1x1x256xf32> to vector<1x256xf32>
    %get3A_11 = arith.constant 0 : index
    %get3A_12 = arith.constant 0 : index
    %get3A_13 = arith.constant 0 : index
    %get3A_14 = vector.load %arg4[%get3A_11, %get3A_12, %get3A_13] : memref<1x1x256xf32, #tpu.memory_space<vmem>>, vector<1x1x256xf32>
    %get3A_15 = vector.shape_cast %get3A_14 : vector<1x1x256xf32> to vector<1x256xf32>
    %dot_general3A_16 = arith.constant dense<0.000000e+00> : vector<1x896xf32>
    %dot_general3A_17 = tpu.matmul %get3A_10, %dot_general3A_5, %dot_general3A_16 {dimension_numbers = #tpu.dot_dimension_numbers<[1], [1], [0], [0], [0, 0, 1, 0], [], []>, transpose_lhs_hint = false} : vector<1x256xf32>, vector<896x256xf32>, vector<1x896xf32> -> vector<1x896xf32>
    %dot_general3A_18 = arith.constant dense<0.000000e+00> : vector<896x1xf32>
    %dot_general3A_19 = tpu.matmul %dot_general3A_5, %get3A_15, %dot_general3A_18 {dimension_numbers = #tpu.dot_dimension_numbers<[1], [1], [0], [0], [0, 0, 1, 0], [], []>, transpose_lhs_hint = false} : vector<896x256xf32>, vector<1x256xf32>, vector<896x1xf32> -> vector<896x1xf32>
    %add3A = vector.broadcast %dot_general3A_17 : vector<1x896xf32> to vector<896x896xf32>
    %add3A_20 = vector.broadcast %dot_general3A_19 : vector<896x1xf32> to vector<896x896xf32>
    %add3A_21 = arith.addf %add3A, %add3A_20 : vector<896x896xf32>
    %ge3A = arith.constant 0.000000e+00 : f32
    %ge3A_22 = vector.broadcast %ge3A : f32 to vector<896x896xf32>
    %ge3A_23 = arith.cmpf oge, %add3A_21, %ge3A_22 : vector<896x896xf32>
    %mul3A = arith.constant 2.000000e-01 : f32
    %mul3A_24 = vector.broadcast %mul3A : f32 to vector<896x896xf32>
    %mul3A_25 = arith.mulf %mul3A_24, %add3A_21 : vector<896x896xf32>
    %select_n3A = arith.select %ge3A_23, %add3A_21, %mul3A_25 : vector<896x896xi1>, vector<896x896xf32>
    %get3A_26 = arith.constant 0 : index
    %get3A_27 = arith.constant 0 : index
    %get3A_28 = vector.load %arg5[%get3A_26, %get3A_27] : memref<896x896xf32, #tpu.memory_space<vmem>>, vector<896x896xf32>
    %gt3A = arith.constant 0.000000e+00 : f32
    %gt3A_29 = vector.broadcast %gt3A : f32 to vector<896x896xf32>
    %gt3A_30 = arith.cmpf ogt, %get3A_28, %gt3A_29 : vector<896x896xf32>
    %jit3A = arith.constant -1.000000e+30 : f32
    %broadcast_in_dim3A = vector.broadcast %jit3A : f32 to vector<896x896xf32>
    %select_n3A_31 = arith.select %gt3A_30, %select_n3A, %broadcast_in_dim3A : vector<896x896xi1>, vector<896x896xf32>
    %reduce_max3A = arith.constant dense<0xFF800000> : vector<896xf32>
    %reduce_max3A_32 = vector.multi_reduction <maximumf>, %select_n3A_31, %reduce_max3A [1] : vector<896x896xf32> to vector<896xf32>
    %broadcast_in_dim3A_33 = vector.shape_cast %reduce_max3A_32 : vector<896xf32> to vector<896x1xf32>
    %gt3A_34 = arith.constant -1.000000e+29 : f32
    %gt3A_35 = vector.broadcast %gt3A_34 : f32 to vector<896x1xf32>
    %gt3A_36 = arith.cmpf ogt, %broadcast_in_dim3A_33, %gt3A_35 : vector<896x1xf32>
    %jit3A_37 = arith.constant 0.000000e+00 : f32
    %broadcast_in_dim3A_38 = vector.broadcast %jit3A_37 : f32 to vector<896x1xf32>
    %select_n3A_39 = arith.select %gt3A_36, %broadcast_in_dim3A_33, %broadcast_in_dim3A_38 : vector<896x1xi1>, vector<896x1xf32>
    %sub3A = vector.broadcast %select_n3A_39 : vector<896x1xf32> to vector<896x896xf32>
    %sub3A_40 = arith.subf %select_n3A, %sub3A : vector<896x896xf32>
    %exp3A = math.exp %sub3A_40 : vector<896x896xf32>
    %jit3A_41 = arith.constant 0.000000e+00 : f32
    %broadcast_in_dim3A_42 = vector.broadcast %jit3A_41 : f32 to vector<896x896xf32>
    %select_n3A_43 = arith.select %gt3A_30, %exp3A, %broadcast_in_dim3A_42 : vector<896x896xi1>, vector<896x896xf32>
    %mul3A_44 = arith.mulf %select_n3A_43, %get3A_28 : vector<896x896xf32>
    %reduce_sum3A = arith.constant dense<0.000000e+00> : vector<896xf32>
    %reduce_sum3A_45 = vector.multi_reduction <add>, %mul3A_44, %reduce_sum3A [1] : vector<896x896xf32> to vector<896xf32>
    %broadcast_in_dim3A_46 = vector.shape_cast %reduce_sum3A_45 : vector<896xf32> to vector<896x1xf32>
    %add3A_47 = arith.constant 9.99999971E-10 : f32
    %add3A_48 = vector.broadcast %add3A_47 : f32 to vector<896x1xf32>
    %add3A_49 = arith.addf %broadcast_in_dim3A_46, %add3A_48 : vector<896x1xf32>
    %div3A = vector.broadcast %add3A_49 : vector<896x1xf32> to vector<896x896xf32>
    %div3A_50 = arith.divf %mul3A_44, %div3A : vector<896x896xf32>
    %dot_general3A_51 = arith.constant dense<0.000000e+00> : vector<896x256xf32>
    %dot_general3A_52 = tpu.matmul %div3A_50, %dot_general3A_5, %dot_general3A_51 {dimension_numbers = #tpu.dot_dimension_numbers<[1], [0], [0], [1], [0, 0, 1, 1], [], []>, transpose_lhs_hint = false} : vector<896x896xf32>, vector<896x256xf32>, vector<896x256xf32> -> vector<896x256xf32>
    %gt3A_53 = arith.constant 0.000000e+00 : f32
    %gt3A_54 = vector.broadcast %gt3A_53 : f32 to vector<896x256xf32>
    %gt3A_55 = arith.cmpf ogt, %dot_general3A_52, %gt3A_54 : vector<896x256xf32>
    %min3A = arith.constant 0.000000e+00 : f32
    %min3A_56 = vector.broadcast %min3A : f32 to vector<896x256xf32>
    %min3A_57 = arith.minimumf %dot_general3A_52, %min3A_56 : vector<896x256xf32>
    %exp3A_58 = math.exp %min3A_57 : vector<896x256xf32>
    %sub3A_59 = arith.constant 1.000000e+00 : f32
    %sub3A_60 = vector.broadcast %sub3A_59 : f32 to vector<896x256xf32>
    %sub3A_61 = arith.subf %exp3A_58, %sub3A_60 : vector<896x256xf32>
    %select_n3A_62 = arith.select %gt3A_55, %dot_general3A_52, %sub3A_61 : vector<896x256xi1>, vector<896x256xf32>
    %swap3A = arith.constant 0 : index
    %swap3A_63 = arith.constant 0 : index
    %swap3A_64 = vector.load %arg6[%swap3A, %swap3A_63] : memref<896x256xf32, #tpu.memory_space<vmem>>, vector<896x256xf32>
    tpu.vector_store %arg6[%swap3A, %swap3A_63], %select_n3A_62 {strides = array<i32>} : memref<896x256xf32, #tpu.memory_space<vmem>>, vector<896x256xf32>,
    return
  }
  func.func @transform_0(%arg0: i32) -> (i32, i32) {
    %c0_i32 = arith.constant 0 : i32
    %c0_i32_0 = arith.constant 0 : i32
    %c0_i32_1 = arith.constant 0 : i32
    return %c0_i32, %c0_i32_0 : i32, i32
  }
  func.func @transform_1(%arg0: i32) -> (i32, i32) {
    %c0_i32 = arith.constant 0 : i32
    %c0_i32_0 = arith.constant 0 : i32
    return %c0_i32, %arg0 : i32, i32
  }
  func.func @transform_2(%arg0: i32) -> (i32, i32, i32) {
    %c0_i32 = arith.constant 0 : i32
    %c0_i32_0 = arith.constant 0 : i32
    %c0_i32_1 = arith.constant 0 : i32
    return %arg0, %c0_i32, %c0_i32_0 : i32, i32, i32
  }
  func.func @transform_3(%arg0: i32) -> (i32, i32, i32) {
    %c0_i32 = arith.constant 0 : i32
    %c0_i32_0 = arith.constant 0 : i32
    %c0_i32_1 = arith.constant 0 : i32
    return %arg0, %c0_i32, %c0_i32_0 : i32, i32, i32
  }
  func.func @transform_4(%arg0: i32) -> (i32, i32) {
    %c0_i32 = arith.constant 0 : i32
    %c0_i32_0 = arith.constant 0 : i32
    %c0_i32_1 = arith.constant 0 : i32
    return %c0_i32, %c0_i32_0 : i32, i32
  }
  func.func @transform_5(%arg0: i32) -> (i32, i32) {
    %c0_i32 = arith.constant 0 : i32
    %c0_i32_0 = arith.constant 0 : i32
    return %c0_i32, %arg0 : i32, i32
  }
}

module attributes {stable_mosaic.version = 14 : i64} {
  func.func @_semantic_body(%arg0: memref<811x2048xf32, #tpu.memory_space<vmem>>, %arg1: memref<811x2048xf32, #tpu.memory_space<vmem>>, %arg2: memref<2048x256xf32, #tpu.memory_space<vmem>>, %arg3: memref<1x256xf32, #tpu.memory_space<vmem>>, %arg4: memref<256x1xf32, #tpu.memory_space<vmem>>, %arg5: memref<2048x256xf32, #tpu.memory_space<vmem>>, %arg6: memref<1x256xf32, #tpu.memory_space<vmem>>, %arg7: memref<811x256xf32, #tpu.memory_space<vmem>>) attributes {dimension_semantics = [], scalar_prefetch = 0 : i64, scratch_operands = 0 : i64, tpu.core_type = #tpu.core_type<tc>} {
    %get3A = arith.constant 0 : index
    %get3A_0 = arith.constant 0 : index
    %get3A_1 = vector.load %arg0[%get3A, %get3A_0] : memref<811x2048xf32, #tpu.memory_space<vmem>>, vector<811x2048xf32>
    %get3A_2 = arith.constant 0 : index
    %get3A_3 = arith.constant 0 : index
    %get3A_4 = vector.load %arg1[%get3A_2, %get3A_3] : memref<811x2048xf32, #tpu.memory_space<vmem>>, vector<811x2048xf32>
    %get3A_5 = arith.constant 0 : index
    %get3A_6 = arith.constant 0 : index
    %get3A_7 = vector.load %arg2[%get3A_5, %get3A_6] : memref<2048x256xf32, #tpu.memory_space<vmem>>, vector<2048x256xf32>
    %dot_general3A = arith.constant dense<0.000000e+00> : vector<811x256xf32>
    %dot_general3A_8 = tpu.matmul %get3A_1, %get3A_7, %dot_general3A {dimension_numbers = #tpu.dot_dimension_numbers<[1], [0], [0], [1], [0, 0, 1, 1], [], []>, transpose_lhs_hint = false} : vector<811x2048xf32>, vector<2048x256xf32>, vector<811x256xf32> -> vector<811x256xf32>
    %get3A_9 = arith.constant 0 : index
    %get3A_10 = arith.constant 0 : index
    %get3A_11 = vector.load %arg3[%get3A_9, %get3A_10] : memref<1x256xf32, #tpu.memory_space<vmem>>, vector<1x256xf32>
    %add3A = vector.broadcast %get3A_11 : vector<1x256xf32> to vector<811x256xf32>
    %add3A_12 = arith.addf %dot_general3A_8, %add3A : vector<811x256xf32>
    %tanh3A = math.tanh %add3A_12 : vector<811x256xf32>
    %get3A_13 = arith.constant 0 : index
    %get3A_14 = arith.constant 0 : index
    %get3A_15 = vector.load %arg2[%get3A_13, %get3A_14] : memref<2048x256xf32, #tpu.memory_space<vmem>>, vector<2048x256xf32>
    %dot_general3A_16 = arith.constant dense<0.000000e+00> : vector<811x256xf32>
    %dot_general3A_17 = tpu.matmul %get3A_4, %get3A_15, %dot_general3A_16 {dimension_numbers = #tpu.dot_dimension_numbers<[1], [0], [0], [1], [0, 0, 1, 1], [], []>, transpose_lhs_hint = false} : vector<811x2048xf32>, vector<2048x256xf32>, vector<811x256xf32> -> vector<811x256xf32>
    %get3A_18 = arith.constant 0 : index
    %get3A_19 = arith.constant 0 : index
    %get3A_20 = vector.load %arg3[%get3A_18, %get3A_19] : memref<1x256xf32, #tpu.memory_space<vmem>>, vector<1x256xf32>
    %add3A_21 = vector.broadcast %get3A_20 : vector<1x256xf32> to vector<811x256xf32>
    %add3A_22 = arith.addf %dot_general3A_17, %add3A_21 : vector<811x256xf32>
    %tanh3A_23 = math.tanh %add3A_22 : vector<811x256xf32>
    %get3A_24 = arith.constant 0 : index
    %get3A_25 = arith.constant 0 : index
    %get3A_26 = vector.load %arg4[%get3A_24, %get3A_25] : memref<256x1xf32, #tpu.memory_space<vmem>>, vector<256x1xf32>
    %dot_general3A_27 = arith.constant dense<0.000000e+00> : vector<811x1xf32>
    %dot_general3A_28 = tpu.matmul %tanh3A, %get3A_26, %dot_general3A_27 {dimension_numbers = #tpu.dot_dimension_numbers<[1], [0], [0], [1], [0, 0, 1, 1], [], []>, transpose_lhs_hint = false} : vector<811x256xf32>, vector<256x1xf32>, vector<811x1xf32> -> vector<811x1xf32>
    %reduce_sum3A = vector.shape_cast %dot_general3A_28 : vector<811x1xf32> to vector<1x811x1xf32>
    %reduce_sum3A_29 = arith.constant dense<0.000000e+00> : vector<1xf32>
    %reduce_sum3A_30 = vector.multi_reduction <add>, %reduce_sum3A, %reduce_sum3A_29 [1, 2] : vector<1x811x1xf32> to vector<1xf32>
    %reduce_sum3A_31 = vector.shape_cast %reduce_sum3A_30 : vector<1xf32> to vector<1x1x1xf32>
    %reduce_sum3A_32 = vector.extract %reduce_sum3A_31[0, 0, 0] : f32 from vector<1x1x1xf32>
    %get3A_33 = arith.constant 0 : index
    %get3A_34 = arith.constant 0 : index
    %get3A_35 = vector.load %arg4[%get3A_33, %get3A_34] : memref<256x1xf32, #tpu.memory_space<vmem>>, vector<256x1xf32>
    %dot_general3A_36 = arith.constant dense<0.000000e+00> : vector<811x1xf32>
    %dot_general3A_37 = tpu.matmul %tanh3A_23, %get3A_35, %dot_general3A_36 {dimension_numbers = #tpu.dot_dimension_numbers<[1], [0], [0], [1], [0, 0, 1, 1], [], []>, transpose_lhs_hint = false} : vector<811x256xf32>, vector<256x1xf32>, vector<811x1xf32> -> vector<811x1xf32>
    %reduce_sum3A_38 = vector.shape_cast %dot_general3A_37 : vector<811x1xf32> to vector<1x811x1xf32>
    %reduce_sum3A_39 = arith.constant dense<0.000000e+00> : vector<1xf32>
    %reduce_sum3A_40 = vector.multi_reduction <add>, %reduce_sum3A_38, %reduce_sum3A_39 [1, 2] : vector<1x811x1xf32> to vector<1xf32>
    %reduce_sum3A_41 = vector.shape_cast %reduce_sum3A_40 : vector<1xf32> to vector<1x1x1xf32>
    %reduce_sum3A_42 = vector.extract %reduce_sum3A_41[0, 0, 0] : f32 from vector<1x1x1xf32>
    %mul3A = arith.constant 0.00123304559 : f32
    %mul3A_43 = arith.mulf %reduce_sum3A_32, %mul3A : f32
    %mul3A_44 = arith.constant 0.00123304559 : f32
    %mul3A_45 = arith.mulf %reduce_sum3A_42, %mul3A_44 : f32
    %max3A = arith.maximumf %mul3A_43, %mul3A_45 : f32
    %sub3A = arith.subf %mul3A_43, %max3A : f32
    %exp3A = math.exp %sub3A : f32
    %sub3A_46 = arith.subf %mul3A_45, %max3A : f32
    %exp3A_47 = math.exp %sub3A_46 : f32
    %mul3A_48 = vector.broadcast %exp3A : f32 to vector<811x2048xf32>
    %mul3A_49 = arith.mulf %mul3A_48, %get3A_1 : vector<811x2048xf32>
    %mul3A_50 = vector.broadcast %exp3A_47 : f32 to vector<811x2048xf32>
    %mul3A_51 = arith.mulf %mul3A_50, %get3A_4 : vector<811x2048xf32>
    %add3A_52 = arith.addf %mul3A_49, %mul3A_51 : vector<811x2048xf32>
    %add3A_53 = arith.addf %exp3A, %exp3A_47 : f32
    %div3A = arith.constant 1.000000e+00 : f32
    %div3A_54 = arith.divf %div3A, %add3A_53 : f32
    %mul3A_55 = vector.broadcast %div3A_54 : f32 to vector<811x2048xf32>
    %mul3A_56 = arith.mulf %add3A_52, %mul3A_55 : vector<811x2048xf32>
    %get3A_57 = arith.constant 0 : index
    %get3A_58 = arith.constant 0 : index
    %get3A_59 = vector.load %arg5[%get3A_57, %get3A_58] : memref<2048x256xf32, #tpu.memory_space<vmem>>, vector<2048x256xf32>
    %dot_general3A_60 = arith.constant dense<0.000000e+00> : vector<811x256xf32>
    %dot_general3A_61 = tpu.matmul %mul3A_56, %get3A_59, %dot_general3A_60 {dimension_numbers = #tpu.dot_dimension_numbers<[1], [0], [0], [1], [0, 0, 1, 1], [], []>, transpose_lhs_hint = false} : vector<811x2048xf32>, vector<2048x256xf32>, vector<811x256xf32> -> vector<811x256xf32>
    %get3A_62 = arith.constant 0 : index
    %get3A_63 = arith.constant 0 : index
    %get3A_64 = vector.load %arg6[%get3A_62, %get3A_63] : memref<1x256xf32, #tpu.memory_space<vmem>>, vector<1x256xf32>
    %add3A_65 = vector.broadcast %get3A_64 : vector<1x256xf32> to vector<811x256xf32>
    %add3A_66 = arith.addf %dot_general3A_61, %add3A_65 : vector<811x256xf32>
    %swap3A = arith.constant 0 : index
    %swap3A_67 = arith.constant 0 : index
    %swap3A_68 = vector.load %arg7[%swap3A, %swap3A_67] : memref<811x256xf32, #tpu.memory_space<vmem>>, vector<811x256xf32>
    tpu.vector_store %arg7[%swap3A, %swap3A_67], %add3A_66 {strides = array<i32>} : memref<811x256xf32, #tpu.memory_space<vmem>>, vector<811x256xf32>,
    return
  }
}

module attributes {stable_mosaic.version = 14 : i64} {
  func.func @_finalize_body(%arg0: memref<811x256xf32, #tpu.memory_space<vmem>>, %arg1: memref<811x256xf32, #tpu.memory_space<vmem>>, %arg2: memref<811x2048xf32, #tpu.memory_space<vmem>>, %arg3: memref<256x256xf32, #tpu.memory_space<vmem>>, %arg4: memref<1x256xf32, #tpu.memory_space<vmem>>, %arg5: memref<811x256xf32, #tpu.memory_space<vmem>>) attributes {dimension_semantics = [], scalar_prefetch = 0 : i64, scratch_operands = 0 : i64, tpu.core_type = #tpu.core_type<tc>} {
    %get3A = arith.constant 0 : index
    %get3A_0 = arith.constant 0 : index
    %get3A_1 = vector.load %arg2[%get3A, %get3A_0] : memref<811x2048xf32, #tpu.memory_space<vmem>>, vector<811x2048xf32>
    %tanh3A = math.tanh %get3A_1 : vector<811x2048xf32>
    %slice3A = vector.extract_strided_slice %tanh3A {offsets = [0, 0], sizes = [811, 256], strides = [1, 1]} : vector<811x2048xf32> to vector<811x256xf32>
    %slice3A_2 = vector.extract_strided_slice %tanh3A {offsets = [0, 256], sizes = [811, 256], strides = [1, 1]} : vector<811x2048xf32> to vector<811x256xf32>
    %add3A = arith.addf %slice3A, %slice3A_2 : vector<811x256xf32>
    %slice3A_3 = vector.extract_strided_slice %tanh3A {offsets = [0, 512], sizes = [811, 256], strides = [1, 1]} : vector<811x2048xf32> to vector<811x256xf32>
    %add3A_4 = arith.addf %add3A, %slice3A_3 : vector<811x256xf32>
    %slice3A_5 = vector.extract_strided_slice %tanh3A {offsets = [0, 768], sizes = [811, 256], strides = [1, 1]} : vector<811x2048xf32> to vector<811x256xf32>
    %add3A_6 = arith.addf %add3A_4, %slice3A_5 : vector<811x256xf32>
    %slice3A_7 = vector.extract_strided_slice %tanh3A {offsets = [0, 1024], sizes = [811, 256], strides = [1, 1]} : vector<811x2048xf32> to vector<811x256xf32>
    %add3A_8 = arith.addf %add3A_6, %slice3A_7 : vector<811x256xf32>
    %slice3A_9 = vector.extract_strided_slice %tanh3A {offsets = [0, 1280], sizes = [811, 256], strides = [1, 1]} : vector<811x2048xf32> to vector<811x256xf32>
    %add3A_10 = arith.addf %add3A_8, %slice3A_9 : vector<811x256xf32>
    %slice3A_11 = vector.extract_strided_slice %tanh3A {offsets = [0, 1536], sizes = [811, 256], strides = [1, 1]} : vector<811x2048xf32> to vector<811x256xf32>
    %add3A_12 = arith.addf %add3A_10, %slice3A_11 : vector<811x256xf32>
    %slice3A_13 = vector.extract_strided_slice %tanh3A {offsets = [0, 1792], sizes = [811, 256], strides = [1, 1]} : vector<811x2048xf32> to vector<811x256xf32>
    %add3A_14 = arith.addf %add3A_12, %slice3A_13 : vector<811x256xf32>
    %mul3A = arith.constant 1.250000e-01 : f32
    %mul3A_15 = vector.broadcast %mul3A : f32 to vector<811x256xf32>
    %mul3A_16 = arith.mulf %add3A_14, %mul3A_15 : vector<811x256xf32>
    %get3A_17 = arith.constant 0 : index
    %get3A_18 = arith.constant 0 : index
    %get3A_19 = vector.load %arg0[%get3A_17, %get3A_18] : memref<811x256xf32, #tpu.memory_space<vmem>>, vector<811x256xf32>
    %get3A_20 = arith.constant 0 : index
    %get3A_21 = arith.constant 0 : index
    %get3A_22 = vector.load %arg1[%get3A_20, %get3A_21] : memref<811x256xf32, #tpu.memory_space<vmem>>, vector<811x256xf32>
    %add3A_23 = arith.addf %get3A_19, %get3A_22 : vector<811x256xf32>
    %add3A_24 = arith.addf %add3A_23, %mul3A_16 : vector<811x256xf32>
    %mul3A_25 = arith.constant 0.333333343 : f32
    %mul3A_26 = vector.broadcast %mul3A_25 : f32 to vector<811x256xf32>
    %mul3A_27 = arith.mulf %add3A_24, %mul3A_26 : vector<811x256xf32>
    %get3A_28 = arith.constant 0 : index
    %get3A_29 = arith.constant 0 : index
    %get3A_30 = vector.load %arg3[%get3A_28, %get3A_29] : memref<256x256xf32, #tpu.memory_space<vmem>>, vector<256x256xf32>
    %dot_general3A = arith.constant dense<0.000000e+00> : vector<811x256xf32>
    %dot_general3A_31 = tpu.matmul %mul3A_27, %get3A_30, %dot_general3A {dimension_numbers = #tpu.dot_dimension_numbers<[1], [0], [0], [1], [0, 0, 1, 1], [], []>, transpose_lhs_hint = false} : vector<811x256xf32>, vector<256x256xf32>, vector<811x256xf32> -> vector<811x256xf32>
    %get3A_32 = arith.constant 0 : index
    %get3A_33 = arith.constant 0 : index
    %get3A_34 = vector.load %arg4[%get3A_32, %get3A_33] : memref<1x256xf32, #tpu.memory_space<vmem>>, vector<1x256xf32>
    %add3A_35 = vector.broadcast %get3A_34 : vector<1x256xf32> to vector<811x256xf32>
    %add3A_36 = arith.addf %dot_general3A_31, %add3A_35 : vector<811x256xf32>
    %reduce_sum3A = arith.constant dense<0.000000e+00> : vector<256xf32>
    %reduce_sum3A_37 = vector.multi_reduction <add>, %add3A_36, %reduce_sum3A [0] : vector<811x256xf32> to vector<256xf32>
    %broadcast_in_dim3A = vector.shape_cast %reduce_sum3A_37 : vector<256xf32> to vector<1x256xf32>
    %div3A = arith.constant 8.110000e+02 : f32
    %div3A_38 = vector.broadcast %div3A : f32 to vector<1x256xf32>
    %div3A_39 = arith.divf %broadcast_in_dim3A, %div3A_38 : vector<1x256xf32>
    %sub3A = vector.broadcast %div3A_39 : vector<1x256xf32> to vector<811x256xf32>
    %sub3A_40 = arith.subf %add3A_36, %sub3A : vector<811x256xf32>
    %integer_pow3A = arith.mulf %sub3A_40, %sub3A_40 : vector<811x256xf32>
    %reduce_sum3A_41 = arith.constant dense<0.000000e+00> : vector<256xf32>
    %reduce_sum3A_42 = vector.multi_reduction <add>, %integer_pow3A, %reduce_sum3A_41 [0] : vector<811x256xf32> to vector<256xf32>
    %broadcast_in_dim3A_43 = vector.shape_cast %reduce_sum3A_42 : vector<256xf32> to vector<1x256xf32>
    %div3A_44 = arith.constant 8.110000e+02 : f32
    %div3A_45 = vector.broadcast %div3A_44 : f32 to vector<1x256xf32>
    %div3A_46 = arith.divf %broadcast_in_dim3A_43, %div3A_45 : vector<1x256xf32>
    %sub3A_47 = vector.broadcast %div3A_39 : vector<1x256xf32> to vector<811x256xf32>
    %sub3A_48 = arith.subf %add3A_36, %sub3A_47 : vector<811x256xf32>
    %add3A_49 = arith.constant 9.99999974E-6 : f32
    %add3A_50 = vector.broadcast %add3A_49 : f32 to vector<1x256xf32>
    %add3A_51 = arith.addf %div3A_46, %add3A_50 : vector<1x256xf32>
    %rsqrt3A = math.rsqrt %add3A_51 : vector<1x256xf32>
    %mul3A_52 = vector.broadcast %rsqrt3A : vector<1x256xf32> to vector<811x256xf32>
    %mul3A_53 = arith.mulf %sub3A_48, %mul3A_52 : vector<811x256xf32>
    %tanh3A_54 = math.tanh %mul3A_53 : vector<811x256xf32>
    %swap3A = arith.constant 0 : index
    %swap3A_55 = arith.constant 0 : index
    %swap3A_56 = vector.load %arg5[%swap3A, %swap3A_55] : memref<811x256xf32, #tpu.memory_space<vmem>>, vector<811x256xf32>
    tpu.vector_store %arg5[%swap3A, %swap3A_55], %tanh3A_54 {strides = array<i32>} : memref<811x256xf32, #tpu.memory_space<vmem>>, vector<811x256xf32>,
    return
  }
}

module attributes {stable_mosaic.version = 14 : i64} {
  func.func @_semantic_body(%arg0: memref<390x2048xf32, #tpu.memory_space<vmem>>, %arg1: memref<390x2048xf32, #tpu.memory_space<vmem>>, %arg2: memref<2048x256xf32, #tpu.memory_space<vmem>>, %arg3: memref<1x256xf32, #tpu.memory_space<vmem>>, %arg4: memref<256x1xf32, #tpu.memory_space<vmem>>, %arg5: memref<2048x256xf32, #tpu.memory_space<vmem>>, %arg6: memref<1x256xf32, #tpu.memory_space<vmem>>, %arg7: memref<390x256xf32, #tpu.memory_space<vmem>>) attributes {dimension_semantics = [], scalar_prefetch = 0 : i64, scratch_operands = 0 : i64, tpu.core_type = #tpu.core_type<tc>} {
    %get3A = arith.constant 0 : index
    %get3A_0 = arith.constant 0 : index
    %get3A_1 = vector.load %arg0[%get3A, %get3A_0] : memref<390x2048xf32, #tpu.memory_space<vmem>>, vector<390x2048xf32>
    %get3A_2 = arith.constant 0 : index
    %get3A_3 = arith.constant 0 : index
    %get3A_4 = vector.load %arg1[%get3A_2, %get3A_3] : memref<390x2048xf32, #tpu.memory_space<vmem>>, vector<390x2048xf32>
    %get3A_5 = arith.constant 0 : index
    %get3A_6 = arith.constant 0 : index
    %get3A_7 = vector.load %arg2[%get3A_5, %get3A_6] : memref<2048x256xf32, #tpu.memory_space<vmem>>, vector<2048x256xf32>
    %dot_general3A = arith.constant dense<0.000000e+00> : vector<390x256xf32>
    %dot_general3A_8 = tpu.matmul %get3A_1, %get3A_7, %dot_general3A {dimension_numbers = #tpu.dot_dimension_numbers<[1], [0], [0], [1], [0, 0, 1, 1], [], []>, transpose_lhs_hint = false} : vector<390x2048xf32>, vector<2048x256xf32>, vector<390x256xf32> -> vector<390x256xf32>
    %get3A_9 = arith.constant 0 : index
    %get3A_10 = arith.constant 0 : index
    %get3A_11 = vector.load %arg3[%get3A_9, %get3A_10] : memref<1x256xf32, #tpu.memory_space<vmem>>, vector<1x256xf32>
    %add3A = vector.broadcast %get3A_11 : vector<1x256xf32> to vector<390x256xf32>
    %add3A_12 = arith.addf %dot_general3A_8, %add3A : vector<390x256xf32>
    %tanh3A = math.tanh %add3A_12 : vector<390x256xf32>
    %get3A_13 = arith.constant 0 : index
    %get3A_14 = arith.constant 0 : index
    %get3A_15 = vector.load %arg2[%get3A_13, %get3A_14] : memref<2048x256xf32, #tpu.memory_space<vmem>>, vector<2048x256xf32>
    %dot_general3A_16 = arith.constant dense<0.000000e+00> : vector<390x256xf32>
    %dot_general3A_17 = tpu.matmul %get3A_4, %get3A_15, %dot_general3A_16 {dimension_numbers = #tpu.dot_dimension_numbers<[1], [0], [0], [1], [0, 0, 1, 1], [], []>, transpose_lhs_hint = false} : vector<390x2048xf32>, vector<2048x256xf32>, vector<390x256xf32> -> vector<390x256xf32>
    %get3A_18 = arith.constant 0 : index
    %get3A_19 = arith.constant 0 : index
    %get3A_20 = vector.load %arg3[%get3A_18, %get3A_19] : memref<1x256xf32, #tpu.memory_space<vmem>>, vector<1x256xf32>
    %add3A_21 = vector.broadcast %get3A_20 : vector<1x256xf32> to vector<390x256xf32>
    %add3A_22 = arith.addf %dot_general3A_17, %add3A_21 : vector<390x256xf32>
    %tanh3A_23 = math.tanh %add3A_22 : vector<390x256xf32>
    %get3A_24 = arith.constant 0 : index
    %get3A_25 = arith.constant 0 : index
    %get3A_26 = vector.load %arg4[%get3A_24, %get3A_25] : memref<256x1xf32, #tpu.memory_space<vmem>>, vector<256x1xf32>
    %dot_general3A_27 = arith.constant dense<0.000000e+00> : vector<390x1xf32>
    %dot_general3A_28 = tpu.matmul %tanh3A, %get3A_26, %dot_general3A_27 {dimension_numbers = #tpu.dot_dimension_numbers<[1], [0], [0], [1], [0, 0, 1, 1], [], []>, transpose_lhs_hint = false} : vector<390x256xf32>, vector<256x1xf32>, vector<390x1xf32> -> vector<390x1xf32>
    %reduce_sum3A = vector.shape_cast %dot_general3A_28 : vector<390x1xf32> to vector<1x390x1xf32>
    %reduce_sum3A_29 = arith.constant dense<0.000000e+00> : vector<1xf32>
    %reduce_sum3A_30 = vector.multi_reduction <add>, %reduce_sum3A, %reduce_sum3A_29 [1, 2] : vector<1x390x1xf32> to vector<1xf32>
    %reduce_sum3A_31 = vector.shape_cast %reduce_sum3A_30 : vector<1xf32> to vector<1x1x1xf32>
    %reduce_sum3A_32 = vector.extract %reduce_sum3A_31[0, 0, 0] : f32 from vector<1x1x1xf32>
    %get3A_33 = arith.constant 0 : index
    %get3A_34 = arith.constant 0 : index
    %get3A_35 = vector.load %arg4[%get3A_33, %get3A_34] : memref<256x1xf32, #tpu.memory_space<vmem>>, vector<256x1xf32>
    %dot_general3A_36 = arith.constant dense<0.000000e+00> : vector<390x1xf32>
    %dot_general3A_37 = tpu.matmul %tanh3A_23, %get3A_35, %dot_general3A_36 {dimension_numbers = #tpu.dot_dimension_numbers<[1], [0], [0], [1], [0, 0, 1, 1], [], []>, transpose_lhs_hint = false} : vector<390x256xf32>, vector<256x1xf32>, vector<390x1xf32> -> vector<390x1xf32>
    %reduce_sum3A_38 = vector.shape_cast %dot_general3A_37 : vector<390x1xf32> to vector<1x390x1xf32>
    %reduce_sum3A_39 = arith.constant dense<0.000000e+00> : vector<1xf32>
    %reduce_sum3A_40 = vector.multi_reduction <add>, %reduce_sum3A_38, %reduce_sum3A_39 [1, 2] : vector<1x390x1xf32> to vector<1xf32>
    %reduce_sum3A_41 = vector.shape_cast %reduce_sum3A_40 : vector<1xf32> to vector<1x1x1xf32>
    %reduce_sum3A_42 = vector.extract %reduce_sum3A_41[0, 0, 0] : f32 from vector<1x1x1xf32>
    %mul3A = arith.constant 0.00256410264 : f32
    %mul3A_43 = arith.mulf %reduce_sum3A_32, %mul3A : f32
    %mul3A_44 = arith.constant 0.00256410264 : f32
    %mul3A_45 = arith.mulf %reduce_sum3A_42, %mul3A_44 : f32
    %max3A = arith.maximumf %mul3A_43, %mul3A_45 : f32
    %sub3A = arith.subf %mul3A_43, %max3A : f32
    %exp3A = math.exp %sub3A : f32
    %sub3A_46 = arith.subf %mul3A_45, %max3A : f32
    %exp3A_47 = math.exp %sub3A_46 : f32
    %mul3A_48 = vector.broadcast %exp3A : f32 to vector<390x2048xf32>
    %mul3A_49 = arith.mulf %mul3A_48, %get3A_1 : vector<390x2048xf32>
    %mul3A_50 = vector.broadcast %exp3A_47 : f32 to vector<390x2048xf32>
    %mul3A_51 = arith.mulf %mul3A_50, %get3A_4 : vector<390x2048xf32>
    %add3A_52 = arith.addf %mul3A_49, %mul3A_51 : vector<390x2048xf32>
    %add3A_53 = arith.addf %exp3A, %exp3A_47 : f32
    %div3A = arith.constant 1.000000e+00 : f32
    %div3A_54 = arith.divf %div3A, %add3A_53 : f32
    %mul3A_55 = vector.broadcast %div3A_54 : f32 to vector<390x2048xf32>
    %mul3A_56 = arith.mulf %add3A_52, %mul3A_55 : vector<390x2048xf32>
    %get3A_57 = arith.constant 0 : index
    %get3A_58 = arith.constant 0 : index
    %get3A_59 = vector.load %arg5[%get3A_57, %get3A_58] : memref<2048x256xf32, #tpu.memory_space<vmem>>, vector<2048x256xf32>
    %dot_general3A_60 = arith.constant dense<0.000000e+00> : vector<390x256xf32>
    %dot_general3A_61 = tpu.matmul %mul3A_56, %get3A_59, %dot_general3A_60 {dimension_numbers = #tpu.dot_dimension_numbers<[1], [0], [0], [1], [0, 0, 1, 1], [], []>, transpose_lhs_hint = false} : vector<390x2048xf32>, vector<2048x256xf32>, vector<390x256xf32> -> vector<390x256xf32>
    %get3A_62 = arith.constant 0 : index
    %get3A_63 = arith.constant 0 : index
    %get3A_64 = vector.load %arg6[%get3A_62, %get3A_63] : memref<1x256xf32, #tpu.memory_space<vmem>>, vector<1x256xf32>
    %add3A_65 = vector.broadcast %get3A_64 : vector<1x256xf32> to vector<390x256xf32>
    %add3A_66 = arith.addf %dot_general3A_61, %add3A_65 : vector<390x256xf32>
    %swap3A = arith.constant 0 : index
    %swap3A_67 = arith.constant 0 : index
    %swap3A_68 = vector.load %arg7[%swap3A, %swap3A_67] : memref<390x256xf32, #tpu.memory_space<vmem>>, vector<390x256xf32>
    tpu.vector_store %arg7[%swap3A, %swap3A_67], %add3A_66 {strides = array<i32>} : memref<390x256xf32, #tpu.memory_space<vmem>>, vector<390x256xf32>,
    return
  }
}

module attributes {stable_mosaic.version = 14 : i64} {
  func.func @_finalize_body(%arg0: memref<390x256xf32, #tpu.memory_space<vmem>>, %arg1: memref<390x256xf32, #tpu.memory_space<vmem>>, %arg2: memref<390x2048xf32, #tpu.memory_space<vmem>>, %arg3: memref<256x256xf32, #tpu.memory_space<vmem>>, %arg4: memref<1x256xf32, #tpu.memory_space<vmem>>, %arg5: memref<390x256xf32, #tpu.memory_space<vmem>>) attributes {dimension_semantics = [], scalar_prefetch = 0 : i64, scratch_operands = 0 : i64, tpu.core_type = #tpu.core_type<tc>} {
    %get3A = arith.constant 0 : index
    %get3A_0 = arith.constant 0 : index
    %get3A_1 = vector.load %arg2[%get3A, %get3A_0] : memref<390x2048xf32, #tpu.memory_space<vmem>>, vector<390x2048xf32>
    %tanh3A = math.tanh %get3A_1 : vector<390x2048xf32>
    %slice3A = vector.extract_strided_slice %tanh3A {offsets = [0, 0], sizes = [390, 256], strides = [1, 1]} : vector<390x2048xf32> to vector<390x256xf32>
    %slice3A_2 = vector.extract_strided_slice %tanh3A {offsets = [0, 256], sizes = [390, 256], strides = [1, 1]} : vector<390x2048xf32> to vector<390x256xf32>
    %add3A = arith.addf %slice3A, %slice3A_2 : vector<390x256xf32>
    %slice3A_3 = vector.extract_strided_slice %tanh3A {offsets = [0, 512], sizes = [390, 256], strides = [1, 1]} : vector<390x2048xf32> to vector<390x256xf32>
    %add3A_4 = arith.addf %add3A, %slice3A_3 : vector<390x256xf32>
    %slice3A_5 = vector.extract_strided_slice %tanh3A {offsets = [0, 768], sizes = [390, 256], strides = [1, 1]} : vector<390x2048xf32> to vector<390x256xf32>
    %add3A_6 = arith.addf %add3A_4, %slice3A_5 : vector<390x256xf32>
    %slice3A_7 = vector.extract_strided_slice %tanh3A {offsets = [0, 1024], sizes = [390, 256], strides = [1, 1]} : vector<390x2048xf32> to vector<390x256xf32>
    %add3A_8 = arith.addf %add3A_6, %slice3A_7 : vector<390x256xf32>
    %slice3A_9 = vector.extract_strided_slice %tanh3A {offsets = [0, 1280], sizes = [390, 256], strides = [1, 1]} : vector<390x2048xf32> to vector<390x256xf32>
    %add3A_10 = arith.addf %add3A_8, %slice3A_9 : vector<390x256xf32>
    %slice3A_11 = vector.extract_strided_slice %tanh3A {offsets = [0, 1536], sizes = [390, 256], strides = [1, 1]} : vector<390x2048xf32> to vector<390x256xf32>
    %add3A_12 = arith.addf %add3A_10, %slice3A_11 : vector<390x256xf32>
    %slice3A_13 = vector.extract_strided_slice %tanh3A {offsets = [0, 1792], sizes = [390, 256], strides = [1, 1]} : vector<390x2048xf32> to vector<390x256xf32>
    %add3A_14 = arith.addf %add3A_12, %slice3A_13 : vector<390x256xf32>
    %mul3A = arith.constant 1.250000e-01 : f32
    %mul3A_15 = vector.broadcast %mul3A : f32 to vector<390x256xf32>
    %mul3A_16 = arith.mulf %add3A_14, %mul3A_15 : vector<390x256xf32>
    %get3A_17 = arith.constant 0 : index
    %get3A_18 = arith.constant 0 : index
    %get3A_19 = vector.load %arg0[%get3A_17, %get3A_18] : memref<390x256xf32, #tpu.memory_space<vmem>>, vector<390x256xf32>
    %get3A_20 = arith.constant 0 : index
    %get3A_21 = arith.constant 0 : index
    %get3A_22 = vector.load %arg1[%get3A_20, %get3A_21] : memref<390x256xf32, #tpu.memory_space<vmem>>, vector<390x256xf32>
    %add3A_23 = arith.addf %get3A_19, %get3A_22 : vector<390x256xf32>
    %add3A_24 = arith.addf %add3A_23, %mul3A_16 : vector<390x256xf32>
    %mul3A_25 = arith.constant 0.333333343 : f32
    %mul3A_26 = vector.broadcast %mul3A_25 : f32 to vector<390x256xf32>
    %mul3A_27 = arith.mulf %add3A_24, %mul3A_26 : vector<390x256xf32>
    %get3A_28 = arith.constant 0 : index
    %get3A_29 = arith.constant 0 : index
    %get3A_30 = vector.load %arg3[%get3A_28, %get3A_29] : memref<256x256xf32, #tpu.memory_space<vmem>>, vector<256x256xf32>
    %dot_general3A = arith.constant dense<0.000000e+00> : vector<390x256xf32>
    %dot_general3A_31 = tpu.matmul %mul3A_27, %get3A_30, %dot_general3A {dimension_numbers = #tpu.dot_dimension_numbers<[1], [0], [0], [1], [0, 0, 1, 1], [], []>, transpose_lhs_hint = false} : vector<390x256xf32>, vector<256x256xf32>, vector<390x256xf32> -> vector<390x256xf32>
    %get3A_32 = arith.constant 0 : index
    %get3A_33 = arith.constant 0 : index
    %get3A_34 = vector.load %arg4[%get3A_32, %get3A_33] : memref<1x256xf32, #tpu.memory_space<vmem>>, vector<1x256xf32>
    %add3A_35 = vector.broadcast %get3A_34 : vector<1x256xf32> to vector<390x256xf32>
    %add3A_36 = arith.addf %dot_general3A_31, %add3A_35 : vector<390x256xf32>
    %reduce_sum3A = arith.constant dense<0.000000e+00> : vector<256xf32>
    %reduce_sum3A_37 = vector.multi_reduction <add>, %add3A_36, %reduce_sum3A [0] : vector<390x256xf32> to vector<256xf32>
    %broadcast_in_dim3A = vector.shape_cast %reduce_sum3A_37 : vector<256xf32> to vector<1x256xf32>
    %div3A = arith.constant 3.900000e+02 : f32
    %div3A_38 = vector.broadcast %div3A : f32 to vector<1x256xf32>
    %div3A_39 = arith.divf %broadcast_in_dim3A, %div3A_38 : vector<1x256xf32>
    %sub3A = vector.broadcast %div3A_39 : vector<1x256xf32> to vector<390x256xf32>
    %sub3A_40 = arith.subf %add3A_36, %sub3A : vector<390x256xf32>
    %integer_pow3A = arith.mulf %sub3A_40, %sub3A_40 : vector<390x256xf32>
    %reduce_sum3A_41 = arith.constant dense<0.000000e+00> : vector<256xf32>
    %reduce_sum3A_42 = vector.multi_reduction <add>, %integer_pow3A, %reduce_sum3A_41 [0] : vector<390x256xf32> to vector<256xf32>
    %broadcast_in_dim3A_43 = vector.shape_cast %reduce_sum3A_42 : vector<256xf32> to vector<1x256xf32>
    %div3A_44 = arith.constant 3.900000e+02 : f32
    %div3A_45 = vector.broadcast %div3A_44 : f32 to vector<1x256xf32>
    %div3A_46 = arith.divf %broadcast_in_dim3A_43, %div3A_45 : vector<1x256xf32>
    %sub3A_47 = vector.broadcast %div3A_39 : vector<1x256xf32> to vector<390x256xf32>
    %sub3A_48 = arith.subf %add3A_36, %sub3A_47 : vector<390x256xf32>
    %add3A_49 = arith.constant 9.99999974E-6 : f32
    %add3A_50 = vector.broadcast %add3A_49 : f32 to vector<1x256xf32>
    %add3A_51 = arith.addf %div3A_46, %add3A_50 : vector<1x256xf32>
    %rsqrt3A = math.rsqrt %add3A_51 : vector<1x256xf32>
    %mul3A_52 = vector.broadcast %rsqrt3A : vector<1x256xf32> to vector<390x256xf32>
    %mul3A_53 = arith.mulf %sub3A_48, %mul3A_52 : vector<390x256xf32>
    %tanh3A_54 = math.tanh %mul3A_53 : vector<390x256xf32>
    %swap3A = arith.constant 0 : index
    %swap3A_55 = arith.constant 0 : index
    %swap3A_56 = vector.load %arg5[%swap3A, %swap3A_55] : memref<390x256xf32, #tpu.memory_space<vmem>>, vector<390x256xf32>
    tpu.vector_store %arg5[%swap3A, %swap3A_55], %tanh3A_54 {strides = array<i32>} : memref<390x256xf32, #tpu.memory_space<vmem>>, vector<390x256xf32>,
    return
  }
}

</mosaic_0001>

<sc_bundles>
// kernel: kernel.15.cloned.1.call-start
scs
__scs_entry_jumppad:
0x0: {  	(pc) =	sbr.rel $0x88, $3  }
0x1: {  	(tag) =	ssettag $0x0;
	lr =	simm.s32 $0x1  }
0x2: {  	[smem:$0x3F76] =	sst lr;
	_ =	strace $0xD0000000  }
0x3: {  	_ = 	snop  }
0x4: {  	_ = 	snop  }
0x5: {  	_ = 	snop  }
0x6: {  	_ = 	snop  }
0x7: {  	_ = 	snop  }
__scs_overlays_trampoline_lowered:
0x8: {  	[smem:$0x3F85] =	sst s0  }
0x9: {  	[smem:$0x3F86] =	sst s1  }
0xa: {  	[smem:$0x3F87] =	sst s2  }
0xb: {  	[smem:$0x3F88] =	sst s3  }
0xc: {  	[smem:$0x3F89] =	sst s4  }
0xd: {  	[smem:$0x3F8A] =	sst s5  }
0xe: {  	[smem:$0x3F8B] =	sst s6  }
0xf: {  	[smem:$0x3F8C] =	sst s7  }
0x10: {  	[smem:$0x3F8D] =	sst s8  }
0x11: {  	[smem:$0x3F8E] =	sst s9;
	s0 =	simm.s32 @!p0 $0x0  }
0x12: {  	s1 =	sld [smem:$0x3F74];
	s0 =	simm.s32 @p0 $0x1  }
0x13: {  	[smem:$0x3F8F] =	sst s0;
	s0 =	simm.s32 @!p1 $0x0  }
0x14: {  	s2 =	sld [smem:$0x3F73];
	s0 =	simm.s32 @p1 $0x1  }
0x15: {  	[smem:$0x3F90] =	sst s0;
	s0 =	simm.s32 @!p2 $0x0  }
0x16: {  	s3 =	sld [smem:$0x3FDB];
	s0 =	simm.s32 @p2 $0x1  }
0x17: {  	s4 =	simm.s32 $0x1BF5;
	[smem:$0x3F92] =	sst s0  }
0x18: {  	s0 =	sld [smem:$0x3F75];
	_ =	swait.ge [sflag:s4], $0x0  }
0x19: {  	s7 =	sld [smem:$0x3F76]  }
0x1a: {  	s8 =	sadd.s32 $0xFFFFE003, lr  }
0x1b: {  	s9 =	sadd.s32 $0xFFFFFEF7, lr;
	s5 =	simm.s32 $0xFFFFFFFF;
	p2 =	slt.u32 s8, $0xFFFFF086  }
0x1c: {  	p1 =	slt.u32 s9, $0xF7A;
	s5 =	simm.s32 @!p2 $0x0  }
0x1d: {  	s5 =	simm.s32 @p1 $0x1;
	p0 =	seq.s32 s7, s2  }
0x1e: {  	s7 =	smul.u32 @!p0 $0xF7A, s2;
	p2 =	seq.s32 @!p0 s5, $0x0  }
0x1f: {  	s9 =	smul.u32 $0xF7A, s1;
	s8 =	simm.s32 @!p0 $0x1BF5;
	p2 =	por !p2, p0  }
0x20: {  	[sflag:s8] =	ssyncset.s32 @!p0 $0xFFFFF086;
	s6 =	sadd.s32 @!p0 s3, s7;
	s7 =	simm.s32 @!p0 $0x108  }
0x21: {  	s3 =	sadd.s32 s3, s9;
	s6 =	sadd.s32 @!p0 $0x88, s6;
	s7 =	simm.s32 @p2 $0x1082  }
0x22: {  	[simem:s7], [sflag:s8] =	dma.local @!p0 [hbm:s6], $0xF7A  }
0x23: {  	s9 =	sor.u32 $0xD0000000, s2;
	s6 =	simm.s32 $0x108;
	_ =	swait.ge @!p0 [sflag:s8], $0x0  }
0x24: {  	s3 =	sadd.s32 $0x88, s3;
	s6 =	simm.s32 @!p1 $0x1082;
	[sflag:s4] =	ssyncset.s32 $0xFFFFF086  }
0x25: {  	[simem:s6], [sflag:s4] =	dma.local [hbm:s3], $0xF7A  }
0x26: {  	[smem:$0x3F76] =	sst s1;
	(tag) =	ssettag s2;
	_ =	strace s9  }
0x27: {  	s1 =	sld [smem:$0x3F86]  }
0x28: {  	s2 =	sld [smem:$0x3F87]  }
0x29: {  	s4 =	sld [smem:$0x3F89]  }
0x2a: {  	p0 =	seq.s32 s5, $0x0;
	s5 =	sld [smem:$0x3F8A]  }
0x2b: {  	s6 =	sld [smem:$0x3F8B]  }
0x2c: {  	s7 =	sld [smem:$0x3F8C]  }
0x2d: {  	s3 =	simm.s32 $0x108;
	s8 =	sld [smem:$0x3F8D]  }
0x2e: {  	s3 =	simm.s32 @!p0 $0x1082;
	s9 =	sld [smem:$0x3F8E]  }
0x2f: {  	lr =	sadd.s32 s0, s3;
	s0 =	sld [smem:$0x3F85]  }
0x30: {  	s3 =	sld [smem:$0x3F88]  }
0x31: {  	[smem:$0x3F91] =	sst s10  }
0x32: {  	s10 =	sld [smem:$0x3F8F];
	_ =	sdelay $0x3  }
0x33: {  	p0 =	seq.s32 s10, $0x1;
	s10 =	sld [smem:$0x3F91];
	_ =	sdelay $0x3  }
0x34: {  	[smem:$0x3F91] =	sst s10  }
0x35: {  	s10 =	sld [smem:$0x3F90];
	_ =	sdelay $0x3  }
0x36: {  	p1 =	seq.s32 s10, $0x1;
	s10 =	sld [smem:$0x3F91];
	_ =	sdelay $0x3  }
0x37: {  	[smem:$0x3F91] =	sst s10  }
0x38: {  	s10 =	sld [smem:$0x3F92]  }
0x39: {  	_ = 	snop;
	(pc) =	sbr.ind lr, $3  }
0x3a: {  	_ = 	snop  }
0x3b: {  	_ = 	snop  }
0x3c: {  	p2 =	seq.s32 s10, $0x1;
	s10 =	sld [smem:$0x3F91]  }
0x3d: {  	_ =	shalt  }
0x3e: {  	_ =	shalt  }
0x3f: {  	_ =	shalt  }
0x40: {  	_ =	shalt  }
0x41: {  	_ =	shalt  }
0x42: {  	_ =	shalt  }
0x43: {  	_ =	shalt  }
0x44: {  	_ =	shalt  }
0x45: {  	_ =	shalt  }
0x46: {  	_ =	shalt  }
0x47: {  	_ =	shalt  }
0x48: {  	_ =	shalt  }
0x49: {  	_ =	shalt  }
0x4a: {  	_ =	shalt  }
0x4b: {  	_ =	shalt  }
0x4c: {  	_ =	shalt  }
0x4d: {  	_ =	shalt  }
0x4e: {  	_ =	shalt  }
0x4f: {  	_ =	shalt  }
0x50: {  	_ =	shalt  }
0x51: {  	_ =	shalt  }
0x52: {  	_ =	shalt  }
0x53: {  	_ =	shalt  }
0x54: {  	_ =	shalt  }
0x55: {  	_ =	shalt  }
0x56: {  	_ =	shalt  }
0x57: {  	_ =	shalt  }
0x58: {  	_ =	shalt  }
0x59: {  	_ =	shalt  }
0x5a: {  	_ =	shalt  }
0x5b: {  	_ =	shalt  }
0x5c: {  	_ =	shalt  }
0x5d: {  	_ =	shalt  }
0x5e: {  	_ =	shalt  }
0x5f: {  	_ =	shalt  }
0x60: {  	_ =	shalt  }
0x61: {  	_ =	shalt  }
0x62: {  	_ =	shalt  }
0x63: {  	_ =	shalt  }
0x64: {  	_ =	shalt  }
0x65: {  	_ =	shalt  }
0x66: {  	_ =	shalt  }
0x67: {  	_ =	shalt  }
0x68: {  	_ =	shalt  }
0x69: {  	_ =	shalt  }
0x6a: {  	_ =	shalt  }
0x6b: {  	_ =	shalt  }
0x6c: {  	_ =	shalt  }
0x6d: {  	_ =	shalt  }
0x6e: {  	_ =	shalt  }
0x6f: {  	_ =	shalt  }
0x70: {  	_ =	shalt  }
0x71: {  	_ =	shalt  }
0x72: {  	_ =	shalt  }
0x73: {  	_ =	shalt  }
0x74: {  	_ =	shalt  }
0x75: {  	_ =	shalt  }
0x76: {  	_ =	shalt  }
0x77: {  	_ =	shalt  }
0x78: {  	_ =	shalt  }
0x79: {  	_ =	shalt  }
0x7a: {  	_ =	shalt  }
0x7b: {  	_ =	shalt  }
0x7c: {  	_ =	shalt  }
0x7d: {  	_ =	shalt  }
0x7e: {  	_ =	shalt  }
0x7f: {  	_ =	shalt  }
0x80: {  	_ =	shalt  }
0x81: {  	_ =	shalt  }
0x82: {  	_ =	shalt  }
0x83: {  	_ =	shalt  }
0x84: {  	_ =	shalt  }
0x85: {  	_ =	shalt  }
0x86: {  	_ =	shalt  }
0x87: {  	_ =	shalt  }
.Lfunc_end0:
.L_simem_size_0:
called_computation_lowered:
.L_overlay_start_0:
0x88: {  	s2 =	sld [smem:$0x3FD9]  }
0x89: {  	s3 =	sld [smem:$0x3FFE];
	_ =	sdelay $0x1  }
0x8a: {  	s1 =	srdreg.scid  }
0x8b: {  	s0 =	sand.u32 $0x1, s1  }
0x8c: {  	s14 =	sshll.u32 s0, $0xA;
	s2 =	sadd.s32 s3, s2  }
0x8d: {  	s2 =	sadd.s32 s2, s14  }
0x8e: {  	[smem:$0x3F9D] =	sst s2  }
0x8f: {  	_ = 	snop  }
0x90: {  	s2 =	sld [smem:$0x3FD0];
	_ =	sdelay $0x2  }
0x91: {  	s15 =	simm.s32 $0xA;
	s4 =	simm.s32 $0x10  }
0x92: {  	[smem:s4], [sflag:s15] =	dma.local [hbm:s2], $0x1  }
0x93: {  	_ =	swait.eq [sflag:s15], $0x1  }
0x94: {  	[sflag:s15] =	ssyncset.done $0x0  }
0x95: {  	s16 =	sld [smem:$0x10];
	[sflag:s15] =	ssyncadd.s32 $0xFFFFFFFF  }
0x96: {  	s17 =	sld [smem:$0x11];
	(tm) =	ssettm $0x1  }
0x97: {  	s18 =	sld [smem:$0x3FFB];
	_ =	sdelay $0x3  }
0x98: {  	_ =	strace s18  }
0x99: {  	s4 =	sld [smem:$0x3FFC];
	_ =	sdelay $0x3  }
0x9a: {  	_ =	strace s4  }
0x9b: {  	s4 =	sld [smem:$0x3FFD];
	_ =	sdelay $0x3  }
0x9c: {  	_ =	strace s4  }
0x9d: {  	_ =	strace $0x8FFFFFFF  }
0x9e: {  	s19 =	sld [smem:$0x3FDB];
	_ =	sdelay $0x1  }
0x9f: {  	s5 =	simm.s32 $_scs_section_size  }
0xa0: {  	s6 =	simm.s32 $_size__tile_overlayer_lowered;
	s7 =	simm.s32 $_tile_overlayer_lowered  }
0xa1: {  	s22 =	simm.s32 $0x1BFF;
	s21 =	sshll.u32 s7, $0x1;
	s4 =	sadd.s32 s5, s19  }
0xa2: {  	s8 =	simm.s32 $0x0;
	s20 =	sshll.u32 s6, $0x1;
	s6 =	sadd.s32 s21, s4  }
0xa3: {  	[timem:s8], [sflag:s22] =	dma.local [hbm:s6], s20  }
0xa4: {  	_ =	swait.ge [sflag:s22], s20  }
0xa5: {  	s5 =	ssub.s32 $0x0, s20;
	[sflag:s22] =	ssyncset.done $0x0  }
0xa6: {  	[sflag:s22] =	ssyncadd.s32 s5;
	_ =	sdelay $0x1  }
0xa7: {  	s23 =	simm.s32 $0x1B8B  }
0xa8: {  	_ =	swait.ge [sflag:s23], $0x1  }
0xa9: {  	[sflag:s23] =	ssyncset.done $0x0  }
0xaa: {  	s25 =	simm.s32 $0x1B8E;
	s24 =	sld [smem:$0x3FFE];
	[sflag:s23] =	ssyncadd.s32 $0xFFFFFFFF  }
0xab: {  	s26 =	simm.s32 $execute0_lowered;
	[smem:$0x3FD2] =	sst s25  }
0xac: {  	s6 =	sshll.u32 s26, $0x1;
	_ =	strace $0x80000046;
	[dreg:$0x1] =	wrdreg $0xFFFFFFFF  }
0xad: {  	s28 =	simm.s32 $_size_execute0_lowered;
	s4 =	sadd.s32 s4, s6;
	[dreg:$0x0] =	wrdreg $0x0  }
0xae: {  	s6 =	sshll.u32 s28, $0x1;
	[dreg:$0x2] =	wrdreg s4  }
0xaf: {  	[dreg:$0x3] =	wrdreg s6  }
0xb0: {  	[dreg:$0x4] =	wrdreg $0xC0  }
0xb1: {  	_ =	task [dreg:s8], $0x5FFFF  }
0xb2: {  	[dreg:$0x1] =	wrdreg $0xFFFFFFFF  }
0xb3: {  	[dreg:$0x0] =	wrdreg $0x60  }
0xb4: {  	[dreg:$0x2] =	wrdreg s17  }
0xb5: {  	[dreg:$0x3] =	wrdreg s16  }
0xb6: {  	[dreg:$0x4] =	wrdreg s24  }
0xb7: {  	[dreg:$0x5] =	wrdreg $0x0  }
0xb8: {  	[dreg:$0x6] =	wrdreg $0x9  }
0xb9: {  	_ =	task.clear_ibuf [dreg:s8], $0x7FFFF;
	_ =	strace $0x90000046  }
0xba: {  	s29 =	simm.s32 $0x9;
	_ =	strace $0x80000048  }
0xbb: {  	_ =	swait.ge [sflag:s29], $0x1  }
0xbc: {  	[sflag:s29] =	ssyncadd.s32 $0xFFFFFFFF  }
0xbd: {  	_ =	strace $0x90000048  }
0xbe: {  	_ =	sfence  }
0xbf: {  	s30 =	sld [smem:$0x0];
	_ =	sdelay $0x2  }
0xc0: {  	s31 =	sshll.u32 s1, $0xD;
	s1 =	sshrl.u32 s1, $0x2  }
0xc1: {  	s3 =	sand.u32 $0x4000, s31;
	s1 =	sadd.s32 s1, s30  }
0xc2: {  	s0 =	sor.u32 s3, s0;
	s1 =	sshll.u32 s1, $0x11  }
0xc3: {  	s0 =	sor.u32 s1, s0  }
0xc4: {  	s0 =	sadd.s32 $0x8F2B, s0  }
0xc5: {  	[sflag:s0] =	ssyncadd.remote.s32 $0x1  }
0xc6: {  	_ =	sfence.sel $0xFFFF  }
0xc7: {  	[dreg:$0x0] =	wrdreg $0xFFFFFFFF;
	(pc) =	sbr.abs _section_cstart, $3  }
0xc8: {  	[dreg:$0x1] =	wrdreg $0xFFFFFFFF  }
0xc9: {  	_ =	task.clear_ibuf [dreg:s8], $0x2FFFF;
	_ =	strace $0x9FFFFFFF  }
0xca: {  	(tm) =	ssettm $0x7FFFFFFF  }
0xcb: {  	_ =	shalt  }
tec
execute0_lowered:
.L_overlay_start_1:
0x0: {  	(tag) =	ssettag $0x1  }
0x1: {  	s0 =	rddreg [dreg:$0x0]  }
0x2: {  	s1 =	rddreg [dreg:$0x1]  }
0x3: {  	s4 =	rddreg [dreg:$0x2];
	s26 =	stileid.u32  }
0x4: {  	s2 =	rddreg [dreg:$0x3];
	s5 =	smul.u32 $0x1A0, s26  }
0x5: {  	s3 =	simm.s32 $0x0;
	s10 =	srdreg.scid;
	s6 =	smul.u32 $0xE0, s26  }
0x6: {  	[smem:$0x7FF] =	sst s3;
	s7 =	smul.u32 $0xC400, s26  }
0x7: {  	s11 =	sadd.s32 $0xE400, s4;
	s21 =	sand.u32 $0x1, s10;
	s22 =	sadd.s32 $0x26E00, s4  }
0x8: {  	s12 =	sshll.u32 s26, $0xB;
	_ =	strace $0x80000047;
	[dreg:$0x5] =	wrdreg s11  }
0x9: {  	s10 =	sshll.u32 s26, $0xE;
	[dreg:$0x6] =	wrdreg s22;
	s23 =	ssub.s32 $0x2, s21  }
0xa: {  	[dreg:$0x7] =	wrdreg s12;
	s12 =	sadd.s32 s12, s4;
	p0 =	seq.s32 s21, $0x1  }
0xb: {  	s15 =	sadd.s32 s10, s2;
	s9 =	sadd.s32 s5, s4;
	s0 =	sadd.s32 s0, s5  }
0xc: {  	s6 =	sadd.s32 s6, s4;
	s25 =	sadd.s32 s1, s5;
	[dreg:$0x9] =	wrdreg s0  }
0xd: {  	s8 =	sshrl.u32 s7, $0x3;
	s22 =	sadd.s32 $0x2EE00, s12;
	[dreg:$0xa] =	wrdreg s25  }
0xe: {  	s20 =	sadd.s32 s8, s4;
	s4 =	sadd.s32 $0x36E00, s4;
	[dreg:$0x16] =	wrdreg s22  }
0xf: {  	s24 =	sshrl.u32 s23, $0x1;
	s5 =	sadd.s32 $0x9600, s9;
	[dreg:$0x8] =	wrdreg s4  }
0x10: {  	s8 =	sadd.s32 s7, s2;
	s7 =	sadd.s32 $0x7C00, s9;
	[dreg:$0xc] =	wrdreg s5  }
0x11: {  	s11 =	sadd.s32 $0x800, s15;
	s14 =	sadd.s32 $0x3600, s6;
	[dreg:$0xd] =	wrdreg s7  }
0x12: {  	s12 =	sadd.s32 $0x1000, s15;
	s16 =	sadd.s32 $0x2800, s6;
	[dreg:$0xf] =	wrdreg s14  }
0x13: {  	s17 =	sadd.s32 $0xCA00, s9;
	s18 =	sadd.s32 $0xB000, s9;
	[dreg:$0x10] =	wrdreg s16  }
0x14: {  	s21 =	sadd.s32 $0x4400, s6;
	s4 =	ssub.s32 s23, s24;
	[dreg:$0x11] =	wrdreg s17  }
0x15: {  	s1 =	sadd.s32 $0xE600, s20;
	s13 =	sadd.s32 $0x3EE00, s20;
	[dreg:$0x12] =	wrdreg s18  }
0x16: {  	s19 =	sadd.s32 $0x57600, s20;
	s20 =	sadd.s32 $0x5200, s6;
	[dreg:$0x15] =	wrdreg s21  }
0x17: {  	s23 =	sadd.s32 $0x6E00, s6;
	s24 =	sadd.s32 $0x6000, s6;
	s28 =	sadd.s32 $0x1880, s8  }
0x18: {  	s29 =	sadd.s32 $0x3100, s8;
	s30 =	sadd.s32 $0x4980, s8;
	s31 =	sadd.s32 $0x6200, s8  }
0x19: {  	s9 =	sadd.s32 $0x9300, s8;
	s10 =	sadd.s32 $0xAB80, s8;
	[dreg:$0xb] =	wrdreg s1  }
0x1a: {  	s5 =	sadd.s32 $0x2000, s15;
	s14 =	sadd.s32 $0x2800, s15;
	[dreg:$0xe] =	wrdreg s13  }
0x1b: {  	s16 =	sadd.s32 $0x3000, s15;
	s7 =	sadd.s32 $0x3800, s15;
	[dreg:$0x13] =	wrdreg s19  }
.Ltmp0:
0x1c: {  	s17 =	simm.s32 $0xEB00;
	[dreg:$0x14] =	wrdreg s20;
	(pc) =	sbr.rel .LBB2_1-.Ltmp0, $4  }
0x1d: {  	s18 =	simm.s32 $0x1;
	s21 =	simm.s32 $0xD100;
	[dreg:$0x17] =	wrdreg s23  }
0x1e: {  	[dreg:$0x18] =	wrdreg s24;
	s25 =	smax.u32 s4, $0x1;
	s1 =	sadd.s32 $0x7A80, s8  }
0x1f: {  	s13 =	sadd.s32 $0x1800, s15;
	s19 =	simm.s32 $0xF800;
	s20 =	simm.s32 $0xC400  }
0x20: {  	v0 =	vimm.f32 $0.0e+00;
	s23 =	simm.s32 $0xDE00;
	[dreg:$0x19] =	wrdreg s25;
	s25 =	simm.s32 $0x0  }
.LBB2_10:
0x21: {  	s4 =	rddreg [dreg:$0x6];
	s26 =	stileid.u32  }
.LBB2_18:
0x22: {  	[bflag:$0x0] =	sbarrier.arrive $0xFFFF;
	s6 =	simm.s32 $0x700  }
0x23: {  	[spmem:s2] =	stream.indirect.scatter.add.f32 [tilespmem:s17], [sflag:$0x1], $0x1, s23, s6, $0xb8;
	[tilespmem:$0x11080] =	vst v63  }
0x24: {  	_ =	swait.ge [sflag:s18], $0x700  }
0x25: {  	[sflag:s18] =	ssyncset.done $0x0  }
0x26: {  	s24 =	rddreg [dreg:$0x7];
	[sflag:s18] =	ssyncadd.s32 $0xFFFFF900  }
0x27: {  	s22 =	sshrl.u32 s15, $0x3;
	s4 =	sadd.s32 s4, s24;
	[bflag:$0x0] =	sbarrier.arrive $0xFFFF  }
0x28: {  	[hbm:s4], [sflag:s0] =	dma.local [spmem:s22], $0x800  }
0x29: {  	_ =	swait.ge [sflag:s18], $0x800  }
0x2a: {  	s25 =	sadd.s32 $0x1, s25;
	s24 =	rddreg [dreg:$0x19]  }
0x2b: {  	p1 =	sne.s32 s25, s24  }
.Ltmp1:
0x2c: {  	_ = 	snop;
	(pc) =	sbr.rel @!p1 .LBB2_19-.Ltmp1, $3  }
0x2d: {  	_ =	sdelay $0x1  }
0x2e: {  	[sflag:s18] =	ssyncset.done $0x0  }
0x2f: {  	[sflag:s18] =	ssyncadd.s32 $0xFFFFF800  }
.LBB2_1:
0x30: {  	s0 =	rddreg [dreg:$0x5]  }
0x31: {  	[tilespmem:s17], [sflag:$0x1] =	stream.linear.gather [hbm4b:s0+s3], $0xD00, $0x38;
	[tilespmem:$0x11080] =	vst v63  }
0x32: {  	_ =	swait.ge [sflag:s18], $0xD00  }
0x33: {  	[sflag:s18] =	ssyncset.done $0x0  }
0x34: {  	s0 =	simm.s32 $0xF840;
	[sflag:s18] =	ssyncadd.s32 $0xFFFFF300  }
0x35: {  	[tilespmem:s0+$0xFFFFFFC0] =	vst v0  }
0x36: {  	[tilespmem:s0+$0x30] =	vst v0  }
0x37: {  	[tilespmem:s0+$0x20] =	vst v0  }
0x38: {  	[tilespmem:s0+$0x10] =	vst v0  }
0x39: {  	[tilespmem:s0+$0x0] =	vst v0  }
0x3a: {  	[tilespmem:s0+$0xFFFFFFF0] =	vst v0  }
0x3b: {  	s4 =	simm.s32 $0x0;
	[tilespmem:s0+$0xFFFFFFE0] =	vst v0  }
.LBB2_2:
0x3c: {  	s4 =	sadd.s32 $0x8, s4;
	[tilespmem:s0+$0xFFFFFFD0] =	vst v0;
	s0 =	sadd.s32 $0x80, s0  }
0x3d: {  	[tilespmem:s0+$0xFFFFFFC0] =	vst v0;
	p1 =	slt.u32 s4, $0x180  }
0x3e: {  	[tilespmem:s0+$0x30] =	vst v0  }
.Ltmp2:
0x3f: {  	[tilespmem:s0+$0x20] =	vst v0;
	(pc) =	sbr.rel @p1 .LBB2_2-.Ltmp2, $4  }
0x40: {  	[tilespmem:s0+$0x10] =	vst v0  }
0x41: {  	[tilespmem:s0+$0x0] =	vst v0  }
0x42: {  	[tilespmem:s0+$0xFFFFFFF0] =	vst v0  }
0x43: {  	[tilespmem:s0+$0xFFFFFFE0] =	vst v0  }
0x44: {  	[tilespmem:s0+$0xFFFFFFD0] =	vst v0  }
0x45: {  	[bflag:$0x0] =	sbarrier.arrive $0xFFFF  }
0x46: {  	[spmem:s8] =	stream.linear.scatter [tilespmem:s19], [sflag:$0x1], $0x1880, $0x38;
	[tilespmem:$0x11080] =	vst v63  }
0x47: {  	_ =	swait.ge [sflag:s18], $0x1880  }
0x48: {  	[sflag:s18] =	ssyncset.done $0x0  }
0x49: {  	[sflag:s18] =	ssyncadd.s32 $0xFFFFE780  }
0x4a: {  	[spmem:s28] =	stream.linear.scatter [tilespmem:s19], [sflag:$0x1], $0x1880, $0x38;
	[tilespmem:$0x11080] =	vst v63  }
0x4b: {  	_ =	swait.ge [sflag:s18], $0x1880  }
0x4c: {  	[sflag:s18] =	ssyncset.done $0x0  }
0x4d: {  	[sflag:s18] =	ssyncadd.s32 $0xFFFFE780  }
0x4e: {  	[spmem:s29] =	stream.linear.scatter [tilespmem:s19], [sflag:$0x1], $0x1880, $0x38;
	[tilespmem:$0x11080] =	vst v63  }
0x4f: {  	_ =	swait.ge [sflag:s18], $0x1880  }
0x50: {  	[sflag:s18] =	ssyncset.done $0x0  }
0x51: {  	[sflag:s18] =	ssyncadd.s32 $0xFFFFE780  }
0x52: {  	[spmem:s30] =	stream.linear.scatter [tilespmem:s19], [sflag:$0x1], $0x1880, $0x38;
	[tilespmem:$0x11080] =	vst v63  }
0x53: {  	_ =	swait.ge [sflag:s18], $0x1880  }
0x54: {  	[sflag:s18] =	ssyncset.done $0x0  }
0x55: {  	[sflag:s18] =	ssyncadd.s32 $0xFFFFE780  }
0x56: {  	[spmem:s31] =	stream.linear.scatter [tilespmem:s19], [sflag:$0x1], $0x1880, $0x38;
	[tilespmem:$0x11080] =	vst v63  }
0x57: {  	_ =	swait.ge [sflag:s18], $0x1880  }
0x58: {  	[sflag:s18] =	ssyncset.done $0x0  }
0x59: {  	[sflag:s18] =	ssyncadd.s32 $0xFFFFE780  }
0x5a: {  	[spmem:s1] =	stream.linear.scatter [tilespmem:s19], [sflag:$0x1], $0x1880, $0x38;
	[tilespmem:$0x11080] =	vst v63  }
0x5b: {  	_ =	swait.ge [sflag:s18], $0x1880  }
0x5c: {  	[sflag:s18] =	ssyncset.done $0x0  }
0x5d: {  	[sflag:s18] =	ssyncadd.s32 $0xFFFFE780  }
0x5e: {  	[spmem:s9] =	stream.linear.scatter [tilespmem:s19], [sflag:$0x1], $0x1880, $0x38;
	[tilespmem:$0x11080] =	vst v63  }
0x5f: {  	_ =	swait.ge [sflag:s18], $0x1880  }
0x60: {  	[sflag:s18] =	ssyncset.done $0x0  }
.Ltmp3:
0x61: {  	[sflag:s18] =	ssyncadd.s32 $0xFFFFE780;
	(pc) =	sbr.rel @!p0 .LBB2_4-.Ltmp3, $4  }
0x62: {  	[spmem:s10] =	stream.linear.scatter [tilespmem:s19], [sflag:$0x1], $0x1880, $0x38;
	[tilespmem:$0x11080] =	vst v63  }
0x63: {  	_ =	swait.ge [sflag:s18], $0x1880  }
0x64: {  	[sflag:s18] =	ssyncset.done $0x0  }
0x65: {  	[sflag:s18] =	ssyncadd.s32 $0xFFFFE780  }
0x66: {  	s0 =	rddreg [dreg:$0x11]  }
0x67: {  	[tilespmem:s20], [sflag:$0x1] =	stream.linear.gather [hbm4b:s0+s3], $0xD00, $0x38;
	[tilespmem:$0x11080] =	vst v63  }
0x68: {  	_ =	swait.ge [sflag:s18], $0xD00  }
0x69: {  	[sflag:s18] =	ssyncset.done $0x0  }
0x6a: {  	s24 =	rddreg [dreg:$0x12];
	[sflag:s18] =	ssyncadd.s32 $0xFFFFF300  }
0x6b: {  	[tilespmem:s21], [sflag:$0x1] =	stream.linear.gather [hbm4b:s24+s3], $0xD00, $0x38;
	[tilespmem:$0x11080] =	vst v63  }
0x6c: {  	_ =	swait.ge [sflag:s18], $0xD00  }
0x6d: {  	[sflag:s18] =	ssyncset.done $0x0  }
0x6e: {  	s6 =	simm.s32 $0xD140;
	[sflag:s18] =	ssyncadd.s32 $0xFFFFF300  }
0x6f: {  	v1 =	vld [tilespmem:s6+$0xFFFFFFC0]  }
0x70: {  	s0 =	simm.s32 $0xC440  }
0x71: {  	v2 =	vld [tilespmem:s0+$0xFFFFFFC0];
	_ =	sdelay $0x2  }
0x72: {  	v1 =	vmul.u32 $0x380, v1;
	_ =	sdelay $0x1  }
0x73: {  	s4 =	simm.s32 $0xDE40;
	v1 =	vadd.s32 v2, v1  }
0x74: {  	[tilespmem:s4+$0xFFFFFFC0] =	vst v1  }
0x75: {  	v1 =	vld [tilespmem:s6+$0xFFFFFFD0];
	_ =	sdelay $0x1  }
0x76: {  	v2 =	vld [tilespmem:s0+$0xFFFFFFD0];
	_ =	sdelay $0x2  }
0x77: {  	v1 =	vmul.u32 $0x380, v1;
	_ =	sdelay $0x1  }
0x78: {  	v1 =	vadd.s32 v2, v1  }
0x79: {  	[tilespmem:s4+$0xFFFFFFD0] =	vst v1  }
0x7a: {  	v1 =	vld [tilespmem:s6+$0xFFFFFFE0];
	_ =	sdelay $0x1  }
0x7b: {  	v2 =	vld [tilespmem:s0+$0xFFFFFFE0];
	_ =	sdelay $0x2  }
0x7c: {  	v1 =	vmul.u32 $0x380, v1;
	_ =	sdelay $0x1  }
0x7d: {  	v1 =	vadd.s32 v2, v1  }
0x7e: {  	[tilespmem:s4+$0xFFFFFFE0] =	vst v1  }
0x7f: {  	v1 =	vld [tilespmem:s6+$0xFFFFFFF0];
	_ =	sdelay $0x1  }
0x80: {  	v2 =	vld [tilespmem:s0+$0xFFFFFFF0];
	_ =	sdelay $0x2  }
0x81: {  	v1 =	vmul.u32 $0x380, v1;
	_ =	sdelay $0x1  }
0x82: {  	v1 =	vadd.s32 v2, v1  }
0x83: {  	[tilespmem:s4+$0xFFFFFFF0] =	vst v1  }
0x84: {  	v1 =	vld [tilespmem:s6+$0x0];
	_ =	sdelay $0x1  }
0x85: {  	v2 =	vld [tilespmem:s0+$0x0];
	_ =	sdelay $0x2  }
0x86: {  	v1 =	vmul.u32 $0x380, v1;
	_ =	sdelay $0x1  }
0x87: {  	v1 =	vadd.s32 v2, v1  }
0x88: {  	[tilespmem:s4+$0x0] =	vst v1  }
0x89: {  	v1 =	vld [tilespmem:s6+$0x10];
	_ =	sdelay $0x1  }
0x8a: {  	v2 =	vld [tilespmem:s0+$0x10];
	_ =	sdelay $0x2  }
0x8b: {  	v1 =	vmul.u32 $0x380, v1;
	_ =	sdelay $0x1  }
0x8c: {  	v1 =	vadd.s32 v2, v1  }
0x8d: {  	[tilespmem:s4+$0x10] =	vst v1  }
0x8e: {  	v1 =	vld [tilespmem:s6+$0x20];
	_ =	sdelay $0x1  }
0x8f: {  	v2 =	vld [tilespmem:s0+$0x20];
	_ =	sdelay $0x2  }
0x90: {  	v1 =	vmul.u32 $0x380, v1;
	_ =	sdelay $0x1  }
0x91: {  	v1 =	vadd.s32 v2, v1  }
0x92: {  	[tilespmem:s4+$0x20] =	vst v1  }
0x93: {  	v1 =	vld [tilespmem:s6+$0x30];
	_ =	sdelay $0x1  }
0x94: {  	v2 =	vld [tilespmem:s0+$0x30];
	_ =	sdelay $0x2  }
0x95: {  	v1 =	vmul.u32 $0x380, v1;
	_ =	sdelay $0x1  }
0x96: {  	v1 =	vadd.s32 v2, v1  }
0x97: {  	s22 =	simm.s32 $0x0;
	s6 =	simm.s32 $0xD1C0;
	[tilespmem:s4+$0x30] =	vst v1  }
.LBB2_12:
0x98: {  	v1 =	vld [tilespmem:s6+$0xFFFFFFC0];
	s22 =	sadd.s32 $0x8, s22;
	s0 =	sadd.s32 $0x80, s0  }
0x99: {  	v2 =	vld [tilespmem:s0+$0xFFFFFFC0];
	p1 =	slt.u32 s22, $0xC8;
	_ =	sdelay $0x3  }
0x9a: {  	v1 =	vmul.u32 $0x380, v1;
	_ =	sdelay $0x1  }
0x9b: {  	s4 =	sadd.s32 $0x80, s4;
	v1 =	vadd.s32 v2, v1  }
0x9c: {  	[tilespmem:s4+$0xFFFFFFC0] =	vst v1  }
0x9d: {  	v1 =	vld [tilespmem:s6+$0xFFFFFFD0];
	_ =	sdelay $0x1  }
0x9e: {  	v2 =	vld [tilespmem:s0+$0xFFFFFFD0];
	_ =	sdelay $0x2  }
0x9f: {  	v1 =	vmul.u32 $0x380, v1;
	_ =	sdelay $0x1  }
0xa0: {  	v1 =	vadd.s32 v2, v1  }
0xa1: {  	[tilespmem:s4+$0xFFFFFFD0] =	vst v1  }
0xa2: {  	v1 =	vld [tilespmem:s6+$0xFFFFFFE0];
	_ =	sdelay $0x1  }
0xa3: {  	v2 =	vld [tilespmem:s0+$0xFFFFFFE0];
	_ =	sdelay $0x2  }
0xa4: {  	v1 =	vmul.u32 $0x380, v1;
	_ =	sdelay $0x1  }
0xa5: {  	v1 =	vadd.s32 v2, v1  }
0xa6: {  	[tilespmem:s4+$0xFFFFFFE0] =	vst v1  }
0xa7: {  	v1 =	vld [tilespmem:s6+$0xFFFFFFF0];
	_ =	sdelay $0x1  }
0xa8: {  	v2 =	vld [tilespmem:s0+$0xFFFFFFF0];
	_ =	sdelay $0x2  }
0xa9: {  	v1 =	vmul.u32 $0x380, v1;
	_ =	sdelay $0x1  }
0xaa: {  	v1 =	vadd.s32 v2, v1  }
0xab: {  	[tilespmem:s4+$0xFFFFFFF0] =	vst v1  }
0xac: {  	v1 =	vld [tilespmem:s6+$0x0];
	_ =	sdelay $0x1  }
0xad: {  	v2 =	vld [tilespmem:s0+$0x0];
	_ =	sdelay $0x2  }
0xae: {  	v1 =	vmul.u32 $0x380, v1;
	_ =	sdelay $0x1  }
0xaf: {  	v1 =	vadd.s32 v2, v1  }
0xb0: {  	[tilespmem:s4+$0x0] =	vst v1  }
0xb1: {  	v1 =	vld [tilespmem:s6+$0x10];
	_ =	sdelay $0x1  }
0xb2: {  	v2 =	vld [tilespmem:s0+$0x10];
	_ =	sdelay $0x2  }
0xb3: {  	v1 =	vmul.u32 $0x380, v1;
	_ =	sdelay $0x1  }
0xb4: {  	v1 =	vadd.s32 v2, v1  }
0xb5: {  	[tilespmem:s4+$0x10] =	vst v1  }
0xb6: {  	v1 =	vld [tilespmem:s6+$0x20]  }
0xb7: {  	v2 =	vld [tilespmem:s0+$0x20];
	_ =	sdelay $0x3  }
0xb8: {  	v1 =	vmul.u32 $0x380, v1;
	_ =	sdelay $0x1  }
0xb9: {  	v1 =	vadd.s32 v2, v1  }
0xba: {  	[tilespmem:s4+$0x20] =	vst v1  }
0xbb: {  	v1 =	vld [tilespmem:s6+$0x30]  }
0xbc: {  	v2 =	vld [tilespmem:s0+$0x30];
	_ =	sdelay $0x2  }
.Ltmp4:
0xbd: {  	(pc) =	sbr.rel @p1 .LBB2_12-.Ltmp4, $3  }
0xbe: {  	v1 =	vmul.u32 $0x380, v1;
	_ =	sdelay $0x1  }
0xbf: {  	v1 =	vadd.s32 v2, v1  }
0xc0: {  	s6 =	sadd.s32 $0x80, s6;
	[tilespmem:s4+$0x30] =	vst v1  }
0xc1: {  	[bflag:$0x0] =	sbarrier.arrive $0xFFFF;
	s0 =	simm.s32 $0xD00  }
0xc2: {  	[spmem:s2] =	stream.indirect.scatter.add.f32 [tilespmem:s17], [sflag:$0x1], $0x1, s23, s0, $0xb8;
	[tilespmem:$0x11080] =	vst v63  }
0xc3: {  	_ =	swait.ge [sflag:s18], $0xD00  }
0xc4: {  	[sflag:s18] =	ssyncset.done $0x0  }
0xc5: {  	[sflag:s18] =	ssyncadd.s32 $0xFFFFF300  }
0xc6: {  	s4 =	sshll.u32 s26, $0x6;
	[bflag:$0x0] =	sbarrier.arrive $0xFFFF  }
0xc7: {  	s0 =	sor.u32 $0x1C01, s4;
	s4 =	sshrl.u32 s8, $0x3;
	s6 =	rddreg [dreg:$0x13]  }
0xc8: {  	[hbm:s6], [sflag:s0] =	dma.local [spmem:s4], $0x1880  }
0xc9: {  	_ =	swait.ge [sflag:s18], $0x1880  }
0xca: {  	[sflag:s18] =	ssyncset.done $0x0  }
0xcb: {  	[sflag:s18] =	ssyncadd.s32 $0xFFFFE780  }
0xcc: {  	[bflag:$0x0] =	sbarrier.arrive $0xFFFF  }
0xcd: {  	[spmem:s15] =	stream.linear.scatter [tilespmem:s19], [sflag:$0x1], $0x800, $0x38;
	[tilespmem:$0x11080] =	vst v63  }
0xce: {  	_ =	swait.ge [sflag:s18], $0x800  }
0xcf: {  	[sflag:s18] =	ssyncset.done $0x0  }
0xd0: {  	[sflag:s18] =	ssyncadd.s32 $0xFFFFF800  }
0xd1: {  	[spmem:s11] =	stream.linear.scatter [tilespmem:s19], [sflag:$0x1], $0x800, $0x38;
	[tilespmem:$0x11080] =	vst v63  }
0xd2: {  	_ =	swait.ge [sflag:s18], $0x800  }
0xd3: {  	[sflag:s18] =	ssyncset.done $0x0  }
0xd4: {  	[sflag:s18] =	ssyncadd.s32 $0xFFFFF800  }
0xd5: {  	[spmem:s12] =	stream.linear.scatter [tilespmem:s19], [sflag:$0x1], $0x800, $0x38;
	[tilespmem:$0x11080] =	vst v63  }
0xd6: {  	_ =	swait.ge [sflag:s18], $0x800  }
0xd7: {  	[sflag:s18] =	ssyncset.done $0x0  }
0xd8: {  	[sflag:s18] =	ssyncadd.s32 $0xFFFFF800  }
0xd9: {  	[spmem:s13] =	stream.linear.scatter [tilespmem:s19], [sflag:$0x1], $0x800, $0x38;
	[tilespmem:$0x11080] =	vst v63  }
0xda: {  	_ =	swait.ge [sflag:s18], $0x800  }
0xdb: {  	[sflag:s18] =	ssyncset.done $0x0  }
0xdc: {  	[sflag:s18] =	ssyncadd.s32 $0xFFFFF800  }
0xdd: {  	[spmem:s5] =	stream.linear.scatter [tilespmem:s19], [sflag:$0x1], $0x800, $0x38;
	[tilespmem:$0x11080] =	vst v63  }
0xde: {  	_ =	swait.ge [sflag:s18], $0x800  }
0xdf: {  	[sflag:s18] =	ssyncset.done $0x0  }
0xe0: {  	[sflag:s18] =	ssyncadd.s32 $0xFFFFF800  }
0xe1: {  	[spmem:s14] =	stream.linear.scatter [tilespmem:s19], [sflag:$0x1], $0x800, $0x38;
	[tilespmem:$0x11080] =	vst v63  }
0xe2: {  	_ =	swait.ge [sflag:s18], $0x800  }
0xe3: {  	[sflag:s18] =	ssyncset.done $0x0  }
0xe4: {  	[sflag:s18] =	ssyncadd.s32 $0xFFFFF800  }
0xe5: {  	[spmem:s16] =	stream.linear.scatter [tilespmem:s19], [sflag:$0x1], $0x800, $0x38;
	[tilespmem:$0x11080] =	vst v63  }
0xe6: {  	_ =	swait.ge [sflag:s18], $0x800  }
0xe7: {  	[sflag:s18] =	ssyncset.done $0x0  }
0xe8: {  	[sflag:s18] =	ssyncadd.s32 $0xFFFFF800  }
0xe9: {  	[spmem:s7] =	stream.linear.scatter [tilespmem:s19], [sflag:$0x1], $0x800, $0x38;
	[tilespmem:$0x11080] =	vst v63  }
0xea: {  	_ =	swait.ge [sflag:s18], $0x800  }
0xeb: {  	[sflag:s18] =	ssyncset.done $0x0  }
0xec: {  	s6 =	rddreg [dreg:$0x14];
	[sflag:s18] =	ssyncadd.s32 $0xFFFFF800  }
0xed: {  	[tilespmem:s20], [sflag:$0x1] =	stream.linear.gather [hbm4b:s6+s3], $0x700, $0x38;
	[tilespmem:$0x11080] =	vst v63  }
0xee: {  	_ =	swait.ge [sflag:s18], $0x700  }
0xef: {  	[sflag:s18] =	ssyncset.done $0x0  }
0xf0: {  	s22 =	rddreg [dreg:$0x15];
	[sflag:s18] =	ssyncadd.s32 $0xFFFFF900  }
0xf1: {  	[tilespmem:s21], [sflag:$0x1] =	stream.linear.gather [hbm4b:s22+s3], $0x700, $0x38;
	[tilespmem:$0x11080] =	vst v63  }
0xf2: {  	_ =	swait.ge [sflag:s18], $0x700  }
0xf3: {  	[sflag:s18] =	ssyncset.done $0x0  }
0xf4: {  	s24 =	simm.s32 $0xD140;
	[sflag:s18] =	ssyncadd.s32 $0xFFFFF900  }
0xf5: {  	s4 =	simm.s32 $0xC440;
	v1 =	vld [tilespmem:s24+$0xFFFFFFC0]  }
0xf6: {  	v2 =	vld [tilespmem:s4+$0xFFFFFFC0];
	_ =	sdelay $0x3  }
0xf7: {  	v1 =	vshll.u32 v1, $0x9  }
0xf8: {  	s22 =	simm.s32 $0xDE40;
	v1 =	vadd.s32 v2, v1  }
0xf9: {  	[tilespmem:s22+$0xFFFFFFC0] =	vst v1  }
0xfa: {  	v1 =	vld [tilespmem:s24+$0xFFFFFFD0]  }
0xfb: {  	v2 =	vld [tilespmem:s4+$0xFFFFFFD0];
	_ =	sdelay $0x3  }
0xfc: {  	v1 =	vshll.u32 v1, $0x9  }
0xfd: {  	v1 =	vadd.s32 v2, v1  }
0xfe: {  	[tilespmem:s22+$0xFFFFFFD0] =	vst v1  }
0xff: {  	v1 =	vld [tilespmem:s24+$0xFFFFFFE0]  }
0x100: {  	v2 =	vld [tilespmem:s4+$0xFFFFFFE0];
	_ =	sdelay $0x3  }
0x101: {  	v1 =	vshll.u32 v1, $0x9  }
0x102: {  	v1 =	vadd.s32 v2, v1  }
0x103: {  	[tilespmem:s22+$0xFFFFFFE0] =	vst v1  }
0x104: {  	v1 =	vld [tilespmem:s24+$0xFFFFFFF0]  }
0x105: {  	v2 =	vld [tilespmem:s4+$0xFFFFFFF0];
	_ =	sdelay $0x3  }
0x106: {  	v1 =	vshll.u32 v1, $0x9  }
0x107: {  	v1 =	vadd.s32 v2, v1  }
0x108: {  	[tilespmem:s22+$0xFFFFFFF0] =	vst v1  }
0x109: {  	v1 =	vld [tilespmem:s24+$0x0]  }
0x10a: {  	v2 =	vld [tilespmem:s4+$0x0];
	_ =	sdelay $0x3  }
0x10b: {  	v1 =	vshll.u32 v1, $0x9  }
0x10c: {  	v1 =	vadd.s32 v2, v1  }
0x10d: {  	[tilespmem:s22+$0x0] =	vst v1  }
0x10e: {  	v1 =	vld [tilespmem:s24+$0x10]  }
0x10f: {  	v2 =	vld [tilespmem:s4+$0x10];
	_ =	sdelay $0x3  }
0x110: {  	v1 =	vshll.u32 v1, $0x9  }
0x111: {  	v1 =	vadd.s32 v2, v1  }
0x112: {  	[tilespmem:s22+$0x10] =	vst v1  }
0x113: {  	v1 =	vld [tilespmem:s24+$0x20]  }
0x114: {  	v2 =	vld [tilespmem:s4+$0x20];
	_ =	sdelay $0x3  }
0x115: {  	v1 =	vshll.u32 v1, $0x9  }
0x116: {  	v1 =	vadd.s32 v2, v1  }
0x117: {  	[tilespmem:s22+$0x20] =	vst v1  }
0x118: {  	v1 =	vld [tilespmem:s24+$0x30]  }
0x119: {  	v2 =	vld [tilespmem:s4+$0x30];
	_ =	sdelay $0x3  }
0x11a: {  	v1 =	vshll.u32 v1, $0x9  }
0x11b: {  	v1 =	vadd.s32 v2, v1  }
0x11c: {  	s6 =	simm.s32 $0x0;
	s24 =	simm.s32 $0xD1C0;
	[tilespmem:s22+$0x30] =	vst v1  }
.LBB2_14:
0x11d: {  	v1 =	vld [tilespmem:s24+$0xFFFFFFC0];
	s6 =	sadd.s32 $0x8, s6;
	s4 =	sadd.s32 $0x80, s4  }
0x11e: {  	v2 =	vld [tilespmem:s4+$0xFFFFFFC0];
	p1 =	slt.u32 s6, $0x68;
	_ =	sdelay $0x3  }
0x11f: {  	v1 =	vshll.u32 v1, $0x9  }
0x120: {  	s22 =	sadd.s32 $0x80, s22;
	v1 =	vadd.s32 v2, v1  }
0x121: {  	[tilespmem:s22+$0xFFFFFFC0] =	vst v1  }
0x122: {  	v1 =	vld [tilespmem:s24+$0xFFFFFFD0]  }
0x123: {  	v2 =	vld [tilespmem:s4+$0xFFFFFFD0];
	_ =	sdelay $0x3  }
0x124: {  	v1 =	vshll.u32 v1, $0x9  }
0x125: {  	v1 =	vadd.s32 v2, v1  }
0x126: {  	[tilespmem:s22+$0xFFFFFFD0] =	vst v1  }
0x127: {  	v1 =	vld [tilespmem:s24+$0xFFFFFFE0]  }
0x128: {  	v2 =	vld [tilespmem:s4+$0xFFFFFFE0];
	_ =	sdelay $0x3  }
0x129: {  	v1 =	vshll.u32 v1, $0x9  }
0x12a: {  	v1 =	vadd.s32 v2, v1  }
0x12b: {  	[tilespmem:s22+$0xFFFFFFE0] =	vst v1  }
0x12c: {  	v1 =	vld [tilespmem:s24+$0xFFFFFFF0]  }
0x12d: {  	v2 =	vld [tilespmem:s4+$0xFFFFFFF0];
	_ =	sdelay $0x3  }
0x12e: {  	v1 =	vshll.u32 v1, $0x9  }
0x12f: {  	v1 =	vadd.s32 v2, v1  }
0x130: {  	[tilespmem:s22+$0xFFFFFFF0] =	vst v1  }
0x131: {  	v1 =	vld [tilespmem:s24+$0x0]  }
0x132: {  	v2 =	vld [tilespmem:s4+$0x0];
	_ =	sdelay $0x3  }
0x133: {  	v1 =	vshll.u32 v1, $0x9  }
0x134: {  	v1 =	vadd.s32 v2, v1  }
0x135: {  	[tilespmem:s22+$0x0] =	vst v1  }
0x136: {  	v1 =	vld [tilespmem:s24+$0x10]  }
0x137: {  	v2 =	vld [tilespmem:s4+$0x10];
	_ =	sdelay $0x3  }
0x138: {  	v1 =	vshll.u32 v1, $0x9  }
0x139: {  	v1 =	vadd.s32 v2, v1  }
0x13a: {  	[tilespmem:s22+$0x10] =	vst v1  }
0x13b: {  	v1 =	vld [tilespmem:s24+$0x20]  }
0x13c: {  	v2 =	vld [tilespmem:s4+$0x20];
	_ =	sdelay $0x3  }
0x13d: {  	v1 =	vshll.u32 v1, $0x9  }
0x13e: {  	v1 =	vadd.s32 v2, v1  }
0x13f: {  	[tilespmem:s22+$0x20] =	vst v1  }
0x140: {  	v1 =	vld [tilespmem:s24+$0x30]  }
0x141: {  	v2 =	vld [tilespmem:s4+$0x30];
	_ =	sdelay $0x1  }
.Ltmp5:
0x142: {  	(pc) =	sbr.rel @p1 .LBB2_14-.Ltmp5, $4  }
0x143: {  	_ = 	snop  }
0x144: {  	v1 =	vshll.u32 v1, $0x9  }
0x145: {  	v1 =	vadd.s32 v2, v1  }
0x146: {  	s24 =	sadd.s32 $0x80, s24;
	[tilespmem:s22+$0x30] =	vst v1  }
0x147: {  	[bflag:$0x0] =	sbarrier.arrive $0xFFFF;
	s4 =	simm.s32 $0x700  }
0x148: {  	[spmem:s2] =	stream.indirect.scatter.add.f32 [tilespmem:s17], [sflag:$0x1], $0x1, s23, s4, $0xb8;
	[tilespmem:$0x11080] =	vst v63  }
0x149: {  	_ =	swait.ge [sflag:s18], $0x700  }
0x14a: {  	[sflag:s18] =	ssyncset.done $0x0  }
0x14b: {  	[sflag:s18] =	ssyncadd.s32 $0xFFFFF900  }
0x14c: {  	[bflag:$0x0] =	sbarrier.arrive $0xFFFF  }
0x14d: {  	s24 =	sshrl.u32 s15, $0x3;
	s6 =	rddreg [dreg:$0x16]  }
0x14e: {  	[hbm:s6], [sflag:s0] =	dma.local [spmem:s24], $0x800  }
0x14f: {  	_ =	swait.ge [sflag:s18], $0x800  }
0x150: {  	[sflag:s18] =	ssyncset.done $0x0  }
0x151: {  	[sflag:s18] =	ssyncadd.s32 $0xFFFFF800  }
0x152: {  	[bflag:$0x0] =	sbarrier.arrive $0xFFFF  }
0x153: {  	[spmem:s15] =	stream.linear.scatter [tilespmem:s19], [sflag:$0x1], $0x800, $0x38;
	[tilespmem:$0x11080] =	vst v63  }
0x154: {  	_ =	swait.ge [sflag:s18], $0x800  }
0x155: {  	[sflag:s18] =	ssyncset.done $0x0  }
0x156: {  	[sflag:s18] =	ssyncadd.s32 $0xFFFFF800  }
0x157: {  	[spmem:s11] =	stream.linear.scatter [tilespmem:s19], [sflag:$0x1], $0x800, $0x38;
	[tilespmem:$0x11080] =	vst v63  }
0x158: {  	_ =	swait.ge [sflag:s18], $0x800  }
0x159: {  	[sflag:s18] =	ssyncset.done $0x0  }
0x15a: {  	[sflag:s18] =	ssyncadd.s32 $0xFFFFF800  }
0x15b: {  	[spmem:s12] =	stream.linear.scatter [tilespmem:s19], [sflag:$0x1], $0x800, $0x38;
	[tilespmem:$0x11080] =	vst v63  }
0x15c: {  	_ =	swait.ge [sflag:s18], $0x800  }
0x15d: {  	[sflag:s18] =	ssyncset.done $0x0  }
0x15e: {  	[sflag:s18] =	ssyncadd.s32 $0xFFFFF800  }
0x15f: {  	[spmem:s13] =	stream.linear.scatter [tilespmem:s19], [sflag:$0x1], $0x800, $0x38;
	[tilespmem:$0x11080] =	vst v63  }
0x160: {  	_ =	swait.ge [sflag:s18], $0x800  }
0x161: {  	[sflag:s18] =	ssyncset.done $0x0  }
0x162: {  	[sflag:s18] =	ssyncadd.s32 $0xFFFFF800  }
0x163: {  	[spmem:s5] =	stream.linear.scatter [tilespmem:s19], [sflag:$0x1], $0x800, $0x38;
	[tilespmem:$0x11080] =	vst v63  }
0x164: {  	_ =	swait.ge [sflag:s18], $0x800  }
0x165: {  	[sflag:s18] =	ssyncset.done $0x0  }
0x166: {  	[sflag:s18] =	ssyncadd.s32 $0xFFFFF800  }
0x167: {  	[spmem:s14] =	stream.linear.scatter [tilespmem:s19], [sflag:$0x1], $0x800, $0x38;
	[tilespmem:$0x11080] =	vst v63  }
0x168: {  	_ =	swait.ge [sflag:s18], $0x800  }
0x169: {  	[sflag:s18] =	ssyncset.done $0x0  }
0x16a: {  	[sflag:s18] =	ssyncadd.s32 $0xFFFFF800  }
0x16b: {  	[spmem:s16] =	stream.linear.scatter [tilespmem:s19], [sflag:$0x1], $0x800, $0x38;
	[tilespmem:$0x11080] =	vst v63  }
0x16c: {  	_ =	swait.ge [sflag:s18], $0x800  }
0x16d: {  	[sflag:s18] =	ssyncset.done $0x0  }
0x16e: {  	[sflag:s18] =	ssyncadd.s32 $0xFFFFF800  }
0x16f: {  	[spmem:s7] =	stream.linear.scatter [tilespmem:s19], [sflag:$0x1], $0x800, $0x38;
	[tilespmem:$0x11080] =	vst v63  }
0x170: {  	_ =	swait.ge [sflag:s18], $0x800  }
0x171: {  	[sflag:s18] =	ssyncset.done $0x0  }
0x172: {  	s6 =	rddreg [dreg:$0x17];
	[sflag:s18] =	ssyncadd.s32 $0xFFFFF800  }
0x173: {  	[tilespmem:s20], [sflag:$0x1] =	stream.linear.gather [hbm4b:s6+s3], $0x700, $0x38;
	[tilespmem:$0x11080] =	vst v63  }
0x174: {  	_ =	swait.ge [sflag:s18], $0x700  }
0x175: {  	[sflag:s18] =	ssyncset.done $0x0  }
0x176: {  	s22 =	rddreg [dreg:$0x18];
	[sflag:s18] =	ssyncadd.s32 $0xFFFFF900  }
0x177: {  	[tilespmem:s21], [sflag:$0x1] =	stream.linear.gather [hbm4b:s22+s3], $0x700, $0x38;
	[tilespmem:$0x11080] =	vst v63  }
0x178: {  	_ =	swait.ge [sflag:s18], $0x700  }
0x179: {  	[sflag:s18] =	ssyncset.done $0x0  }
0x17a: {  	s24 =	simm.s32 $0xD140;
	[sflag:s18] =	ssyncadd.s32 $0xFFFFF900  }
0x17b: {  	s4 =	simm.s32 $0xC440;
	v1 =	vld [tilespmem:s24+$0xFFFFFFC0]  }
0x17c: {  	v2 =	vld [tilespmem:s4+$0xFFFFFFC0];
	_ =	sdelay $0x3  }
0x17d: {  	v1 =	vshll.u32 v1, $0x9  }
0x17e: {  	s22 =	simm.s32 $0xDE40;
	v1 =	vadd.s32 v2, v1  }
0x17f: {  	[tilespmem:s22+$0xFFFFFFC0] =	vst v1  }
0x180: {  	v1 =	vld [tilespmem:s24+$0xFFFFFFD0]  }
0x181: {  	v2 =	vld [tilespmem:s4+$0xFFFFFFD0];
	_ =	sdelay $0x3  }
0x182: {  	v1 =	vshll.u32 v1, $0x9  }
0x183: {  	v1 =	vadd.s32 v2, v1  }
0x184: {  	[tilespmem:s22+$0xFFFFFFD0] =	vst v1  }
0x185: {  	v1 =	vld [tilespmem:s24+$0xFFFFFFE0]  }
0x186: {  	v2 =	vld [tilespmem:s4+$0xFFFFFFE0];
	_ =	sdelay $0x3  }
0x187: {  	v1 =	vshll.u32 v1, $0x9  }
0x188: {  	v1 =	vadd.s32 v2, v1  }
0x189: {  	[tilespmem:s22+$0xFFFFFFE0] =	vst v1  }
0x18a: {  	v1 =	vld [tilespmem:s24+$0xFFFFFFF0]  }
0x18b: {  	v2 =	vld [tilespmem:s4+$0xFFFFFFF0];
	_ =	sdelay $0x3  }
0x18c: {  	v1 =	vshll.u32 v1, $0x9  }
0x18d: {  	v1 =	vadd.s32 v2, v1  }
0x18e: {  	[tilespmem:s22+$0xFFFFFFF0] =	vst v1  }
0x18f: {  	v1 =	vld [tilespmem:s24+$0x0]  }
0x190: {  	v2 =	vld [tilespmem:s4+$0x0];
	_ =	sdelay $0x3  }
0x191: {  	v1 =	vshll.u32 v1, $0x9  }
0x192: {  	v1 =	vadd.s32 v2, v1  }
0x193: {  	[tilespmem:s22+$0x0] =	vst v1  }
0x194: {  	v1 =	vld [tilespmem:s24+$0x10]  }
0x195: {  	v2 =	vld [tilespmem:s4+$0x10];
	_ =	sdelay $0x3  }
0x196: {  	v1 =	vshll.u32 v1, $0x9  }
0x197: {  	v1 =	vadd.s32 v2, v1  }
0x198: {  	[tilespmem:s22+$0x10] =	vst v1  }
0x199: {  	v1 =	vld [tilespmem:s24+$0x20]  }
0x19a: {  	v2 =	vld [tilespmem:s4+$0x20];
	_ =	sdelay $0x3  }
0x19b: {  	v1 =	vshll.u32 v1, $0x9  }
0x19c: {  	v1 =	vadd.s32 v2, v1  }
0x19d: {  	[tilespmem:s22+$0x20] =	vst v1  }
0x19e: {  	v1 =	vld [tilespmem:s24+$0x30]  }
0x19f: {  	v2 =	vld [tilespmem:s4+$0x30];
	_ =	sdelay $0x3  }
0x1a0: {  	v1 =	vshll.u32 v1, $0x9  }
0x1a1: {  	v1 =	vadd.s32 v2, v1  }
0x1a2: {  	s6 =	simm.s32 $0x0;
	s24 =	simm.s32 $0xD1C0;
	[tilespmem:s22+$0x30] =	vst v1  }
.LBB2_16:
0x1a3: {  	v1 =	vld [tilespmem:s24+$0xFFFFFFC0];
	s6 =	sadd.s32 $0x8, s6;
	s4 =	sadd.s32 $0x80, s4  }
0x1a4: {  	v2 =	vld [tilespmem:s4+$0xFFFFFFC0];
	p1 =	slt.u32 s6, $0x68;
	_ =	sdelay $0x3  }
0x1a5: {  	v1 =	vshll.u32 v1, $0x9  }
0x1a6: {  	s22 =	sadd.s32 $0x80, s22;
	v1 =	vadd.s32 v2, v1  }
0x1a7: {  	[tilespmem:s22+$0xFFFFFFC0] =	vst v1  }
0x1a8: {  	v1 =	vld [tilespmem:s24+$0xFFFFFFD0]  }
0x1a9: {  	v2 =	vld [tilespmem:s4+$0xFFFFFFD0];
	_ =	sdelay $0x3  }
0x1aa: {  	v1 =	vshll.u32 v1, $0x9  }
0x1ab: {  	v1 =	vadd.s32 v2, v1  }
0x1ac: {  	[tilespmem:s22+$0xFFFFFFD0] =	vst v1  }
0x1ad: {  	v1 =	vld [tilespmem:s24+$0xFFFFFFE0]  }
0x1ae: {  	v2 =	vld [tilespmem:s4+$0xFFFFFFE0];
	_ =	sdelay $0x3  }
0x1af: {  	v1 =	vshll.u32 v1, $0x9  }
0x1b0: {  	v1 =	vadd.s32 v2, v1  }
0x1b1: {  	[tilespmem:s22+$0xFFFFFFE0] =	vst v1  }
0x1b2: {  	v1 =	vld [tilespmem:s24+$0xFFFFFFF0]  }
0x1b3: {  	v2 =	vld [tilespmem:s4+$0xFFFFFFF0];
	_ =	sdelay $0x3  }
0x1b4: {  	v1 =	vshll.u32 v1, $0x9  }
0x1b5: {  	v1 =	vadd.s32 v2, v1  }
0x1b6: {  	[tilespmem:s22+$0xFFFFFFF0] =	vst v1  }
0x1b7: {  	v1 =	vld [tilespmem:s24+$0x0]  }
0x1b8: {  	v2 =	vld [tilespmem:s4+$0x0];
	_ =	sdelay $0x3  }
0x1b9: {  	v1 =	vshll.u32 v1, $0x9  }
0x1ba: {  	v1 =	vadd.s32 v2, v1  }
0x1bb: {  	[tilespmem:s22+$0x0] =	vst v1  }
0x1bc: {  	v1 =	vld [tilespmem:s24+$0x10]  }
0x1bd: {  	v2 =	vld [tilespmem:s4+$0x10];
	_ =	sdelay $0x3  }
0x1be: {  	v1 =	vshll.u32 v1, $0x9  }
0x1bf: {  	v1 =	vadd.s32 v2, v1  }
0x1c0: {  	[tilespmem:s22+$0x10] =	vst v1  }
0x1c1: {  	v1 =	vld [tilespmem:s24+$0x20]  }
0x1c2: {  	v2 =	vld [tilespmem:s4+$0x20];
	_ =	sdelay $0x3  }
0x1c3: {  	v1 =	vshll.u32 v1, $0x9  }
0x1c4: {  	v1 =	vadd.s32 v2, v1  }
0x1c5: {  	[tilespmem:s22+$0x20] =	vst v1  }
0x1c6: {  	v1 =	vld [tilespmem:s24+$0x30]  }
0x1c7: {  	v2 =	vld [tilespmem:s4+$0x30];
	_ =	sdelay $0x1  }
.Ltmp6:
0x1c8: {  	(pc) =	sbr.rel @p1 .LBB2_16-.Ltmp6, $4  }
0x1c9: {  	_ = 	snop  }
0x1ca: {  	v1 =	vshll.u32 v1, $0x9  }
0x1cb: {  	v1 =	vadd.s32 v2, v1  }
0x1cc: {  	s24 =	sadd.s32 $0x80, s24;
	[tilespmem:s22+$0x30] =	vst v1  }
.Ltmp7:
0x1cd: {  	(pc) =	sbr.rel .LBB2_18-.Ltmp7, $2  }
0x1ce: {  	_ =	sdelay $0x2  }
0x1cf: {  	s4 =	rddreg [dreg:$0x8]  }
.LBB2_4:
0x1d0: {  	s0 =	rddreg [dreg:$0x9]  }
0x1d1: {  	[tilespmem:s20], [sflag:$0x1] =	stream.linear.gather [hbm4b:s0+s3], $0xD00, $0x38;
	[tilespmem:$0x11080] =	vst v63  }
0x1d2: {  	_ =	swait.ge [sflag:s18], $0xD00  }
0x1d3: {  	[sflag:s18] =	ssyncset.done $0x0  }
0x1d4: {  	s24 =	rddreg [dreg:$0xa];
	[sflag:s18] =	ssyncadd.s32 $0xFFFFF300  }
0x1d5: {  	[tilespmem:s21], [sflag:$0x1] =	stream.linear.gather [hbm4b:s24+s3], $0xD00, $0x38;
	[tilespmem:$0x11080] =	vst v63  }
0x1d6: {  	_ =	swait.ge [sflag:s18], $0xD00  }
0x1d7: {  	[sflag:s18] =	ssyncset.done $0x0  }
0x1d8: {  	s4 =	simm.s32 $0xD140;
	[sflag:s18] =	ssyncadd.s32 $0xFFFFF300  }
0x1d9: {  	v1 =	vld [tilespmem:s4+$0xFFFFFFC0]  }
0x1da: {  	s0 =	simm.s32 $0xC440  }
0x1db: {  	v2 =	vld [tilespmem:s0+$0xFFFFFFC0];
	_ =	sdelay $0x2  }
0x1dc: {  	v1 =	vmul.u32 $0x380, v1;
	_ =	sdelay $0x1  }
0x1dd: {  	s22 =	simm.s32 $0xDE40;
	v1 =	vadd.s32 v2, v1  }
0x1de: {  	[tilespmem:s22+$0xFFFFFFC0] =	vst v1  }
0x1df: {  	v1 =	vld [tilespmem:s4+$0xFFFFFFD0];
	_ =	sdelay $0x1  }
0x1e0: {  	v2 =	vld [tilespmem:s0+$0xFFFFFFD0];
	_ =	sdelay $0x2  }
0x1e1: {  	v1 =	vmul.u32 $0x380, v1;
	_ =	sdelay $0x1  }
0x1e2: {  	v1 =	vadd.s32 v2, v1  }
0x1e3: {  	[tilespmem:s22+$0xFFFFFFD0] =	vst v1  }
0x1e4: {  	v1 =	vld [tilespmem:s4+$0xFFFFFFE0];
	_ =	sdelay $0x1  }
0x1e5: {  	v2 =	vld [tilespmem:s0+$0xFFFFFFE0];
	_ =	sdelay $0x2  }
0x1e6: {  	v1 =	vmul.u32 $0x380, v1;
	_ =	sdelay $0x1  }
0x1e7: {  	v1 =	vadd.s32 v2, v1  }
0x1e8: {  	[tilespmem:s22+$0xFFFFFFE0] =	vst v1  }
0x1e9: {  	v1 =	vld [tilespmem:s4+$0xFFFFFFF0];
	_ =	sdelay $0x1  }
0x1ea: {  	v2 =	vld [tilespmem:s0+$0xFFFFFFF0];
	_ =	sdelay $0x2  }
0x1eb: {  	v1 =	vmul.u32 $0x380, v1;
	_ =	sdelay $0x1  }
0x1ec: {  	v1 =	vadd.s32 v2, v1  }
0x1ed: {  	[tilespmem:s22+$0xFFFFFFF0] =	vst v1  }
0x1ee: {  	v1 =	vld [tilespmem:s4+$0x0];
	_ =	sdelay $0x1  }
0x1ef: {  	v2 =	vld [tilespmem:s0+$0x0];
	_ =	sdelay $0x2  }
0x1f0: {  	v1 =	vmul.u32 $0x380, v1;
	_ =	sdelay $0x1  }
0x1f1: {  	v1 =	vadd.s32 v2, v1  }
0x1f2: {  	[tilespmem:s22+$0x0] =	vst v1  }
0x1f3: {  	v1 =	vld [tilespmem:s4+$0x10];
	_ =	sdelay $0x1  }
0x1f4: {  	v2 =	vld [tilespmem:s0+$0x10];
	_ =	sdelay $0x2  }
0x1f5: {  	v1 =	vmul.u32 $0x380, v1;
	_ =	sdelay $0x1  }
0x1f6: {  	v1 =	vadd.s32 v2, v1  }
0x1f7: {  	[tilespmem:s22+$0x10] =	vst v1  }
0x1f8: {  	v1 =	vld [tilespmem:s4+$0x20];
	_ =	sdelay $0x1  }
0x1f9: {  	v2 =	vld [tilespmem:s0+$0x20];
	_ =	sdelay $0x2  }
0x1fa: {  	v1 =	vmul.u32 $0x380, v1;
	_ =	sdelay $0x1  }
0x1fb: {  	v1 =	vadd.s32 v2, v1  }
0x1fc: {  	[tilespmem:s22+$0x20] =	vst v1  }
0x1fd: {  	v1 =	vld [tilespmem:s4+$0x30];
	_ =	sdelay $0x1  }
0x1fe: {  	v2 =	vld [tilespmem:s0+$0x30];
	_ =	sdelay $0x2  }
0x1ff: {  	v1 =	vmul.u32 $0x380, v1;
	_ =	sdelay $0x1  }
0x200: {  	v1 =	vadd.s32 v2, v1  }
0x201: {  	s24 =	simm.s32 $0xD1C0;
	s4 =	simm.s32 $0x0;
	[tilespmem:s22+$0x30] =	vst v1  }
.LBB2_5:
0x202: {  	v1 =	vld [tilespmem:s24+$0xFFFFFFC0];
	s4 =	sadd.s32 $0x8, s4;
	s0 =	sadd.s32 $0x80, s0  }
0x203: {  	v2 =	vld [tilespmem:s0+$0xFFFFFFC0];
	p1 =	slt.u32 s4, $0xC8;
	_ =	sdelay $0x3  }
0x204: {  	v1 =	vmul.u32 $0x380, v1;
	_ =	sdelay $0x1  }
0x205: {  	s22 =	sadd.s32 $0x80, s22;
	v1 =	vadd.s32 v2, v1  }
0x206: {  	[tilespmem:s22+$0xFFFFFFC0] =	vst v1  }
0x207: {  	v1 =	vld [tilespmem:s24+$0xFFFFFFD0];
	_ =	sdelay $0x1  }
0x208: {  	v2 =	vld [tilespmem:s0+$0xFFFFFFD0];
	_ =	sdelay $0x2  }
0x209: {  	v1 =	vmul.u32 $0x380, v1;
	_ =	sdelay $0x1  }
0x20a: {  	v1 =	vadd.s32 v2, v1  }
0x20b: {  	[tilespmem:s22+$0xFFFFFFD0] =	vst v1  }
0x20c: {  	v1 =	vld [tilespmem:s24+$0xFFFFFFE0];
	_ =	sdelay $0x1  }
0x20d: {  	v2 =	vld [tilespmem:s0+$0xFFFFFFE0];
	_ =	sdelay $0x2  }
0x20e: {  	v1 =	vmul.u32 $0x380, v1;
	_ =	sdelay $0x1  }
0x20f: {  	v1 =	vadd.s32 v2, v1  }
0x210: {  	[tilespmem:s22+$0xFFFFFFE0] =	vst v1  }
0x211: {  	v1 =	vld [tilespmem:s24+$0xFFFFFFF0];
	_ =	sdelay $0x1  }
0x212: {  	v2 =	vld [tilespmem:s0+$0xFFFFFFF0];
	_ =	sdelay $0x2  }
0x213: {  	v1 =	vmul.u32 $0x380, v1;
	_ =	sdelay $0x1  }
0x214: {  	v1 =	vadd.s32 v2, v1  }
0x215: {  	[tilespmem:s22+$0xFFFFFFF0] =	vst v1  }
0x216: {  	v1 =	vld [tilespmem:s24+$0x0];
	_ =	sdelay $0x1  }
0x217: {  	v2 =	vld [tilespmem:s0+$0x0];
	_ =	sdelay $0x2  }
0x218: {  	v1 =	vmul.u32 $0x380, v1;
	_ =	sdelay $0x1  }
0x219: {  	v1 =	vadd.s32 v2, v1  }
0x21a: {  	[tilespmem:s22+$0x0] =	vst v1  }
0x21b: {  	v1 =	vld [tilespmem:s24+$0x10];
	_ =	sdelay $0x1  }
0x21c: {  	v2 =	vld [tilespmem:s0+$0x10];
	_ =	sdelay $0x2  }
0x21d: {  	v1 =	vmul.u32 $0x380, v1;
	_ =	sdelay $0x1  }
0x21e: {  	v1 =	vadd.s32 v2, v1  }
0x21f: {  	[tilespmem:s22+$0x10] =	vst v1  }
0x220: {  	v1 =	vld [tilespmem:s24+$0x20]  }
0x221: {  	v2 =	vld [tilespmem:s0+$0x20];
	_ =	sdelay $0x3  }
0x222: {  	v1 =	vmul.u32 $0x380, v1;
	_ =	sdelay $0x1  }
0x223: {  	v1 =	vadd.s32 v2, v1  }
0x224: {  	[tilespmem:s22+$0x20] =	vst v1  }
0x225: {  	v1 =	vld [tilespmem:s24+$0x30]  }
0x226: {  	v2 =	vld [tilespmem:s0+$0x30];
	_ =	sdelay $0x2  }
.Ltmp8:
0x227: {  	(pc) =	sbr.rel @p1 .LBB2_5-.Ltmp8, $3  }
0x228: {  	v1 =	vmul.u32 $0x380, v1;
	_ =	sdelay $0x1  }
0x229: {  	v1 =	vadd.s32 v2, v1  }
0x22a: {  	s24 =	sadd.s32 $0x80, s24;
	[tilespmem:s22+$0x30] =	vst v1  }
0x22b: {  	[bflag:$0x0] =	sbarrier.arrive $0xFFFF;
	s0 =	simm.s32 $0xD00  }
0x22c: {  	[spmem:s2] =	stream.indirect.scatter.add.f32 [tilespmem:s17], [sflag:$0x1], $0x1, s23, s0, $0xb8;
	[tilespmem:$0x11080] =	vst v63  }
0x22d: {  	_ =	swait.ge [sflag:s18], $0xD00  }
0x22e: {  	[sflag:s18] =	ssyncset.done $0x0  }
0x22f: {  	[sflag:s18] =	ssyncadd.s32 $0xFFFFF300  }
0x230: {  	s22 =	sshll.u32 s26, $0x6;
	[bflag:$0x0] =	sbarrier.arrive $0xFFFF  }
0x231: {  	s0 =	sor.u32 $0x1C01, s22;
	s22 =	sshrl.u32 s8, $0x3;
	s4 =	rddreg [dreg:$0xb]  }
0x232: {  	[hbm:s4], [sflag:s0] =	dma.local [spmem:s22], $0x1880  }
0x233: {  	_ =	swait.ge [sflag:s18], $0x1880  }
0x234: {  	[sflag:s18] =	ssyncset.done $0x0  }
0x235: {  	[sflag:s18] =	ssyncadd.s32 $0xFFFFE780  }
0x236: {  	[bflag:$0x0] =	sbarrier.arrive $0xFFFF  }
0x237: {  	[spmem:s8] =	stream.linear.scatter [tilespmem:s19], [sflag:$0x1], $0x1880, $0x38;
	[tilespmem:$0x11080] =	vst v63  }
0x238: {  	_ =	swait.ge [sflag:s18], $0x1880  }
0x239: {  	[sflag:s18] =	ssyncset.done $0x0  }
0x23a: {  	[sflag:s18] =	ssyncadd.s32 $0xFFFFE780  }
0x23b: {  	[spmem:s28] =	stream.linear.scatter [tilespmem:s19], [sflag:$0x1], $0x1880, $0x38;
	[tilespmem:$0x11080] =	vst v63  }
0x23c: {  	_ =	swait.ge [sflag:s18], $0x1880  }
0x23d: {  	[sflag:s18] =	ssyncset.done $0x0  }
0x23e: {  	[sflag:s18] =	ssyncadd.s32 $0xFFFFE780  }
0x23f: {  	[spmem:s29] =	stream.linear.scatter [tilespmem:s19], [sflag:$0x1], $0x1880, $0x38;
	[tilespmem:$0x11080] =	vst v63  }
0x240: {  	_ =	swait.ge [sflag:s18], $0x1880  }
0x241: {  	[sflag:s18] =	ssyncset.done $0x0  }
0x242: {  	[sflag:s18] =	ssyncadd.s32 $0xFFFFE780  }
0x243: {  	[spmem:s30] =	stream.linear.scatter [tilespmem:s19], [sflag:$0x1], $0x1880, $0x38;
	[tilespmem:$0x11080] =	vst v63  }
0x244: {  	_ =	swait.ge [sflag:s18], $0x1880  }
0x245: {  	[sflag:s18] =	ssyncset.done $0x0  }
0x246: {  	[sflag:s18] =	ssyncadd.s32 $0xFFFFE780  }
0x247: {  	[spmem:s31] =	stream.linear.scatter [tilespmem:s19], [sflag:$0x1], $0x1880, $0x38;
	[tilespmem:$0x11080] =	vst v63  }
0x248: {  	_ =	swait.ge [sflag:s18], $0x1880  }
0x249: {  	[sflag:s18] =	ssyncset.done $0x0  }
0x24a: {  	[sflag:s18] =	ssyncadd.s32 $0xFFFFE780  }
0x24b: {  	[spmem:s1] =	stream.linear.scatter [tilespmem:s19], [sflag:$0x1], $0x1880, $0x38;
	[tilespmem:$0x11080] =	vst v63  }
0x24c: {  	_ =	swait.ge [sflag:s18], $0x1880  }
0x24d: {  	[sflag:s18] =	ssyncset.done $0x0  }
0x24e: {  	[sflag:s18] =	ssyncadd.s32 $0xFFFFE780  }
0x24f: {  	[spmem:s9] =	stream.linear.scatter [tilespmem:s19], [sflag:$0x1], $0x1880, $0x38;
	[tilespmem:$0x11080] =	vst v63  }
0x250: {  	_ =	swait.ge [sflag:s18], $0x1880  }
0x251: {  	[sflag:s18] =	ssyncset.done $0x0  }
0x252: {  	[sflag:s18] =	ssyncadd.s32 $0xFFFFE780  }
0x253: {  	[spmem:s10] =	stream.linear.scatter [tilespmem:s19], [sflag:$0x1], $0x1880, $0x38;
	[tilespmem:$0x11080] =	vst v63  }
0x254: {  	_ =	swait.ge [sflag:s18], $0x1880  }
0x255: {  	[sflag:s18] =	ssyncset.done $0x0  }
0x256: {  	s24 =	rddreg [dreg:$0xc];
	[sflag:s18] =	ssyncadd.s32 $0xFFFFE780  }
0x257: {  	[tilespmem:s20], [sflag:$0x1] =	stream.linear.gather [hbm4b:s24+s3], $0xD00, $0x38;
	[tilespmem:$0x11080] =	vst v63  }
0x258: {  	_ =	swait.ge [sflag:s18], $0xD00  }
0x259: {  	[sflag:s18] =	ssyncset.done $0x0  }
0x25a: {  	s26 =	rddreg [dreg:$0xd];
	[sflag:s18] =	ssyncadd.s32 $0xFFFFF300  }
0x25b: {  	[tilespmem:s21], [sflag:$0x1] =	stream.linear.gather [hbm4b:s26+s3], $0xD00, $0x38;
	[tilespmem:$0x11080] =	vst v63  }
0x25c: {  	_ =	swait.ge [sflag:s18], $0xD00  }
0x25d: {  	[sflag:s18] =	ssyncset.done $0x0  }
0x25e: {  	s6 =	simm.s32 $0xD140;
	[sflag:s18] =	ssyncadd.s32 $0xFFFFF300  }
0x25f: {  	v1 =	vld [tilespmem:s6+$0xFFFFFFC0]  }
0x260: {  	s24 =	simm.s32 $0xC440  }
0x261: {  	v2 =	vld [tilespmem:s24+$0xFFFFFFC0];
	_ =	sdelay $0x2  }
0x262: {  	v1 =	vmul.u32 $0x380, v1;
	_ =	sdelay $0x1  }
0x263: {  	s4 =	simm.s32 $0xDE40;
	v1 =	vadd.s32 v2, v1  }
0x264: {  	[tilespmem:s4+$0xFFFFFFC0] =	vst v1  }
0x265: {  	v1 =	vld [tilespmem:s6+$0xFFFFFFD0];
	_ =	sdelay $0x1  }
0x266: {  	v2 =	vld [tilespmem:s24+$0xFFFFFFD0];
	_ =	sdelay $0x2  }
0x267: {  	v1 =	vmul.u32 $0x380, v1;
	_ =	sdelay $0x1  }
0x268: {  	v1 =	vadd.s32 v2, v1  }
0x269: {  	[tilespmem:s4+$0xFFFFFFD0] =	vst v1  }
0x26a: {  	v1 =	vld [tilespmem:s6+$0xFFFFFFE0];
	_ =	sdelay $0x1  }
0x26b: {  	v2 =	vld [tilespmem:s24+$0xFFFFFFE0];
	_ =	sdelay $0x2  }
0x26c: {  	v1 =	vmul.u32 $0x380, v1;
	_ =	sdelay $0x1  }
0x26d: {  	v1 =	vadd.s32 v2, v1  }
0x26e: {  	[tilespmem:s4+$0xFFFFFFE0] =	vst v1  }
0x26f: {  	v1 =	vld [tilespmem:s6+$0xFFFFFFF0];
	_ =	sdelay $0x1  }
0x270: {  	v2 =	vld [tilespmem:s24+$0xFFFFFFF0];
	_ =	sdelay $0x2  }
0x271: {  	v1 =	vmul.u32 $0x380, v1;
	_ =	sdelay $0x1  }
0x272: {  	v1 =	vadd.s32 v2, v1  }
0x273: {  	[tilespmem:s4+$0xFFFFFFF0] =	vst v1  }
0x274: {  	v1 =	vld [tilespmem:s6+$0x0];
	_ =	sdelay $0x1  }
0x275: {  	v2 =	vld [tilespmem:s24+$0x0];
	_ =	sdelay $0x2  }
0x276: {  	v1 =	vmul.u32 $0x380, v1;
	_ =	sdelay $0x1  }
0x277: {  	v1 =	vadd.s32 v2, v1  }
0x278: {  	[tilespmem:s4+$0x0] =	vst v1  }
0x279: {  	v1 =	vld [tilespmem:s6+$0x10];
	_ =	sdelay $0x1  }
0x27a: {  	v2 =	vld [tilespmem:s24+$0x10];
	_ =	sdelay $0x2  }
0x27b: {  	v1 =	vmul.u32 $0x380, v1;
	_ =	sdelay $0x1  }
0x27c: {  	v1 =	vadd.s32 v2, v1  }
0x27d: {  	[tilespmem:s4+$0x10] =	vst v1  }
0x27e: {  	v1 =	vld [tilespmem:s6+$0x20];
	_ =	sdelay $0x1  }
0x27f: {  	v2 =	vld [tilespmem:s24+$0x20];
	_ =	sdelay $0x2  }
0x280: {  	v1 =	vmul.u32 $0x380, v1;
	_ =	sdelay $0x1  }
0x281: {  	v1 =	vadd.s32 v2, v1  }
0x282: {  	[tilespmem:s4+$0x20] =	vst v1  }
0x283: {  	v1 =	vld [tilespmem:s6+$0x30];
	_ =	sdelay $0x1  }
0x284: {  	v2 =	vld [tilespmem:s24+$0x30];
	_ =	sdelay $0x2  }
0x285: {  	v1 =	vmul.u32 $0x380, v1;
	_ =	sdelay $0x1  }
0x286: {  	v1 =	vadd.s32 v2, v1  }
0x287: {  	s26 =	simm.s32 $0x0;
	s6 =	simm.s32 $0xD1C0;
	[tilespmem:s4+$0x30] =	vst v1  }
.LBB2_7:
0x288: {  	v1 =	vld [tilespmem:s6+$0xFFFFFFC0];
	s26 =	sadd.s32 $0x8, s26;
	s24 =	sadd.s32 $0x80, s24  }
0x289: {  	v2 =	vld [tilespmem:s24+$0xFFFFFFC0];
	p1 =	slt.u32 s26, $0xC8;
	_ =	sdelay $0x3  }
0x28a: {  	v1 =	vmul.u32 $0x380, v1;
	_ =	sdelay $0x1  }
0x28b: {  	s4 =	sadd.s32 $0x80, s4;
	v1 =	vadd.s32 v2, v1  }
0x28c: {  	[tilespmem:s4+$0xFFFFFFC0] =	vst v1  }
0x28d: {  	v1 =	vld [tilespmem:s6+$0xFFFFFFD0];
	_ =	sdelay $0x1  }
0x28e: {  	v2 =	vld [tilespmem:s24+$0xFFFFFFD0];
	_ =	sdelay $0x2  }
0x28f: {  	v1 =	vmul.u32 $0x380, v1;
	_ =	sdelay $0x1  }
0x290: {  	v1 =	vadd.s32 v2, v1  }
0x291: {  	[tilespmem:s4+$0xFFFFFFD0] =	vst v1  }
0x292: {  	v1 =	vld [tilespmem:s6+$0xFFFFFFE0];
	_ =	sdelay $0x1  }
0x293: {  	v2 =	vld [tilespmem:s24+$0xFFFFFFE0];
	_ =	sdelay $0x2  }
0x294: {  	v1 =	vmul.u32 $0x380, v1;
	_ =	sdelay $0x1  }
0x295: {  	v1 =	vadd.s32 v2, v1  }
0x296: {  	[tilespmem:s4+$0xFFFFFFE0] =	vst v1  }
0x297: {  	v1 =	vld [tilespmem:s6+$0xFFFFFFF0];
	_ =	sdelay $0x1  }
0x298: {  	v2 =	vld [tilespmem:s24+$0xFFFFFFF0];
	_ =	sdelay $0x2  }
0x299: {  	v1 =	vmul.u32 $0x380, v1;
	_ =	sdelay $0x1  }
0x29a: {  	v1 =	vadd.s32 v2, v1  }
0x29b: {  	[tilespmem:s4+$0xFFFFFFF0] =	vst v1  }
0x29c: {  	v1 =	vld [tilespmem:s6+$0x0];
	_ =	sdelay $0x1  }
0x29d: {  	v2 =	vld [tilespmem:s24+$0x0];
	_ =	sdelay $0x2  }
0x29e: {  	v1 =	vmul.u32 $0x380, v1;
	_ =	sdelay $0x1  }
0x29f: {  	v1 =	vadd.s32 v2, v1  }
0x2a0: {  	[tilespmem:s4+$0x0] =	vst v1  }
0x2a1: {  	v1 =	vld [tilespmem:s6+$0x10];
	_ =	sdelay $0x1  }
0x2a2: {  	v2 =	vld [tilespmem:s24+$0x10];
	_ =	sdelay $0x2  }
0x2a3: {  	v1 =	vmul.u32 $0x380, v1;
	_ =	sdelay $0x1  }
0x2a4: {  	v1 =	vadd.s32 v2, v1  }
0x2a5: {  	[tilespmem:s4+$0x10] =	vst v1  }
0x2a6: {  	v1 =	vld [tilespmem:s6+$0x20]  }
0x2a7: {  	v2 =	vld [tilespmem:s24+$0x20];
	_ =	sdelay $0x3  }
0x2a8: {  	v1 =	vmul.u32 $0x380, v1;
	_ =	sdelay $0x1  }
0x2a9: {  	v1 =	vadd.s32 v2, v1  }
0x2aa: {  	[tilespmem:s4+$0x20] =	vst v1  }
0x2ab: {  	v1 =	vld [tilespmem:s6+$0x30]  }
0x2ac: {  	v2 =	vld [tilespmem:s24+$0x30];
	_ =	sdelay $0x2  }
.Ltmp9:
0x2ad: {  	(pc) =	sbr.rel @p1 .LBB2_7-.Ltmp9, $3  }
0x2ae: {  	v1 =	vmul.u32 $0x380, v1;
	_ =	sdelay $0x1  }
0x2af: {  	v1 =	vadd.s32 v2, v1  }
0x2b0: {  	s6 =	sadd.s32 $0x80, s6;
	[tilespmem:s4+$0x30] =	vst v1  }
0x2b1: {  	[bflag:$0x0] =	sbarrier.arrive $0xFFFF;
	s4 =	simm.s32 $0xD00  }
0x2b2: {  	[spmem:s2] =	stream.indirect.scatter.add.f32 [tilespmem:s17], [sflag:$0x1], $0x1, s23, s4, $0xb8;
	[tilespmem:$0x11080] =	vst v63  }
0x2b3: {  	_ =	swait.ge [sflag:s18], $0xD00  }
0x2b4: {  	[sflag:s18] =	ssyncset.done $0x0  }
0x2b5: {  	[sflag:s18] =	ssyncadd.s32 $0xFFFFF300  }
0x2b6: {  	[bflag:$0x0] =	sbarrier.arrive $0xFFFF  }
0x2b7: {  	s6 =	rddreg [dreg:$0xe]  }
0x2b8: {  	[hbm:s6], [sflag:s0] =	dma.local [spmem:s22], $0x1880  }
0x2b9: {  	_ =	swait.ge [sflag:s18], $0x1880  }
0x2ba: {  	[sflag:s18] =	ssyncset.done $0x0  }
0x2bb: {  	[sflag:s18] =	ssyncadd.s32 $0xFFFFE780  }
0x2bc: {  	[bflag:$0x0] =	sbarrier.arrive $0xFFFF  }
0x2bd: {  	[spmem:s15] =	stream.linear.scatter [tilespmem:s19], [sflag:$0x1], $0x800, $0x38;
	[tilespmem:$0x11080] =	vst v63  }
0x2be: {  	_ =	swait.ge [sflag:s18], $0x800  }
0x2bf: {  	[sflag:s18] =	ssyncset.done $0x0  }
0x2c0: {  	[sflag:s18] =	ssyncadd.s32 $0xFFFFF800  }
0x2c1: {  	[spmem:s11] =	stream.linear.scatter [tilespmem:s19], [sflag:$0x1], $0x800, $0x38;
	[tilespmem:$0x11080] =	vst v63  }
0x2c2: {  	_ =	swait.ge [sflag:s18], $0x800  }
0x2c3: {  	[sflag:s18] =	ssyncset.done $0x0  }
0x2c4: {  	[sflag:s18] =	ssyncadd.s32 $0xFFFFF800  }
0x2c5: {  	[spmem:s12] =	stream.linear.scatter [tilespmem:s19], [sflag:$0x1], $0x800, $0x38;
	[tilespmem:$0x11080] =	vst v63  }
0x2c6: {  	_ =	swait.ge [sflag:s18], $0x800  }
0x2c7: {  	[sflag:s18] =	ssyncset.done $0x0  }
0x2c8: {  	[sflag:s18] =	ssyncadd.s32 $0xFFFFF800  }
0x2c9: {  	[spmem:s13] =	stream.linear.scatter [tilespmem:s19], [sflag:$0x1], $0x800, $0x38;
	[tilespmem:$0x11080] =	vst v63  }
0x2ca: {  	_ =	swait.ge [sflag:s18], $0x800  }
0x2cb: {  	[sflag:s18] =	ssyncset.done $0x0  }
0x2cc: {  	[sflag:s18] =	ssyncadd.s32 $0xFFFFF800  }
0x2cd: {  	[spmem:s5] =	stream.linear.scatter [tilespmem:s19], [sflag:$0x1], $0x800, $0x38;
	[tilespmem:$0x11080] =	vst v63  }
0x2ce: {  	_ =	swait.ge [sflag:s18], $0x800  }
0x2cf: {  	[sflag:s18] =	ssyncset.done $0x0  }
0x2d0: {  	[sflag:s18] =	ssyncadd.s32 $0xFFFFF800  }
0x2d1: {  	[spmem:s14] =	stream.linear.scatter [tilespmem:s19], [sflag:$0x1], $0x800, $0x38;
	[tilespmem:$0x11080] =	vst v63  }
0x2d2: {  	_ =	swait.ge [sflag:s18], $0x800  }
0x2d3: {  	[sflag:s18] =	ssyncset.done $0x0  }
0x2d4: {  	[sflag:s18] =	ssyncadd.s32 $0xFFFFF800  }
0x2d5: {  	[spmem:s16] =	stream.linear.scatter [tilespmem:s19], [sflag:$0x1], $0x800, $0x38;
	[tilespmem:$0x11080] =	vst v63  }
0x2d6: {  	_ =	swait.ge [sflag:s18], $0x800  }
0x2d7: {  	[sflag:s18] =	ssyncset.done $0x0  }
0x2d8: {  	[sflag:s18] =	ssyncadd.s32 $0xFFFFF800  }
0x2d9: {  	[spmem:s7] =	stream.linear.scatter [tilespmem:s19], [sflag:$0x1], $0x800, $0x38;
	[tilespmem:$0x11080] =	vst v63  }
0x2da: {  	_ =	swait.ge [sflag:s18], $0x800  }
0x2db: {  	[sflag:s18] =	ssyncset.done $0x0  }
0x2dc: {  	s24 =	rddreg [dreg:$0xf];
	[sflag:s18] =	ssyncadd.s32 $0xFFFFF800  }
0x2dd: {  	[tilespmem:s20], [sflag:$0x1] =	stream.linear.gather [hbm4b:s24+s3], $0x700, $0x38;
	[tilespmem:$0x11080] =	vst v63  }
0x2de: {  	_ =	swait.ge [sflag:s18], $0x700  }
0x2df: {  	[sflag:s18] =	ssyncset.done $0x0  }
0x2e0: {  	s26 =	rddreg [dreg:$0x10];
	[sflag:s18] =	ssyncadd.s32 $0xFFFFF900  }
0x2e1: {  	[tilespmem:s21], [sflag:$0x1] =	stream.linear.gather [hbm4b:s26+s3], $0x700, $0x38;
	[tilespmem:$0x11080] =	vst v63  }
0x2e2: {  	_ =	swait.ge [sflag:s18], $0x700  }
0x2e3: {  	[sflag:s18] =	ssyncset.done $0x0  }
0x2e4: {  	s6 =	simm.s32 $0xD140;
	[sflag:s18] =	ssyncadd.s32 $0xFFFFF900  }
0x2e5: {  	s4 =	simm.s32 $0xC440;
	v1 =	vld [tilespmem:s6+$0xFFFFFFC0]  }
0x2e6: {  	v2 =	vld [tilespmem:s4+$0xFFFFFFC0];
	_ =	sdelay $0x3  }
0x2e7: {  	v1 =	vshll.u32 v1, $0x9  }
0x2e8: {  	s22 =	simm.s32 $0xDE40;
	v1 =	vadd.s32 v2, v1  }
0x2e9: {  	[tilespmem:s22+$0xFFFFFFC0] =	vst v1  }
0x2ea: {  	v1 =	vld [tilespmem:s6+$0xFFFFFFD0]  }
0x2eb: {  	v2 =	vld [tilespmem:s4+$0xFFFFFFD0];
	_ =	sdelay $0x3  }
0x2ec: {  	v1 =	vshll.u32 v1, $0x9  }
0x2ed: {  	v1 =	vadd.s32 v2, v1  }
0x2ee: {  	[tilespmem:s22+$0xFFFFFFD0] =	vst v1  }
0x2ef: {  	v1 =	vld [tilespmem:s6+$0xFFFFFFE0]  }
0x2f0: {  	v2 =	vld [tilespmem:s4+$0xFFFFFFE0];
	_ =	sdelay $0x3  }
0x2f1: {  	v1 =	vshll.u32 v1, $0x9  }
0x2f2: {  	v1 =	vadd.s32 v2, v1  }
0x2f3: {  	[tilespmem:s22+$0xFFFFFFE0] =	vst v1  }
0x2f4: {  	v1 =	vld [tilespmem:s6+$0xFFFFFFF0]  }
0x2f5: {  	v2 =	vld [tilespmem:s4+$0xFFFFFFF0];
	_ =	sdelay $0x3  }
0x2f6: {  	v1 =	vshll.u32 v1, $0x9  }
0x2f7: {  	v1 =	vadd.s32 v2, v1  }
0x2f8: {  	[tilespmem:s22+$0xFFFFFFF0] =	vst v1  }
0x2f9: {  	v1 =	vld [tilespmem:s6+$0x0]  }
0x2fa: {  	v2 =	vld [tilespmem:s4+$0x0];
	_ =	sdelay $0x3  }
0x2fb: {  	v1 =	vshll.u32 v1, $0x9  }
0x2fc: {  	v1 =	vadd.s32 v2, v1  }
0x2fd: {  	[tilespmem:s22+$0x0] =	vst v1  }
0x2fe: {  	v1 =	vld [tilespmem:s6+$0x10]  }
0x2ff: {  	v2 =	vld [tilespmem:s4+$0x10];
	_ =	sdelay $0x3  }
0x300: {  	v1 =	vshll.u32 v1, $0x9  }
0x301: {  	v1 =	vadd.s32 v2, v1  }
0x302: {  	[tilespmem:s22+$0x10] =	vst v1  }
0x303: {  	v1 =	vld [tilespmem:s6+$0x20]  }
0x304: {  	v2 =	vld [tilespmem:s4+$0x20];
	_ =	sdelay $0x3  }
0x305: {  	v1 =	vshll.u32 v1, $0x9  }
0x306: {  	v1 =	vadd.s32 v2, v1  }
0x307: {  	[tilespmem:s22+$0x20] =	vst v1  }
0x308: {  	v1 =	vld [tilespmem:s6+$0x30]  }
0x309: {  	v2 =	vld [tilespmem:s4+$0x30];
	_ =	sdelay $0x3  }
0x30a: {  	v1 =	vshll.u32 v1, $0x9  }
0x30b: {  	v1 =	vadd.s32 v2, v1  }
0x30c: {  	s24 =	simm.s32 $0xD1C0;
	s6 =	simm.s32 $0x0;
	[tilespmem:s22+$0x30] =	vst v1  }
.LBB2_9:
0x30d: {  	v1 =	vld [tilespmem:s24+$0xFFFFFFC0];
	s6 =	sadd.s32 $0x8, s6;
	s4 =	sadd.s32 $0x80, s4  }
0x30e: {  	v2 =	vld [tilespmem:s4+$0xFFFFFFC0];
	p1 =	slt.u32 s6, $0x68;
	_ =	sdelay $0x3  }
0x30f: {  	v1 =	vshll.u32 v1, $0x9  }
0x310: {  	s22 =	sadd.s32 $0x80, s22;
	v1 =	vadd.s32 v2, v1  }
0x311: {  	[tilespmem:s22+$0xFFFFFFC0] =	vst v1  }
0x312: {  	v1 =	vld [tilespmem:s24+$0xFFFFFFD0]  }
0x313: {  	v2 =	vld [tilespmem:s4+$0xFFFFFFD0];
	_ =	sdelay $0x3  }
0x314: {  	v1 =	vshll.u32 v1, $0x9  }
0x315: {  	v1 =	vadd.s32 v2, v1  }
0x316: {  	[tilespmem:s22+$0xFFFFFFD0] =	vst v1  }
0x317: {  	v1 =	vld [tilespmem:s24+$0xFFFFFFE0]  }
0x318: {  	v2 =	vld [tilespmem:s4+$0xFFFFFFE0];
	_ =	sdelay $0x3  }
0x319: {  	v1 =	vshll.u32 v1, $0x9  }
0x31a: {  	v1 =	vadd.s32 v2, v1  }
0x31b: {  	[tilespmem:s22+$0xFFFFFFE0] =	vst v1  }
0x31c: {  	v1 =	vld [tilespmem:s24+$0xFFFFFFF0]  }
0x31d: {  	v2 =	vld [tilespmem:s4+$0xFFFFFFF0];
	_ =	sdelay $0x3  }
0x31e: {  	v1 =	vshll.u32 v1, $0x9  }
0x31f: {  	v1 =	vadd.s32 v2, v1  }
0x320: {  	[tilespmem:s22+$0xFFFFFFF0] =	vst v1  }
0x321: {  	v1 =	vld [tilespmem:s24+$0x0]  }
0x322: {  	v2 =	vld [tilespmem:s4+$0x0];
	_ =	sdelay $0x3  }
0x323: {  	v1 =	vshll.u32 v1, $0x9  }
0x324: {  	v1 =	vadd.s32 v2, v1  }
0x325: {  	[tilespmem:s22+$0x0] =	vst v1  }
0x326: {  	v1 =	vld [tilespmem:s24+$0x10]  }
0x327: {  	v2 =	vld [tilespmem:s4+$0x10];
	_ =	sdelay $0x3  }
0x328: {  	v1 =	vshll.u32 v1, $0x9  }
0x329: {  	v1 =	vadd.s32 v2, v1  }
0x32a: {  	[tilespmem:s22+$0x10] =	vst v1  }
0x32b: {  	v1 =	vld [tilespmem:s24+$0x20]  }
0x32c: {  	v2 =	vld [tilespmem:s4+$0x20];
	_ =	sdelay $0x3  }
0x32d: {  	v1 =	vshll.u32 v1, $0x9  }
0x32e: {  	v1 =	vadd.s32 v2, v1  }
0x32f: {  	[tilespmem:s22+$0x20] =	vst v1  }
0x330: {  	v1 =	vld [tilespmem:s24+$0x30]  }
0x331: {  	v2 =	vld [tilespmem:s4+$0x30];
	_ =	sdelay $0x1  }
.Ltmp10:
0x332: {  	(pc) =	sbr.rel @p1 .LBB2_9-.Ltmp10, $4  }
0x333: {  	_ = 	snop  }
0x334: {  	v1 =	vshll.u32 v1, $0x9  }
0x335: {  	v1 =	vadd.s32 v2, v1  }
0x336: {  	s24 =	sadd.s32 $0x80, s24;
	[tilespmem:s22+$0x30] =	vst v1  }
.Ltmp11:
0x337: {  	_ = 	snop;
	(pc) =	sbr.rel .LBB2_10-.Ltmp11, $1  }
0x338: {  	_ =	sdelay $0x3  }
.LBB2_19:
0x339: {  	_ =	sfence.sel $0x180000  }
0x33a: {  	[bflag:$0x0] =	sbarrier.arrive $0xFFFF  }
0x33b: {  	_ =	strace $0x90000047  }
0x33c: {  	[bflag:$0x2] =	sbarrier.arrive $0xFFFF  }
0x33d: {  	p0 =	sne.s32 s26, $0x0;
	s0 =	rddreg [dreg:$0x4]  }
0x33e: {  	s0 =	sadd.s32 @!p0 $0x100000, s0  }
0x33f: {  	[sflag:s0] =	ssyncadd.tile.s32 @!p0 $0x1;
	_ =	shalt  }
.Lfunc_end2:
_tile_overlayer_lowered:
.L_overlay_start_2:
0x340: {  	(tag) =	ssettag $0x2  }
0x341: {  	s0 =	rddreg [dreg:$0x0];
	s2 =	stileid.u32  }
0x342: {  	s1 =	rddreg [dreg:$0x1];
	p0 =	sne.s32 s2, $0x0  }
0x343: {  	s3 =	rddreg [dreg:$0x2];
	[bflag:$0x3] =	sbarrier.arrive $0xFFFF;
	s2 =	simm.s32 @!p0 $0x1C01  }
0x344: {  	[timem:s3], [sflag:s2] =	dma.local @!p0 [hbm:s0], s1  }
0x345: {  	s0 =	simm.s32 @!p0 $0x1  }
0x346: {  	_ =	swait.ge @!p0 [sflag:s0], s1  }
0x347: {  	s1 =	ssub.s32 @!p0 $0x0, s1;
	[sflag:s0] =	ssyncset.done @!p0 $0x0  }
0x348: {  	[sflag:s0] =	ssyncadd.s32 @!p0 s1  }
0x349: {  	[bflag:$0x3] =	sbarrier.arrive $0xFFFF  }
0x34a: {  	_ =	shalt  }

</sc_bundles>
